<compile_context>
chip_gen: v7x
topology: tpu7x:2x2x1
jax: 0.10.2.dev20260603
libtpu: 0.0.44.dev20260713+nightly
codegen_flags: <defaults>
</compile_context>

<pallas_src>
import functools

import jax
import jax.numpy as jnp
from jax import lax
from jax.experimental import pallas as pl
from jax.experimental.pallas import tpu as pltpu
from jax.experimental.pallas import tpu_sc as plsc

NC, NS = 2, 16
NW = NC * NS
CH = 128



def _proj_body(nf_ref, wa_ref, wb_ref, pa_ref, pb_ref):
    nf = nf_ref[...]
    pa_ref[...] = jnp.dot(nf, wa_ref[...], preferred_element_type=jnp.float32)
    pb_ref[...] = jnp.dot(nf, wb_ref[...], preferred_element_type=jnp.float32)


def _ln_rows(h, g, b, eps=1e-5):
    mu = jnp.mean(h, axis=-1, keepdims=True)
    var = jnp.mean((h - mu) ** 2, axis=-1, keepdims=True)
    return (h - mu) / jnp.sqrt(var + eps) * g + b


def _edge_body(g_ref, ef_ref, wc_ref, be1_ref, we2_ref, be2_ref,
               ge_ref, bne_ref, *refs):
    ne_ref, eo_ref = refs[-2], refs[-1]
    ef = ef_ref[...]
    h = (g_ref[...] + be1_ref[...]
         + jnp.dot(ef, wc_ref[...], preferred_element_type=jnp.float32))
    h = jnp.maximum(h, 0.0)
    h2 = jnp.dot(h, we2_ref[...], preferred_element_type=jnp.float32) + be2_ref[...]
    ne = _ln_rows(h2, ge_ref[...], bne_ref[...])
    ne_ref[...] = ne
    eo_ref[...] = ne + ef


def _node_body(nf_ref, agga_ref, aggb_ref, wx_ref, wg_ref, bn1_ref, wn2_ref,
               bn2_ref, gn_ref, bnn_ref, out_ref):
    nf = nf_ref[...]
    agg = agga_ref[0] + agga_ref[1] + aggb_ref[0] + aggb_ref[1]
    h = (jnp.dot(nf, wx_ref[...], preferred_element_type=jnp.float32)
         + jnp.dot(agg, wg_ref[...], preferred_element_type=jnp.float32)
         + bn1_ref[...])
    h = jnp.maximum(h, 0.0)
    h2 = jnp.dot(h, wn2_ref[...], preferred_element_type=jnp.float32) + bn2_ref[...]
    out_ref[...] = _ln_rows(h2, gn_ref[...], bnn_ref[...]) + nf



NSLOT = 3


def _make_gather(E, D, e0=0, Eout=None):
    per = E // NW
    nch = per // CH
    tail = per - nch * CH
    ntrip = nch // NSLOT
    Eout = E if Eout is None else Eout
    mesh = plsc.VectorSubcoreMesh(core_axis_name="c", subcore_axis_name="s",
                                  num_cores=NC, num_subcores=NS)

    scratch = []
    for _ in range(NSLOT):
        scratch += [pltpu.VMEM((CH,), jnp.int32),
                    pltpu.VMEM((CH, D), jnp.float32),
                    pltpu.VMEM((CH,), jnp.int32),
                    pltpu.VMEM((CH, D), jnp.float32),
                    pltpu.SemaphoreType.DMA,
                    pltpu.SemaphoreType.DMA,
                    pltpu.SemaphoreType.DMA]

    @functools.partial(
        pl.kernel,
        out_type=jax.ShapeDtypeStruct((Eout, D), jnp.float32),
        mesh=mesh,
        scratch_types=scratch,
    )
    def gather_k(pa_hbm, pb_hbm, src_hbm, dst_hbm, g_hbm, *bufs):
        slot = [bufs[7 * m:7 * (m + 1)] for m in range(NSLOT)]
        wid = lax.axis_index("s") * NC + lax.axis_index("c")
        base0 = wid * per
        gsrc0 = e0 + base0

        def issue(c, m):
            idx1, rows1, idx2, rows2, gs1, gs2, _ = slot[m]
            base = gsrc0 + c * CH
            pltpu.sync_copy(src_hbm.at[pl.ds(base, CH)], idx1)
            pltpu.sync_copy(dst_hbm.at[pl.ds(base, CH)], idx2)
            pltpu.async_copy(pa_hbm.at[idx1], rows1, gs1)
            pltpu.async_copy(pb_hbm.at[idx2], rows2, gs2)

        def wait_gather(m):
            idx1, rows1, idx2, rows2, gs1, gs2, _ = slot[m]
            pltpu.make_async_copy(pa_hbm.at[idx1], rows1, gs1).wait()
            pltpu.make_async_copy(pb_hbm.at[idx2], rows2, gs2).wait()

        def fuse_add(m):
            _, rows1, _, rows2, _, _, _ = slot[m]

            def rbody(r, _):
                for c in range(D // 16):
                    sl = pl.ds(16 * c, 16)
                    plsc.addupdate(rows1.at[r, sl], rows2[r, sl])
                return 0

            lax.fori_loop(0, CH, rbody, 0)

        def writeback(c, m):
            _, rows1, _, _, _, _, ws = slot[m]
            base = base0 + c * CH
            pltpu.async_copy(rows1, g_hbm.at[pl.ds(base, CH)], ws)

        def wait_writeback(c, m):
            _, rows1, _, _, _, _, ws = slot[m]
            base = base0 + c * CH
            pltpu.make_async_copy(rows1, g_hbm.at[pl.ds(base, CH)], ws).wait()

        for m in range(NSLOT):
            issue(m, m)

        def body(j, _):
            c0 = j * NSLOT
            for m in range(NSLOT):
                wait_gather(m)
                fuse_add(m)
                writeback(c0 + m, m)

            @pl.when(j < ntrip - 1)
            def _():
                for m in range(NSLOT):
                    wait_writeback(c0 + m, m)
                    issue(c0 + NSLOT + m, m)

            return 0

        lax.fori_loop(0, ntrip, body, 0)
        for m in range(NSLOT):
            wait_writeback((ntrip - 1) * NSLOT + m, m)

        idx1, rows1, idx2, rows2, gs1, gs2, _ = slot[0]
        base = base0 + nch * CH
        gsbase = gsrc0 + nch * CH
        ti1, ti2 = idx1.at[pl.ds(0, tail)], idx2.at[pl.ds(0, tail)]
        tr1, tr2 = rows1.at[pl.ds(0, tail)], rows2.at[pl.ds(0, tail)]
        pltpu.sync_copy(src_hbm.at[pl.ds(gsbase, tail)], ti1)
        pltpu.sync_copy(dst_hbm.at[pl.ds(gsbase, tail)], ti2)
        pltpu.async_copy(pa_hbm.at[ti1], tr1, gs1).wait()
        pltpu.async_copy(pb_hbm.at[ti2], tr2, gs2).wait()

        def tbody(r, _):
            for c in range(D // 16):
                sl = pl.ds(16 * c, 16)
                plsc.addupdate(rows1.at[r, sl], rows2[r, sl])
            return 0

        lax.fori_loop(0, tail, tbody, 0)
        pltpu.sync_copy(tr1, g_hbm.at[pl.ds(base, tail)])

    return gather_k


def _make_scatter(E, N, D, e0=0):
    per = E // NW
    nch = per // CH
    tail = per - nch * CH
    rows_per_tile = N // NS
    SR = 125
    nsc = rows_per_tile // SR
    mesh = plsc.VectorSubcoreMesh(core_axis_name="c", subcore_axis_name="s",
                                  num_cores=NC, num_subcores=NS)

    @functools.partial(
        pl.kernel,
        out_type=jax.ShapeDtypeStruct((NC, NS, nsc, SR, D), jnp.float32),
        mesh=mesh,
        scratch_types=[
            pltpu.VMEM((CH,), jnp.int32),
            pltpu.VMEM((CH, D), jnp.float32),
            pltpu.VMEM((CH,), jnp.int32),
            pltpu.VMEM((CH, D), jnp.float32),
            pltpu.VMEM((SR, D), jnp.float32),
            pltpu.VMEM_SHARED((N, D), jnp.float32),
            pltpu.VMEM((tail or 8,), jnp.int32),
            pltpu.SemaphoreType.DMA,
            pltpu.SemaphoreType.DMA,
            pltpu.SemaphoreType.DMA,
            pltpu.SemaphoreType.DMA,
            pltpu.SemaphoreType.DMA,
        ],
    )
    def scatter_k(ne_hbm, dst_hbm, out_hbm, idx0, rows0, idx1, rows1,
                  stage, agg_sh, tidx, ls0, ls1, ss0, ss1, zs):
        cid = lax.axis_index("c")
        sid = lax.axis_index("s")
        wid = sid * NC + cid
        base0 = wid * per
        row0 = sid * rows_per_tile
        idx = [idx0, idx1]
        rows = [rows0, rows1]
        lsem = [ls0, ls1]
        ssem = [ss0, ss1]

        def load(c, m):
            base = base0 + c * CH
            pltpu.async_copy(dst_hbm.at[pl.ds(e0 + base, CH)], idx[m], lsem[m])
            pltpu.async_copy(ne_hbm.at[pl.ds(base, CH)], rows[m], lsem[m])

        def wait_load(c, m):
            base = base0 + c * CH
            pltpu.make_async_copy(dst_hbm.at[pl.ds(e0 + base, CH)], idx[m], lsem[m]).wait()
            pltpu.make_async_copy(ne_hbm.at[pl.ds(base, CH)], rows[m], lsem[m]).wait()

        def scat(m):
            pltpu.async_copy(rows[m], agg_sh.at[idx[m]], ssem[m], add=True)

        def wait_scat(m):
            pltpu.make_async_copy(rows[m], agg_sh.at[idx[m]], ssem[m]).wait()

        npair = nch // 2
        load(0, 0)
        load(1, 1)

        def zbody(i, _):
            r = i // (D // 16)
            c = (i % (D // 16)) * 16
            stage[r, pl.ds(c, 16)] = jnp.zeros((16,), jnp.float32)
            return 0

        lax.fori_loop(0, SR * (D // 16), zbody, 0)
        for k in range(nsc):
            pltpu.async_copy(stage, agg_sh.at[pl.ds(row0 + k * SR, SR)], zs)
        for k in range(nsc):
            pltpu.make_async_copy(stage, agg_sh.at[pl.ds(row0 + k * SR, SR)],
                                  zs).wait()
        plsc.subcore_barrier()

        def body(j, _):
            c0 = 2 * j
            for m in range(2):
                wait_load(c0 + m, m)
                scat(m)
            for m in range(2):
                wait_scat(m)
                extra = nch % 2 if m == 0 else 0

                @pl.when(j < npair - 1 + extra)
                def _():
                    load(c0 + 2 + m, m)

            return 0

        lax.fori_loop(0, npair, body, 0)

        if nch % 2:
            wait_load(nch - 1, 0)
            scat(0)
            wait_scat(0)

        if tail:
            base = base0 + nch * CH
            tr = rows0.at[pl.ds(0, tail)]
            pltpu.sync_copy(dst_hbm.at[pl.ds(e0 + base, tail)], tidx)
            pltpu.sync_copy(ne_hbm.at[pl.ds(base, tail)], tr)
            pltpu.sync_copy(tr, agg_sh.at[tidx], add=True)
        plsc.subcore_barrier()

        for k in range(nsc):
            pltpu.sync_copy(agg_sh.at[pl.ds(row0 + k * SR, SR)], stage)
            pltpu.sync_copy(stage, out_hbm.at[cid, sid, k])

    return scatter_k



def kernel(node_features, edge_features, edge_index, We1, be1, We2, be2,
           ge, bne, Wn1, bn1, Wn2, bn2, gn, bnn):
    N, D = node_features.shape
    E, DE = edge_features.shape
    src = edge_index[0]
    dst = edge_index[1]

    Wa, Wb, Wc = We1[:D], We1[D:2 * D], We1[2 * D:]
    Wn1x, Wn1g = Wn1[:D], Wn1[D:]
    be1r, be2r = be1.reshape(1, DE), be2.reshape(1, DE)
    ger, bner = ge.reshape(1, DE), bne.reshape(1, DE)
    bn1r, bn2r = bn1.reshape(1, D), bn2.reshape(1, D)
    gnr, bnnr = gn.reshape(1, D), bnn.reshape(1, D)

    BN = 1000
    full = lambda s: pl.BlockSpec(s, lambda i: tuple(0 for _ in s))

    pa, pb = pl.pallas_call(
        _proj_body,
        grid=(N // BN,),
        in_specs=[
            pl.BlockSpec((BN, D), lambda i: (i, 0)),
            full((D, DE)), full((D, DE)),
        ],
        out_specs=[pl.BlockSpec((BN, DE), lambda i: (i, 0)),
                   pl.BlockSpec((BN, DE), lambda i: (i, 0))],
        out_shape=[jax.ShapeDtypeStruct((N, DE), jnp.float32),
                   jax.ShapeDtypeStruct((N, DE), jnp.float32)],
    )(node_features, Wa, Wb)

    E2 = E // 2
    BE = 3200
    nb = E2 // BE

    def edge_call(phase, g, eo_prev):
        off = phase * nb
        specs = [
            pl.BlockSpec((BE, DE), lambda i: (i, 0)),
            pl.BlockSpec((BE, DE), lambda i, o=off: (i + o, 0)),
            full((DE, DE)), full((1, DE)), full((DE, DE)), full((1, DE)),
            full((1, DE)), full((1, DE)),
        ]
        args = [g, edge_features, Wc, be1r, We2, be2r, ger, bner]
        aliases = {}
        if eo_prev is not None:
            specs.append(pl.BlockSpec(memory_space=pl.ANY))
            args.append(eo_prev)
            aliases = {8: 1}
        return pl.pallas_call(
            _edge_body,
            grid=(nb,),
            in_specs=specs,
            out_specs=[pl.BlockSpec((BE, DE), lambda i: (i, 0)),
                       pl.BlockSpec((BE, DE), lambda i, o=off: (i + o, 0))],
            out_shape=[jax.ShapeDtypeStruct((E2, DE), jnp.float32),
                       jax.ShapeDtypeStruct((E, DE), jnp.float32)],
            input_output_aliases=aliases,
        )(*args)

    g_a = _make_gather(E2, DE, 0)(pa, pb, src, dst)
    g_b = _make_gather(E2, DE, E2)(pa, pb, src, dst)
    ne_a, eo_a = edge_call(0, g_a, None)
    parts_a = _make_scatter(E2, N, DE, 0)(ne_a, dst).reshape(NC, N, DE)
    ne_b, edge_out = edge_call(1, g_b, eo_a)
    parts_b = _make_scatter(E2, N, DE, E2)(ne_b, dst).reshape(NC, N, DE)

    node_out = pl.pallas_call(
        _node_body,
        grid=(N // BN,),
        in_specs=[
            pl.BlockSpec((BN, D), lambda i: (i, 0)),
            pl.BlockSpec((NC, BN, DE), lambda i: (0, i, 0)),
            pl.BlockSpec((NC, BN, DE), lambda i: (0, i, 0)),
            full((D, D)), full((DE, D)), full((1, D)),
            full((D, D)), full((1, D)), full((1, D)), full((1, D)),
        ],
        out_specs=pl.BlockSpec((BN, D), lambda i: (i, 0)),
        out_shape=jax.ShapeDtypeStruct((N, D), jnp.float32),
    )(node_features, parts_a, parts_b, Wn1x, Wn1g, bn1r, Wn2, bn2r, gnr, bnnr)

    return node_out, edge_out

# --- scband reference (transcript-rebuilt; emitter-appended) ---
"""Pipeline reference for scband-graph-net-block-63488206569667 (READ-ONLY COPY).

The authoritative reference and input builder live on the scoring server;
editing this copy changes nothing except your own understanding.
"""

import jax, jax.numpy as jnp
import numpy as np

N, E, D, DE = 10000, 320000, 128, 128


def _ln(x, g, b, eps=1e-5):
    mu = jnp.mean(x, axis=-1, keepdims=True)
    var = jnp.mean((x - mu) ** 2, axis=-1, keepdims=True)
    return (x - mu) / jnp.sqrt(var + eps) * g + b


def setup_inputs(seed: int = 0) -> dict:
    key = jax.random.key(seed)
    ks = jax.random.split(key, 12)
    node_features = jax.random.normal(ks[0], (N, D), jnp.float32)
    edge_features = jax.random.normal(ks[1], (E, DE), jnp.float32)
    edge_index = jax.random.randint(ks[2], (2, E), 0, N, jnp.int32)
    # edge MLP params: in = 2*D + DE = 384 -> DE -> DE, then LayerNorm
    We1 = jax.random.normal(ks[3], (2 * D + DE, DE), jnp.float32) / np.sqrt(2 * D + DE)
    be1 = jnp.zeros((DE,), jnp.float32)
    We2 = jax.random.normal(ks[4], (DE, DE), jnp.float32) / np.sqrt(DE)
    be2 = jnp.zeros((DE,), jnp.float32)
    ge = jnp.ones((DE,), jnp.float32)
    bne = jnp.zeros((DE,), jnp.float32)
    # node MLP params: in = D + DE = 256 -> D -> D, then LayerNorm
    Wn1 = jax.random.normal(ks[5], (D + DE, D), jnp.float32) / np.sqrt(D + DE)
    bn1 = jnp.zeros((D,), jnp.float32)
    Wn2 = jax.random.normal(ks[6], (D, D), jnp.float32) / np.sqrt(D)
    bn2 = jnp.zeros((D,), jnp.float32)
    gn = jnp.ones((D,), jnp.float32)
    bnn = jnp.zeros((D,), jnp.float32)
    return {
        "node_features": node_features,
        "edge_features": edge_features,
        "edge_index": edge_index,
        "We1": We1, "be1": be1, "We2": We2, "be2": be2, "ge": ge, "bne": bne,
        "Wn1": Wn1, "bn1": bn1, "Wn2": Wn2, "bn2": bn2, "gn": gn, "bnn": bnn,
    }


def reference(node_features, edge_features, edge_index, We1, be1, We2, be2, ge, bne, Wn1, bn1, Wn2, bn2, gn, bnn):
    src = edge_index[0]
    dst = edge_index[1]
    # edge update
    x_src = jnp.take(node_features, src, axis=0)
    x_dst = jnp.take(node_features, dst, axis=0)
    inp_e = jnp.concatenate([x_src, x_dst, edge_features], axis=-1)
    h = jax.nn.relu(inp_e @ We1 + be1)
    h = h @ We2 + be2
    new_edge = _ln(h, ge, bne)
    # node update: scatter-add new_edge into dst nodes
    agg = jax.ops.segment_sum(new_edge, dst, num_segments=node_features.shape[0])
    inp_n = jnp.concatenate([node_features, agg], axis=-1)
    h2 = jax.nn.relu(inp_n @ Wn1 + bn1)
    h2 = h2 @ Wn2 + bn2
    new_node = _ln(h2, gn, bnn)
    # residuals
    return (new_node + node_features, new_edge + edge_features)

if __name__ == "__main__":
    import jax
    _d = setup_inputs()
    print(jax.jit(kernel)(*tuple(_d.values())))

</pallas_src>

<mosaic_0001>
#map = affine_map<(d0, d1) -> (0, 0)>
#map1 = affine_map<(d0, d1) -> (0)>
#map2 = affine_map<(d0, d1) -> (0, 0, 0, 0, 0)>
module attributes {stable_mosaic.version = 14 : i64} {
  func.func @scatter_k(%arg0: i32, %arg1: i32, %arg2: memref<160000x128xf32, #tpu.memory_space<hbm>>, %arg3: memref<320000xi32, #tpu.memory_space<hbm>>, %arg4: memref<2x16x5x125x128xf32, #tpu.memory_space<hbm>>, %arg5: memref<128xi32, #tpu.memory_space<vmem>>, %arg6: memref<128x128xf32, #tpu.memory_space<vmem>>, %arg7: memref<128xi32, #tpu.memory_space<vmem>>, %arg8: memref<128x128xf32, #tpu.memory_space<vmem>>, %arg9: memref<125x128xf32, #tpu.memory_space<vmem>>, %arg10: memref<10000x128xf32, #tpu.memory_space<vmem_shared>>, %arg11: memref<8xi32, #tpu.memory_space<vmem>>, %arg12: memref<!tpu.dma_semaphore, #tpu.memory_space<semaphore_mem>>, %arg13: memref<!tpu.dma_semaphore, #tpu.memory_space<semaphore_mem>>, %arg14: memref<!tpu.dma_semaphore, #tpu.memory_space<semaphore_mem>>, %arg15: memref<!tpu.dma_semaphore, #tpu.memory_space<semaphore_mem>>, %arg16: memref<!tpu.dma_semaphore, #tpu.memory_space<semaphore_mem>>) attributes {dimension_semantics = [#tpu.dimension_semantics<core_parallel>, #tpu.dimension_semantics<subcore_parallel>], iteration_bounds = array<i64: 2, 16>, scalar_prefetch = 0 : i64, scratch_operands = 12 : i64, tpu.core_type = #tpu.core_type<sc_vector_subcore>, window_params = [{transform_indices = #map}, {transform_indices = #map1}, {transform_indices = #map2}]} {
    %mul3A = arith.constant 2 : i32
    %mul3A_0 = arith.muli %arg1, %mul3A : i32
    %add3A = arith.addi %mul3A_0, %arg0 : i32
    %mul3A_1 = arith.constant 5000 : i32
    %mul3A_2 = arith.muli %add3A, %mul3A_1 : i32
    %mul3A_3 = arith.constant 625 : i32
    %mul3A_4 = arith.muli %arg1, %mul3A_3 : i32
    %add3A_5 = arith.constant 0 : i32
    %add3A_6 = arith.addi %mul3A_2, %add3A_5 : i32
    %add3A_7 = arith.constant 160000 : i32
    %add3A_8 = arith.addi %add3A_7, %add3A_6 : i32
    %dma_start3A = tpu.memref_slice %arg3[%add3A_8] : memref<320000xi32, #tpu.memory_space<hbm>> -> memref<128xi32, #tpu.memory_space<hbm>>
    %dma_start3A_9 = tpu.memref_slice %arg3[%add3A_8] : memref<320000xi32, #tpu.memory_space<hbm>> -> memref<128xi32, #tpu.memory_space<hbm>>
    tpu.enqueue_dma source(%dma_start3A_9 : memref<128xi32, #tpu.memory_space<hbm>>) target(%arg5 : memref<128xi32, #tpu.memory_space<vmem>>) target_semaphore(%arg12 : memref<!tpu.dma_semaphore, #tpu.memory_space<semaphore_mem>>)
    %dma_start3A_10 = arith.constant 0 : i32
    %dma_start3A_11 = tpu.memref_slice %arg2[%add3A_6, %dma_start3A_10] : memref<160000x128xf32, #tpu.memory_space<hbm>> -> memref<128x128xf32, #tpu.memory_space<hbm>>
    %dma_start3A_12 = arith.constant 0 : i32
    %dma_start3A_13 = tpu.memref_slice %arg2[%add3A_6, %dma_start3A_12] : memref<160000x128xf32, #tpu.memory_space<hbm>> -> memref<128x128xf32, #tpu.memory_space<hbm>>
    tpu.enqueue_dma source(%dma_start3A_13 : memref<128x128xf32, #tpu.memory_space<hbm>>) target(%arg6 : memref<128x128xf32, #tpu.memory_space<vmem>>) target_semaphore(%arg12 : memref<!tpu.dma_semaphore, #tpu.memory_space<semaphore_mem>>)
    %add3A_14 = arith.constant 128 : i32
    %add3A_15 = arith.addi %mul3A_2, %add3A_14 : i32
    %add3A_16 = arith.constant 160000 : i32
    %add3A_17 = arith.addi %add3A_16, %add3A_15 : i32
    %dma_start3A_18 = tpu.memref_slice %arg3[%add3A_17] : memref<320000xi32, #tpu.memory_space<hbm>> -> memref<128xi32, #tpu.memory_space<hbm>>
    %dma_start3A_19 = tpu.memref_slice %arg3[%add3A_17] : memref<320000xi32, #tpu.memory_space<hbm>> -> memref<128xi32, #tpu.memory_space<hbm>>
    tpu.enqueue_dma source(%dma_start3A_19 : memref<128xi32, #tpu.memory_space<hbm>>) target(%arg7 : memref<128xi32, #tpu.memory_space<vmem>>) target_semaphore(%arg13 : memref<!tpu.dma_semaphore, #tpu.memory_space<semaphore_mem>>)
    %dma_start3A_20 = arith.constant 0 : i32
    %dma_start3A_21 = tpu.memref_slice %arg2[%add3A_15, %dma_start3A_20] : memref<160000x128xf32, #tpu.memory_space<hbm>> -> memref<128x128xf32, #tpu.memory_space<hbm>>
    %dma_start3A_22 = arith.constant 0 : i32
    %dma_start3A_23 = tpu.memref_slice %arg2[%add3A_15, %dma_start3A_22] : memref<160000x128xf32, #tpu.memory_space<hbm>> -> memref<128x128xf32, #tpu.memory_space<hbm>>
    tpu.enqueue_dma source(%dma_start3A_23 : memref<128x128xf32, #tpu.memory_space<hbm>>) target(%arg8 : memref<128x128xf32, #tpu.memory_space<vmem>>) target_semaphore(%arg13 : memref<!tpu.dma_semaphore, #tpu.memory_space<semaphore_mem>>)
    %scan3A = arith.constant 0 : i32
    %scan3A_24 = arith.constant 0 : i32
    %scan3A_25 = arith.constant 1000 : i32
    %scan3A_26 = arith.addi %scan3A_24, %scan3A_25 : i32
    %scan3A_27 = arith.constant 1 : i32
    %scan3A_28 = scf.for %scan3A_131 = %scan3A_24 to %scan3A_26 step %scan3A_27 iter_args(%scan3A_132 = %scan3A) -> (i32)  : i32 {
      %jit3A = arith.constant 8 : i32
      %div3A = arith.divsi %scan3A_131, %jit3A : i32
      %sign3A = arith.constant 0 : i32
      %sign3A_133 = arith.cmpi sgt, %scan3A_131, %sign3A : i32
      %sign3A_134 = arith.extui %sign3A_133 : i1 to i32
      %sign3A_135 = arith.constant 0 : i32
      %sign3A_136 = arith.cmpi slt, %scan3A_131, %sign3A_135 : i32
      %sign3A_137 = arith.extui %sign3A_136 : i1 to i32
      %sign3A_138 = arith.subi %sign3A_134, %sign3A_137 : i32
      %sign3A_139 = arith.constant 0 : i32
      %sign3A_140 = arith.cmpi sgt, %jit3A, %sign3A_139 : i32
      %sign3A_141 = arith.extui %sign3A_140 : i1 to i32
      %sign3A_142 = arith.constant 0 : i32
      %sign3A_143 = arith.cmpi slt, %jit3A, %sign3A_142 : i32
      %sign3A_144 = arith.extui %sign3A_143 : i1 to i32
      %sign3A_145 = arith.subi %sign3A_141, %sign3A_144 : i32
      %ne3A = arith.cmpi ne, %sign3A_138, %sign3A_145 : i32
      %rem3A = arith.remsi %scan3A_131, %jit3A : i32
      %ne3A_146 = arith.constant 0 : i32
      %ne3A_147 = arith.cmpi ne, %rem3A, %ne3A_146 : i32
      %and3A = arith.andi %ne3A, %ne3A_147 : i1
      %sub3A = arith.constant 1 : i32
      %sub3A_148 = arith.subi %div3A, %sub3A : i32
      %select_n3A = arith.select %and3A, %sub3A_148, %div3A : i32
      %jit3A_149 = arith.constant 8 : i32
      %eq3A = arith.constant 0 : i32
      %eq3A_150 = arith.cmpi eq, %jit3A_149, %eq3A : i32
      %jit3A_151 = arith.constant 1 : i32
      %select_n3A_152 = arith.select %eq3A_150, %jit3A_151, %jit3A_149 : i32
      %rem3A_153 = arith.remsi %scan3A_131, %select_n3A_152 : i32
      %ne3A_154 = arith.constant 0 : i32
      %ne3A_155 = arith.cmpi ne, %rem3A_153, %ne3A_154 : i32
      %lt3A = arith.constant 0 : i32
      %lt3A_156 = arith.cmpi slt, %rem3A_153, %lt3A : i32
      %lt3A_157 = arith.constant 0 : i32
      %lt3A_158 = arith.cmpi slt, %select_n3A_152, %lt3A_157 : i32
      %ne3A_159 = arith.xori %lt3A_156, %lt3A_158 : i1
      %and3A_160 = arith.andi %ne3A_159, %ne3A_155 : i1
      %add3A_161 = arith.addi %rem3A_153, %select_n3A_152 : i32
      %select_n3A_162 = arith.select %and3A_160, %add3A_161, %rem3A_153 : i32
      %mul3A_163 = arith.constant 16 : i32
      %mul3A_164 = arith.muli %select_n3A_162, %mul3A_163 : i32
      %broadcast_in_dim3A = arith.constant 0.000000e+00 : f32
      %broadcast_in_dim3A_165 = vector.broadcast %broadcast_in_dim3A : f32 to vector<16xf32>
      %swap3A = arith.index_cast %select_n3A : i32 to index
      %swap3A_166 = arith.index_cast %mul3A_164 : i32 to index
      %swap3A_167 = tpu.vector_load %arg9[%swap3A, %swap3A_166] {strides = array<i32>} : memref<125x128xf32, #tpu.memory_space<vmem>>, vector<1x16xf32>,
      %swap3A_168 = vector.shape_cast %swap3A_167 : vector<1x16xf32> to vector<16xf32>
      %swap3A_169 = vector.shape_cast %broadcast_in_dim3A_165 : vector<16xf32> to vector<1x16xf32>
      tpu.vector_store %arg9[%swap3A, %swap3A_166], %swap3A_169 {strides = array<i32>} : memref<125x128xf32, #tpu.memory_space<vmem>>, vector<1x16xf32>,
      %scan3A_170 = arith.constant 0 : i32
      scf.yield %scan3A_170 : i32
    }
    %scan3A_29 = arith.constant 1000 : i32
    %add3A_30 = arith.constant 0 : i32
    %add3A_31 = arith.addi %mul3A_4, %add3A_30 : i32
    %dma_start3A_32 = arith.constant 0 : i32
    %dma_start3A_33 = tpu.memref_slice %arg10[%add3A_31, %dma_start3A_32] : memref<10000x128xf32, #tpu.memory_space<vmem_shared>> -> memref<125x128xf32, #tpu.memory_space<vmem_shared>>
    %dma_start3A_34 = arith.constant 0 : i32
    %dma_start3A_35 = tpu.memref_slice %arg10[%add3A_31, %dma_start3A_34] : memref<10000x128xf32, #tpu.memory_space<vmem_shared>> -> memref<125x128xf32, #tpu.memory_space<vmem_shared>>
    tpu.enqueue_dma source(%arg9 : memref<125x128xf32, #tpu.memory_space<vmem>>) target(%dma_start3A_35 : memref<125x128xf32, #tpu.memory_space<vmem_shared>>) target_semaphore(%arg16 : memref<!tpu.dma_semaphore, #tpu.memory_space<semaphore_mem>>)
    %add3A_36 = arith.constant 125 : i32
    %add3A_37 = arith.addi %mul3A_4, %add3A_36 : i32
    %dma_start3A_38 = arith.constant 0 : i32
    %dma_start3A_39 = tpu.memref_slice %arg10[%add3A_37, %dma_start3A_38] : memref<10000x128xf32, #tpu.memory_space<vmem_shared>> -> memref<125x128xf32, #tpu.memory_space<vmem_shared>>
    %dma_start3A_40 = arith.constant 0 : i32
    %dma_start3A_41 = tpu.memref_slice %arg10[%add3A_37, %dma_start3A_40] : memref<10000x128xf32, #tpu.memory_space<vmem_shared>> -> memref<125x128xf32, #tpu.memory_space<vmem_shared>>
    tpu.enqueue_dma source(%arg9 : memref<125x128xf32, #tpu.memory_space<vmem>>) target(%dma_start3A_41 : memref<125x128xf32, #tpu.memory_space<vmem_shared>>) target_semaphore(%arg16 : memref<!tpu.dma_semaphore, #tpu.memory_space<semaphore_mem>>)
    %add3A_42 = arith.constant 250 : i32
    %add3A_43 = arith.addi %mul3A_4, %add3A_42 : i32
    %dma_start3A_44 = arith.constant 0 : i32
    %dma_start3A_45 = tpu.memref_slice %arg10[%add3A_43, %dma_start3A_44] : memref<10000x128xf32, #tpu.memory_space<vmem_shared>> -> memref<125x128xf32, #tpu.memory_space<vmem_shared>>
    %dma_start3A_46 = arith.constant 0 : i32
    %dma_start3A_47 = tpu.memref_slice %arg10[%add3A_43, %dma_start3A_46] : memref<10000x128xf32, #tpu.memory_space<vmem_shared>> -> memref<125x128xf32, #tpu.memory_space<vmem_shared>>
    tpu.enqueue_dma source(%arg9 : memref<125x128xf32, #tpu.memory_space<vmem>>) target(%dma_start3A_47 : memref<125x128xf32, #tpu.memory_space<vmem_shared>>) target_semaphore(%arg16 : memref<!tpu.dma_semaphore, #tpu.memory_space<semaphore_mem>>)
    %add3A_48 = arith.constant 375 : i32
    %add3A_49 = arith.addi %mul3A_4, %add3A_48 : i32
    %dma_start3A_50 = arith.constant 0 : i32
    %dma_start3A_51 = tpu.memref_slice %arg10[%add3A_49, %dma_start3A_50] : memref<10000x128xf32, #tpu.memory_space<vmem_shared>> -> memref<125x128xf32, #tpu.memory_space<vmem_shared>>
    %dma_start3A_52 = arith.constant 0 : i32
    %dma_start3A_53 = tpu.memref_slice %arg10[%add3A_49, %dma_start3A_52] : memref<10000x128xf32, #tpu.memory_space<vmem_shared>> -> memref<125x128xf32, #tpu.memory_space<vmem_shared>>
    tpu.enqueue_dma source(%arg9 : memref<125x128xf32, #tpu.memory_space<vmem>>) target(%dma_start3A_53 : memref<125x128xf32, #tpu.memory_space<vmem_shared>>) target_semaphore(%arg16 : memref<!tpu.dma_semaphore, #tpu.memory_space<semaphore_mem>>)
    %add3A_54 = arith.constant 500 : i32
    %add3A_55 = arith.addi %mul3A_4, %add3A_54 : i32
    %dma_start3A_56 = arith.constant 0 : i32
    %dma_start3A_57 = tpu.memref_slice %arg10[%add3A_55, %dma_start3A_56] : memref<10000x128xf32, #tpu.memory_space<vmem_shared>> -> memref<125x128xf32, #tpu.memory_space<vmem_shared>>
    %dma_start3A_58 = arith.constant 0 : i32
    %dma_start3A_59 = tpu.memref_slice %arg10[%add3A_55, %dma_start3A_58] : memref<10000x128xf32, #tpu.memory_space<vmem_shared>> -> memref<125x128xf32, #tpu.memory_space<vmem_shared>>
    tpu.enqueue_dma source(%arg9 : memref<125x128xf32, #tpu.memory_space<vmem>>) target(%dma_start3A_59 : memref<125x128xf32, #tpu.memory_space<vmem_shared>>) target_semaphore(%arg16 : memref<!tpu.dma_semaphore, #tpu.memory_space<semaphore_mem>>)
    %add3A_60 = arith.constant 0 : i32
    %add3A_61 = arith.addi %mul3A_4, %add3A_60 : i32
    %dma_wait3A = arith.constant 0 : i32
    %dma_wait3A_62 = tpu.memref_slice %arg10[%add3A_61, %dma_wait3A] : memref<10000x128xf32, #tpu.memory_space<vmem_shared>> -> memref<125x128xf32, #tpu.memory_space<vmem_shared>>
    %dma_wait3A_63 = arith.constant 0 : i32
    %dma_wait3A_64 = tpu.memref_slice %arg10[%add3A_61, %dma_wait3A_63] : memref<10000x128xf32, #tpu.memory_space<vmem_shared>> -> memref<125x128xf32, #tpu.memory_space<vmem_shared>>
    tpu.wait_dma2 semaphore(%arg16 : memref<!tpu.dma_semaphore, #tpu.memory_space<semaphore_mem>>) src(%arg9 : memref<125x128xf32, #tpu.memory_space<vmem>>) dst(%dma_wait3A_64 : memref<125x128xf32, #tpu.memory_space<vmem_shared>>)
    %add3A_65 = arith.constant 125 : i32
    %add3A_66 = arith.addi %mul3A_4, %add3A_65 : i32
    %dma_wait3A_67 = arith.constant 0 : i32
    %dma_wait3A_68 = tpu.memref_slice %arg10[%add3A_66, %dma_wait3A_67] : memref<10000x128xf32, #tpu.memory_space<vmem_shared>> -> memref<125x128xf32, #tpu.memory_space<vmem_shared>>
    %dma_wait3A_69 = arith.constant 0 : i32
    %dma_wait3A_70 = tpu.memref_slice %arg10[%add3A_66, %dma_wait3A_69] : memref<10000x128xf32, #tpu.memory_space<vmem_shared>> -> memref<125x128xf32, #tpu.memory_space<vmem_shared>>
    tpu.wait_dma2 semaphore(%arg16 : memref<!tpu.dma_semaphore, #tpu.memory_space<semaphore_mem>>) src(%arg9 : memref<125x128xf32, #tpu.memory_space<vmem>>) dst(%dma_wait3A_70 : memref<125x128xf32, #tpu.memory_space<vmem_shared>>)
    %add3A_71 = arith.constant 250 : i32
    %add3A_72 = arith.addi %mul3A_4, %add3A_71 : i32
    %dma_wait3A_73 = arith.constant 0 : i32
    %dma_wait3A_74 = tpu.memref_slice %arg10[%add3A_72, %dma_wait3A_73] : memref<10000x128xf32, #tpu.memory_space<vmem_shared>> -> memref<125x128xf32, #tpu.memory_space<vmem_shared>>
    %dma_wait3A_75 = arith.constant 0 : i32
    %dma_wait3A_76 = tpu.memref_slice %arg10[%add3A_72, %dma_wait3A_75] : memref<10000x128xf32, #tpu.memory_space<vmem_shared>> -> memref<125x128xf32, #tpu.memory_space<vmem_shared>>
    tpu.wait_dma2 semaphore(%arg16 : memref<!tpu.dma_semaphore, #tpu.memory_space<semaphore_mem>>) src(%arg9 : memref<125x128xf32, #tpu.memory_space<vmem>>) dst(%dma_wait3A_76 : memref<125x128xf32, #tpu.memory_space<vmem_shared>>)
    %add3A_77 = arith.constant 375 : i32
    %add3A_78 = arith.addi %mul3A_4, %add3A_77 : i32
    %dma_wait3A_79 = arith.constant 0 : i32
    %dma_wait3A_80 = tpu.memref_slice %arg10[%add3A_78, %dma_wait3A_79] : memref<10000x128xf32, #tpu.memory_space<vmem_shared>> -> memref<125x128xf32, #tpu.memory_space<vmem_shared>>
    %dma_wait3A_81 = arith.constant 0 : i32
    %dma_wait3A_82 = tpu.memref_slice %arg10[%add3A_78, %dma_wait3A_81] : memref<10000x128xf32, #tpu.memory_space<vmem_shared>> -> memref<125x128xf32, #tpu.memory_space<vmem_shared>>
    tpu.wait_dma2 semaphore(%arg16 : memref<!tpu.dma_semaphore, #tpu.memory_space<semaphore_mem>>) src(%arg9 : memref<125x128xf32, #tpu.memory_space<vmem>>) dst(%dma_wait3A_82 : memref<125x128xf32, #tpu.memory_space<vmem_shared>>)
    %add3A_83 = arith.constant 500 : i32
    %add3A_84 = arith.addi %mul3A_4, %add3A_83 : i32
    %dma_wait3A_85 = arith.constant 0 : i32
    %dma_wait3A_86 = tpu.memref_slice %arg10[%add3A_84, %dma_wait3A_85] : memref<10000x128xf32, #tpu.memory_space<vmem_shared>> -> memref<125x128xf32, #tpu.memory_space<vmem_shared>>
    %dma_wait3A_87 = arith.constant 0 : i32
    %dma_wait3A_88 = tpu.memref_slice %arg10[%add3A_84, %dma_wait3A_87] : memref<10000x128xf32, #tpu.memory_space<vmem_shared>> -> memref<125x128xf32, #tpu.memory_space<vmem_shared>>
    tpu.wait_dma2 semaphore(%arg16 : memref<!tpu.dma_semaphore, #tpu.memory_space<semaphore_mem>>) src(%arg9 : memref<125x128xf32, #tpu.memory_space<vmem>>) dst(%dma_wait3A_88 : memref<125x128xf32, #tpu.memory_space<vmem_shared>>)
    %barrier3A = arith.constant 0 : index
    tpu.barrier barrier_id(%barrier3A)
    %scan3A_89 = arith.constant 0 : i32
    %scan3A_90 = arith.constant 0 : i32
    %scan3A_91 = arith.constant 19 : i32
    %scan3A_92 = arith.addi %scan3A_90, %scan3A_91 : i32
    %scan3A_93 = arith.constant 1 : i32
    %scan3A_94 = scf.for %scan3A_131 = %scan3A_90 to %scan3A_92 step %scan3A_93 iter_args(%scan3A_132 = %scan3A_89) -> (i32)  : i32 {
      %mul3A_133 = arith.constant 2 : i32
      %mul3A_134 = arith.muli %mul3A_133, %scan3A_131 : i32
      %add3A_135 = arith.constant 0 : i32
      %add3A_136 = arith.addi %mul3A_134, %add3A_135 : i32
      %mul3A_137 = arith.constant 128 : i32
      %mul3A_138 = arith.muli %add3A_136, %mul3A_137 : i32
      %add3A_139 = arith.addi %mul3A_2, %mul3A_138 : i32
      %add3A_140 = arith.constant 160000 : i32
      %add3A_141 = arith.addi %add3A_140, %add3A_139 : i32
      %dma_wait3A_142 = tpu.memref_slice %arg3[%add3A_141] : memref<320000xi32, #tpu.memory_space<hbm>> -> memref<128xi32, #tpu.memory_space<hbm>>
      %dma_wait3A_143 = tpu.memref_slice %arg3[%add3A_141] : memref<320000xi32, #tpu.memory_space<hbm>> -> memref<128xi32, #tpu.memory_space<hbm>>
      tpu.wait_dma2 semaphore(%arg12 : memref<!tpu.dma_semaphore, #tpu.memory_space<semaphore_mem>>) src(%dma_wait3A_143 : memref<128xi32, #tpu.memory_space<hbm>>) dst(%arg5 : memref<128xi32, #tpu.memory_space<vmem>>)
      %dma_wait3A_144 = arith.constant 0 : i32
      %dma_wait3A_145 = tpu.memref_slice %arg2[%add3A_139, %dma_wait3A_144] : memref<160000x128xf32, #tpu.memory_space<hbm>> -> memref<128x128xf32, #tpu.memory_space<hbm>>
      %dma_wait3A_146 = arith.constant 0 : i32
      %dma_wait3A_147 = tpu.memref_slice %arg2[%add3A_139, %dma_wait3A_146] : memref<160000x128xf32, #tpu.memory_space<hbm>> -> memref<128x128xf32, #tpu.memory_space<hbm>>
      tpu.wait_dma2 semaphore(%arg12 : memref<!tpu.dma_semaphore, #tpu.memory_space<semaphore_mem>>) src(%dma_wait3A_147 : memref<128x128xf32, #tpu.memory_space<hbm>>) dst(%arg6 : memref<128x128xf32, #tpu.memory_space<vmem>>)
      %dma_start3A_148 = arith.constant 0 : i32
      %dma_start3A_149 = arith.constant 0 : i32
      %dma_start3A_150 = tpu.memref_slice %arg10[%dma_start3A_148, %dma_start3A_149] : memref<10000x128xf32, #tpu.memory_space<vmem_shared>> -> memref<10000x128xf32, #tpu.memory_space<vmem_shared>>
      tpu.enqueue_indirect_dma source(%arg6 : memref<128x128xf32, #tpu.memory_space<vmem>>) target(%dma_start3A_150 : memref<10000x128xf32, #tpu.memory_space<vmem_shared>>) offsets(%arg5 : memref<128xi32, #tpu.memory_space<vmem>>) semaphore(%arg14 : memref<!tpu.dma_semaphore, #tpu.memory_space<semaphore_mem>>) {add = true}
      %add3A_151 = arith.constant 1 : i32
      %add3A_152 = arith.addi %mul3A_134, %add3A_151 : i32
      %mul3A_153 = arith.constant 128 : i32
      %mul3A_154 = arith.muli %add3A_152, %mul3A_153 : i32
      %add3A_155 = arith.addi %mul3A_2, %mul3A_154 : i32
      %add3A_156 = arith.constant 160000 : i32
      %add3A_157 = arith.addi %add3A_156, %add3A_155 : i32
      %dma_wait3A_158 = tpu.memref_slice %arg3[%add3A_157] : memref<320000xi32, #tpu.memory_space<hbm>> -> memref<128xi32, #tpu.memory_space<hbm>>
      %dma_wait3A_159 = tpu.memref_slice %arg3[%add3A_157] : memref<320000xi32, #tpu.memory_space<hbm>> -> memref<128xi32, #tpu.memory_space<hbm>>
      tpu.wait_dma2 semaphore(%arg13 : memref<!tpu.dma_semaphore, #tpu.memory_space<semaphore_mem>>) src(%dma_wait3A_159 : memref<128xi32, #tpu.memory_space<hbm>>) dst(%arg7 : memref<128xi32, #tpu.memory_space<vmem>>)
      %dma_wait3A_160 = arith.constant 0 : i32
      %dma_wait3A_161 = tpu.memref_slice %arg2[%add3A_155, %dma_wait3A_160] : memref<160000x128xf32, #tpu.memory_space<hbm>> -> memref<128x128xf32, #tpu.memory_space<hbm>>
      %dma_wait3A_162 = arith.constant 0 : i32
      %dma_wait3A_163 = tpu.memref_slice %arg2[%add3A_155, %dma_wait3A_162] : memref<160000x128xf32, #tpu.memory_space<hbm>> -> memref<128x128xf32, #tpu.memory_space<hbm>>
      tpu.wait_dma2 semaphore(%arg13 : memref<!tpu.dma_semaphore, #tpu.memory_space<semaphore_mem>>) src(%dma_wait3A_163 : memref<128x128xf32, #tpu.memory_space<hbm>>) dst(%arg8 : memref<128x128xf32, #tpu.memory_space<vmem>>)
      %dma_start3A_164 = arith.constant 0 : i32
      %dma_start3A_165 = arith.constant 0 : i32
      %dma_start3A_166 = tpu.memref_slice %arg10[%dma_start3A_164, %dma_start3A_165] : memref<10000x128xf32, #tpu.memory_space<vmem_shared>> -> memref<10000x128xf32, #tpu.memory_space<vmem_shared>>
      tpu.enqueue_indirect_dma source(%arg8 : memref<128x128xf32, #tpu.memory_space<vmem>>) target(%dma_start3A_166 : memref<10000x128xf32, #tpu.memory_space<vmem_shared>>) offsets(%arg7 : memref<128xi32, #tpu.memory_space<vmem>>) semaphore(%arg15 : memref<!tpu.dma_semaphore, #tpu.memory_space<semaphore_mem>>) {add = true}
      %dma_wait3A_167 = arith.constant 0 : i32
      %dma_wait3A_168 = arith.constant 0 : i32
      %dma_wait3A_169 = tpu.memref_slice %arg10[%dma_wait3A_167, %dma_wait3A_168] : memref<10000x128xf32, #tpu.memory_space<vmem_shared>> -> memref<10000x128xf32, #tpu.memory_space<vmem_shared>>
      tpu.wait_indirect_dma semaphore(%arg14 : memref<!tpu.dma_semaphore, #tpu.memory_space<semaphore_mem>>) src(%arg6 : memref<128x128xf32, #tpu.memory_space<vmem>>) dst(%dma_wait3A_169 : memref<10000x128xf32, #tpu.memory_space<vmem_shared>>)
      %lt3A = arith.constant 19 : i32
      %lt3A_170 = arith.cmpi slt, %scan3A_131, %lt3A : i32
      %convert_element_type3A = arith.extui %lt3A_170 : i1 to i32
      %cond3A = arith.constant 0 : i32
      %cond3A_171 = arith.cmpi ne, %convert_element_type3A, %cond3A : i32
      scf.if %cond3A_171 {
        %add3A_181 = arith.constant 2 : i32
        %add3A_182 = arith.addi %mul3A_134, %add3A_181 : i32
        %add3A_183 = arith.constant 0 : i32
        %add3A_184 = arith.addi %add3A_182, %add3A_183 : i32
        %mul3A_185 = arith.constant 128 : i32
        %mul3A_186 = arith.muli %add3A_184, %mul3A_185 : i32
        %add3A_187 = arith.addi %mul3A_2, %mul3A_186 : i32
        %add3A_188 = arith.constant 160000 : i32
        %add3A_189 = arith.addi %add3A_188, %add3A_187 : i32
        %dma_start3A_190 = tpu.memref_slice %arg3[%add3A_189] : memref<320000xi32, #tpu.memory_space<hbm>> -> memref<128xi32, #tpu.memory_space<hbm>>
        %dma_start3A_191 = tpu.memref_slice %arg3[%add3A_189] : memref<320000xi32, #tpu.memory_space<hbm>> -> memref<128xi32, #tpu.memory_space<hbm>>
        tpu.enqueue_dma source(%dma_start3A_191 : memref<128xi32, #tpu.memory_space<hbm>>) target(%arg5 : memref<128xi32, #tpu.memory_space<vmem>>) target_semaphore(%arg12 : memref<!tpu.dma_semaphore, #tpu.memory_space<semaphore_mem>>)
        %dma_start3A_192 = arith.constant 0 : i32
        %dma_start3A_193 = tpu.memref_slice %arg2[%add3A_187, %dma_start3A_192] : memref<160000x128xf32, #tpu.memory_space<hbm>> -> memref<128x128xf32, #tpu.memory_space<hbm>>
        %dma_start3A_194 = arith.constant 0 : i32
        %dma_start3A_195 = tpu.memref_slice %arg2[%add3A_187, %dma_start3A_194] : memref<160000x128xf32, #tpu.memory_space<hbm>> -> memref<128x128xf32, #tpu.memory_space<hbm>>
        tpu.enqueue_dma source(%dma_start3A_195 : memref<128x128xf32, #tpu.memory_space<hbm>>) target(%arg6 : memref<128x128xf32, #tpu.memory_space<vmem>>) target_semaphore(%arg12 : memref<!tpu.dma_semaphore, #tpu.memory_space<semaphore_mem>>)
      } else {
      }
      %dma_wait3A_172 = arith.constant 0 : i32
      %dma_wait3A_173 = arith.constant 0 : i32
      %dma_wait3A_174 = tpu.memref_slice %arg10[%dma_wait3A_172, %dma_wait3A_173] : memref<10000x128xf32, #tpu.memory_space<vmem_shared>> -> memref<10000x128xf32, #tpu.memory_space<vmem_shared>>
      tpu.wait_indirect_dma semaphore(%arg15 : memref<!tpu.dma_semaphore, #tpu.memory_space<semaphore_mem>>) src(%arg8 : memref<128x128xf32, #tpu.memory_space<vmem>>) dst(%dma_wait3A_174 : memref<10000x128xf32, #tpu.memory_space<vmem_shared>>)
      %lt3A_175 = arith.constant 18 : i32
      %lt3A_176 = arith.cmpi slt, %scan3A_131, %lt3A_175 : i32
      %convert_element_type3A_177 = arith.extui %lt3A_176 : i1 to i32
      %cond3A_178 = arith.constant 0 : i32
      %cond3A_179 = arith.cmpi ne, %convert_element_type3A_177, %cond3A_178 : i32
      scf.if %cond3A_179 {
        %add3A_181 = arith.constant 2 : i32
        %add3A_182 = arith.addi %mul3A_134, %add3A_181 : i32
        %add3A_183 = arith.constant 1 : i32
        %add3A_184 = arith.addi %add3A_182, %add3A_183 : i32
        %mul3A_185 = arith.constant 128 : i32
        %mul3A_186 = arith.muli %add3A_184, %mul3A_185 : i32
        %add3A_187 = arith.addi %mul3A_2, %mul3A_186 : i32
        %add3A_188 = arith.constant 160000 : i32
        %add3A_189 = arith.addi %add3A_188, %add3A_187 : i32
        %dma_start3A_190 = tpu.memref_slice %arg3[%add3A_189] : memref<320000xi32, #tpu.memory_space<hbm>> -> memref<128xi32, #tpu.memory_space<hbm>>
        %dma_start3A_191 = tpu.memref_slice %arg3[%add3A_189] : memref<320000xi32, #tpu.memory_space<hbm>> -> memref<128xi32, #tpu.memory_space<hbm>>
        tpu.enqueue_dma source(%dma_start3A_191 : memref<128xi32, #tpu.memory_space<hbm>>) target(%arg7 : memref<128xi32, #tpu.memory_space<vmem>>) target_semaphore(%arg13 : memref<!tpu.dma_semaphore, #tpu.memory_space<semaphore_mem>>)
        %dma_start3A_192 = arith.constant 0 : i32
        %dma_start3A_193 = tpu.memref_slice %arg2[%add3A_187, %dma_start3A_192] : memref<160000x128xf32, #tpu.memory_space<hbm>> -> memref<128x128xf32, #tpu.memory_space<hbm>>
        %dma_start3A_194 = arith.constant 0 : i32
        %dma_start3A_195 = tpu.memref_slice %arg2[%add3A_187, %dma_start3A_194] : memref<160000x128xf32, #tpu.memory_space<hbm>> -> memref<128x128xf32, #tpu.memory_space<hbm>>
        tpu.enqueue_dma source(%dma_start3A_195 : memref<128x128xf32, #tpu.memory_space<hbm>>) target(%arg8 : memref<128x128xf32, #tpu.memory_space<vmem>>) target_semaphore(%arg13 : memref<!tpu.dma_semaphore, #tpu.memory_space<semaphore_mem>>)
      } else {
      }
      %scan3A_180 = arith.constant 0 : i32
      scf.yield %scan3A_180 : i32
    }
    %scan3A_95 = arith.constant 19 : i32
    %add3A_96 = arith.constant 4864 : i32
    %add3A_97 = arith.addi %mul3A_2, %add3A_96 : i32
    %add3A_98 = arith.constant 160000 : i32
    %add3A_99 = arith.addi %add3A_98, %add3A_97 : i32
    %dma_wait3A_100 = tpu.memref_slice %arg3[%add3A_99] : memref<320000xi32, #tpu.memory_space<hbm>> -> memref<128xi32, #tpu.memory_space<hbm>>
    %dma_wait3A_101 = tpu.memref_slice %arg3[%add3A_99] : memref<320000xi32, #tpu.memory_space<hbm>> -> memref<128xi32, #tpu.memory_space<hbm>>
    tpu.wait_dma2 semaphore(%arg12 : memref<!tpu.dma_semaphore, #tpu.memory_space<semaphore_mem>>) src(%dma_wait3A_101 : memref<128xi32, #tpu.memory_space<hbm>>) dst(%arg5 : memref<128xi32, #tpu.memory_space<vmem>>)
    %dma_wait3A_102 = arith.constant 0 : i32
    %dma_wait3A_103 = tpu.memref_slice %arg2[%add3A_97, %dma_wait3A_102] : memref<160000x128xf32, #tpu.memory_space<hbm>> -> memref<128x128xf32, #tpu.memory_space<hbm>>
    %dma_wait3A_104 = arith.constant 0 : i32
    %dma_wait3A_105 = tpu.memref_slice %arg2[%add3A_97, %dma_wait3A_104] : memref<160000x128xf32, #tpu.memory_space<hbm>> -> memref<128x128xf32, #tpu.memory_space<hbm>>
    tpu.wait_dma2 semaphore(%arg12 : memref<!tpu.dma_semaphore, #tpu.memory_space<semaphore_mem>>) src(%dma_wait3A_105 : memref<128x128xf32, #tpu.memory_space<hbm>>) dst(%arg6 : memref<128x128xf32, #tpu.memory_space<vmem>>)
    %dma_start3A_106 = arith.constant 0 : i32
    %dma_start3A_107 = arith.constant 0 : i32
    %dma_start3A_108 = tpu.memref_slice %arg10[%dma_start3A_106, %dma_start3A_107] : memref<10000x128xf32, #tpu.memory_space<vmem_shared>> -> memref<10000x128xf32, #tpu.memory_space<vmem_shared>>
    tpu.enqueue_indirect_dma source(%arg6 : memref<128x128xf32, #tpu.memory_space<vmem>>) target(%dma_start3A_108 : memref<10000x128xf32, #tpu.memory_space<vmem_shared>>) offsets(%arg5 : memref<128xi32, #tpu.memory_space<vmem>>) semaphore(%arg14 : memref<!tpu.dma_semaphore, #tpu.memory_space<semaphore_mem>>) {add = true}
    %dma_wait3A_109 = arith.constant 0 : i32
    %dma_wait3A_110 = arith.constant 0 : i32
    %dma_wait3A_111 = tpu.memref_slice %arg10[%dma_wait3A_109, %dma_wait3A_110] : memref<10000x128xf32, #tpu.memory_space<vmem_shared>> -> memref<10000x128xf32, #tpu.memory_space<vmem_shared>>
    tpu.wait_indirect_dma semaphore(%arg14 : memref<!tpu.dma_semaphore, #tpu.memory_space<semaphore_mem>>) src(%arg6 : memref<128x128xf32, #tpu.memory_space<vmem>>) dst(%dma_wait3A_111 : memref<10000x128xf32, #tpu.memory_space<vmem_shared>>)
    %add3A_112 = arith.constant 4992 : i32
    %add3A_113 = arith.addi %mul3A_2, %add3A_112 : i32
    %add3A_114 = arith.constant 160000 : i32
    %add3A_115 = arith.addi %add3A_114, %add3A_113 : i32
    "tpu.region"() ({
      %run_scoped3A_131 = tpu.sem_alloc : memref<!tpu.dma_semaphore, #tpu.memory_space<semaphore_mem>>
      %dma_start3A_132 = tpu.memref_slice %arg3[%add3A_115] : memref<320000xi32, #tpu.memory_space<hbm>> -> memref<8xi32, #tpu.memory_space<hbm>>
      %dma_start3A_133 = tpu.memref_slice %arg3[%add3A_115] : memref<320000xi32, #tpu.memory_space<hbm>> -> memref<8xi32, #tpu.memory_space<hbm>>
      tpu.enqueue_dma source(%dma_start3A_133 : memref<8xi32, #tpu.memory_space<hbm>>) target(%arg11 : memref<8xi32, #tpu.memory_space<vmem>>) target_semaphore(%run_scoped3A_131 : memref<!tpu.dma_semaphore, #tpu.memory_space<semaphore_mem>>)
      %dma_wait3A_134 = tpu.memref_slice %arg3[%add3A_115] : memref<320000xi32, #tpu.memory_space<hbm>> -> memref<8xi32, #tpu.memory_space<hbm>>
      %dma_wait3A_135 = tpu.memref_slice %arg3[%add3A_115] : memref<320000xi32, #tpu.memory_space<hbm>> -> memref<8xi32, #tpu.memory_space<hbm>>
      tpu.wait_dma2 semaphore(%run_scoped3A_131 : memref<!tpu.dma_semaphore, #tpu.memory_space<semaphore_mem>>) src(%dma_wait3A_135 : memref<8xi32, #tpu.memory_space<hbm>>) dst(%arg11 : memref<8xi32, #tpu.memory_space<vmem>>)
      tpu.yield
    }) : () -> ()
    "tpu.region"() ({
      %run_scoped3A_131 = tpu.sem_alloc : memref<!tpu.dma_semaphore, #tpu.memory_space<semaphore_mem>>
      %dma_start3A_132 = arith.constant 0 : i32
      %dma_start3A_133 = arith.constant 0 : i32
      %dma_start3A_134 = tpu.memref_slice %arg6[%dma_start3A_132, %dma_start3A_133] : memref<128x128xf32, #tpu.memory_space<vmem>> -> memref<8x128xf32, #tpu.memory_space<vmem>>
      %dma_start3A_135 = arith.constant 0 : i32
      %dma_start3A_136 = tpu.memref_slice %arg2[%add3A_113, %dma_start3A_135] : memref<160000x128xf32, #tpu.memory_space<hbm>> -> memref<8x128xf32, #tpu.memory_space<hbm>>
      %dma_start3A_137 = arith.constant 0 : i32
      %dma_start3A_138 = arith.constant 0 : i32
      %dma_start3A_139 = tpu.memref_slice %arg6[%dma_start3A_137, %dma_start3A_138] : memref<128x128xf32, #tpu.memory_space<vmem>> -> memref<8x128xf32, #tpu.memory_space<vmem>>
      %dma_start3A_140 = arith.constant 0 : i32
      %dma_start3A_141 = tpu.memref_slice %arg2[%add3A_113, %dma_start3A_140] : memref<160000x128xf32, #tpu.memory_space<hbm>> -> memref<8x128xf32, #tpu.memory_space<hbm>>
      tpu.enqueue_dma source(%dma_start3A_141 : memref<8x128xf32, #tpu.memory_space<hbm>>) target(%dma_start3A_139 : memref<8x128xf32, #tpu.memory_space<vmem>>) target_semaphore(%run_scoped3A_131 : memref<!tpu.dma_semaphore, #tpu.memory_space<semaphore_mem>>)
      %dma_wait3A_142 = arith.constant 0 : i32
      %dma_wait3A_143 = arith.constant 0 : i32
      %dma_wait3A_144 = tpu.memref_slice %arg6[%dma_wait3A_142, %dma_wait3A_143] : memref<128x128xf32, #tpu.memory_space<vmem>> -> memref<8x128xf32, #tpu.memory_space<vmem>>
      %dma_wait3A_145 = arith.constant 0 : i32
      %dma_wait3A_146 = tpu.memref_slice %arg2[%add3A_113, %dma_wait3A_145] : memref<160000x128xf32, #tpu.memory_space<hbm>> -> memref<8x128xf32, #tpu.memory_space<hbm>>
      %dma_wait3A_147 = arith.constant 0 : i32
      %dma_wait3A_148 = arith.constant 0 : i32
      %dma_wait3A_149 = tpu.memref_slice %arg6[%dma_wait3A_147, %dma_wait3A_148] : memref<128x128xf32, #tpu.memory_space<vmem>> -> memref<8x128xf32, #tpu.memory_space<vmem>>
      %dma_wait3A_150 = arith.constant 0 : i32
      %dma_wait3A_151 = tpu.memref_slice %arg2[%add3A_113, %dma_wait3A_150] : memref<160000x128xf32, #tpu.memory_space<hbm>> -> memref<8x128xf32, #tpu.memory_space<hbm>>
      tpu.wait_dma2 semaphore(%run_scoped3A_131 : memref<!tpu.dma_semaphore, #tpu.memory_space<semaphore_mem>>) src(%dma_wait3A_151 : memref<8x128xf32, #tpu.memory_space<hbm>>) dst(%dma_wait3A_149 : memref<8x128xf32, #tpu.memory_space<vmem>>)
      tpu.yield
    }) : () -> ()
    "tpu.region"() ({
      %run_scoped3A_131 = tpu.sem_alloc : memref<!tpu.dma_semaphore, #tpu.memory_space<semaphore_mem>>
      %dma_start3A_132 = arith.constant 0 : i32
      %dma_start3A_133 = arith.constant 0 : i32
      %dma_start3A_134 = tpu.memref_slice %arg6[%dma_start3A_132, %dma_start3A_133] : memref<128x128xf32, #tpu.memory_space<vmem>> -> memref<8x128xf32, #tpu.memory_space<vmem>>
      %dma_start3A_135 = arith.constant 0 : i32
      %dma_start3A_136 = arith.constant 0 : i32
      %dma_start3A_137 = tpu.memref_slice %arg10[%dma_start3A_135, %dma_start3A_136] : memref<10000x128xf32, #tpu.memory_space<vmem_shared>> -> memref<10000x128xf32, #tpu.memory_space<vmem_shared>>
      tpu.enqueue_indirect_dma source(%dma_start3A_134 : memref<8x128xf32, #tpu.memory_space<vmem>>) target(%dma_start3A_137 : memref<10000x128xf32, #tpu.memory_space<vmem_shared>>) offsets(%arg11 : memref<8xi32, #tpu.memory_space<vmem>>) semaphore(%run_scoped3A_131 : memref<!tpu.dma_semaphore, #tpu.memory_space<semaphore_mem>>) {add = true}
      %dma_wait3A_138 = arith.constant 0 : i32
      %dma_wait3A_139 = arith.constant 0 : i32
      %dma_wait3A_140 = tpu.memref_slice %arg6[%dma_wait3A_138, %dma_wait3A_139] : memref<128x128xf32, #tpu.memory_space<vmem>> -> memref<8x128xf32, #tpu.memory_space<vmem>>
      %dma_wait3A_141 = arith.constant 0 : i32
      %dma_wait3A_142 = arith.constant 0 : i32
      %dma_wait3A_143 = tpu.memref_slice %arg10[%dma_wait3A_141, %dma_wait3A_142] : memref<10000x128xf32, #tpu.memory_space<vmem_shared>> -> memref<10000x128xf32, #tpu.memory_space<vmem_shared>>
      tpu.wait_indirect_dma semaphore(%run_scoped3A_131 : memref<!tpu.dma_semaphore, #tpu.memory_space<semaphore_mem>>) src(%dma_wait3A_140 : memref<8x128xf32, #tpu.memory_space<vmem>>) dst(%dma_wait3A_143 : memref<10000x128xf32, #tpu.memory_space<vmem_shared>>)
      tpu.yield
    }) : () -> ()
    %barrier3A_116 = arith.constant 0 : index
    tpu.barrier barrier_id(%barrier3A_116)
    %add3A_117 = arith.constant 0 : i32
    %add3A_118 = arith.addi %mul3A_4, %add3A_117 : i32
    "tpu.region"() ({
      %run_scoped3A_131 = tpu.sem_alloc : memref<!tpu.dma_semaphore, #tpu.memory_space<semaphore_mem>>
      %dma_start3A_132 = arith.constant 0 : i32
      %dma_start3A_133 = tpu.memref_slice %arg10[%add3A_118, %dma_start3A_132] : memref<10000x128xf32, #tpu.memory_space<vmem_shared>> -> memref<125x128xf32, #tpu.memory_space<vmem_shared>>
      %dma_start3A_134 = arith.constant 0 : i32
      %dma_start3A_135 = tpu.memref_slice %arg10[%add3A_118, %dma_start3A_134] : memref<10000x128xf32, #tpu.memory_space<vmem_shared>> -> memref<125x128xf32, #tpu.memory_space<vmem_shared>>
      tpu.enqueue_dma source(%dma_start3A_135 : memref<125x128xf32, #tpu.memory_space<vmem_shared>>) target(%arg9 : memref<125x128xf32, #tpu.memory_space<vmem>>) target_semaphore(%run_scoped3A_131 : memref<!tpu.dma_semaphore, #tpu.memory_space<semaphore_mem>>)
      %dma_wait3A_136 = arith.constant 0 : i32
      %dma_wait3A_137 = tpu.memref_slice %arg10[%add3A_118, %dma_wait3A_136] : memref<10000x128xf32, #tpu.memory_space<vmem_shared>> -> memref<125x128xf32, #tpu.memory_space<vmem_shared>>
      %dma_wait3A_138 = arith.constant 0 : i32
      %dma_wait3A_139 = tpu.memref_slice %arg10[%add3A_118, %dma_wait3A_138] : memref<10000x128xf32, #tpu.memory_space<vmem_shared>> -> memref<125x128xf32, #tpu.memory_space<vmem_shared>>
      tpu.wait_dma2 semaphore(%run_scoped3A_131 : memref<!tpu.dma_semaphore, #tpu.memory_space<semaphore_mem>>) src(%dma_wait3A_139 : memref<125x128xf32, #tpu.memory_space<vmem_shared>>) dst(%arg9 : memref<125x128xf32, #tpu.memory_space<vmem>>)
      tpu.yield
    }) : () -> ()
    %run_scoped3A = arith.constant 0 : i32
    "tpu.region"() ({
      %run_scoped3A_131 = tpu.sem_alloc : memref<!tpu.dma_semaphore, #tpu.memory_space<semaphore_mem>>
      %dma_start3A_132 = arith.constant 0 : i32
      %dma_start3A_133 = arith.constant 0 : i32
      %dma_start3A_134 = tpu.memref_slice %arg4[%arg0, %arg1, %run_scoped3A, %dma_start3A_132, %dma_start3A_133] : memref<2x16x5x125x128xf32, #tpu.memory_space<hbm>> -> memref<1x1x1x125x128xf32, #tpu.memory_space<hbm>>
      %dma_start3A_135 = tpu.memref_squeeze %dma_start3A_134 : memref<1x1x1x125x128xf32, #tpu.memory_space<hbm>> -> memref<125x128xf32, #tpu.memory_space<hbm>>
      %dma_start3A_136 = arith.constant 0 : i32
      %dma_start3A_137 = arith.constant 0 : i32
      %dma_start3A_138 = tpu.memref_slice %arg4[%arg0, %arg1, %run_scoped3A, %dma_start3A_136, %dma_start3A_137] : memref<2x16x5x125x128xf32, #tpu.memory_space<hbm>> -> memref<1x1x1x125x128xf32, #tpu.memory_space<hbm>>
      %dma_start3A_139 = tpu.memref_squeeze %dma_start3A_138 : memref<1x1x1x125x128xf32, #tpu.memory_space<hbm>> -> memref<125x128xf32, #tpu.memory_space<hbm>>
      tpu.enqueue_dma source(%arg9 : memref<125x128xf32, #tpu.memory_space<vmem>>) target(%dma_start3A_139 : memref<125x128xf32, #tpu.memory_space<hbm>>) target_semaphore(%run_scoped3A_131 : memref<!tpu.dma_semaphore, #tpu.memory_space<semaphore_mem>>)
      %dma_wait3A_140 = arith.constant 0 : i32
      %dma_wait3A_141 = arith.constant 0 : i32
      %dma_wait3A_142 = tpu.memref_slice %arg4[%arg0, %arg1, %run_scoped3A, %dma_wait3A_140, %dma_wait3A_141] : memref<2x16x5x125x128xf32, #tpu.memory_space<hbm>> -> memref<1x1x1x125x128xf32, #tpu.memory_space<hbm>>
      %dma_wait3A_143 = tpu.memref_squeeze %dma_wait3A_142 : memref<1x1x1x125x128xf32, #tpu.memory_space<hbm>> -> memref<125x128xf32, #tpu.memory_space<hbm>>
      %dma_wait3A_144 = arith.constant 0 : i32
      %dma_wait3A_145 = arith.constant 0 : i32
      %dma_wait3A_146 = tpu.memref_slice %arg4[%arg0, %arg1, %run_scoped3A, %dma_wait3A_144, %dma_wait3A_145] : memref<2x16x5x125x128xf32, #tpu.memory_space<hbm>> -> memref<1x1x1x125x128xf32, #tpu.memory_space<hbm>>
      %dma_wait3A_147 = tpu.memref_squeeze %dma_wait3A_146 : memref<1x1x1x125x128xf32, #tpu.memory_space<hbm>> -> memref<125x128xf32, #tpu.memory_space<hbm>>
      tpu.wait_dma2 semaphore(%run_scoped3A_131 : memref<!tpu.dma_semaphore, #tpu.memory_space<semaphore_mem>>) src(%arg9 : memref<125x128xf32, #tpu.memory_space<vmem>>) dst(%dma_wait3A_147 : memref<125x128xf32, #tpu.memory_space<hbm>>)
      tpu.yield
    }) : () -> ()
    %add3A_119 = arith.constant 125 : i32
    %add3A_120 = arith.addi %mul3A_4, %add3A_119 : i32
    "tpu.region"() ({
      %run_scoped3A_131 = tpu.sem_alloc : memref<!tpu.dma_semaphore, #tpu.memory_space<semaphore_mem>>
      %dma_start3A_132 = arith.constant 0 : i32
      %dma_start3A_133 = tpu.memref_slice %arg10[%add3A_120, %dma_start3A_132] : memref<10000x128xf32, #tpu.memory_space<vmem_shared>> -> memref<125x128xf32, #tpu.memory_space<vmem_shared>>
      %dma_start3A_134 = arith.constant 0 : i32
      %dma_start3A_135 = tpu.memref_slice %arg10[%add3A_120, %dma_start3A_134] : memref<10000x128xf32, #tpu.memory_space<vmem_shared>> -> memref<125x128xf32, #tpu.memory_space<vmem_shared>>
      tpu.enqueue_dma source(%dma_start3A_135 : memref<125x128xf32, #tpu.memory_space<vmem_shared>>) target(%arg9 : memref<125x128xf32, #tpu.memory_space<vmem>>) target_semaphore(%run_scoped3A_131 : memref<!tpu.dma_semaphore, #tpu.memory_space<semaphore_mem>>)
      %dma_wait3A_136 = arith.constant 0 : i32
      %dma_wait3A_137 = tpu.memref_slice %arg10[%add3A_120, %dma_wait3A_136] : memref<10000x128xf32, #tpu.memory_space<vmem_shared>> -> memref<125x128xf32, #tpu.memory_space<vmem_shared>>
      %dma_wait3A_138 = arith.constant 0 : i32
      %dma_wait3A_139 = tpu.memref_slice %arg10[%add3A_120, %dma_wait3A_138] : memref<10000x128xf32, #tpu.memory_space<vmem_shared>> -> memref<125x128xf32, #tpu.memory_space<vmem_shared>>
      tpu.wait_dma2 semaphore(%run_scoped3A_131 : memref<!tpu.dma_semaphore, #tpu.memory_space<semaphore_mem>>) src(%dma_wait3A_139 : memref<125x128xf32, #tpu.memory_space<vmem_shared>>) dst(%arg9 : memref<125x128xf32, #tpu.memory_space<vmem>>)
      tpu.yield
    }) : () -> ()
    %run_scoped3A_121 = arith.constant 1 : i32
    "tpu.region"() ({
      %run_scoped3A_131 = tpu.sem_alloc : memref<!tpu.dma_semaphore, #tpu.memory_space<semaphore_mem>>
      %dma_start3A_132 = arith.constant 0 : i32
      %dma_start3A_133 = arith.constant 0 : i32
      %dma_start3A_134 = tpu.memref_slice %arg4[%arg0, %arg1, %run_scoped3A_121, %dma_start3A_132, %dma_start3A_133] : memref<2x16x5x125x128xf32, #tpu.memory_space<hbm>> -> memref<1x1x1x125x128xf32, #tpu.memory_space<hbm>>
      %dma_start3A_135 = tpu.memref_squeeze %dma_start3A_134 : memref<1x1x1x125x128xf32, #tpu.memory_space<hbm>> -> memref<125x128xf32, #tpu.memory_space<hbm>>
      %dma_start3A_136 = arith.constant 0 : i32
      %dma_start3A_137 = arith.constant 0 : i32
      %dma_start3A_138 = tpu.memref_slice %arg4[%arg0, %arg1, %run_scoped3A_121, %dma_start3A_136, %dma_start3A_137] : memref<2x16x5x125x128xf32, #tpu.memory_space<hbm>> -> memref<1x1x1x125x128xf32, #tpu.memory_space<hbm>>
      %dma_start3A_139 = tpu.memref_squeeze %dma_start3A_138 : memref<1x1x1x125x128xf32, #tpu.memory_space<hbm>> -> memref<125x128xf32, #tpu.memory_space<hbm>>
      tpu.enqueue_dma source(%arg9 : memref<125x128xf32, #tpu.memory_space<vmem>>) target(%dma_start3A_139 : memref<125x128xf32, #tpu.memory_space<hbm>>) target_semaphore(%run_scoped3A_131 : memref<!tpu.dma_semaphore, #tpu.memory_space<semaphore_mem>>)
      %dma_wait3A_140 = arith.constant 0 : i32
      %dma_wait3A_141 = arith.constant 0 : i32
      %dma_wait3A_142 = tpu.memref_slice %arg4[%arg0, %arg1, %run_scoped3A_121, %dma_wait3A_140, %dma_wait3A_141] : memref<2x16x5x125x128xf32, #tpu.memory_space<hbm>> -> memref<1x1x1x125x128xf32, #tpu.memory_space<hbm>>
      %dma_wait3A_143 = tpu.memref_squeeze %dma_wait3A_142 : memref<1x1x1x125x128xf32, #tpu.memory_space<hbm>> -> memref<125x128xf32, #tpu.memory_space<hbm>>
      %dma_wait3A_144 = arith.constant 0 : i32
      %dma_wait3A_145 = arith.constant 0 : i32
      %dma_wait3A_146 = tpu.memref_slice %arg4[%arg0, %arg1, %run_scoped3A_121, %dma_wait3A_144, %dma_wait3A_145] : memref<2x16x5x125x128xf32, #tpu.memory_space<hbm>> -> memref<1x1x1x125x128xf32, #tpu.memory_space<hbm>>
      %dma_wait3A_147 = tpu.memref_squeeze %dma_wait3A_146 : memref<1x1x1x125x128xf32, #tpu.memory_space<hbm>> -> memref<125x128xf32, #tpu.memory_space<hbm>>
      tpu.wait_dma2 semaphore(%run_scoped3A_131 : memref<!tpu.dma_semaphore, #tpu.memory_space<semaphore_mem>>) src(%arg9 : memref<125x128xf32, #tpu.memory_space<vmem>>) dst(%dma_wait3A_147 : memref<125x128xf32, #tpu.memory_space<hbm>>)
      tpu.yield
    }) : () -> ()
    %add3A_122 = arith.constant 250 : i32
    %add3A_123 = arith.addi %mul3A_4, %add3A_122 : i32
    "tpu.region"() ({
      %run_scoped3A_131 = tpu.sem_alloc : memref<!tpu.dma_semaphore, #tpu.memory_space<semaphore_mem>>
      %dma_start3A_132 = arith.constant 0 : i32
      %dma_start3A_133 = tpu.memref_slice %arg10[%add3A_123, %dma_start3A_132] : memref<10000x128xf32, #tpu.memory_space<vmem_shared>> -> memref<125x128xf32, #tpu.memory_space<vmem_shared>>
      %dma_start3A_134 = arith.constant 0 : i32
      %dma_start3A_135 = tpu.memref_slice %arg10[%add3A_123, %dma_start3A_134] : memref<10000x128xf32, #tpu.memory_space<vmem_shared>> -> memref<125x128xf32, #tpu.memory_space<vmem_shared>>
      tpu.enqueue_dma source(%dma_start3A_135 : memref<125x128xf32, #tpu.memory_space<vmem_shared>>) target(%arg9 : memref<125x128xf32, #tpu.memory_space<vmem>>) target_semaphore(%run_scoped3A_131 : memref<!tpu.dma_semaphore, #tpu.memory_space<semaphore_mem>>)
      %dma_wait3A_136 = arith.constant 0 : i32
      %dma_wait3A_137 = tpu.memref_slice %arg10[%add3A_123, %dma_wait3A_136] : memref<10000x128xf32, #tpu.memory_space<vmem_shared>> -> memref<125x128xf32, #tpu.memory_space<vmem_shared>>
      %dma_wait3A_138 = arith.constant 0 : i32
      %dma_wait3A_139 = tpu.memref_slice %arg10[%add3A_123, %dma_wait3A_138] : memref<10000x128xf32, #tpu.memory_space<vmem_shared>> -> memref<125x128xf32, #tpu.memory_space<vmem_shared>>
      tpu.wait_dma2 semaphore(%run_scoped3A_131 : memref<!tpu.dma_semaphore, #tpu.memory_space<semaphore_mem>>) src(%dma_wait3A_139 : memref<125x128xf32, #tpu.memory_space<vmem_shared>>) dst(%arg9 : memref<125x128xf32, #tpu.memory_space<vmem>>)
      tpu.yield
    }) : () -> ()
    %run_scoped3A_124 = arith.constant 2 : i32
    "tpu.region"() ({
      %run_scoped3A_131 = tpu.sem_alloc : memref<!tpu.dma_semaphore, #tpu.memory_space<semaphore_mem>>
      %dma_start3A_132 = arith.constant 0 : i32
      %dma_start3A_133 = arith.constant 0 : i32
      %dma_start3A_134 = tpu.memref_slice %arg4[%arg0, %arg1, %run_scoped3A_124, %dma_start3A_132, %dma_start3A_133] : memref<2x16x5x125x128xf32, #tpu.memory_space<hbm>> -> memref<1x1x1x125x128xf32, #tpu.memory_space<hbm>>
      %dma_start3A_135 = tpu.memref_squeeze %dma_start3A_134 : memref<1x1x1x125x128xf32, #tpu.memory_space<hbm>> -> memref<125x128xf32, #tpu.memory_space<hbm>>
      %dma_start3A_136 = arith.constant 0 : i32
      %dma_start3A_137 = arith.constant 0 : i32
      %dma_start3A_138 = tpu.memref_slice %arg4[%arg0, %arg1, %run_scoped3A_124, %dma_start3A_136, %dma_start3A_137] : memref<2x16x5x125x128xf32, #tpu.memory_space<hbm>> -> memref<1x1x1x125x128xf32, #tpu.memory_space<hbm>>
      %dma_start3A_139 = tpu.memref_squeeze %dma_start3A_138 : memref<1x1x1x125x128xf32, #tpu.memory_space<hbm>> -> memref<125x128xf32, #tpu.memory_space<hbm>>
      tpu.enqueue_dma source(%arg9 : memref<125x128xf32, #tpu.memory_space<vmem>>) target(%dma_start3A_139 : memref<125x128xf32, #tpu.memory_space<hbm>>) target_semaphore(%run_scoped3A_131 : memref<!tpu.dma_semaphore, #tpu.memory_space<semaphore_mem>>)
      %dma_wait3A_140 = arith.constant 0 : i32
      %dma_wait3A_141 = arith.constant 0 : i32
      %dma_wait3A_142 = tpu.memref_slice %arg4[%arg0, %arg1, %run_scoped3A_124, %dma_wait3A_140, %dma_wait3A_141] : memref<2x16x5x125x128xf32, #tpu.memory_space<hbm>> -> memref<1x1x1x125x128xf32, #tpu.memory_space<hbm>>
      %dma_wait3A_143 = tpu.memref_squeeze %dma_wait3A_142 : memref<1x1x1x125x128xf32, #tpu.memory_space<hbm>> -> memref<125x128xf32, #tpu.memory_space<hbm>>
      %dma_wait3A_144 = arith.constant 0 : i32
      %dma_wait3A_145 = arith.constant 0 : i32
      %dma_wait3A_146 = tpu.memref_slice %arg4[%arg0, %arg1, %run_scoped3A_124, %dma_wait3A_144, %dma_wait3A_145] : memref<2x16x5x125x128xf32, #tpu.memory_space<hbm>> -> memref<1x1x1x125x128xf32, #tpu.memory_space<hbm>>
      %dma_wait3A_147 = tpu.memref_squeeze %dma_wait3A_146 : memref<1x1x1x125x128xf32, #tpu.memory_space<hbm>> -> memref<125x128xf32, #tpu.memory_space<hbm>>
      tpu.wait_dma2 semaphore(%run_scoped3A_131 : memref<!tpu.dma_semaphore, #tpu.memory_space<semaphore_mem>>) src(%arg9 : memref<125x128xf32, #tpu.memory_space<vmem>>) dst(%dma_wait3A_147 : memref<125x128xf32, #tpu.memory_space<hbm>>)
      tpu.yield
    }) : () -> ()
    %add3A_125 = arith.constant 375 : i32
    %add3A_126 = arith.addi %mul3A_4, %add3A_125 : i32
    "tpu.region"() ({
      %run_scoped3A_131 = tpu.sem_alloc : memref<!tpu.dma_semaphore, #tpu.memory_space<semaphore_mem>>
      %dma_start3A_132 = arith.constant 0 : i32
      %dma_start3A_133 = tpu.memref_slice %arg10[%add3A_126, %dma_start3A_132] : memref<10000x128xf32, #tpu.memory_space<vmem_shared>> -> memref<125x128xf32, #tpu.memory_space<vmem_shared>>
      %dma_start3A_134 = arith.constant 0 : i32
      %dma_start3A_135 = tpu.memref_slice %arg10[%add3A_126, %dma_start3A_134] : memref<10000x128xf32, #tpu.memory_space<vmem_shared>> -> memref<125x128xf32, #tpu.memory_space<vmem_shared>>
      tpu.enqueue_dma source(%dma_start3A_135 : memref<125x128xf32, #tpu.memory_space<vmem_shared>>) target(%arg9 : memref<125x128xf32, #tpu.memory_space<vmem>>) target_semaphore(%run_scoped3A_131 : memref<!tpu.dma_semaphore, #tpu.memory_space<semaphore_mem>>)
      %dma_wait3A_136 = arith.constant 0 : i32
      %dma_wait3A_137 = tpu.memref_slice %arg10[%add3A_126, %dma_wait3A_136] : memref<10000x128xf32, #tpu.memory_space<vmem_shared>> -> memref<125x128xf32, #tpu.memory_space<vmem_shared>>
      %dma_wait3A_138 = arith.constant 0 : i32
      %dma_wait3A_139 = tpu.memref_slice %arg10[%add3A_126, %dma_wait3A_138] : memref<10000x128xf32, #tpu.memory_space<vmem_shared>> -> memref<125x128xf32, #tpu.memory_space<vmem_shared>>
      tpu.wait_dma2 semaphore(%run_scoped3A_131 : memref<!tpu.dma_semaphore, #tpu.memory_space<semaphore_mem>>) src(%dma_wait3A_139 : memref<125x128xf32, #tpu.memory_space<vmem_shared>>) dst(%arg9 : memref<125x128xf32, #tpu.memory_space<vmem>>)
      tpu.yield
    }) : () -> ()
    %run_scoped3A_127 = arith.constant 3 : i32
    "tpu.region"() ({
      %run_scoped3A_131 = tpu.sem_alloc : memref<!tpu.dma_semaphore, #tpu.memory_space<semaphore_mem>>
      %dma_start3A_132 = arith.constant 0 : i32
      %dma_start3A_133 = arith.constant 0 : i32
      %dma_start3A_134 = tpu.memref_slice %arg4[%arg0, %arg1, %run_scoped3A_127, %dma_start3A_132, %dma_start3A_133] : memref<2x16x5x125x128xf32, #tpu.memory_space<hbm>> -> memref<1x1x1x125x128xf32, #tpu.memory_space<hbm>>
      %dma_start3A_135 = tpu.memref_squeeze %dma_start3A_134 : memref<1x1x1x125x128xf32, #tpu.memory_space<hbm>> -> memref<125x128xf32, #tpu.memory_space<hbm>>
      %dma_start3A_136 = arith.constant 0 : i32
      %dma_start3A_137 = arith.constant 0 : i32
      %dma_start3A_138 = tpu.memref_slice %arg4[%arg0, %arg1, %run_scoped3A_127, %dma_start3A_136, %dma_start3A_137] : memref<2x16x5x125x128xf32, #tpu.memory_space<hbm>> -> memref<1x1x1x125x128xf32, #tpu.memory_space<hbm>>
      %dma_start3A_139 = tpu.memref_squeeze %dma_start3A_138 : memref<1x1x1x125x128xf32, #tpu.memory_space<hbm>> -> memref<125x128xf32, #tpu.memory_space<hbm>>
      tpu.enqueue_dma source(%arg9 : memref<125x128xf32, #tpu.memory_space<vmem>>) target(%dma_start3A_139 : memref<125x128xf32, #tpu.memory_space<hbm>>) target_semaphore(%run_scoped3A_131 : memref<!tpu.dma_semaphore, #tpu.memory_space<semaphore_mem>>)
      %dma_wait3A_140 = arith.constant 0 : i32
      %dma_wait3A_141 = arith.constant 0 : i32
      %dma_wait3A_142 = tpu.memref_slice %arg4[%arg0, %arg1, %run_scoped3A_127, %dma_wait3A_140, %dma_wait3A_141] : memref<2x16x5x125x128xf32, #tpu.memory_space<hbm>> -> memref<1x1x1x125x128xf32, #tpu.memory_space<hbm>>
      %dma_wait3A_143 = tpu.memref_squeeze %dma_wait3A_142 : memref<1x1x1x125x128xf32, #tpu.memory_space<hbm>> -> memref<125x128xf32, #tpu.memory_space<hbm>>
      %dma_wait3A_144 = arith.constant 0 : i32
      %dma_wait3A_145 = arith.constant 0 : i32
      %dma_wait3A_146 = tpu.memref_slice %arg4[%arg0, %arg1, %run_scoped3A_127, %dma_wait3A_144, %dma_wait3A_145] : memref<2x16x5x125x128xf32, #tpu.memory_space<hbm>> -> memref<1x1x1x125x128xf32, #tpu.memory_space<hbm>>
      %dma_wait3A_147 = tpu.memref_squeeze %dma_wait3A_146 : memref<1x1x1x125x128xf32, #tpu.memory_space<hbm>> -> memref<125x128xf32, #tpu.memory_space<hbm>>
      tpu.wait_dma2 semaphore(%run_scoped3A_131 : memref<!tpu.dma_semaphore, #tpu.memory_space<semaphore_mem>>) src(%arg9 : memref<125x128xf32, #tpu.memory_space<vmem>>) dst(%dma_wait3A_147 : memref<125x128xf32, #tpu.memory_space<hbm>>)
      tpu.yield
    }) : () -> ()
    %add3A_128 = arith.constant 500 : i32
    %add3A_129 = arith.addi %mul3A_4, %add3A_128 : i32
    "tpu.region"() ({
      %run_scoped3A_131 = tpu.sem_alloc : memref<!tpu.dma_semaphore, #tpu.memory_space<semaphore_mem>>
      %dma_start3A_132 = arith.constant 0 : i32
      %dma_start3A_133 = tpu.memref_slice %arg10[%add3A_129, %dma_start3A_132] : memref<10000x128xf32, #tpu.memory_space<vmem_shared>> -> memref<125x128xf32, #tpu.memory_space<vmem_shared>>
      %dma_start3A_134 = arith.constant 0 : i32
      %dma_start3A_135 = tpu.memref_slice %arg10[%add3A_129, %dma_start3A_134] : memref<10000x128xf32, #tpu.memory_space<vmem_shared>> -> memref<125x128xf32, #tpu.memory_space<vmem_shared>>
      tpu.enqueue_dma source(%dma_start3A_135 : memref<125x128xf32, #tpu.memory_space<vmem_shared>>) target(%arg9 : memref<125x128xf32, #tpu.memory_space<vmem>>) target_semaphore(%run_scoped3A_131 : memref<!tpu.dma_semaphore, #tpu.memory_space<semaphore_mem>>)
      %dma_wait3A_136 = arith.constant 0 : i32
      %dma_wait3A_137 = tpu.memref_slice %arg10[%add3A_129, %dma_wait3A_136] : memref<10000x128xf32, #tpu.memory_space<vmem_shared>> -> memref<125x128xf32, #tpu.memory_space<vmem_shared>>
      %dma_wait3A_138 = arith.constant 0 : i32
      %dma_wait3A_139 = tpu.memref_slice %arg10[%add3A_129, %dma_wait3A_138] : memref<10000x128xf32, #tpu.memory_space<vmem_shared>> -> memref<125x128xf32, #tpu.memory_space<vmem_shared>>
      tpu.wait_dma2 semaphore(%run_scoped3A_131 : memref<!tpu.dma_semaphore, #tpu.memory_space<semaphore_mem>>) src(%dma_wait3A_139 : memref<125x128xf32, #tpu.memory_space<vmem_shared>>) dst(%arg9 : memref<125x128xf32, #tpu.memory_space<vmem>>)
      tpu.yield
    }) : () -> ()
    %run_scoped3A_130 = arith.constant 4 : i32
    "tpu.region"() ({
      %run_scoped3A_131 = tpu.sem_alloc : memref<!tpu.dma_semaphore, #tpu.memory_space<semaphore_mem>>
      %dma_start3A_132 = arith.constant 0 : i32
      %dma_start3A_133 = arith.constant 0 : i32
      %dma_start3A_134 = tpu.memref_slice %arg4[%arg0, %arg1, %run_scoped3A_130, %dma_start3A_132, %dma_start3A_133] : memref<2x16x5x125x128xf32, #tpu.memory_space<hbm>> -> memref<1x1x1x125x128xf32, #tpu.memory_space<hbm>>
      %dma_start3A_135 = tpu.memref_squeeze %dma_start3A_134 : memref<1x1x1x125x128xf32, #tpu.memory_space<hbm>> -> memref<125x128xf32, #tpu.memory_space<hbm>>
      %dma_start3A_136 = arith.constant 0 : i32
      %dma_start3A_137 = arith.constant 0 : i32
      %dma_start3A_138 = tpu.memref_slice %arg4[%arg0, %arg1, %run_scoped3A_130, %dma_start3A_136, %dma_start3A_137] : memref<2x16x5x125x128xf32, #tpu.memory_space<hbm>> -> memref<1x1x1x125x128xf32, #tpu.memory_space<hbm>>
      %dma_start3A_139 = tpu.memref_squeeze %dma_start3A_138 : memref<1x1x1x125x128xf32, #tpu.memory_space<hbm>> -> memref<125x128xf32, #tpu.memory_space<hbm>>
      tpu.enqueue_dma source(%arg9 : memref<125x128xf32, #tpu.memory_space<vmem>>) target(%dma_start3A_139 : memref<125x128xf32, #tpu.memory_space<hbm>>) target_semaphore(%run_scoped3A_131 : memref<!tpu.dma_semaphore, #tpu.memory_space<semaphore_mem>>)
      %dma_wait3A_140 = arith.constant 0 : i32
      %dma_wait3A_141 = arith.constant 0 : i32
      %dma_wait3A_142 = tpu.memref_slice %arg4[%arg0, %arg1, %run_scoped3A_130, %dma_wait3A_140, %dma_wait3A_141] : memref<2x16x5x125x128xf32, #tpu.memory_space<hbm>> -> memref<1x1x1x125x128xf32, #tpu.memory_space<hbm>>
      %dma_wait3A_143 = tpu.memref_squeeze %dma_wait3A_142 : memref<1x1x1x125x128xf32, #tpu.memory_space<hbm>> -> memref<125x128xf32, #tpu.memory_space<hbm>>
      %dma_wait3A_144 = arith.constant 0 : i32
      %dma_wait3A_145 = arith.constant 0 : i32
      %dma_wait3A_146 = tpu.memref_slice %arg4[%arg0, %arg1, %run_scoped3A_130, %dma_wait3A_144, %dma_wait3A_145] : memref<2x16x5x125x128xf32, #tpu.memory_space<hbm>> -> memref<1x1x1x125x128xf32, #tpu.memory_space<hbm>>
      %dma_wait3A_147 = tpu.memref_squeeze %dma_wait3A_146 : memref<1x1x1x125x128xf32, #tpu.memory_space<hbm>> -> memref<125x128xf32, #tpu.memory_space<hbm>>
      tpu.wait_dma2 semaphore(%run_scoped3A_131 : memref<!tpu.dma_semaphore, #tpu.memory_space<semaphore_mem>>) src(%arg9 : memref<125x128xf32, #tpu.memory_space<vmem>>) dst(%dma_wait3A_147 : memref<125x128xf32, #tpu.memory_space<hbm>>)
      tpu.yield
    }) : () -> ()
    return
  }
}

#map = affine_map<(d0, d1) -> (0, 0)>
#map1 = affine_map<(d0, d1) -> (0)>
#map2 = affine_map<(d0, d1) -> (0, 0, 0, 0, 0)>
module attributes {stable_mosaic.version = 14 : i64} {
  func.func @scatter_k(%arg0: i32, %arg1: i32, %arg2: memref<160000x128xf32, #tpu.memory_space<hbm>>, %arg3: memref<320000xi32, #tpu.memory_space<hbm>>, %arg4: memref<2x16x5x125x128xf32, #tpu.memory_space<hbm>>, %arg5: memref<128xi32, #tpu.memory_space<vmem>>, %arg6: memref<128x128xf32, #tpu.memory_space<vmem>>, %arg7: memref<128xi32, #tpu.memory_space<vmem>>, %arg8: memref<128x128xf32, #tpu.memory_space<vmem>>, %arg9: memref<125x128xf32, #tpu.memory_space<vmem>>, %arg10: memref<10000x128xf32, #tpu.memory_space<vmem_shared>>, %arg11: memref<8xi32, #tpu.memory_space<vmem>>, %arg12: memref<!tpu.dma_semaphore, #tpu.memory_space<semaphore_mem>>, %arg13: memref<!tpu.dma_semaphore, #tpu.memory_space<semaphore_mem>>, %arg14: memref<!tpu.dma_semaphore, #tpu.memory_space<semaphore_mem>>, %arg15: memref<!tpu.dma_semaphore, #tpu.memory_space<semaphore_mem>>, %arg16: memref<!tpu.dma_semaphore, #tpu.memory_space<semaphore_mem>>) attributes {dimension_semantics = [#tpu.dimension_semantics<core_parallel>, #tpu.dimension_semantics<subcore_parallel>], iteration_bounds = array<i64: 2, 16>, scalar_prefetch = 0 : i64, scratch_operands = 12 : i64, tpu.core_type = #tpu.core_type<sc_vector_subcore>, window_params = [{transform_indices = #map}, {transform_indices = #map1}, {transform_indices = #map2}]} {
    %mul3A = arith.constant 2 : i32
    %mul3A_0 = arith.muli %arg1, %mul3A : i32
    %add3A = arith.addi %mul3A_0, %arg0 : i32
    %mul3A_1 = arith.constant 5000 : i32
    %mul3A_2 = arith.muli %add3A, %mul3A_1 : i32
    %mul3A_3 = arith.constant 625 : i32
    %mul3A_4 = arith.muli %arg1, %mul3A_3 : i32
    %add3A_5 = arith.constant 0 : i32
    %add3A_6 = arith.addi %mul3A_2, %add3A_5 : i32
    %add3A_7 = arith.constant 0 : i32
    %add3A_8 = arith.addi %add3A_7, %add3A_6 : i32
    %dma_start3A = tpu.memref_slice %arg3[%add3A_8] : memref<320000xi32, #tpu.memory_space<hbm>> -> memref<128xi32, #tpu.memory_space<hbm>>
    %dma_start3A_9 = tpu.memref_slice %arg3[%add3A_8] : memref<320000xi32, #tpu.memory_space<hbm>> -> memref<128xi32, #tpu.memory_space<hbm>>
    tpu.enqueue_dma source(%dma_start3A_9 : memref<128xi32, #tpu.memory_space<hbm>>) target(%arg5 : memref<128xi32, #tpu.memory_space<vmem>>) target_semaphore(%arg12 : memref<!tpu.dma_semaphore, #tpu.memory_space<semaphore_mem>>)
    %dma_start3A_10 = arith.constant 0 : i32
    %dma_start3A_11 = tpu.memref_slice %arg2[%add3A_6, %dma_start3A_10] : memref<160000x128xf32, #tpu.memory_space<hbm>> -> memref<128x128xf32, #tpu.memory_space<hbm>>
    %dma_start3A_12 = arith.constant 0 : i32
    %dma_start3A_13 = tpu.memref_slice %arg2[%add3A_6, %dma_start3A_12] : memref<160000x128xf32, #tpu.memory_space<hbm>> -> memref<128x128xf32, #tpu.memory_space<hbm>>
    tpu.enqueue_dma source(%dma_start3A_13 : memref<128x128xf32, #tpu.memory_space<hbm>>) target(%arg6 : memref<128x128xf32, #tpu.memory_space<vmem>>) target_semaphore(%arg12 : memref<!tpu.dma_semaphore, #tpu.memory_space<semaphore_mem>>)
    %add3A_14 = arith.constant 128 : i32
    %add3A_15 = arith.addi %mul3A_2, %add3A_14 : i32
    %add3A_16 = arith.constant 0 : i32
    %add3A_17 = arith.addi %add3A_16, %add3A_15 : i32
    %dma_start3A_18 = tpu.memref_slice %arg3[%add3A_17] : memref<320000xi32, #tpu.memory_space<hbm>> -> memref<128xi32, #tpu.memory_space<hbm>>
    %dma_start3A_19 = tpu.memref_slice %arg3[%add3A_17] : memref<320000xi32, #tpu.memory_space<hbm>> -> memref<128xi32, #tpu.memory_space<hbm>>
    tpu.enqueue_dma source(%dma_start3A_19 : memref<128xi32, #tpu.memory_space<hbm>>) target(%arg7 : memref<128xi32, #tpu.memory_space<vmem>>) target_semaphore(%arg13 : memref<!tpu.dma_semaphore, #tpu.memory_space<semaphore_mem>>)
    %dma_start3A_20 = arith.constant 0 : i32
    %dma_start3A_21 = tpu.memref_slice %arg2[%add3A_15, %dma_start3A_20] : memref<160000x128xf32, #tpu.memory_space<hbm>> -> memref<128x128xf32, #tpu.memory_space<hbm>>
    %dma_start3A_22 = arith.constant 0 : i32
    %dma_start3A_23 = tpu.memref_slice %arg2[%add3A_15, %dma_start3A_22] : memref<160000x128xf32, #tpu.memory_space<hbm>> -> memref<128x128xf32, #tpu.memory_space<hbm>>
    tpu.enqueue_dma source(%dma_start3A_23 : memref<128x128xf32, #tpu.memory_space<hbm>>) target(%arg8 : memref<128x128xf32, #tpu.memory_space<vmem>>) target_semaphore(%arg13 : memref<!tpu.dma_semaphore, #tpu.memory_space<semaphore_mem>>)
    %scan3A = arith.constant 0 : i32
    %scan3A_24 = arith.constant 0 : i32
    %scan3A_25 = arith.constant 1000 : i32
    %scan3A_26 = arith.addi %scan3A_24, %scan3A_25 : i32
    %scan3A_27 = arith.constant 1 : i32
    %scan3A_28 = scf.for %scan3A_131 = %scan3A_24 to %scan3A_26 step %scan3A_27 iter_args(%scan3A_132 = %scan3A) -> (i32)  : i32 {
      %jit3A = arith.constant 8 : i32
      %div3A = arith.divsi %scan3A_131, %jit3A : i32
      %sign3A = arith.constant 0 : i32
      %sign3A_133 = arith.cmpi sgt, %scan3A_131, %sign3A : i32
      %sign3A_134 = arith.extui %sign3A_133 : i1 to i32
      %sign3A_135 = arith.constant 0 : i32
      %sign3A_136 = arith.cmpi slt, %scan3A_131, %sign3A_135 : i32
      %sign3A_137 = arith.extui %sign3A_136 : i1 to i32
      %sign3A_138 = arith.subi %sign3A_134, %sign3A_137 : i32
      %sign3A_139 = arith.constant 0 : i32
      %sign3A_140 = arith.cmpi sgt, %jit3A, %sign3A_139 : i32
      %sign3A_141 = arith.extui %sign3A_140 : i1 to i32
      %sign3A_142 = arith.constant 0 : i32
      %sign3A_143 = arith.cmpi slt, %jit3A, %sign3A_142 : i32
      %sign3A_144 = arith.extui %sign3A_143 : i1 to i32
      %sign3A_145 = arith.subi %sign3A_141, %sign3A_144 : i32
      %ne3A = arith.cmpi ne, %sign3A_138, %sign3A_145 : i32
      %rem3A = arith.remsi %scan3A_131, %jit3A : i32
      %ne3A_146 = arith.constant 0 : i32
      %ne3A_147 = arith.cmpi ne, %rem3A, %ne3A_146 : i32
      %and3A = arith.andi %ne3A, %ne3A_147 : i1
      %sub3A = arith.constant 1 : i32
      %sub3A_148 = arith.subi %div3A, %sub3A : i32
      %select_n3A = arith.select %and3A, %sub3A_148, %div3A : i32
      %jit3A_149 = arith.constant 8 : i32
      %eq3A = arith.constant 0 : i32
      %eq3A_150 = arith.cmpi eq, %jit3A_149, %eq3A : i32
      %jit3A_151 = arith.constant 1 : i32
      %select_n3A_152 = arith.select %eq3A_150, %jit3A_151, %jit3A_149 : i32
      %rem3A_153 = arith.remsi %scan3A_131, %select_n3A_152 : i32
      %ne3A_154 = arith.constant 0 : i32
      %ne3A_155 = arith.cmpi ne, %rem3A_153, %ne3A_154 : i32
      %lt3A = arith.constant 0 : i32
      %lt3A_156 = arith.cmpi slt, %rem3A_153, %lt3A : i32
      %lt3A_157 = arith.constant 0 : i32
      %lt3A_158 = arith.cmpi slt, %select_n3A_152, %lt3A_157 : i32
      %ne3A_159 = arith.xori %lt3A_156, %lt3A_158 : i1
      %and3A_160 = arith.andi %ne3A_159, %ne3A_155 : i1
      %add3A_161 = arith.addi %rem3A_153, %select_n3A_152 : i32
      %select_n3A_162 = arith.select %and3A_160, %add3A_161, %rem3A_153 : i32
      %mul3A_163 = arith.constant 16 : i32
      %mul3A_164 = arith.muli %select_n3A_162, %mul3A_163 : i32
      %broadcast_in_dim3A = arith.constant 0.000000e+00 : f32
      %broadcast_in_dim3A_165 = vector.broadcast %broadcast_in_dim3A : f32 to vector<16xf32>
      %swap3A = arith.index_cast %select_n3A : i32 to index
      %swap3A_166 = arith.index_cast %mul3A_164 : i32 to index
      %swap3A_167 = tpu.vector_load %arg9[%swap3A, %swap3A_166] {strides = array<i32>} : memref<125x128xf32, #tpu.memory_space<vmem>>, vector<1x16xf32>,
      %swap3A_168 = vector.shape_cast %swap3A_167 : vector<1x16xf32> to vector<16xf32>
      %swap3A_169 = vector.shape_cast %broadcast_in_dim3A_165 : vector<16xf32> to vector<1x16xf32>
      tpu.vector_store %arg9[%swap3A, %swap3A_166], %swap3A_169 {strides = array<i32>} : memref<125x128xf32, #tpu.memory_space<vmem>>, vector<1x16xf32>,
      %scan3A_170 = arith.constant 0 : i32
      scf.yield %scan3A_170 : i32
    }
    %scan3A_29 = arith.constant 1000 : i32
    %add3A_30 = arith.constant 0 : i32
    %add3A_31 = arith.addi %mul3A_4, %add3A_30 : i32
    %dma_start3A_32 = arith.constant 0 : i32
    %dma_start3A_33 = tpu.memref_slice %arg10[%add3A_31, %dma_start3A_32] : memref<10000x128xf32, #tpu.memory_space<vmem_shared>> -> memref<125x128xf32, #tpu.memory_space<vmem_shared>>
    %dma_start3A_34 = arith.constant 0 : i32
    %dma_start3A_35 = tpu.memref_slice %arg10[%add3A_31, %dma_start3A_34] : memref<10000x128xf32, #tpu.memory_space<vmem_shared>> -> memref<125x128xf32, #tpu.memory_space<vmem_shared>>
    tpu.enqueue_dma source(%arg9 : memref<125x128xf32, #tpu.memory_space<vmem>>) target(%dma_start3A_35 : memref<125x128xf32, #tpu.memory_space<vmem_shared>>) target_semaphore(%arg16 : memref<!tpu.dma_semaphore, #tpu.memory_space<semaphore_mem>>)
    %add3A_36 = arith.constant 125 : i32
    %add3A_37 = arith.addi %mul3A_4, %add3A_36 : i32
    %dma_start3A_38 = arith.constant 0 : i32
    %dma_start3A_39 = tpu.memref_slice %arg10[%add3A_37, %dma_start3A_38] : memref<10000x128xf32, #tpu.memory_space<vmem_shared>> -> memref<125x128xf32, #tpu.memory_space<vmem_shared>>
    %dma_start3A_40 = arith.constant 0 : i32
    %dma_start3A_41 = tpu.memref_slice %arg10[%add3A_37, %dma_start3A_40] : memref<10000x128xf32, #tpu.memory_space<vmem_shared>> -> memref<125x128xf32, #tpu.memory_space<vmem_shared>>
    tpu.enqueue_dma source(%arg9 : memref<125x128xf32, #tpu.memory_space<vmem>>) target(%dma_start3A_41 : memref<125x128xf32, #tpu.memory_space<vmem_shared>>) target_semaphore(%arg16 : memref<!tpu.dma_semaphore, #tpu.memory_space<semaphore_mem>>)
    %add3A_42 = arith.constant 250 : i32
    %add3A_43 = arith.addi %mul3A_4, %add3A_42 : i32
    %dma_start3A_44 = arith.constant 0 : i32
    %dma_start3A_45 = tpu.memref_slice %arg10[%add3A_43, %dma_start3A_44] : memref<10000x128xf32, #tpu.memory_space<vmem_shared>> -> memref<125x128xf32, #tpu.memory_space<vmem_shared>>
    %dma_start3A_46 = arith.constant 0 : i32
    %dma_start3A_47 = tpu.memref_slice %arg10[%add3A_43, %dma_start3A_46] : memref<10000x128xf32, #tpu.memory_space<vmem_shared>> -> memref<125x128xf32, #tpu.memory_space<vmem_shared>>
    tpu.enqueue_dma source(%arg9 : memref<125x128xf32, #tpu.memory_space<vmem>>) target(%dma_start3A_47 : memref<125x128xf32, #tpu.memory_space<vmem_shared>>) target_semaphore(%arg16 : memref<!tpu.dma_semaphore, #tpu.memory_space<semaphore_mem>>)
    %add3A_48 = arith.constant 375 : i32
    %add3A_49 = arith.addi %mul3A_4, %add3A_48 : i32
    %dma_start3A_50 = arith.constant 0 : i32
    %dma_start3A_51 = tpu.memref_slice %arg10[%add3A_49, %dma_start3A_50] : memref<10000x128xf32, #tpu.memory_space<vmem_shared>> -> memref<125x128xf32, #tpu.memory_space<vmem_shared>>
    %dma_start3A_52 = arith.constant 0 : i32
    %dma_start3A_53 = tpu.memref_slice %arg10[%add3A_49, %dma_start3A_52] : memref<10000x128xf32, #tpu.memory_space<vmem_shared>> -> memref<125x128xf32, #tpu.memory_space<vmem_shared>>
    tpu.enqueue_dma source(%arg9 : memref<125x128xf32, #tpu.memory_space<vmem>>) target(%dma_start3A_53 : memref<125x128xf32, #tpu.memory_space<vmem_shared>>) target_semaphore(%arg16 : memref<!tpu.dma_semaphore, #tpu.memory_space<semaphore_mem>>)
    %add3A_54 = arith.constant 500 : i32
    %add3A_55 = arith.addi %mul3A_4, %add3A_54 : i32
    %dma_start3A_56 = arith.constant 0 : i32
    %dma_start3A_57 = tpu.memref_slice %arg10[%add3A_55, %dma_start3A_56] : memref<10000x128xf32, #tpu.memory_space<vmem_shared>> -> memref<125x128xf32, #tpu.memory_space<vmem_shared>>
    %dma_start3A_58 = arith.constant 0 : i32
    %dma_start3A_59 = tpu.memref_slice %arg10[%add3A_55, %dma_start3A_58] : memref<10000x128xf32, #tpu.memory_space<vmem_shared>> -> memref<125x128xf32, #tpu.memory_space<vmem_shared>>
    tpu.enqueue_dma source(%arg9 : memref<125x128xf32, #tpu.memory_space<vmem>>) target(%dma_start3A_59 : memref<125x128xf32, #tpu.memory_space<vmem_shared>>) target_semaphore(%arg16 : memref<!tpu.dma_semaphore, #tpu.memory_space<semaphore_mem>>)
    %add3A_60 = arith.constant 0 : i32
    %add3A_61 = arith.addi %mul3A_4, %add3A_60 : i32
    %dma_wait3A = arith.constant 0 : i32
    %dma_wait3A_62 = tpu.memref_slice %arg10[%add3A_61, %dma_wait3A] : memref<10000x128xf32, #tpu.memory_space<vmem_shared>> -> memref<125x128xf32, #tpu.memory_space<vmem_shared>>
    %dma_wait3A_63 = arith.constant 0 : i32
    %dma_wait3A_64 = tpu.memref_slice %arg10[%add3A_61, %dma_wait3A_63] : memref<10000x128xf32, #tpu.memory_space<vmem_shared>> -> memref<125x128xf32, #tpu.memory_space<vmem_shared>>
    tpu.wait_dma2 semaphore(%arg16 : memref<!tpu.dma_semaphore, #tpu.memory_space<semaphore_mem>>) src(%arg9 : memref<125x128xf32, #tpu.memory_space<vmem>>) dst(%dma_wait3A_64 : memref<125x128xf32, #tpu.memory_space<vmem_shared>>)
    %add3A_65 = arith.constant 125 : i32
    %add3A_66 = arith.addi %mul3A_4, %add3A_65 : i32
    %dma_wait3A_67 = arith.constant 0 : i32
    %dma_wait3A_68 = tpu.memref_slice %arg10[%add3A_66, %dma_wait3A_67] : memref<10000x128xf32, #tpu.memory_space<vmem_shared>> -> memref<125x128xf32, #tpu.memory_space<vmem_shared>>
    %dma_wait3A_69 = arith.constant 0 : i32
    %dma_wait3A_70 = tpu.memref_slice %arg10[%add3A_66, %dma_wait3A_69] : memref<10000x128xf32, #tpu.memory_space<vmem_shared>> -> memref<125x128xf32, #tpu.memory_space<vmem_shared>>
    tpu.wait_dma2 semaphore(%arg16 : memref<!tpu.dma_semaphore, #tpu.memory_space<semaphore_mem>>) src(%arg9 : memref<125x128xf32, #tpu.memory_space<vmem>>) dst(%dma_wait3A_70 : memref<125x128xf32, #tpu.memory_space<vmem_shared>>)
    %add3A_71 = arith.constant 250 : i32
    %add3A_72 = arith.addi %mul3A_4, %add3A_71 : i32
    %dma_wait3A_73 = arith.constant 0 : i32
    %dma_wait3A_74 = tpu.memref_slice %arg10[%add3A_72, %dma_wait3A_73] : memref<10000x128xf32, #tpu.memory_space<vmem_shared>> -> memref<125x128xf32, #tpu.memory_space<vmem_shared>>
    %dma_wait3A_75 = arith.constant 0 : i32
    %dma_wait3A_76 = tpu.memref_slice %arg10[%add3A_72, %dma_wait3A_75] : memref<10000x128xf32, #tpu.memory_space<vmem_shared>> -> memref<125x128xf32, #tpu.memory_space<vmem_shared>>
    tpu.wait_dma2 semaphore(%arg16 : memref<!tpu.dma_semaphore, #tpu.memory_space<semaphore_mem>>) src(%arg9 : memref<125x128xf32, #tpu.memory_space<vmem>>) dst(%dma_wait3A_76 : memref<125x128xf32, #tpu.memory_space<vmem_shared>>)
    %add3A_77 = arith.constant 375 : i32
    %add3A_78 = arith.addi %mul3A_4, %add3A_77 : i32
    %dma_wait3A_79 = arith.constant 0 : i32
    %dma_wait3A_80 = tpu.memref_slice %arg10[%add3A_78, %dma_wait3A_79] : memref<10000x128xf32, #tpu.memory_space<vmem_shared>> -> memref<125x128xf32, #tpu.memory_space<vmem_shared>>
    %dma_wait3A_81 = arith.constant 0 : i32
    %dma_wait3A_82 = tpu.memref_slice %arg10[%add3A_78, %dma_wait3A_81] : memref<10000x128xf32, #tpu.memory_space<vmem_shared>> -> memref<125x128xf32, #tpu.memory_space<vmem_shared>>
    tpu.wait_dma2 semaphore(%arg16 : memref<!tpu.dma_semaphore, #tpu.memory_space<semaphore_mem>>) src(%arg9 : memref<125x128xf32, #tpu.memory_space<vmem>>) dst(%dma_wait3A_82 : memref<125x128xf32, #tpu.memory_space<vmem_shared>>)
    %add3A_83 = arith.constant 500 : i32
    %add3A_84 = arith.addi %mul3A_4, %add3A_83 : i32
    %dma_wait3A_85 = arith.constant 0 : i32
    %dma_wait3A_86 = tpu.memref_slice %arg10[%add3A_84, %dma_wait3A_85] : memref<10000x128xf32, #tpu.memory_space<vmem_shared>> -> memref<125x128xf32, #tpu.memory_space<vmem_shared>>
    %dma_wait3A_87 = arith.constant 0 : i32
    %dma_wait3A_88 = tpu.memref_slice %arg10[%add3A_84, %dma_wait3A_87] : memref<10000x128xf32, #tpu.memory_space<vmem_shared>> -> memref<125x128xf32, #tpu.memory_space<vmem_shared>>
    tpu.wait_dma2 semaphore(%arg16 : memref<!tpu.dma_semaphore, #tpu.memory_space<semaphore_mem>>) src(%arg9 : memref<125x128xf32, #tpu.memory_space<vmem>>) dst(%dma_wait3A_88 : memref<125x128xf32, #tpu.memory_space<vmem_shared>>)
    %barrier3A = arith.constant 0 : index
    tpu.barrier barrier_id(%barrier3A)
    %scan3A_89 = arith.constant 0 : i32
    %scan3A_90 = arith.constant 0 : i32
    %scan3A_91 = arith.constant 19 : i32
    %scan3A_92 = arith.addi %scan3A_90, %scan3A_91 : i32
    %scan3A_93 = arith.constant 1 : i32
    %scan3A_94 = scf.for %scan3A_131 = %scan3A_90 to %scan3A_92 step %scan3A_93 iter_args(%scan3A_132 = %scan3A_89) -> (i32)  : i32 {
      %mul3A_133 = arith.constant 2 : i32
      %mul3A_134 = arith.muli %mul3A_133, %scan3A_131 : i32
      %add3A_135 = arith.constant 0 : i32
      %add3A_136 = arith.addi %mul3A_134, %add3A_135 : i32
      %mul3A_137 = arith.constant 128 : i32
      %mul3A_138 = arith.muli %add3A_136, %mul3A_137 : i32
      %add3A_139 = arith.addi %mul3A_2, %mul3A_138 : i32
      %add3A_140 = arith.constant 0 : i32
      %add3A_141 = arith.addi %add3A_140, %add3A_139 : i32
      %dma_wait3A_142 = tpu.memref_slice %arg3[%add3A_141] : memref<320000xi32, #tpu.memory_space<hbm>> -> memref<128xi32, #tpu.memory_space<hbm>>
      %dma_wait3A_143 = tpu.memref_slice %arg3[%add3A_141] : memref<320000xi32, #tpu.memory_space<hbm>> -> memref<128xi32, #tpu.memory_space<hbm>>
      tpu.wait_dma2 semaphore(%arg12 : memref<!tpu.dma_semaphore, #tpu.memory_space<semaphore_mem>>) src(%dma_wait3A_143 : memref<128xi32, #tpu.memory_space<hbm>>) dst(%arg5 : memref<128xi32, #tpu.memory_space<vmem>>)
      %dma_wait3A_144 = arith.constant 0 : i32
      %dma_wait3A_145 = tpu.memref_slice %arg2[%add3A_139, %dma_wait3A_144] : memref<160000x128xf32, #tpu.memory_space<hbm>> -> memref<128x128xf32, #tpu.memory_space<hbm>>
      %dma_wait3A_146 = arith.constant 0 : i32
      %dma_wait3A_147 = tpu.memref_slice %arg2[%add3A_139, %dma_wait3A_146] : memref<160000x128xf32, #tpu.memory_space<hbm>> -> memref<128x128xf32, #tpu.memory_space<hbm>>
      tpu.wait_dma2 semaphore(%arg12 : memref<!tpu.dma_semaphore, #tpu.memory_space<semaphore_mem>>) src(%dma_wait3A_147 : memref<128x128xf32, #tpu.memory_space<hbm>>) dst(%arg6 : memref<128x128xf32, #tpu.memory_space<vmem>>)
      %dma_start3A_148 = arith.constant 0 : i32
      %dma_start3A_149 = arith.constant 0 : i32
      %dma_start3A_150 = tpu.memref_slice %arg10[%dma_start3A_148, %dma_start3A_149] : memref<10000x128xf32, #tpu.memory_space<vmem_shared>> -> memref<10000x128xf32, #tpu.memory_space<vmem_shared>>
      tpu.enqueue_indirect_dma source(%arg6 : memref<128x128xf32, #tpu.memory_space<vmem>>) target(%dma_start3A_150 : memref<10000x128xf32, #tpu.memory_space<vmem_shared>>) offsets(%arg5 : memref<128xi32, #tpu.memory_space<vmem>>) semaphore(%arg14 : memref<!tpu.dma_semaphore, #tpu.memory_space<semaphore_mem>>) {add = true}
      %add3A_151 = arith.constant 1 : i32
      %add3A_152 = arith.addi %mul3A_134, %add3A_151 : i32
      %mul3A_153 = arith.constant 128 : i32
      %mul3A_154 = arith.muli %add3A_152, %mul3A_153 : i32
      %add3A_155 = arith.addi %mul3A_2, %mul3A_154 : i32
      %add3A_156 = arith.constant 0 : i32
      %add3A_157 = arith.addi %add3A_156, %add3A_155 : i32
      %dma_wait3A_158 = tpu.memref_slice %arg3[%add3A_157] : memref<320000xi32, #tpu.memory_space<hbm>> -> memref<128xi32, #tpu.memory_space<hbm>>
      %dma_wait3A_159 = tpu.memref_slice %arg3[%add3A_157] : memref<320000xi32, #tpu.memory_space<hbm>> -> memref<128xi32, #tpu.memory_space<hbm>>
      tpu.wait_dma2 semaphore(%arg13 : memref<!tpu.dma_semaphore, #tpu.memory_space<semaphore_mem>>) src(%dma_wait3A_159 : memref<128xi32, #tpu.memory_space<hbm>>) dst(%arg7 : memref<128xi32, #tpu.memory_space<vmem>>)
      %dma_wait3A_160 = arith.constant 0 : i32
      %dma_wait3A_161 = tpu.memref_slice %arg2[%add3A_155, %dma_wait3A_160] : memref<160000x128xf32, #tpu.memory_space<hbm>> -> memref<128x128xf32, #tpu.memory_space<hbm>>
      %dma_wait3A_162 = arith.constant 0 : i32
      %dma_wait3A_163 = tpu.memref_slice %arg2[%add3A_155, %dma_wait3A_162] : memref<160000x128xf32, #tpu.memory_space<hbm>> -> memref<128x128xf32, #tpu.memory_space<hbm>>
      tpu.wait_dma2 semaphore(%arg13 : memref<!tpu.dma_semaphore, #tpu.memory_space<semaphore_mem>>) src(%dma_wait3A_163 : memref<128x128xf32, #tpu.memory_space<hbm>>) dst(%arg8 : memref<128x128xf32, #tpu.memory_space<vmem>>)
      %dma_start3A_164 = arith.constant 0 : i32
      %dma_start3A_165 = arith.constant 0 : i32
      %dma_start3A_166 = tpu.memref_slice %arg10[%dma_start3A_164, %dma_start3A_165] : memref<10000x128xf32, #tpu.memory_space<vmem_shared>> -> memref<10000x128xf32, #tpu.memory_space<vmem_shared>>
      tpu.enqueue_indirect_dma source(%arg8 : memref<128x128xf32, #tpu.memory_space<vmem>>) target(%dma_start3A_166 : memref<10000x128xf32, #tpu.memory_space<vmem_shared>>) offsets(%arg7 : memref<128xi32, #tpu.memory_space<vmem>>) semaphore(%arg15 : memref<!tpu.dma_semaphore, #tpu.memory_space<semaphore_mem>>) {add = true}
      %dma_wait3A_167 = arith.constant 0 : i32
      %dma_wait3A_168 = arith.constant 0 : i32
      %dma_wait3A_169 = tpu.memref_slice %arg10[%dma_wait3A_167, %dma_wait3A_168] : memref<10000x128xf32, #tpu.memory_space<vmem_shared>> -> memref<10000x128xf32, #tpu.memory_space<vmem_shared>>
      tpu.wait_indirect_dma semaphore(%arg14 : memref<!tpu.dma_semaphore, #tpu.memory_space<semaphore_mem>>) src(%arg6 : memref<128x128xf32, #tpu.memory_space<vmem>>) dst(%dma_wait3A_169 : memref<10000x128xf32, #tpu.memory_space<vmem_shared>>)
      %lt3A = arith.constant 19 : i32
      %lt3A_170 = arith.cmpi slt, %scan3A_131, %lt3A : i32
      %convert_element_type3A = arith.extui %lt3A_170 : i1 to i32
      %cond3A = arith.constant 0 : i32
      %cond3A_171 = arith.cmpi ne, %convert_element_type3A, %cond3A : i32
      scf.if %cond3A_171 {
        %add3A_181 = arith.constant 2 : i32
        %add3A_182 = arith.addi %mul3A_134, %add3A_181 : i32
        %add3A_183 = arith.constant 0 : i32
        %add3A_184 = arith.addi %add3A_182, %add3A_183 : i32
        %mul3A_185 = arith.constant 128 : i32
        %mul3A_186 = arith.muli %add3A_184, %mul3A_185 : i32
        %add3A_187 = arith.addi %mul3A_2, %mul3A_186 : i32
        %add3A_188 = arith.constant 0 : i32
        %add3A_189 = arith.addi %add3A_188, %add3A_187 : i32
        %dma_start3A_190 = tpu.memref_slice %arg3[%add3A_189] : memref<320000xi32, #tpu.memory_space<hbm>> -> memref<128xi32, #tpu.memory_space<hbm>>
        %dma_start3A_191 = tpu.memref_slice %arg3[%add3A_189] : memref<320000xi32, #tpu.memory_space<hbm>> -> memref<128xi32, #tpu.memory_space<hbm>>
        tpu.enqueue_dma source(%dma_start3A_191 : memref<128xi32, #tpu.memory_space<hbm>>) target(%arg5 : memref<128xi32, #tpu.memory_space<vmem>>) target_semaphore(%arg12 : memref<!tpu.dma_semaphore, #tpu.memory_space<semaphore_mem>>)
        %dma_start3A_192 = arith.constant 0 : i32
        %dma_start3A_193 = tpu.memref_slice %arg2[%add3A_187, %dma_start3A_192] : memref<160000x128xf32, #tpu.memory_space<hbm>> -> memref<128x128xf32, #tpu.memory_space<hbm>>
        %dma_start3A_194 = arith.constant 0 : i32
        %dma_start3A_195 = tpu.memref_slice %arg2[%add3A_187, %dma_start3A_194] : memref<160000x128xf32, #tpu.memory_space<hbm>> -> memref<128x128xf32, #tpu.memory_space<hbm>>
        tpu.enqueue_dma source(%dma_start3A_195 : memref<128x128xf32, #tpu.memory_space<hbm>>) target(%arg6 : memref<128x128xf32, #tpu.memory_space<vmem>>) target_semaphore(%arg12 : memref<!tpu.dma_semaphore, #tpu.memory_space<semaphore_mem>>)
      } else {
      }
      %dma_wait3A_172 = arith.constant 0 : i32
      %dma_wait3A_173 = arith.constant 0 : i32
      %dma_wait3A_174 = tpu.memref_slice %arg10[%dma_wait3A_172, %dma_wait3A_173] : memref<10000x128xf32, #tpu.memory_space<vmem_shared>> -> memref<10000x128xf32, #tpu.memory_space<vmem_shared>>
      tpu.wait_indirect_dma semaphore(%arg15 : memref<!tpu.dma_semaphore, #tpu.memory_space<semaphore_mem>>) src(%arg8 : memref<128x128xf32, #tpu.memory_space<vmem>>) dst(%dma_wait3A_174 : memref<10000x128xf32, #tpu.memory_space<vmem_shared>>)
      %lt3A_175 = arith.constant 18 : i32
      %lt3A_176 = arith.cmpi slt, %scan3A_131, %lt3A_175 : i32
      %convert_element_type3A_177 = arith.extui %lt3A_176 : i1 to i32
      %cond3A_178 = arith.constant 0 : i32
      %cond3A_179 = arith.cmpi ne, %convert_element_type3A_177, %cond3A_178 : i32
      scf.if %cond3A_179 {
        %add3A_181 = arith.constant 2 : i32
        %add3A_182 = arith.addi %mul3A_134, %add3A_181 : i32
        %add3A_183 = arith.constant 1 : i32
        %add3A_184 = arith.addi %add3A_182, %add3A_183 : i32
        %mul3A_185 = arith.constant 128 : i32
        %mul3A_186 = arith.muli %add3A_184, %mul3A_185 : i32
        %add3A_187 = arith.addi %mul3A_2, %mul3A_186 : i32
        %add3A_188 = arith.constant 0 : i32
        %add3A_189 = arith.addi %add3A_188, %add3A_187 : i32
        %dma_start3A_190 = tpu.memref_slice %arg3[%add3A_189] : memref<320000xi32, #tpu.memory_space<hbm>> -> memref<128xi32, #tpu.memory_space<hbm>>
        %dma_start3A_191 = tpu.memref_slice %arg3[%add3A_189] : memref<320000xi32, #tpu.memory_space<hbm>> -> memref<128xi32, #tpu.memory_space<hbm>>
        tpu.enqueue_dma source(%dma_start3A_191 : memref<128xi32, #tpu.memory_space<hbm>>) target(%arg7 : memref<128xi32, #tpu.memory_space<vmem>>) target_semaphore(%arg13 : memref<!tpu.dma_semaphore, #tpu.memory_space<semaphore_mem>>)
        %dma_start3A_192 = arith.constant 0 : i32
        %dma_start3A_193 = tpu.memref_slice %arg2[%add3A_187, %dma_start3A_192] : memref<160000x128xf32, #tpu.memory_space<hbm>> -> memref<128x128xf32, #tpu.memory_space<hbm>>
        %dma_start3A_194 = arith.constant 0 : i32
        %dma_start3A_195 = tpu.memref_slice %arg2[%add3A_187, %dma_start3A_194] : memref<160000x128xf32, #tpu.memory_space<hbm>> -> memref<128x128xf32, #tpu.memory_space<hbm>>
        tpu.enqueue_dma source(%dma_start3A_195 : memref<128x128xf32, #tpu.memory_space<hbm>>) target(%arg8 : memref<128x128xf32, #tpu.memory_space<vmem>>) target_semaphore(%arg13 : memref<!tpu.dma_semaphore, #tpu.memory_space<semaphore_mem>>)
      } else {
      }
      %scan3A_180 = arith.constant 0 : i32
      scf.yield %scan3A_180 : i32
    }
    %scan3A_95 = arith.constant 19 : i32
    %add3A_96 = arith.constant 4864 : i32
    %add3A_97 = arith.addi %mul3A_2, %add3A_96 : i32
    %add3A_98 = arith.constant 0 : i32
    %add3A_99 = arith.addi %add3A_98, %add3A_97 : i32
    %dma_wait3A_100 = tpu.memref_slice %arg3[%add3A_99] : memref<320000xi32, #tpu.memory_space<hbm>> -> memref<128xi32, #tpu.memory_space<hbm>>
    %dma_wait3A_101 = tpu.memref_slice %arg3[%add3A_99] : memref<320000xi32, #tpu.memory_space<hbm>> -> memref<128xi32, #tpu.memory_space<hbm>>
    tpu.wait_dma2 semaphore(%arg12 : memref<!tpu.dma_semaphore, #tpu.memory_space<semaphore_mem>>) src(%dma_wait3A_101 : memref<128xi32, #tpu.memory_space<hbm>>) dst(%arg5 : memref<128xi32, #tpu.memory_space<vmem>>)
    %dma_wait3A_102 = arith.constant 0 : i32
    %dma_wait3A_103 = tpu.memref_slice %arg2[%add3A_97, %dma_wait3A_102] : memref<160000x128xf32, #tpu.memory_space<hbm>> -> memref<128x128xf32, #tpu.memory_space<hbm>>
    %dma_wait3A_104 = arith.constant 0 : i32
    %dma_wait3A_105 = tpu.memref_slice %arg2[%add3A_97, %dma_wait3A_104] : memref<160000x128xf32, #tpu.memory_space<hbm>> -> memref<128x128xf32, #tpu.memory_space<hbm>>
    tpu.wait_dma2 semaphore(%arg12 : memref<!tpu.dma_semaphore, #tpu.memory_space<semaphore_mem>>) src(%dma_wait3A_105 : memref<128x128xf32, #tpu.memory_space<hbm>>) dst(%arg6 : memref<128x128xf32, #tpu.memory_space<vmem>>)
    %dma_start3A_106 = arith.constant 0 : i32
    %dma_start3A_107 = arith.constant 0 : i32
    %dma_start3A_108 = tpu.memref_slice %arg10[%dma_start3A_106, %dma_start3A_107] : memref<10000x128xf32, #tpu.memory_space<vmem_shared>> -> memref<10000x128xf32, #tpu.memory_space<vmem_shared>>
    tpu.enqueue_indirect_dma source(%arg6 : memref<128x128xf32, #tpu.memory_space<vmem>>) target(%dma_start3A_108 : memref<10000x128xf32, #tpu.memory_space<vmem_shared>>) offsets(%arg5 : memref<128xi32, #tpu.memory_space<vmem>>) semaphore(%arg14 : memref<!tpu.dma_semaphore, #tpu.memory_space<semaphore_mem>>) {add = true}
    %dma_wait3A_109 = arith.constant 0 : i32
    %dma_wait3A_110 = arith.constant 0 : i32
    %dma_wait3A_111 = tpu.memref_slice %arg10[%dma_wait3A_109, %dma_wait3A_110] : memref<10000x128xf32, #tpu.memory_space<vmem_shared>> -> memref<10000x128xf32, #tpu.memory_space<vmem_shared>>
    tpu.wait_indirect_dma semaphore(%arg14 : memref<!tpu.dma_semaphore, #tpu.memory_space<semaphore_mem>>) src(%arg6 : memref<128x128xf32, #tpu.memory_space<vmem>>) dst(%dma_wait3A_111 : memref<10000x128xf32, #tpu.memory_space<vmem_shared>>)
    %add3A_112 = arith.constant 4992 : i32
    %add3A_113 = arith.addi %mul3A_2, %add3A_112 : i32
    %add3A_114 = arith.constant 0 : i32
    %add3A_115 = arith.addi %add3A_114, %add3A_113 : i32
    "tpu.region"() ({
      %run_scoped3A_131 = tpu.sem_alloc : memref<!tpu.dma_semaphore, #tpu.memory_space<semaphore_mem>>
      %dma_start3A_132 = tpu.memref_slice %arg3[%add3A_115] : memref<320000xi32, #tpu.memory_space<hbm>> -> memref<8xi32, #tpu.memory_space<hbm>>
      %dma_start3A_133 = tpu.memref_slice %arg3[%add3A_115] : memref<320000xi32, #tpu.memory_space<hbm>> -> memref<8xi32, #tpu.memory_space<hbm>>
      tpu.enqueue_dma source(%dma_start3A_133 : memref<8xi32, #tpu.memory_space<hbm>>) target(%arg11 : memref<8xi32, #tpu.memory_space<vmem>>) target_semaphore(%run_scoped3A_131 : memref<!tpu.dma_semaphore, #tpu.memory_space<semaphore_mem>>)
      %dma_wait3A_134 = tpu.memref_slice %arg3[%add3A_115] : memref<320000xi32, #tpu.memory_space<hbm>> -> memref<8xi32, #tpu.memory_space<hbm>>
      %dma_wait3A_135 = tpu.memref_slice %arg3[%add3A_115] : memref<320000xi32, #tpu.memory_space<hbm>> -> memref<8xi32, #tpu.memory_space<hbm>>
      tpu.wait_dma2 semaphore(%run_scoped3A_131 : memref<!tpu.dma_semaphore, #tpu.memory_space<semaphore_mem>>) src(%dma_wait3A_135 : memref<8xi32, #tpu.memory_space<hbm>>) dst(%arg11 : memref<8xi32, #tpu.memory_space<vmem>>)
      tpu.yield
    }) : () -> ()
    "tpu.region"() ({
      %run_scoped3A_131 = tpu.sem_alloc : memref<!tpu.dma_semaphore, #tpu.memory_space<semaphore_mem>>
      %dma_start3A_132 = arith.constant 0 : i32
      %dma_start3A_133 = arith.constant 0 : i32
      %dma_start3A_134 = tpu.memref_slice %arg6[%dma_start3A_132, %dma_start3A_133] : memref<128x128xf32, #tpu.memory_space<vmem>> -> memref<8x128xf32, #tpu.memory_space<vmem>>
      %dma_start3A_135 = arith.constant 0 : i32
      %dma_start3A_136 = tpu.memref_slice %arg2[%add3A_113, %dma_start3A_135] : memref<160000x128xf32, #tpu.memory_space<hbm>> -> memref<8x128xf32, #tpu.memory_space<hbm>>
      %dma_start3A_137 = arith.constant 0 : i32
      %dma_start3A_138 = arith.constant 0 : i32
      %dma_start3A_139 = tpu.memref_slice %arg6[%dma_start3A_137, %dma_start3A_138] : memref<128x128xf32, #tpu.memory_space<vmem>> -> memref<8x128xf32, #tpu.memory_space<vmem>>
      %dma_start3A_140 = arith.constant 0 : i32
      %dma_start3A_141 = tpu.memref_slice %arg2[%add3A_113, %dma_start3A_140] : memref<160000x128xf32, #tpu.memory_space<hbm>> -> memref<8x128xf32, #tpu.memory_space<hbm>>
      tpu.enqueue_dma source(%dma_start3A_141 : memref<8x128xf32, #tpu.memory_space<hbm>>) target(%dma_start3A_139 : memref<8x128xf32, #tpu.memory_space<vmem>>) target_semaphore(%run_scoped3A_131 : memref<!tpu.dma_semaphore, #tpu.memory_space<semaphore_mem>>)
      %dma_wait3A_142 = arith.constant 0 : i32
      %dma_wait3A_143 = arith.constant 0 : i32
      %dma_wait3A_144 = tpu.memref_slice %arg6[%dma_wait3A_142, %dma_wait3A_143] : memref<128x128xf32, #tpu.memory_space<vmem>> -> memref<8x128xf32, #tpu.memory_space<vmem>>
      %dma_wait3A_145 = arith.constant 0 : i32
      %dma_wait3A_146 = tpu.memref_slice %arg2[%add3A_113, %dma_wait3A_145] : memref<160000x128xf32, #tpu.memory_space<hbm>> -> memref<8x128xf32, #tpu.memory_space<hbm>>
      %dma_wait3A_147 = arith.constant 0 : i32
      %dma_wait3A_148 = arith.constant 0 : i32
      %dma_wait3A_149 = tpu.memref_slice %arg6[%dma_wait3A_147, %dma_wait3A_148] : memref<128x128xf32, #tpu.memory_space<vmem>> -> memref<8x128xf32, #tpu.memory_space<vmem>>
      %dma_wait3A_150 = arith.constant 0 : i32
      %dma_wait3A_151 = tpu.memref_slice %arg2[%add3A_113, %dma_wait3A_150] : memref<160000x128xf32, #tpu.memory_space<hbm>> -> memref<8x128xf32, #tpu.memory_space<hbm>>
      tpu.wait_dma2 semaphore(%run_scoped3A_131 : memref<!tpu.dma_semaphore, #tpu.memory_space<semaphore_mem>>) src(%dma_wait3A_151 : memref<8x128xf32, #tpu.memory_space<hbm>>) dst(%dma_wait3A_149 : memref<8x128xf32, #tpu.memory_space<vmem>>)
      tpu.yield
    }) : () -> ()
    "tpu.region"() ({
      %run_scoped3A_131 = tpu.sem_alloc : memref<!tpu.dma_semaphore, #tpu.memory_space<semaphore_mem>>
      %dma_start3A_132 = arith.constant 0 : i32
      %dma_start3A_133 = arith.constant 0 : i32
      %dma_start3A_134 = tpu.memref_slice %arg6[%dma_start3A_132, %dma_start3A_133] : memref<128x128xf32, #tpu.memory_space<vmem>> -> memref<8x128xf32, #tpu.memory_space<vmem>>
      %dma_start3A_135 = arith.constant 0 : i32
      %dma_start3A_136 = arith.constant 0 : i32
      %dma_start3A_137 = tpu.memref_slice %arg10[%dma_start3A_135, %dma_start3A_136] : memref<10000x128xf32, #tpu.memory_space<vmem_shared>> -> memref<10000x128xf32, #tpu.memory_space<vmem_shared>>
      tpu.enqueue_indirect_dma source(%dma_start3A_134 : memref<8x128xf32, #tpu.memory_space<vmem>>) target(%dma_start3A_137 : memref<10000x128xf32, #tpu.memory_space<vmem_shared>>) offsets(%arg11 : memref<8xi32, #tpu.memory_space<vmem>>) semaphore(%run_scoped3A_131 : memref<!tpu.dma_semaphore, #tpu.memory_space<semaphore_mem>>) {add = true}
      %dma_wait3A_138 = arith.constant 0 : i32
      %dma_wait3A_139 = arith.constant 0 : i32
      %dma_wait3A_140 = tpu.memref_slice %arg6[%dma_wait3A_138, %dma_wait3A_139] : memref<128x128xf32, #tpu.memory_space<vmem>> -> memref<8x128xf32, #tpu.memory_space<vmem>>
      %dma_wait3A_141 = arith.constant 0 : i32
      %dma_wait3A_142 = arith.constant 0 : i32
      %dma_wait3A_143 = tpu.memref_slice %arg10[%dma_wait3A_141, %dma_wait3A_142] : memref<10000x128xf32, #tpu.memory_space<vmem_shared>> -> memref<10000x128xf32, #tpu.memory_space<vmem_shared>>
      tpu.wait_indirect_dma semaphore(%run_scoped3A_131 : memref<!tpu.dma_semaphore, #tpu.memory_space<semaphore_mem>>) src(%dma_wait3A_140 : memref<8x128xf32, #tpu.memory_space<vmem>>) dst(%dma_wait3A_143 : memref<10000x128xf32, #tpu.memory_space<vmem_shared>>)
      tpu.yield
    }) : () -> ()
    %barrier3A_116 = arith.constant 0 : index
    tpu.barrier barrier_id(%barrier3A_116)
    %add3A_117 = arith.constant 0 : i32
    %add3A_118 = arith.addi %mul3A_4, %add3A_117 : i32
    "tpu.region"() ({
      %run_scoped3A_131 = tpu.sem_alloc : memref<!tpu.dma_semaphore, #tpu.memory_space<semaphore_mem>>
      %dma_start3A_132 = arith.constant 0 : i32
      %dma_start3A_133 = tpu.memref_slice %arg10[%add3A_118, %dma_start3A_132] : memref<10000x128xf32, #tpu.memory_space<vmem_shared>> -> memref<125x128xf32, #tpu.memory_space<vmem_shared>>
      %dma_start3A_134 = arith.constant 0 : i32
      %dma_start3A_135 = tpu.memref_slice %arg10[%add3A_118, %dma_start3A_134] : memref<10000x128xf32, #tpu.memory_space<vmem_shared>> -> memref<125x128xf32, #tpu.memory_space<vmem_shared>>
      tpu.enqueue_dma source(%dma_start3A_135 : memref<125x128xf32, #tpu.memory_space<vmem_shared>>) target(%arg9 : memref<125x128xf32, #tpu.memory_space<vmem>>) target_semaphore(%run_scoped3A_131 : memref<!tpu.dma_semaphore, #tpu.memory_space<semaphore_mem>>)
      %dma_wait3A_136 = arith.constant 0 : i32
      %dma_wait3A_137 = tpu.memref_slice %arg10[%add3A_118, %dma_wait3A_136] : memref<10000x128xf32, #tpu.memory_space<vmem_shared>> -> memref<125x128xf32, #tpu.memory_space<vmem_shared>>
      %dma_wait3A_138 = arith.constant 0 : i32
      %dma_wait3A_139 = tpu.memref_slice %arg10[%add3A_118, %dma_wait3A_138] : memref<10000x128xf32, #tpu.memory_space<vmem_shared>> -> memref<125x128xf32, #tpu.memory_space<vmem_shared>>
      tpu.wait_dma2 semaphore(%run_scoped3A_131 : memref<!tpu.dma_semaphore, #tpu.memory_space<semaphore_mem>>) src(%dma_wait3A_139 : memref<125x128xf32, #tpu.memory_space<vmem_shared>>) dst(%arg9 : memref<125x128xf32, #tpu.memory_space<vmem>>)
      tpu.yield
    }) : () -> ()
    %run_scoped3A = arith.constant 0 : i32
    "tpu.region"() ({
      %run_scoped3A_131 = tpu.sem_alloc : memref<!tpu.dma_semaphore, #tpu.memory_space<semaphore_mem>>
      %dma_start3A_132 = arith.constant 0 : i32
      %dma_start3A_133 = arith.constant 0 : i32
      %dma_start3A_134 = tpu.memref_slice %arg4[%arg0, %arg1, %run_scoped3A, %dma_start3A_132, %dma_start3A_133] : memref<2x16x5x125x128xf32, #tpu.memory_space<hbm>> -> memref<1x1x1x125x128xf32, #tpu.memory_space<hbm>>
      %dma_start3A_135 = tpu.memref_squeeze %dma_start3A_134 : memref<1x1x1x125x128xf32, #tpu.memory_space<hbm>> -> memref<125x128xf32, #tpu.memory_space<hbm>>
      %dma_start3A_136 = arith.constant 0 : i32
      %dma_start3A_137 = arith.constant 0 : i32
      %dma_start3A_138 = tpu.memref_slice %arg4[%arg0, %arg1, %run_scoped3A, %dma_start3A_136, %dma_start3A_137] : memref<2x16x5x125x128xf32, #tpu.memory_space<hbm>> -> memref<1x1x1x125x128xf32, #tpu.memory_space<hbm>>
      %dma_start3A_139 = tpu.memref_squeeze %dma_start3A_138 : memref<1x1x1x125x128xf32, #tpu.memory_space<hbm>> -> memref<125x128xf32, #tpu.memory_space<hbm>>
      tpu.enqueue_dma source(%arg9 : memref<125x128xf32, #tpu.memory_space<vmem>>) target(%dma_start3A_139 : memref<125x128xf32, #tpu.memory_space<hbm>>) target_semaphore(%run_scoped3A_131 : memref<!tpu.dma_semaphore, #tpu.memory_space<semaphore_mem>>)
      %dma_wait3A_140 = arith.constant 0 : i32
      %dma_wait3A_141 = arith.constant 0 : i32
      %dma_wait3A_142 = tpu.memref_slice %arg4[%arg0, %arg1, %run_scoped3A, %dma_wait3A_140, %dma_wait3A_141] : memref<2x16x5x125x128xf32, #tpu.memory_space<hbm>> -> memref<1x1x1x125x128xf32, #tpu.memory_space<hbm>>
      %dma_wait3A_143 = tpu.memref_squeeze %dma_wait3A_142 : memref<1x1x1x125x128xf32, #tpu.memory_space<hbm>> -> memref<125x128xf32, #tpu.memory_space<hbm>>
      %dma_wait3A_144 = arith.constant 0 : i32
      %dma_wait3A_145 = arith.constant 0 : i32
      %dma_wait3A_146 = tpu.memref_slice %arg4[%arg0, %arg1, %run_scoped3A, %dma_wait3A_144, %dma_wait3A_145] : memref<2x16x5x125x128xf32, #tpu.memory_space<hbm>> -> memref<1x1x1x125x128xf32, #tpu.memory_space<hbm>>
      %dma_wait3A_147 = tpu.memref_squeeze %dma_wait3A_146 : memref<1x1x1x125x128xf32, #tpu.memory_space<hbm>> -> memref<125x128xf32, #tpu.memory_space<hbm>>
      tpu.wait_dma2 semaphore(%run_scoped3A_131 : memref<!tpu.dma_semaphore, #tpu.memory_space<semaphore_mem>>) src(%arg9 : memref<125x128xf32, #tpu.memory_space<vmem>>) dst(%dma_wait3A_147 : memref<125x128xf32, #tpu.memory_space<hbm>>)
      tpu.yield
    }) : () -> ()
    %add3A_119 = arith.constant 125 : i32
    %add3A_120 = arith.addi %mul3A_4, %add3A_119 : i32
    "tpu.region"() ({
      %run_scoped3A_131 = tpu.sem_alloc : memref<!tpu.dma_semaphore, #tpu.memory_space<semaphore_mem>>
      %dma_start3A_132 = arith.constant 0 : i32
      %dma_start3A_133 = tpu.memref_slice %arg10[%add3A_120, %dma_start3A_132] : memref<10000x128xf32, #tpu.memory_space<vmem_shared>> -> memref<125x128xf32, #tpu.memory_space<vmem_shared>>
      %dma_start3A_134 = arith.constant 0 : i32
      %dma_start3A_135 = tpu.memref_slice %arg10[%add3A_120, %dma_start3A_134] : memref<10000x128xf32, #tpu.memory_space<vmem_shared>> -> memref<125x128xf32, #tpu.memory_space<vmem_shared>>
      tpu.enqueue_dma source(%dma_start3A_135 : memref<125x128xf32, #tpu.memory_space<vmem_shared>>) target(%arg9 : memref<125x128xf32, #tpu.memory_space<vmem>>) target_semaphore(%run_scoped3A_131 : memref<!tpu.dma_semaphore, #tpu.memory_space<semaphore_mem>>)
      %dma_wait3A_136 = arith.constant 0 : i32
      %dma_wait3A_137 = tpu.memref_slice %arg10[%add3A_120, %dma_wait3A_136] : memref<10000x128xf32, #tpu.memory_space<vmem_shared>> -> memref<125x128xf32, #tpu.memory_space<vmem_shared>>
      %dma_wait3A_138 = arith.constant 0 : i32
      %dma_wait3A_139 = tpu.memref_slice %arg10[%add3A_120, %dma_wait3A_138] : memref<10000x128xf32, #tpu.memory_space<vmem_shared>> -> memref<125x128xf32, #tpu.memory_space<vmem_shared>>
      tpu.wait_dma2 semaphore(%run_scoped3A_131 : memref<!tpu.dma_semaphore, #tpu.memory_space<semaphore_mem>>) src(%dma_wait3A_139 : memref<125x128xf32, #tpu.memory_space<vmem_shared>>) dst(%arg9 : memref<125x128xf32, #tpu.memory_space<vmem>>)
      tpu.yield
    }) : () -> ()
    %run_scoped3A_121 = arith.constant 1 : i32
    "tpu.region"() ({
      %run_scoped3A_131 = tpu.sem_alloc : memref<!tpu.dma_semaphore, #tpu.memory_space<semaphore_mem>>
      %dma_start3A_132 = arith.constant 0 : i32
      %dma_start3A_133 = arith.constant 0 : i32
      %dma_start3A_134 = tpu.memref_slice %arg4[%arg0, %arg1, %run_scoped3A_121, %dma_start3A_132, %dma_start3A_133] : memref<2x16x5x125x128xf32, #tpu.memory_space<hbm>> -> memref<1x1x1x125x128xf32, #tpu.memory_space<hbm>>
      %dma_start3A_135 = tpu.memref_squeeze %dma_start3A_134 : memref<1x1x1x125x128xf32, #tpu.memory_space<hbm>> -> memref<125x128xf32, #tpu.memory_space<hbm>>
      %dma_start3A_136 = arith.constant 0 : i32
      %dma_start3A_137 = arith.constant 0 : i32
      %dma_start3A_138 = tpu.memref_slice %arg4[%arg0, %arg1, %run_scoped3A_121, %dma_start3A_136, %dma_start3A_137] : memref<2x16x5x125x128xf32, #tpu.memory_space<hbm>> -> memref<1x1x1x125x128xf32, #tpu.memory_space<hbm>>
      %dma_start3A_139 = tpu.memref_squeeze %dma_start3A_138 : memref<1x1x1x125x128xf32, #tpu.memory_space<hbm>> -> memref<125x128xf32, #tpu.memory_space<hbm>>
      tpu.enqueue_dma source(%arg9 : memref<125x128xf32, #tpu.memory_space<vmem>>) target(%dma_start3A_139 : memref<125x128xf32, #tpu.memory_space<hbm>>) target_semaphore(%run_scoped3A_131 : memref<!tpu.dma_semaphore, #tpu.memory_space<semaphore_mem>>)
      %dma_wait3A_140 = arith.constant 0 : i32
      %dma_wait3A_141 = arith.constant 0 : i32
      %dma_wait3A_142 = tpu.memref_slice %arg4[%arg0, %arg1, %run_scoped3A_121, %dma_wait3A_140, %dma_wait3A_141] : memref<2x16x5x125x128xf32, #tpu.memory_space<hbm>> -> memref<1x1x1x125x128xf32, #tpu.memory_space<hbm>>
      %dma_wait3A_143 = tpu.memref_squeeze %dma_wait3A_142 : memref<1x1x1x125x128xf32, #tpu.memory_space<hbm>> -> memref<125x128xf32, #tpu.memory_space<hbm>>
      %dma_wait3A_144 = arith.constant 0 : i32
      %dma_wait3A_145 = arith.constant 0 : i32
      %dma_wait3A_146 = tpu.memref_slice %arg4[%arg0, %arg1, %run_scoped3A_121, %dma_wait3A_144, %dma_wait3A_145] : memref<2x16x5x125x128xf32, #tpu.memory_space<hbm>> -> memref<1x1x1x125x128xf32, #tpu.memory_space<hbm>>
      %dma_wait3A_147 = tpu.memref_squeeze %dma_wait3A_146 : memref<1x1x1x125x128xf32, #tpu.memory_space<hbm>> -> memref<125x128xf32, #tpu.memory_space<hbm>>
      tpu.wait_dma2 semaphore(%run_scoped3A_131 : memref<!tpu.dma_semaphore, #tpu.memory_space<semaphore_mem>>) src(%arg9 : memref<125x128xf32, #tpu.memory_space<vmem>>) dst(%dma_wait3A_147 : memref<125x128xf32, #tpu.memory_space<hbm>>)
      tpu.yield
    }) : () -> ()
    %add3A_122 = arith.constant 250 : i32
    %add3A_123 = arith.addi %mul3A_4, %add3A_122 : i32
    "tpu.region"() ({
      %run_scoped3A_131 = tpu.sem_alloc : memref<!tpu.dma_semaphore, #tpu.memory_space<semaphore_mem>>
      %dma_start3A_132 = arith.constant 0 : i32
      %dma_start3A_133 = tpu.memref_slice %arg10[%add3A_123, %dma_start3A_132] : memref<10000x128xf32, #tpu.memory_space<vmem_shared>> -> memref<125x128xf32, #tpu.memory_space<vmem_shared>>
      %dma_start3A_134 = arith.constant 0 : i32
      %dma_start3A_135 = tpu.memref_slice %arg10[%add3A_123, %dma_start3A_134] : memref<10000x128xf32, #tpu.memory_space<vmem_shared>> -> memref<125x128xf32, #tpu.memory_space<vmem_shared>>
      tpu.enqueue_dma source(%dma_start3A_135 : memref<125x128xf32, #tpu.memory_space<vmem_shared>>) target(%arg9 : memref<125x128xf32, #tpu.memory_space<vmem>>) target_semaphore(%run_scoped3A_131 : memref<!tpu.dma_semaphore, #tpu.memory_space<semaphore_mem>>)
      %dma_wait3A_136 = arith.constant 0 : i32
      %dma_wait3A_137 = tpu.memref_slice %arg10[%add3A_123, %dma_wait3A_136] : memref<10000x128xf32, #tpu.memory_space<vmem_shared>> -> memref<125x128xf32, #tpu.memory_space<vmem_shared>>
      %dma_wait3A_138 = arith.constant 0 : i32
      %dma_wait3A_139 = tpu.memref_slice %arg10[%add3A_123, %dma_wait3A_138] : memref<10000x128xf32, #tpu.memory_space<vmem_shared>> -> memref<125x128xf32, #tpu.memory_space<vmem_shared>>
      tpu.wait_dma2 semaphore(%run_scoped3A_131 : memref<!tpu.dma_semaphore, #tpu.memory_space<semaphore_mem>>) src(%dma_wait3A_139 : memref<125x128xf32, #tpu.memory_space<vmem_shared>>) dst(%arg9 : memref<125x128xf32, #tpu.memory_space<vmem>>)
      tpu.yield
    }) : () -> ()
    %run_scoped3A_124 = arith.constant 2 : i32
    "tpu.region"() ({
      %run_scoped3A_131 = tpu.sem_alloc : memref<!tpu.dma_semaphore, #tpu.memory_space<semaphore_mem>>
      %dma_start3A_132 = arith.constant 0 : i32
      %dma_start3A_133 = arith.constant 0 : i32
      %dma_start3A_134 = tpu.memref_slice %arg4[%arg0, %arg1, %run_scoped3A_124, %dma_start3A_132, %dma_start3A_133] : memref<2x16x5x125x128xf32, #tpu.memory_space<hbm>> -> memref<1x1x1x125x128xf32, #tpu.memory_space<hbm>>
      %dma_start3A_135 = tpu.memref_squeeze %dma_start3A_134 : memref<1x1x1x125x128xf32, #tpu.memory_space<hbm>> -> memref<125x128xf32, #tpu.memory_space<hbm>>
      %dma_start3A_136 = arith.constant 0 : i32
      %dma_start3A_137 = arith.constant 0 : i32
      %dma_start3A_138 = tpu.memref_slice %arg4[%arg0, %arg1, %run_scoped3A_124, %dma_start3A_136, %dma_start3A_137] : memref<2x16x5x125x128xf32, #tpu.memory_space<hbm>> -> memref<1x1x1x125x128xf32, #tpu.memory_space<hbm>>
      %dma_start3A_139 = tpu.memref_squeeze %dma_start3A_138 : memref<1x1x1x125x128xf32, #tpu.memory_space<hbm>> -> memref<125x128xf32, #tpu.memory_space<hbm>>
      tpu.enqueue_dma source(%arg9 : memref<125x128xf32, #tpu.memory_space<vmem>>) target(%dma_start3A_139 : memref<125x128xf32, #tpu.memory_space<hbm>>) target_semaphore(%run_scoped3A_131 : memref<!tpu.dma_semaphore, #tpu.memory_space<semaphore_mem>>)
      %dma_wait3A_140 = arith.constant 0 : i32
      %dma_wait3A_141 = arith.constant 0 : i32
      %dma_wait3A_142 = tpu.memref_slice %arg4[%arg0, %arg1, %run_scoped3A_124, %dma_wait3A_140, %dma_wait3A_141] : memref<2x16x5x125x128xf32, #tpu.memory_space<hbm>> -> memref<1x1x1x125x128xf32, #tpu.memory_space<hbm>>
      %dma_wait3A_143 = tpu.memref_squeeze %dma_wait3A_142 : memref<1x1x1x125x128xf32, #tpu.memory_space<hbm>> -> memref<125x128xf32, #tpu.memory_space<hbm>>
      %dma_wait3A_144 = arith.constant 0 : i32
      %dma_wait3A_145 = arith.constant 0 : i32
      %dma_wait3A_146 = tpu.memref_slice %arg4[%arg0, %arg1, %run_scoped3A_124, %dma_wait3A_144, %dma_wait3A_145] : memref<2x16x5x125x128xf32, #tpu.memory_space<hbm>> -> memref<1x1x1x125x128xf32, #tpu.memory_space<hbm>>
      %dma_wait3A_147 = tpu.memref_squeeze %dma_wait3A_146 : memref<1x1x1x125x128xf32, #tpu.memory_space<hbm>> -> memref<125x128xf32, #tpu.memory_space<hbm>>
      tpu.wait_dma2 semaphore(%run_scoped3A_131 : memref<!tpu.dma_semaphore, #tpu.memory_space<semaphore_mem>>) src(%arg9 : memref<125x128xf32, #tpu.memory_space<vmem>>) dst(%dma_wait3A_147 : memref<125x128xf32, #tpu.memory_space<hbm>>)
      tpu.yield
    }) : () -> ()
    %add3A_125 = arith.constant 375 : i32
    %add3A_126 = arith.addi %mul3A_4, %add3A_125 : i32
    "tpu.region"() ({
      %run_scoped3A_131 = tpu.sem_alloc : memref<!tpu.dma_semaphore, #tpu.memory_space<semaphore_mem>>
      %dma_start3A_132 = arith.constant 0 : i32
      %dma_start3A_133 = tpu.memref_slice %arg10[%add3A_126, %dma_start3A_132] : memref<10000x128xf32, #tpu.memory_space<vmem_shared>> -> memref<125x128xf32, #tpu.memory_space<vmem_shared>>
      %dma_start3A_134 = arith.constant 0 : i32
      %dma_start3A_135 = tpu.memref_slice %arg10[%add3A_126, %dma_start3A_134] : memref<10000x128xf32, #tpu.memory_space<vmem_shared>> -> memref<125x128xf32, #tpu.memory_space<vmem_shared>>
      tpu.enqueue_dma source(%dma_start3A_135 : memref<125x128xf32, #tpu.memory_space<vmem_shared>>) target(%arg9 : memref<125x128xf32, #tpu.memory_space<vmem>>) target_semaphore(%run_scoped3A_131 : memref<!tpu.dma_semaphore, #tpu.memory_space<semaphore_mem>>)
      %dma_wait3A_136 = arith.constant 0 : i32
      %dma_wait3A_137 = tpu.memref_slice %arg10[%add3A_126, %dma_wait3A_136] : memref<10000x128xf32, #tpu.memory_space<vmem_shared>> -> memref<125x128xf32, #tpu.memory_space<vmem_shared>>
      %dma_wait3A_138 = arith.constant 0 : i32
      %dma_wait3A_139 = tpu.memref_slice %arg10[%add3A_126, %dma_wait3A_138] : memref<10000x128xf32, #tpu.memory_space<vmem_shared>> -> memref<125x128xf32, #tpu.memory_space<vmem_shared>>
      tpu.wait_dma2 semaphore(%run_scoped3A_131 : memref<!tpu.dma_semaphore, #tpu.memory_space<semaphore_mem>>) src(%dma_wait3A_139 : memref<125x128xf32, #tpu.memory_space<vmem_shared>>) dst(%arg9 : memref<125x128xf32, #tpu.memory_space<vmem>>)
      tpu.yield
    }) : () -> ()
    %run_scoped3A_127 = arith.constant 3 : i32
    "tpu.region"() ({
      %run_scoped3A_131 = tpu.sem_alloc : memref<!tpu.dma_semaphore, #tpu.memory_space<semaphore_mem>>
      %dma_start3A_132 = arith.constant 0 : i32
      %dma_start3A_133 = arith.constant 0 : i32
      %dma_start3A_134 = tpu.memref_slice %arg4[%arg0, %arg1, %run_scoped3A_127, %dma_start3A_132, %dma_start3A_133] : memref<2x16x5x125x128xf32, #tpu.memory_space<hbm>> -> memref<1x1x1x125x128xf32, #tpu.memory_space<hbm>>
      %dma_start3A_135 = tpu.memref_squeeze %dma_start3A_134 : memref<1x1x1x125x128xf32, #tpu.memory_space<hbm>> -> memref<125x128xf32, #tpu.memory_space<hbm>>
      %dma_start3A_136 = arith.constant 0 : i32
      %dma_start3A_137 = arith.constant 0 : i32
      %dma_start3A_138 = tpu.memref_slice %arg4[%arg0, %arg1, %run_scoped3A_127, %dma_start3A_136, %dma_start3A_137] : memref<2x16x5x125x128xf32, #tpu.memory_space<hbm>> -> memref<1x1x1x125x128xf32, #tpu.memory_space<hbm>>
      %dma_start3A_139 = tpu.memref_squeeze %dma_start3A_138 : memref<1x1x1x125x128xf32, #tpu.memory_space<hbm>> -> memref<125x128xf32, #tpu.memory_space<hbm>>
      tpu.enqueue_dma source(%arg9 : memref<125x128xf32, #tpu.memory_space<vmem>>) target(%dma_start3A_139 : memref<125x128xf32, #tpu.memory_space<hbm>>) target_semaphore(%run_scoped3A_131 : memref<!tpu.dma_semaphore, #tpu.memory_space<semaphore_mem>>)
      %dma_wait3A_140 = arith.constant 0 : i32
      %dma_wait3A_141 = arith.constant 0 : i32
      %dma_wait3A_142 = tpu.memref_slice %arg4[%arg0, %arg1, %run_scoped3A_127, %dma_wait3A_140, %dma_wait3A_141] : memref<2x16x5x125x128xf32, #tpu.memory_space<hbm>> -> memref<1x1x1x125x128xf32, #tpu.memory_space<hbm>>
      %dma_wait3A_143 = tpu.memref_squeeze %dma_wait3A_142 : memref<1x1x1x125x128xf32, #tpu.memory_space<hbm>> -> memref<125x128xf32, #tpu.memory_space<hbm>>
      %dma_wait3A_144 = arith.constant 0 : i32
      %dma_wait3A_145 = arith.constant 0 : i32
      %dma_wait3A_146 = tpu.memref_slice %arg4[%arg0, %arg1, %run_scoped3A_127, %dma_wait3A_144, %dma_wait3A_145] : memref<2x16x5x125x128xf32, #tpu.memory_space<hbm>> -> memref<1x1x1x125x128xf32, #tpu.memory_space<hbm>>
      %dma_wait3A_147 = tpu.memref_squeeze %dma_wait3A_146 : memref<1x1x1x125x128xf32, #tpu.memory_space<hbm>> -> memref<125x128xf32, #tpu.memory_space<hbm>>
      tpu.wait_dma2 semaphore(%run_scoped3A_131 : memref<!tpu.dma_semaphore, #tpu.memory_space<semaphore_mem>>) src(%arg9 : memref<125x128xf32, #tpu.memory_space<vmem>>) dst(%dma_wait3A_147 : memref<125x128xf32, #tpu.memory_space<hbm>>)
      tpu.yield
    }) : () -> ()
    %add3A_128 = arith.constant 500 : i32
    %add3A_129 = arith.addi %mul3A_4, %add3A_128 : i32
    "tpu.region"() ({
      %run_scoped3A_131 = tpu.sem_alloc : memref<!tpu.dma_semaphore, #tpu.memory_space<semaphore_mem>>
      %dma_start3A_132 = arith.constant 0 : i32
      %dma_start3A_133 = tpu.memref_slice %arg10[%add3A_129, %dma_start3A_132] : memref<10000x128xf32, #tpu.memory_space<vmem_shared>> -> memref<125x128xf32, #tpu.memory_space<vmem_shared>>
      %dma_start3A_134 = arith.constant 0 : i32
      %dma_start3A_135 = tpu.memref_slice %arg10[%add3A_129, %dma_start3A_134] : memref<10000x128xf32, #tpu.memory_space<vmem_shared>> -> memref<125x128xf32, #tpu.memory_space<vmem_shared>>
      tpu.enqueue_dma source(%dma_start3A_135 : memref<125x128xf32, #tpu.memory_space<vmem_shared>>) target(%arg9 : memref<125x128xf32, #tpu.memory_space<vmem>>) target_semaphore(%run_scoped3A_131 : memref<!tpu.dma_semaphore, #tpu.memory_space<semaphore_mem>>)
      %dma_wait3A_136 = arith.constant 0 : i32
      %dma_wait3A_137 = tpu.memref_slice %arg10[%add3A_129, %dma_wait3A_136] : memref<10000x128xf32, #tpu.memory_space<vmem_shared>> -> memref<125x128xf32, #tpu.memory_space<vmem_shared>>
      %dma_wait3A_138 = arith.constant 0 : i32
      %dma_wait3A_139 = tpu.memref_slice %arg10[%add3A_129, %dma_wait3A_138] : memref<10000x128xf32, #tpu.memory_space<vmem_shared>> -> memref<125x128xf32, #tpu.memory_space<vmem_shared>>
      tpu.wait_dma2 semaphore(%run_scoped3A_131 : memref<!tpu.dma_semaphore, #tpu.memory_space<semaphore_mem>>) src(%dma_wait3A_139 : memref<125x128xf32, #tpu.memory_space<vmem_shared>>) dst(%arg9 : memref<125x128xf32, #tpu.memory_space<vmem>>)
      tpu.yield
    }) : () -> ()
    %run_scoped3A_130 = arith.constant 4 : i32
    "tpu.region"() ({
      %run_scoped3A_131 = tpu.sem_alloc : memref<!tpu.dma_semaphore, #tpu.memory_space<semaphore_mem>>
      %dma_start3A_132 = arith.constant 0 : i32
      %dma_start3A_133 = arith.constant 0 : i32
      %dma_start3A_134 = tpu.memref_slice %arg4[%arg0, %arg1, %run_scoped3A_130, %dma_start3A_132, %dma_start3A_133] : memref<2x16x5x125x128xf32, #tpu.memory_space<hbm>> -> memref<1x1x1x125x128xf32, #tpu.memory_space<hbm>>
      %dma_start3A_135 = tpu.memref_squeeze %dma_start3A_134 : memref<1x1x1x125x128xf32, #tpu.memory_space<hbm>> -> memref<125x128xf32, #tpu.memory_space<hbm>>
      %dma_start3A_136 = arith.constant 0 : i32
      %dma_start3A_137 = arith.constant 0 : i32
      %dma_start3A_138 = tpu.memref_slice %arg4[%arg0, %arg1, %run_scoped3A_130, %dma_start3A_136, %dma_start3A_137] : memref<2x16x5x125x128xf32, #tpu.memory_space<hbm>> -> memref<1x1x1x125x128xf32, #tpu.memory_space<hbm>>
      %dma_start3A_139 = tpu.memref_squeeze %dma_start3A_138 : memref<1x1x1x125x128xf32, #tpu.memory_space<hbm>> -> memref<125x128xf32, #tpu.memory_space<hbm>>
      tpu.enqueue_dma source(%arg9 : memref<125x128xf32, #tpu.memory_space<vmem>>) target(%dma_start3A_139 : memref<125x128xf32, #tpu.memory_space<hbm>>) target_semaphore(%run_scoped3A_131 : memref<!tpu.dma_semaphore, #tpu.memory_space<semaphore_mem>>)
      %dma_wait3A_140 = arith.constant 0 : i32
      %dma_wait3A_141 = arith.constant 0 : i32
      %dma_wait3A_142 = tpu.memref_slice %arg4[%arg0, %arg1, %run_scoped3A_130, %dma_wait3A_140, %dma_wait3A_141] : memref<2x16x5x125x128xf32, #tpu.memory_space<hbm>> -> memref<1x1x1x125x128xf32, #tpu.memory_space<hbm>>
      %dma_wait3A_143 = tpu.memref_squeeze %dma_wait3A_142 : memref<1x1x1x125x128xf32, #tpu.memory_space<hbm>> -> memref<125x128xf32, #tpu.memory_space<hbm>>
      %dma_wait3A_144 = arith.constant 0 : i32
      %dma_wait3A_145 = arith.constant 0 : i32
      %dma_wait3A_146 = tpu.memref_slice %arg4[%arg0, %arg1, %run_scoped3A_130, %dma_wait3A_144, %dma_wait3A_145] : memref<2x16x5x125x128xf32, #tpu.memory_space<hbm>> -> memref<1x1x1x125x128xf32, #tpu.memory_space<hbm>>
      %dma_wait3A_147 = tpu.memref_squeeze %dma_wait3A_146 : memref<1x1x1x125x128xf32, #tpu.memory_space<hbm>> -> memref<125x128xf32, #tpu.memory_space<hbm>>
      tpu.wait_dma2 semaphore(%run_scoped3A_131 : memref<!tpu.dma_semaphore, #tpu.memory_space<semaphore_mem>>) src(%arg9 : memref<125x128xf32, #tpu.memory_space<vmem>>) dst(%dma_wait3A_147 : memref<125x128xf32, #tpu.memory_space<hbm>>)
      tpu.yield
    }) : () -> ()
    return
  }
}

#map = affine_map<(d0, d1) -> (0, 0)>
#map1 = affine_map<(d0, d1) -> (0)>
module attributes {stable_mosaic.version = 14 : i64} {
  func.func @gather_k(%arg0: i32, %arg1: i32, %arg2: memref<10000x128xf32, #tpu.memory_space<hbm>>, %arg3: memref<10000x128xf32, #tpu.memory_space<hbm>>, %arg4: memref<320000xi32, #tpu.memory_space<hbm>>, %arg5: memref<320000xi32, #tpu.memory_space<hbm>>, %arg6: memref<160000x128xf32, #tpu.memory_space<hbm>>, %arg7: memref<128xi32, #tpu.memory_space<vmem>>, %arg8: memref<128x128xf32, #tpu.memory_space<vmem>>, %arg9: memref<128xi32, #tpu.memory_space<vmem>>, %arg10: memref<128x128xf32, #tpu.memory_space<vmem>>, %arg11: memref<!tpu.dma_semaphore, #tpu.memory_space<semaphore_mem>>, %arg12: memref<!tpu.dma_semaphore, #tpu.memory_space<semaphore_mem>>, %arg13: memref<!tpu.dma_semaphore, #tpu.memory_space<semaphore_mem>>, %arg14: memref<128xi32, #tpu.memory_space<vmem>>, %arg15: memref<128x128xf32, #tpu.memory_space<vmem>>, %arg16: memref<128xi32, #tpu.memory_space<vmem>>, %arg17: memref<128x128xf32, #tpu.memory_space<vmem>>, %arg18: memref<!tpu.dma_semaphore, #tpu.memory_space<semaphore_mem>>, %arg19: memref<!tpu.dma_semaphore, #tpu.memory_space<semaphore_mem>>, %arg20: memref<!tpu.dma_semaphore, #tpu.memory_space<semaphore_mem>>, %arg21: memref<128xi32, #tpu.memory_space<vmem>>, %arg22: memref<128x128xf32, #tpu.memory_space<vmem>>, %arg23: memref<128xi32, #tpu.memory_space<vmem>>, %arg24: memref<128x128xf32, #tpu.memory_space<vmem>>, %arg25: memref<!tpu.dma_semaphore, #tpu.memory_space<semaphore_mem>>, %arg26: memref<!tpu.dma_semaphore, #tpu.memory_space<semaphore_mem>>, %arg27: memref<!tpu.dma_semaphore, #tpu.memory_space<semaphore_mem>>) attributes {dimension_semantics = [#tpu.dimension_semantics<core_parallel>, #tpu.dimension_semantics<subcore_parallel>], iteration_bounds = array<i64: 2, 16>, scalar_prefetch = 0 : i64, scratch_operands = 21 : i64, tpu.core_type = #tpu.core_type<sc_vector_subcore>, window_params = [{transform_indices = #map}, {transform_indices = #map}, {transform_indices = #map1}, {transform_indices = #map1}, {transform_indices = #map}]} {
    %mul3A = arith.constant 2 : i32
    %mul3A_0 = arith.muli %arg1, %mul3A : i32
    %add3A = arith.addi %mul3A_0, %arg0 : i32
    %mul3A_1 = arith.constant 5000 : i32
    %mul3A_2 = arith.muli %add3A, %mul3A_1 : i32
    %add3A_3 = arith.constant 160000 : i32
    %add3A_4 = arith.addi %add3A_3, %mul3A_2 : i32
    %add3A_5 = arith.constant 0 : i32
    %add3A_6 = arith.addi %add3A_4, %add3A_5 : i32
    "tpu.region"() ({
      %run_scoped3A = tpu.sem_alloc : memref<!tpu.dma_semaphore, #tpu.memory_space<semaphore_mem>>
      %dma_start3A_94 = tpu.memref_slice %arg4[%add3A_6] : memref<320000xi32, #tpu.memory_space<hbm>> -> memref<128xi32, #tpu.memory_space<hbm>>
      %dma_start3A_95 = tpu.memref_slice %arg4[%add3A_6] : memref<320000xi32, #tpu.memory_space<hbm>> -> memref<128xi32, #tpu.memory_space<hbm>>
      tpu.enqueue_dma source(%dma_start3A_95 : memref<128xi32, #tpu.memory_space<hbm>>) target(%arg7 : memref<128xi32, #tpu.memory_space<vmem>>) target_semaphore(%run_scoped3A : memref<!tpu.dma_semaphore, #tpu.memory_space<semaphore_mem>>)
      %dma_wait3A_96 = tpu.memref_slice %arg4[%add3A_6] : memref<320000xi32, #tpu.memory_space<hbm>> -> memref<128xi32, #tpu.memory_space<hbm>>
      %dma_wait3A_97 = tpu.memref_slice %arg4[%add3A_6] : memref<320000xi32, #tpu.memory_space<hbm>> -> memref<128xi32, #tpu.memory_space<hbm>>
      tpu.wait_dma2 semaphore(%run_scoped3A : memref<!tpu.dma_semaphore, #tpu.memory_space<semaphore_mem>>) src(%dma_wait3A_97 : memref<128xi32, #tpu.memory_space<hbm>>) dst(%arg7 : memref<128xi32, #tpu.memory_space<vmem>>)
      tpu.yield
    }) : () -> ()
    "tpu.region"() ({
      %run_scoped3A = tpu.sem_alloc : memref<!tpu.dma_semaphore, #tpu.memory_space<semaphore_mem>>
      %dma_start3A_94 = tpu.memref_slice %arg5[%add3A_6] : memref<320000xi32, #tpu.memory_space<hbm>> -> memref<128xi32, #tpu.memory_space<hbm>>
      %dma_start3A_95 = tpu.memref_slice %arg5[%add3A_6] : memref<320000xi32, #tpu.memory_space<hbm>> -> memref<128xi32, #tpu.memory_space<hbm>>
      tpu.enqueue_dma source(%dma_start3A_95 : memref<128xi32, #tpu.memory_space<hbm>>) target(%arg9 : memref<128xi32, #tpu.memory_space<vmem>>) target_semaphore(%run_scoped3A : memref<!tpu.dma_semaphore, #tpu.memory_space<semaphore_mem>>)
      %dma_wait3A_96 = tpu.memref_slice %arg5[%add3A_6] : memref<320000xi32, #tpu.memory_space<hbm>> -> memref<128xi32, #tpu.memory_space<hbm>>
      %dma_wait3A_97 = tpu.memref_slice %arg5[%add3A_6] : memref<320000xi32, #tpu.memory_space<hbm>> -> memref<128xi32, #tpu.memory_space<hbm>>
      tpu.wait_dma2 semaphore(%run_scoped3A : memref<!tpu.dma_semaphore, #tpu.memory_space<semaphore_mem>>) src(%dma_wait3A_97 : memref<128xi32, #tpu.memory_space<hbm>>) dst(%arg9 : memref<128xi32, #tpu.memory_space<vmem>>)
      tpu.yield
    }) : () -> ()
    %dma_start3A = arith.constant 0 : i32
    %dma_start3A_7 = arith.constant 0 : i32
    %dma_start3A_8 = tpu.memref_slice %arg2[%dma_start3A, %dma_start3A_7] : memref<10000x128xf32, #tpu.memory_space<hbm>> -> memref<10000x128xf32, #tpu.memory_space<hbm>>
    tpu.enqueue_indirect_dma source(%dma_start3A_8 : memref<10000x128xf32, #tpu.memory_space<hbm>>) target(%arg8 : memref<128x128xf32, #tpu.memory_space<vmem>>) offsets(%arg7 : memref<128xi32, #tpu.memory_space<vmem>>) semaphore(%arg11 : memref<!tpu.dma_semaphore, #tpu.memory_space<semaphore_mem>>)
    %dma_start3A_9 = arith.constant 0 : i32
    %dma_start3A_10 = arith.constant 0 : i32
    %dma_start3A_11 = tpu.memref_slice %arg3[%dma_start3A_9, %dma_start3A_10] : memref<10000x128xf32, #tpu.memory_space<hbm>> -> memref<10000x128xf32, #tpu.memory_space<hbm>>
    tpu.enqueue_indirect_dma source(%dma_start3A_11 : memref<10000x128xf32, #tpu.memory_space<hbm>>) target(%arg10 : memref<128x128xf32, #tpu.memory_space<vmem>>) offsets(%arg9 : memref<128xi32, #tpu.memory_space<vmem>>) semaphore(%arg12 : memref<!tpu.dma_semaphore, #tpu.memory_space<semaphore_mem>>)
    %add3A_12 = arith.constant 128 : i32
    %add3A_13 = arith.addi %add3A_4, %add3A_12 : i32
    "tpu.region"() ({
      %run_scoped3A = tpu.sem_alloc : memref<!tpu.dma_semaphore, #tpu.memory_space<semaphore_mem>>
      %dma_start3A_94 = tpu.memref_slice %arg4[%add3A_13] : memref<320000xi32, #tpu.memory_space<hbm>> -> memref<128xi32, #tpu.memory_space<hbm>>
      %dma_start3A_95 = tpu.memref_slice %arg4[%add3A_13] : memref<320000xi32, #tpu.memory_space<hbm>> -> memref<128xi32, #tpu.memory_space<hbm>>
      tpu.enqueue_dma source(%dma_start3A_95 : memref<128xi32, #tpu.memory_space<hbm>>) target(%arg14 : memref<128xi32, #tpu.memory_space<vmem>>) target_semaphore(%run_scoped3A : memref<!tpu.dma_semaphore, #tpu.memory_space<semaphore_mem>>)
      %dma_wait3A_96 = tpu.memref_slice %arg4[%add3A_13] : memref<320000xi32, #tpu.memory_space<hbm>> -> memref<128xi32, #tpu.memory_space<hbm>>
      %dma_wait3A_97 = tpu.memref_slice %arg4[%add3A_13] : memref<320000xi32, #tpu.memory_space<hbm>> -> memref<128xi32, #tpu.memory_space<hbm>>
      tpu.wait_dma2 semaphore(%run_scoped3A : memref<!tpu.dma_semaphore, #tpu.memory_space<semaphore_mem>>) src(%dma_wait3A_97 : memref<128xi32, #tpu.memory_space<hbm>>) dst(%arg14 : memref<128xi32, #tpu.memory_space<vmem>>)
      tpu.yield
    }) : () -> ()
    "tpu.region"() ({
      %run_scoped3A = tpu.sem_alloc : memref<!tpu.dma_semaphore, #tpu.memory_space<semaphore_mem>>
      %dma_start3A_94 = tpu.memref_slice %arg5[%add3A_13] : memref<320000xi32, #tpu.memory_space<hbm>> -> memref<128xi32, #tpu.memory_space<hbm>>
      %dma_start3A_95 = tpu.memref_slice %arg5[%add3A_13] : memref<320000xi32, #tpu.memory_space<hbm>> -> memref<128xi32, #tpu.memory_space<hbm>>
      tpu.enqueue_dma source(%dma_start3A_95 : memref<128xi32, #tpu.memory_space<hbm>>) target(%arg16 : memref<128xi32, #tpu.memory_space<vmem>>) target_semaphore(%run_scoped3A : memref<!tpu.dma_semaphore, #tpu.memory_space<semaphore_mem>>)
      %dma_wait3A_96 = tpu.memref_slice %arg5[%add3A_13] : memref<320000xi32, #tpu.memory_space<hbm>> -> memref<128xi32, #tpu.memory_space<hbm>>
      %dma_wait3A_97 = tpu.memref_slice %arg5[%add3A_13] : memref<320000xi32, #tpu.memory_space<hbm>> -> memref<128xi32, #tpu.memory_space<hbm>>
      tpu.wait_dma2 semaphore(%run_scoped3A : memref<!tpu.dma_semaphore, #tpu.memory_space<semaphore_mem>>) src(%dma_wait3A_97 : memref<128xi32, #tpu.memory_space<hbm>>) dst(%arg16 : memref<128xi32, #tpu.memory_space<vmem>>)
      tpu.yield
    }) : () -> ()
    %dma_start3A_14 = arith.constant 0 : i32
    %dma_start3A_15 = arith.constant 0 : i32
    %dma_start3A_16 = tpu.memref_slice %arg2[%dma_start3A_14, %dma_start3A_15] : memref<10000x128xf32, #tpu.memory_space<hbm>> -> memref<10000x128xf32, #tpu.memory_space<hbm>>
    tpu.enqueue_indirect_dma source(%dma_start3A_16 : memref<10000x128xf32, #tpu.memory_space<hbm>>) target(%arg15 : memref<128x128xf32, #tpu.memory_space<vmem>>) offsets(%arg14 : memref<128xi32, #tpu.memory_space<vmem>>) semaphore(%arg18 : memref<!tpu.dma_semaphore, #tpu.memory_space<semaphore_mem>>)
    %dma_start3A_17 = arith.constant 0 : i32
    %dma_start3A_18 = arith.constant 0 : i32
    %dma_start3A_19 = tpu.memref_slice %arg3[%dma_start3A_17, %dma_start3A_18] : memref<10000x128xf32, #tpu.memory_space<hbm>> -> memref<10000x128xf32, #tpu.memory_space<hbm>>
    tpu.enqueue_indirect_dma source(%dma_start3A_19 : memref<10000x128xf32, #tpu.memory_space<hbm>>) target(%arg17 : memref<128x128xf32, #tpu.memory_space<vmem>>) offsets(%arg16 : memref<128xi32, #tpu.memory_space<vmem>>) semaphore(%arg19 : memref<!tpu.dma_semaphore, #tpu.memory_space<semaphore_mem>>)
    %add3A_20 = arith.constant 256 : i32
    %add3A_21 = arith.addi %add3A_4, %add3A_20 : i32
    "tpu.region"() ({
      %run_scoped3A = tpu.sem_alloc : memref<!tpu.dma_semaphore, #tpu.memory_space<semaphore_mem>>
      %dma_start3A_94 = tpu.memref_slice %arg4[%add3A_21] : memref<320000xi32, #tpu.memory_space<hbm>> -> memref<128xi32, #tpu.memory_space<hbm>>
      %dma_start3A_95 = tpu.memref_slice %arg4[%add3A_21] : memref<320000xi32, #tpu.memory_space<hbm>> -> memref<128xi32, #tpu.memory_space<hbm>>
      tpu.enqueue_dma source(%dma_start3A_95 : memref<128xi32, #tpu.memory_space<hbm>>) target(%arg21 : memref<128xi32, #tpu.memory_space<vmem>>) target_semaphore(%run_scoped3A : memref<!tpu.dma_semaphore, #tpu.memory_space<semaphore_mem>>)
      %dma_wait3A_96 = tpu.memref_slice %arg4[%add3A_21] : memref<320000xi32, #tpu.memory_space<hbm>> -> memref<128xi32, #tpu.memory_space<hbm>>
      %dma_wait3A_97 = tpu.memref_slice %arg4[%add3A_21] : memref<320000xi32, #tpu.memory_space<hbm>> -> memref<128xi32, #tpu.memory_space<hbm>>
      tpu.wait_dma2 semaphore(%run_scoped3A : memref<!tpu.dma_semaphore, #tpu.memory_space<semaphore_mem>>) src(%dma_wait3A_97 : memref<128xi32, #tpu.memory_space<hbm>>) dst(%arg21 : memref<128xi32, #tpu.memory_space<vmem>>)
      tpu.yield
    }) : () -> ()
    "tpu.region"() ({
      %run_scoped3A = tpu.sem_alloc : memref<!tpu.dma_semaphore, #tpu.memory_space<semaphore_mem>>
      %dma_start3A_94 = tpu.memref_slice %arg5[%add3A_21] : memref<320000xi32, #tpu.memory_space<hbm>> -> memref<128xi32, #tpu.memory_space<hbm>>
      %dma_start3A_95 = tpu.memref_slice %arg5[%add3A_21] : memref<320000xi32, #tpu.memory_space<hbm>> -> memref<128xi32, #tpu.memory_space<hbm>>
      tpu.enqueue_dma source(%dma_start3A_95 : memref<128xi32, #tpu.memory_space<hbm>>) target(%arg23 : memref<128xi32, #tpu.memory_space<vmem>>) target_semaphore(%run_scoped3A : memref<!tpu.dma_semaphore, #tpu.memory_space<semaphore_mem>>)
      %dma_wait3A_96 = tpu.memref_slice %arg5[%add3A_21] : memref<320000xi32, #tpu.memory_space<hbm>> -> memref<128xi32, #tpu.memory_space<hbm>>
      %dma_wait3A_97 = tpu.memref_slice %arg5[%add3A_21] : memref<320000xi32, #tpu.memory_space<hbm>> -> memref<128xi32, #tpu.memory_space<hbm>>
      tpu.wait_dma2 semaphore(%run_scoped3A : memref<!tpu.dma_semaphore, #tpu.memory_space<semaphore_mem>>) src(%dma_wait3A_97 : memref<128xi32, #tpu.memory_space<hbm>>) dst(%arg23 : memref<128xi32, #tpu.memory_space<vmem>>)
      tpu.yield
    }) : () -> ()
    %dma_start3A_22 = arith.constant 0 : i32
    %dma_start3A_23 = arith.constant 0 : i32
    %dma_start3A_24 = tpu.memref_slice %arg2[%dma_start3A_22, %dma_start3A_23] : memref<10000x128xf32, #tpu.memory_space<hbm>> -> memref<10000x128xf32, #tpu.memory_space<hbm>>
    tpu.enqueue_indirect_dma source(%dma_start3A_24 : memref<10000x128xf32, #tpu.memory_space<hbm>>) target(%arg22 : memref<128x128xf32, #tpu.memory_space<vmem>>) offsets(%arg21 : memref<128xi32, #tpu.memory_space<vmem>>) semaphore(%arg25 : memref<!tpu.dma_semaphore, #tpu.memory_space<semaphore_mem>>)
    %dma_start3A_25 = arith.constant 0 : i32
    %dma_start3A_26 = arith.constant 0 : i32
    %dma_start3A_27 = tpu.memref_slice %arg3[%dma_start3A_25, %dma_start3A_26] : memref<10000x128xf32, #tpu.memory_space<hbm>> -> memref<10000x128xf32, #tpu.memory_space<hbm>>
    tpu.enqueue_indirect_dma source(%dma_start3A_27 : memref<10000x128xf32, #tpu.memory_space<hbm>>) target(%arg24 : memref<128x128xf32, #tpu.memory_space<vmem>>) offsets(%arg23 : memref<128xi32, #tpu.memory_space<vmem>>) semaphore(%arg26 : memref<!tpu.dma_semaphore, #tpu.memory_space<semaphore_mem>>)
    %scan3A = arith.constant 0 : i32
    %scan3A_28 = arith.constant 0 : i32
    %scan3A_29 = arith.constant 13 : i32
    %scan3A_30 = arith.addi %scan3A_28, %scan3A_29 : i32
    %scan3A_31 = arith.constant 1 : i32
    %scan3A_32 = scf.for %scan3A_94 = %scan3A_28 to %scan3A_30 step %scan3A_31 iter_args(%scan3A_95 = %scan3A) -> (i32)  : i32 {
      %mul3A_96 = arith.constant 3 : i32
      %mul3A_97 = arith.muli %scan3A_94, %mul3A_96 : i32
      %dma_wait3A_98 = arith.constant 0 : i32
      %dma_wait3A_99 = arith.constant 0 : i32
      %dma_wait3A_100 = tpu.memref_slice %arg2[%dma_wait3A_98, %dma_wait3A_99] : memref<10000x128xf32, #tpu.memory_space<hbm>> -> memref<10000x128xf32, #tpu.memory_space<hbm>>
      tpu.wait_indirect_dma semaphore(%arg11 : memref<!tpu.dma_semaphore, #tpu.memory_space<semaphore_mem>>) src(%dma_wait3A_100 : memref<10000x128xf32, #tpu.memory_space<hbm>>) dst(%arg8 : memref<128x128xf32, #tpu.memory_space<vmem>>)
      %dma_wait3A_101 = arith.constant 0 : i32
      %dma_wait3A_102 = arith.constant 0 : i32
      %dma_wait3A_103 = tpu.memref_slice %arg3[%dma_wait3A_101, %dma_wait3A_102] : memref<10000x128xf32, #tpu.memory_space<hbm>> -> memref<10000x128xf32, #tpu.memory_space<hbm>>
      tpu.wait_indirect_dma semaphore(%arg12 : memref<!tpu.dma_semaphore, #tpu.memory_space<semaphore_mem>>) src(%dma_wait3A_103 : memref<10000x128xf32, #tpu.memory_space<hbm>>) dst(%arg10 : memref<128x128xf32, #tpu.memory_space<vmem>>)
      %scan3A_104 = arith.constant 0 : i32
      %scan3A_105 = arith.constant 0 : i32
      %scan3A_106 = arith.constant 128 : i32
      %scan3A_107 = arith.addi %scan3A_105, %scan3A_106 : i32
      %scan3A_108 = arith.constant 1 : i32
      %scan3A_109 = scf.for %scan3A_167 = %scan3A_105 to %scan3A_107 step %scan3A_108 iter_args(%scan3A_168 = %scan3A_104) -> (i32)  : i32 {
        %get3A = arith.index_cast %scan3A_167 : i32 to index
        %get3A_169 = arith.constant 0 : index
        %get3A_170 = tpu.vector_load %arg10[%get3A, %get3A_169] {strides = array<i32>} : memref<128x128xf32, #tpu.memory_space<vmem>>, vector<1x16xf32>,
        %get3A_171 = vector.shape_cast %get3A_170 : vector<1x16xf32> to vector<16xf32>
        %swap3A = arith.index_cast %scan3A_167 : i32 to index
        %swap3A_172 = arith.constant 0 : index
        %swap3A_173 = tpu.vector_load %arg8[%swap3A, %swap3A_172] {strides = array<i32>} : memref<128x128xf32, #tpu.memory_space<vmem>>, vector<1x16xf32>,
        %swap3A_174 = vector.shape_cast %swap3A_173 : vector<1x16xf32> to vector<16xf32>
        %swap3A_175 = vector.shape_cast %get3A_171 : vector<16xf32> to vector<1x16xf32>
        tpu.vector_store %arg8[%swap3A, %swap3A_172], %swap3A_175 {add = true, strides = array<i32>} : memref<128x128xf32, #tpu.memory_space<vmem>>, vector<1x16xf32>,
        %get3A_176 = arith.index_cast %scan3A_167 : i32 to index
        %get3A_177 = arith.constant 16 : index
        %get3A_178 = tpu.vector_load %arg10[%get3A_176, %get3A_177] {strides = array<i32>} : memref<128x128xf32, #tpu.memory_space<vmem>>, vector<1x16xf32>,
        %get3A_179 = vector.shape_cast %get3A_178 : vector<1x16xf32> to vector<16xf32>
        %swap3A_180 = arith.index_cast %scan3A_167 : i32 to index
        %swap3A_181 = arith.constant 16 : index
        %swap3A_182 = tpu.vector_load %arg8[%swap3A_180, %swap3A_181] {strides = array<i32>} : memref<128x128xf32, #tpu.memory_space<vmem>>, vector<1x16xf32>,
        %swap3A_183 = vector.shape_cast %swap3A_182 : vector<1x16xf32> to vector<16xf32>
        %swap3A_184 = vector.shape_cast %get3A_179 : vector<16xf32> to vector<1x16xf32>
        tpu.vector_store %arg8[%swap3A_180, %swap3A_181], %swap3A_184 {add = true, strides = array<i32>} : memref<128x128xf32, #tpu.memory_space<vmem>>, vector<1x16xf32>,
        %get3A_185 = arith.index_cast %scan3A_167 : i32 to index
        %get3A_186 = arith.constant 32 : index
        %get3A_187 = tpu.vector_load %arg10[%get3A_185, %get3A_186] {strides = array<i32>} : memref<128x128xf32, #tpu.memory_space<vmem>>, vector<1x16xf32>,
        %get3A_188 = vector.shape_cast %get3A_187 : vector<1x16xf32> to vector<16xf32>
        %swap3A_189 = arith.index_cast %scan3A_167 : i32 to index
        %swap3A_190 = arith.constant 32 : index
        %swap3A_191 = tpu.vector_load %arg8[%swap3A_189, %swap3A_190] {strides = array<i32>} : memref<128x128xf32, #tpu.memory_space<vmem>>, vector<1x16xf32>,
        %swap3A_192 = vector.shape_cast %swap3A_191 : vector<1x16xf32> to vector<16xf32>
        %swap3A_193 = vector.shape_cast %get3A_188 : vector<16xf32> to vector<1x16xf32>
        tpu.vector_store %arg8[%swap3A_189, %swap3A_190], %swap3A_193 {add = true, strides = array<i32>} : memref<128x128xf32, #tpu.memory_space<vmem>>, vector<1x16xf32>,
        %get3A_194 = arith.index_cast %scan3A_167 : i32 to index
        %get3A_195 = arith.constant 48 : index
        %get3A_196 = tpu.vector_load %arg10[%get3A_194, %get3A_195] {strides = array<i32>} : memref<128x128xf32, #tpu.memory_space<vmem>>, vector<1x16xf32>,
        %get3A_197 = vector.shape_cast %get3A_196 : vector<1x16xf32> to vector<16xf32>
        %swap3A_198 = arith.index_cast %scan3A_167 : i32 to index
        %swap3A_199 = arith.constant 48 : index
        %swap3A_200 = tpu.vector_load %arg8[%swap3A_198, %swap3A_199] {strides = array<i32>} : memref<128x128xf32, #tpu.memory_space<vmem>>, vector<1x16xf32>,
        %swap3A_201 = vector.shape_cast %swap3A_200 : vector<1x16xf32> to vector<16xf32>
        %swap3A_202 = vector.shape_cast %get3A_197 : vector<16xf32> to vector<1x16xf32>
        tpu.vector_store %arg8[%swap3A_198, %swap3A_199], %swap3A_202 {add = true, strides = array<i32>} : memref<128x128xf32, #tpu.memory_space<vmem>>, vector<1x16xf32>,
        %get3A_203 = arith.index_cast %scan3A_167 : i32 to index
        %get3A_204 = arith.constant 64 : index
        %get3A_205 = tpu.vector_load %arg10[%get3A_203, %get3A_204] {strides = array<i32>} : memref<128x128xf32, #tpu.memory_space<vmem>>, vector<1x16xf32>,
        %get3A_206 = vector.shape_cast %get3A_205 : vector<1x16xf32> to vector<16xf32>
        %swap3A_207 = arith.index_cast %scan3A_167 : i32 to index
        %swap3A_208 = arith.constant 64 : index
        %swap3A_209 = tpu.vector_load %arg8[%swap3A_207, %swap3A_208] {strides = array<i32>} : memref<128x128xf32, #tpu.memory_space<vmem>>, vector<1x16xf32>,
        %swap3A_210 = vector.shape_cast %swap3A_209 : vector<1x16xf32> to vector<16xf32>
        %swap3A_211 = vector.shape_cast %get3A_206 : vector<16xf32> to vector<1x16xf32>
        tpu.vector_store %arg8[%swap3A_207, %swap3A_208], %swap3A_211 {add = true, strides = array<i32>} : memref<128x128xf32, #tpu.memory_space<vmem>>, vector<1x16xf32>,
        %get3A_212 = arith.index_cast %scan3A_167 : i32 to index
        %get3A_213 = arith.constant 80 : index
        %get3A_214 = tpu.vector_load %arg10[%get3A_212, %get3A_213] {strides = array<i32>} : memref<128x128xf32, #tpu.memory_space<vmem>>, vector<1x16xf32>,
        %get3A_215 = vector.shape_cast %get3A_214 : vector<1x16xf32> to vector<16xf32>
        %swap3A_216 = arith.index_cast %scan3A_167 : i32 to index
        %swap3A_217 = arith.constant 80 : index
        %swap3A_218 = tpu.vector_load %arg8[%swap3A_216, %swap3A_217] {strides = array<i32>} : memref<128x128xf32, #tpu.memory_space<vmem>>, vector<1x16xf32>,
        %swap3A_219 = vector.shape_cast %swap3A_218 : vector<1x16xf32> to vector<16xf32>
        %swap3A_220 = vector.shape_cast %get3A_215 : vector<16xf32> to vector<1x16xf32>
        tpu.vector_store %arg8[%swap3A_216, %swap3A_217], %swap3A_220 {add = true, strides = array<i32>} : memref<128x128xf32, #tpu.memory_space<vmem>>, vector<1x16xf32>,
        %get3A_221 = arith.index_cast %scan3A_167 : i32 to index
        %get3A_222 = arith.constant 96 : index
        %get3A_223 = tpu.vector_load %arg10[%get3A_221, %get3A_222] {strides = array<i32>} : memref<128x128xf32, #tpu.memory_space<vmem>>, vector<1x16xf32>,
        %get3A_224 = vector.shape_cast %get3A_223 : vector<1x16xf32> to vector<16xf32>
        %swap3A_225 = arith.index_cast %scan3A_167 : i32 to index
        %swap3A_226 = arith.constant 96 : index
        %swap3A_227 = tpu.vector_load %arg8[%swap3A_225, %swap3A_226] {strides = array<i32>} : memref<128x128xf32, #tpu.memory_space<vmem>>, vector<1x16xf32>,
        %swap3A_228 = vector.shape_cast %swap3A_227 : vector<1x16xf32> to vector<16xf32>
        %swap3A_229 = vector.shape_cast %get3A_224 : vector<16xf32> to vector<1x16xf32>
        tpu.vector_store %arg8[%swap3A_225, %swap3A_226], %swap3A_229 {add = true, strides = array<i32>} : memref<128x128xf32, #tpu.memory_space<vmem>>, vector<1x16xf32>,
        %get3A_230 = arith.index_cast %scan3A_167 : i32 to index
        %get3A_231 = arith.constant 112 : index
        %get3A_232 = tpu.vector_load %arg10[%get3A_230, %get3A_231] {strides = array<i32>} : memref<128x128xf32, #tpu.memory_space<vmem>>, vector<1x16xf32>,
        %get3A_233 = vector.shape_cast %get3A_232 : vector<1x16xf32> to vector<16xf32>
        %swap3A_234 = arith.index_cast %scan3A_167 : i32 to index
        %swap3A_235 = arith.constant 112 : index
        %swap3A_236 = tpu.vector_load %arg8[%swap3A_234, %swap3A_235] {strides = array<i32>} : memref<128x128xf32, #tpu.memory_space<vmem>>, vector<1x16xf32>,
        %swap3A_237 = vector.shape_cast %swap3A_236 : vector<1x16xf32> to vector<16xf32>
        %swap3A_238 = vector.shape_cast %get3A_233 : vector<16xf32> to vector<1x16xf32>
        tpu.vector_store %arg8[%swap3A_234, %swap3A_235], %swap3A_238 {add = true, strides = array<i32>} : memref<128x128xf32, #tpu.memory_space<vmem>>, vector<1x16xf32>,
        %scan3A_239 = arith.constant 0 : i32
        scf.yield %scan3A_239 : i32
      }
      %scan3A_110 = arith.constant 128 : i32
      %add3A_111 = arith.constant 0 : i32
      %add3A_112 = arith.addi %mul3A_97, %add3A_111 : i32
      %mul3A_113 = arith.constant 128 : i32
      %mul3A_114 = arith.muli %add3A_112, %mul3A_113 : i32
      %add3A_115 = arith.addi %mul3A_2, %mul3A_114 : i32
      %dma_start3A_116 = arith.constant 0 : i32
      %dma_start3A_117 = tpu.memref_slice %arg6[%add3A_115, %dma_start3A_116] : memref<160000x128xf32, #tpu.memory_space<hbm>> -> memref<128x128xf32, #tpu.memory_space<hbm>>
      %dma_start3A_118 = arith.constant 0 : i32
      %dma_start3A_119 = tpu.memref_slice %arg6[%add3A_115, %dma_start3A_118] : memref<160000x128xf32, #tpu.memory_space<hbm>> -> memref<128x128xf32, #tpu.memory_space<hbm>>
      tpu.enqueue_dma source(%arg8 : memref<128x128xf32, #tpu.memory_space<vmem>>) target(%dma_start3A_119 : memref<128x128xf32, #tpu.memory_space<hbm>>) target_semaphore(%arg13 : memref<!tpu.dma_semaphore, #tpu.memory_space<semaphore_mem>>)
      %dma_wait3A_120 = arith.constant 0 : i32
      %dma_wait3A_121 = arith.constant 0 : i32
      %dma_wait3A_122 = tpu.memref_slice %arg2[%dma_wait3A_120, %dma_wait3A_121] : memref<10000x128xf32, #tpu.memory_space<hbm>> -> memref<10000x128xf32, #tpu.memory_space<hbm>>
      tpu.wait_indirect_dma semaphore(%arg18 : memref<!tpu.dma_semaphore, #tpu.memory_space<semaphore_mem>>) src(%dma_wait3A_122 : memref<10000x128xf32, #tpu.memory_space<hbm>>) dst(%arg15 : memref<128x128xf32, #tpu.memory_space<vmem>>)
      %dma_wait3A_123 = arith.constant 0 : i32
      %dma_wait3A_124 = arith.constant 0 : i32
      %dma_wait3A_125 = tpu.memref_slice %arg3[%dma_wait3A_123, %dma_wait3A_124] : memref<10000x128xf32, #tpu.memory_space<hbm>> -> memref<10000x128xf32, #tpu.memory_space<hbm>>
      tpu.wait_indirect_dma semaphore(%arg19 : memref<!tpu.dma_semaphore, #tpu.memory_space<semaphore_mem>>) src(%dma_wait3A_125 : memref<10000x128xf32, #tpu.memory_space<hbm>>) dst(%arg17 : memref<128x128xf32, #tpu.memory_space<vmem>>)
      %scan3A_126 = arith.constant 0 : i32
      %scan3A_127 = arith.constant 0 : i32
      %scan3A_128 = arith.constant 128 : i32
      %scan3A_129 = arith.addi %scan3A_127, %scan3A_128 : i32
      %scan3A_130 = arith.constant 1 : i32
      %scan3A_131 = scf.for %scan3A_167 = %scan3A_127 to %scan3A_129 step %scan3A_130 iter_args(%scan3A_168 = %scan3A_126) -> (i32)  : i32 {
        %get3A = arith.index_cast %scan3A_167 : i32 to index
        %get3A_169 = arith.constant 0 : index
        %get3A_170 = tpu.vector_load %arg17[%get3A, %get3A_169] {strides = array<i32>} : memref<128x128xf32, #tpu.memory_space<vmem>>, vector<1x16xf32>,
        %get3A_171 = vector.shape_cast %get3A_170 : vector<1x16xf32> to vector<16xf32>
        %swap3A = arith.index_cast %scan3A_167 : i32 to index
        %swap3A_172 = arith.constant 0 : index
        %swap3A_173 = tpu.vector_load %arg15[%swap3A, %swap3A_172] {strides = array<i32>} : memref<128x128xf32, #tpu.memory_space<vmem>>, vector<1x16xf32>,
        %swap3A_174 = vector.shape_cast %swap3A_173 : vector<1x16xf32> to vector<16xf32>
        %swap3A_175 = vector.shape_cast %get3A_171 : vector<16xf32> to vector<1x16xf32>
        tpu.vector_store %arg15[%swap3A, %swap3A_172], %swap3A_175 {add = true, strides = array<i32>} : memref<128x128xf32, #tpu.memory_space<vmem>>, vector<1x16xf32>,
        %get3A_176 = arith.index_cast %scan3A_167 : i32 to index
        %get3A_177 = arith.constant 16 : index
        %get3A_178 = tpu.vector_load %arg17[%get3A_176, %get3A_177] {strides = array<i32>} : memref<128x128xf32, #tpu.memory_space<vmem>>, vector<1x16xf32>,
        %get3A_179 = vector.shape_cast %get3A_178 : vector<1x16xf32> to vector<16xf32>
        %swap3A_180 = arith.index_cast %scan3A_167 : i32 to index
        %swap3A_181 = arith.constant 16 : index
        %swap3A_182 = tpu.vector_load %arg15[%swap3A_180, %swap3A_181] {strides = array<i32>} : memref<128x128xf32, #tpu.memory_space<vmem>>, vector<1x16xf32>,
        %swap3A_183 = vector.shape_cast %swap3A_182 : vector<1x16xf32> to vector<16xf32>
        %swap3A_184 = vector.shape_cast %get3A_179 : vector<16xf32> to vector<1x16xf32>
        tpu.vector_store %arg15[%swap3A_180, %swap3A_181], %swap3A_184 {add = true, strides = array<i32>} : memref<128x128xf32, #tpu.memory_space<vmem>>, vector<1x16xf32>,
        %get3A_185 = arith.index_cast %scan3A_167 : i32 to index
        %get3A_186 = arith.constant 32 : index
        %get3A_187 = tpu.vector_load %arg17[%get3A_185, %get3A_186] {strides = array<i32>} : memref<128x128xf32, #tpu.memory_space<vmem>>, vector<1x16xf32>,
        %get3A_188 = vector.shape_cast %get3A_187 : vector<1x16xf32> to vector<16xf32>
        %swap3A_189 = arith.index_cast %scan3A_167 : i32 to index
        %swap3A_190 = arith.constant 32 : index
        %swap3A_191 = tpu.vector_load %arg15[%swap3A_189, %swap3A_190] {strides = array<i32>} : memref<128x128xf32, #tpu.memory_space<vmem>>, vector<1x16xf32>,
        %swap3A_192 = vector.shape_cast %swap3A_191 : vector<1x16xf32> to vector<16xf32>
        %swap3A_193 = vector.shape_cast %get3A_188 : vector<16xf32> to vector<1x16xf32>
        tpu.vector_store %arg15[%swap3A_189, %swap3A_190], %swap3A_193 {add = true, strides = array<i32>} : memref<128x128xf32, #tpu.memory_space<vmem>>, vector<1x16xf32>,
        %get3A_194 = arith.index_cast %scan3A_167 : i32 to index
        %get3A_195 = arith.constant 48 : index
        %get3A_196 = tpu.vector_load %arg17[%get3A_194, %get3A_195] {strides = array<i32>} : memref<128x128xf32, #tpu.memory_space<vmem>>, vector<1x16xf32>,
        %get3A_197 = vector.shape_cast %get3A_196 : vector<1x16xf32> to vector<16xf32>
        %swap3A_198 = arith.index_cast %scan3A_167 : i32 to index
        %swap3A_199 = arith.constant 48 : index
        %swap3A_200 = tpu.vector_load %arg15[%swap3A_198, %swap3A_199] {strides = array<i32>} : memref<128x128xf32, #tpu.memory_space<vmem>>, vector<1x16xf32>,
        %swap3A_201 = vector.shape_cast %swap3A_200 : vector<1x16xf32> to vector<16xf32>
        %swap3A_202 = vector.shape_cast %get3A_197 : vector<16xf32> to vector<1x16xf32>
        tpu.vector_store %arg15[%swap3A_198, %swap3A_199], %swap3A_202 {add = true, strides = array<i32>} : memref<128x128xf32, #tpu.memory_space<vmem>>, vector<1x16xf32>,
        %get3A_203 = arith.index_cast %scan3A_167 : i32 to index
        %get3A_204 = arith.constant 64 : index
        %get3A_205 = tpu.vector_load %arg17[%get3A_203, %get3A_204] {strides = array<i32>} : memref<128x128xf32, #tpu.memory_space<vmem>>, vector<1x16xf32>,
        %get3A_206 = vector.shape_cast %get3A_205 : vector<1x16xf32> to vector<16xf32>
        %swap3A_207 = arith.index_cast %scan3A_167 : i32 to index
        %swap3A_208 = arith.constant 64 : index
        %swap3A_209 = tpu.vector_load %arg15[%swap3A_207, %swap3A_208] {strides = array<i32>} : memref<128x128xf32, #tpu.memory_space<vmem>>, vector<1x16xf32>,
        %swap3A_210 = vector.shape_cast %swap3A_209 : vector<1x16xf32> to vector<16xf32>
        %swap3A_211 = vector.shape_cast %get3A_206 : vector<16xf32> to vector<1x16xf32>
        tpu.vector_store %arg15[%swap3A_207, %swap3A_208], %swap3A_211 {add = true, strides = array<i32>} : memref<128x128xf32, #tpu.memory_space<vmem>>, vector<1x16xf32>,
        %get3A_212 = arith.index_cast %scan3A_167 : i32 to index
        %get3A_213 = arith.constant 80 : index
        %get3A_214 = tpu.vector_load %arg17[%get3A_212, %get3A_213] {strides = array<i32>} : memref<128x128xf32, #tpu.memory_space<vmem>>, vector<1x16xf32>,
        %get3A_215 = vector.shape_cast %get3A_214 : vector<1x16xf32> to vector<16xf32>
        %swap3A_216 = arith.index_cast %scan3A_167 : i32 to index
        %swap3A_217 = arith.constant 80 : index
        %swap3A_218 = tpu.vector_load %arg15[%swap3A_216, %swap3A_217] {strides = array<i32>} : memref<128x128xf32, #tpu.memory_space<vmem>>, vector<1x16xf32>,
        %swap3A_219 = vector.shape_cast %swap3A_218 : vector<1x16xf32> to vector<16xf32>
        %swap3A_220 = vector.shape_cast %get3A_215 : vector<16xf32> to vector<1x16xf32>
        tpu.vector_store %arg15[%swap3A_216, %swap3A_217], %swap3A_220 {add = true, strides = array<i32>} : memref<128x128xf32, #tpu.memory_space<vmem>>, vector<1x16xf32>,
        %get3A_221 = arith.index_cast %scan3A_167 : i32 to index
        %get3A_222 = arith.constant 96 : index
        %get3A_223 = tpu.vector_load %arg17[%get3A_221, %get3A_222] {strides = array<i32>} : memref<128x128xf32, #tpu.memory_space<vmem>>, vector<1x16xf32>,
        %get3A_224 = vector.shape_cast %get3A_223 : vector<1x16xf32> to vector<16xf32>
        %swap3A_225 = arith.index_cast %scan3A_167 : i32 to index
        %swap3A_226 = arith.constant 96 : index
        %swap3A_227 = tpu.vector_load %arg15[%swap3A_225, %swap3A_226] {strides = array<i32>} : memref<128x128xf32, #tpu.memory_space<vmem>>, vector<1x16xf32>,
        %swap3A_228 = vector.shape_cast %swap3A_227 : vector<1x16xf32> to vector<16xf32>
        %swap3A_229 = vector.shape_cast %get3A_224 : vector<16xf32> to vector<1x16xf32>
        tpu.vector_store %arg15[%swap3A_225, %swap3A_226], %swap3A_229 {add = true, strides = array<i32>} : memref<128x128xf32, #tpu.memory_space<vmem>>, vector<1x16xf32>,
        %get3A_230 = arith.index_cast %scan3A_167 : i32 to index
        %get3A_231 = arith.constant 112 : index
        %get3A_232 = tpu.vector_load %arg17[%get3A_230, %get3A_231] {strides = array<i32>} : memref<128x128xf32, #tpu.memory_space<vmem>>, vector<1x16xf32>,
        %get3A_233 = vector.shape_cast %get3A_232 : vector<1x16xf32> to vector<16xf32>
        %swap3A_234 = arith.index_cast %scan3A_167 : i32 to index
        %swap3A_235 = arith.constant 112 : index
        %swap3A_236 = tpu.vector_load %arg15[%swap3A_234, %swap3A_235] {strides = array<i32>} : memref<128x128xf32, #tpu.memory_space<vmem>>, vector<1x16xf32>,
        %swap3A_237 = vector.shape_cast %swap3A_236 : vector<1x16xf32> to vector<16xf32>
        %swap3A_238 = vector.shape_cast %get3A_233 : vector<16xf32> to vector<1x16xf32>
        tpu.vector_store %arg15[%swap3A_234, %swap3A_235], %swap3A_238 {add = true, strides = array<i32>} : memref<128x128xf32, #tpu.memory_space<vmem>>, vector<1x16xf32>,
        %scan3A_239 = arith.constant 0 : i32
        scf.yield %scan3A_239 : i32
      }
      %scan3A_132 = arith.constant 128 : i32
      %add3A_133 = arith.constant 1 : i32
      %add3A_134 = arith.addi %mul3A_97, %add3A_133 : i32
      %mul3A_135 = arith.constant 128 : i32
      %mul3A_136 = arith.muli %add3A_134, %mul3A_135 : i32
      %add3A_137 = arith.addi %mul3A_2, %mul3A_136 : i32
      %dma_start3A_138 = arith.constant 0 : i32
      %dma_start3A_139 = tpu.memref_slice %arg6[%add3A_137, %dma_start3A_138] : memref<160000x128xf32, #tpu.memory_space<hbm>> -> memref<128x128xf32, #tpu.memory_space<hbm>>
      %dma_start3A_140 = arith.constant 0 : i32
      %dma_start3A_141 = tpu.memref_slice %arg6[%add3A_137, %dma_start3A_140] : memref<160000x128xf32, #tpu.memory_space<hbm>> -> memref<128x128xf32, #tpu.memory_space<hbm>>
      tpu.enqueue_dma source(%arg15 : memref<128x128xf32, #tpu.memory_space<vmem>>) target(%dma_start3A_141 : memref<128x128xf32, #tpu.memory_space<hbm>>) target_semaphore(%arg20 : memref<!tpu.dma_semaphore, #tpu.memory_space<semaphore_mem>>)
      %dma_wait3A_142 = arith.constant 0 : i32
      %dma_wait3A_143 = arith.constant 0 : i32
      %dma_wait3A_144 = tpu.memref_slice %arg2[%dma_wait3A_142, %dma_wait3A_143] : memref<10000x128xf32, #tpu.memory_space<hbm>> -> memref<10000x128xf32, #tpu.memory_space<hbm>>
      tpu.wait_indirect_dma semaphore(%arg25 : memref<!tpu.dma_semaphore, #tpu.memory_space<semaphore_mem>>) src(%dma_wait3A_144 : memref<10000x128xf32, #tpu.memory_space<hbm>>) dst(%arg22 : memref<128x128xf32, #tpu.memory_space<vmem>>)
      %dma_wait3A_145 = arith.constant 0 : i32
      %dma_wait3A_146 = arith.constant 0 : i32
      %dma_wait3A_147 = tpu.memref_slice %arg3[%dma_wait3A_145, %dma_wait3A_146] : memref<10000x128xf32, #tpu.memory_space<hbm>> -> memref<10000x128xf32, #tpu.memory_space<hbm>>
      tpu.wait_indirect_dma semaphore(%arg26 : memref<!tpu.dma_semaphore, #tpu.memory_space<semaphore_mem>>) src(%dma_wait3A_147 : memref<10000x128xf32, #tpu.memory_space<hbm>>) dst(%arg24 : memref<128x128xf32, #tpu.memory_space<vmem>>)
      %scan3A_148 = arith.constant 0 : i32
      %scan3A_149 = arith.constant 0 : i32
      %scan3A_150 = arith.constant 128 : i32
      %scan3A_151 = arith.addi %scan3A_149, %scan3A_150 : i32
      %scan3A_152 = arith.constant 1 : i32
      %scan3A_153 = scf.for %scan3A_167 = %scan3A_149 to %scan3A_151 step %scan3A_152 iter_args(%scan3A_168 = %scan3A_148) -> (i32)  : i32 {
        %get3A = arith.index_cast %scan3A_167 : i32 to index
        %get3A_169 = arith.constant 0 : index
        %get3A_170 = tpu.vector_load %arg24[%get3A, %get3A_169] {strides = array<i32>} : memref<128x128xf32, #tpu.memory_space<vmem>>, vector<1x16xf32>,
        %get3A_171 = vector.shape_cast %get3A_170 : vector<1x16xf32> to vector<16xf32>
        %swap3A = arith.index_cast %scan3A_167 : i32 to index
        %swap3A_172 = arith.constant 0 : index
        %swap3A_173 = tpu.vector_load %arg22[%swap3A, %swap3A_172] {strides = array<i32>} : memref<128x128xf32, #tpu.memory_space<vmem>>, vector<1x16xf32>,
        %swap3A_174 = vector.shape_cast %swap3A_173 : vector<1x16xf32> to vector<16xf32>
        %swap3A_175 = vector.shape_cast %get3A_171 : vector<16xf32> to vector<1x16xf32>
        tpu.vector_store %arg22[%swap3A, %swap3A_172], %swap3A_175 {add = true, strides = array<i32>} : memref<128x128xf32, #tpu.memory_space<vmem>>, vector<1x16xf32>,
        %get3A_176 = arith.index_cast %scan3A_167 : i32 to index
        %get3A_177 = arith.constant 16 : index
        %get3A_178 = tpu.vector_load %arg24[%get3A_176, %get3A_177] {strides = array<i32>} : memref<128x128xf32, #tpu.memory_space<vmem>>, vector<1x16xf32>,
        %get3A_179 = vector.shape_cast %get3A_178 : vector<1x16xf32> to vector<16xf32>
        %swap3A_180 = arith.index_cast %scan3A_167 : i32 to index
        %swap3A_181 = arith.constant 16 : index
        %swap3A_182 = tpu.vector_load %arg22[%swap3A_180, %swap3A_181] {strides = array<i32>} : memref<128x128xf32, #tpu.memory_space<vmem>>, vector<1x16xf32>,
        %swap3A_183 = vector.shape_cast %swap3A_182 : vector<1x16xf32> to vector<16xf32>
        %swap3A_184 = vector.shape_cast %get3A_179 : vector<16xf32> to vector<1x16xf32>
        tpu.vector_store %arg22[%swap3A_180, %swap3A_181], %swap3A_184 {add = true, strides = array<i32>} : memref<128x128xf32, #tpu.memory_space<vmem>>, vector<1x16xf32>,
        %get3A_185 = arith.index_cast %scan3A_167 : i32 to index
        %get3A_186 = arith.constant 32 : index
        %get3A_187 = tpu.vector_load %arg24[%get3A_185, %get3A_186] {strides = array<i32>} : memref<128x128xf32, #tpu.memory_space<vmem>>, vector<1x16xf32>,
        %get3A_188 = vector.shape_cast %get3A_187 : vector<1x16xf32> to vector<16xf32>
        %swap3A_189 = arith.index_cast %scan3A_167 : i32 to index
        %swap3A_190 = arith.constant 32 : index
        %swap3A_191 = tpu.vector_load %arg22[%swap3A_189, %swap3A_190] {strides = array<i32>} : memref<128x128xf32, #tpu.memory_space<vmem>>, vector<1x16xf32>,
        %swap3A_192 = vector.shape_cast %swap3A_191 : vector<1x16xf32> to vector<16xf32>
        %swap3A_193 = vector.shape_cast %get3A_188 : vector<16xf32> to vector<1x16xf32>
        tpu.vector_store %arg22[%swap3A_189, %swap3A_190], %swap3A_193 {add = true, strides = array<i32>} : memref<128x128xf32, #tpu.memory_space<vmem>>, vector<1x16xf32>,
        %get3A_194 = arith.index_cast %scan3A_167 : i32 to index
        %get3A_195 = arith.constant 48 : index
        %get3A_196 = tpu.vector_load %arg24[%get3A_194, %get3A_195] {strides = array<i32>} : memref<128x128xf32, #tpu.memory_space<vmem>>, vector<1x16xf32>,
        %get3A_197 = vector.shape_cast %get3A_196 : vector<1x16xf32> to vector<16xf32>
        %swap3A_198 = arith.index_cast %scan3A_167 : i32 to index
        %swap3A_199 = arith.constant 48 : index
        %swap3A_200 = tpu.vector_load %arg22[%swap3A_198, %swap3A_199] {strides = array<i32>} : memref<128x128xf32, #tpu.memory_space<vmem>>, vector<1x16xf32>,
        %swap3A_201 = vector.shape_cast %swap3A_200 : vector<1x16xf32> to vector<16xf32>
        %swap3A_202 = vector.shape_cast %get3A_197 : vector<16xf32> to vector<1x16xf32>
        tpu.vector_store %arg22[%swap3A_198, %swap3A_199], %swap3A_202 {add = true, strides = array<i32>} : memref<128x128xf32, #tpu.memory_space<vmem>>, vector<1x16xf32>,
        %get3A_203 = arith.index_cast %scan3A_167 : i32 to index
        %get3A_204 = arith.constant 64 : index
        %get3A_205 = tpu.vector_load %arg24[%get3A_203, %get3A_204] {strides = array<i32>} : memref<128x128xf32, #tpu.memory_space<vmem>>, vector<1x16xf32>,
        %get3A_206 = vector.shape_cast %get3A_205 : vector<1x16xf32> to vector<16xf32>
        %swap3A_207 = arith.index_cast %scan3A_167 : i32 to index
        %swap3A_208 = arith.constant 64 : index
        %swap3A_209 = tpu.vector_load %arg22[%swap3A_207, %swap3A_208] {strides = array<i32>} : memref<128x128xf32, #tpu.memory_space<vmem>>, vector<1x16xf32>,
        %swap3A_210 = vector.shape_cast %swap3A_209 : vector<1x16xf32> to vector<16xf32>
        %swap3A_211 = vector.shape_cast %get3A_206 : vector<16xf32> to vector<1x16xf32>
        tpu.vector_store %arg22[%swap3A_207, %swap3A_208], %swap3A_211 {add = true, strides = array<i32>} : memref<128x128xf32, #tpu.memory_space<vmem>>, vector<1x16xf32>,
        %get3A_212 = arith.index_cast %scan3A_167 : i32 to index
        %get3A_213 = arith.constant 80 : index
        %get3A_214 = tpu.vector_load %arg24[%get3A_212, %get3A_213] {strides = array<i32>} : memref<128x128xf32, #tpu.memory_space<vmem>>, vector<1x16xf32>,
        %get3A_215 = vector.shape_cast %get3A_214 : vector<1x16xf32> to vector<16xf32>
        %swap3A_216 = arith.index_cast %scan3A_167 : i32 to index
        %swap3A_217 = arith.constant 80 : index
        %swap3A_218 = tpu.vector_load %arg22[%swap3A_216, %swap3A_217] {strides = array<i32>} : memref<128x128xf32, #tpu.memory_space<vmem>>, vector<1x16xf32>,
        %swap3A_219 = vector.shape_cast %swap3A_218 : vector<1x16xf32> to vector<16xf32>
        %swap3A_220 = vector.shape_cast %get3A_215 : vector<16xf32> to vector<1x16xf32>
        tpu.vector_store %arg22[%swap3A_216, %swap3A_217], %swap3A_220 {add = true, strides = array<i32>} : memref<128x128xf32, #tpu.memory_space<vmem>>, vector<1x16xf32>,
        %get3A_221 = arith.index_cast %scan3A_167 : i32 to index
        %get3A_222 = arith.constant 96 : index
        %get3A_223 = tpu.vector_load %arg24[%get3A_221, %get3A_222] {strides = array<i32>} : memref<128x128xf32, #tpu.memory_space<vmem>>, vector<1x16xf32>,
        %get3A_224 = vector.shape_cast %get3A_223 : vector<1x16xf32> to vector<16xf32>
        %swap3A_225 = arith.index_cast %scan3A_167 : i32 to index
        %swap3A_226 = arith.constant 96 : index
        %swap3A_227 = tpu.vector_load %arg22[%swap3A_225, %swap3A_226] {strides = array<i32>} : memref<128x128xf32, #tpu.memory_space<vmem>>, vector<1x16xf32>,
        %swap3A_228 = vector.shape_cast %swap3A_227 : vector<1x16xf32> to vector<16xf32>
        %swap3A_229 = vector.shape_cast %get3A_224 : vector<16xf32> to vector<1x16xf32>
        tpu.vector_store %arg22[%swap3A_225, %swap3A_226], %swap3A_229 {add = true, strides = array<i32>} : memref<128x128xf32, #tpu.memory_space<vmem>>, vector<1x16xf32>,
        %get3A_230 = arith.index_cast %scan3A_167 : i32 to index
        %get3A_231 = arith.constant 112 : index
        %get3A_232 = tpu.vector_load %arg24[%get3A_230, %get3A_231] {strides = array<i32>} : memref<128x128xf32, #tpu.memory_space<vmem>>, vector<1x16xf32>,
        %get3A_233 = vector.shape_cast %get3A_232 : vector<1x16xf32> to vector<16xf32>
        %swap3A_234 = arith.index_cast %scan3A_167 : i32 to index
        %swap3A_235 = arith.constant 112 : index
        %swap3A_236 = tpu.vector_load %arg22[%swap3A_234, %swap3A_235] {strides = array<i32>} : memref<128x128xf32, #tpu.memory_space<vmem>>, vector<1x16xf32>,
        %swap3A_237 = vector.shape_cast %swap3A_236 : vector<1x16xf32> to vector<16xf32>
        %swap3A_238 = vector.shape_cast %get3A_233 : vector<16xf32> to vector<1x16xf32>
        tpu.vector_store %arg22[%swap3A_234, %swap3A_235], %swap3A_238 {add = true, strides = array<i32>} : memref<128x128xf32, #tpu.memory_space<vmem>>, vector<1x16xf32>,
        %scan3A_239 = arith.constant 0 : i32
        scf.yield %scan3A_239 : i32
      }
      %scan3A_154 = arith.constant 128 : i32
      %add3A_155 = arith.constant 2 : i32
      %add3A_156 = arith.addi %mul3A_97, %add3A_155 : i32
      %mul3A_157 = arith.constant 128 : i32
      %mul3A_158 = arith.muli %add3A_156, %mul3A_157 : i32
      %add3A_159 = arith.addi %mul3A_2, %mul3A_158 : i32
      %dma_start3A_160 = arith.constant 0 : i32
      %dma_start3A_161 = tpu.memref_slice %arg6[%add3A_159, %dma_start3A_160] : memref<160000x128xf32, #tpu.memory_space<hbm>> -> memref<128x128xf32, #tpu.memory_space<hbm>>
      %dma_start3A_162 = arith.constant 0 : i32
      %dma_start3A_163 = tpu.memref_slice %arg6[%add3A_159, %dma_start3A_162] : memref<160000x128xf32, #tpu.memory_space<hbm>> -> memref<128x128xf32, #tpu.memory_space<hbm>>
      tpu.enqueue_dma source(%arg22 : memref<128x128xf32, #tpu.memory_space<vmem>>) target(%dma_start3A_163 : memref<128x128xf32, #tpu.memory_space<hbm>>) target_semaphore(%arg27 : memref<!tpu.dma_semaphore, #tpu.memory_space<semaphore_mem>>)
      %lt3A = arith.constant 12 : i32
      %lt3A_164 = arith.cmpi slt, %scan3A_94, %lt3A : i32
      %convert_element_type3A = arith.extui %lt3A_164 : i1 to i32
      %cond3A = arith.constant 0 : i32
      %cond3A_165 = arith.cmpi ne, %convert_element_type3A, %cond3A : i32
      scf.if %cond3A_165 {
        %add3A_167 = arith.constant 0 : i32
        %add3A_168 = arith.addi %mul3A_97, %add3A_167 : i32
        %mul3A_169 = arith.constant 128 : i32
        %mul3A_170 = arith.muli %add3A_168, %mul3A_169 : i32
        %add3A_171 = arith.addi %mul3A_2, %mul3A_170 : i32
        %dma_wait3A_172 = arith.constant 0 : i32
        %dma_wait3A_173 = tpu.memref_slice %arg6[%add3A_171, %dma_wait3A_172] : memref<160000x128xf32, #tpu.memory_space<hbm>> -> memref<128x128xf32, #tpu.memory_space<hbm>>
        %dma_wait3A_174 = arith.constant 0 : i32
        %dma_wait3A_175 = tpu.memref_slice %arg6[%add3A_171, %dma_wait3A_174] : memref<160000x128xf32, #tpu.memory_space<hbm>> -> memref<128x128xf32, #tpu.memory_space<hbm>>
        tpu.wait_dma2 semaphore(%arg13 : memref<!tpu.dma_semaphore, #tpu.memory_space<semaphore_mem>>) src(%arg8 : memref<128x128xf32, #tpu.memory_space<vmem>>) dst(%dma_wait3A_175 : memref<128x128xf32, #tpu.memory_space<hbm>>)
        %add3A_176 = arith.constant 3 : i32
        %add3A_177 = arith.addi %mul3A_97, %add3A_176 : i32
        %add3A_178 = arith.constant 0 : i32
        %add3A_179 = arith.addi %add3A_177, %add3A_178 : i32
        %mul3A_180 = arith.constant 128 : i32
        %mul3A_181 = arith.muli %add3A_179, %mul3A_180 : i32
        %add3A_182 = arith.addi %add3A_4, %mul3A_181 : i32
        "tpu.region"() ({
          %run_scoped3A = tpu.sem_alloc : memref<!tpu.dma_semaphore, #tpu.memory_space<semaphore_mem>>
          %dma_start3A_233 = tpu.memref_slice %arg4[%add3A_182] : memref<320000xi32, #tpu.memory_space<hbm>> -> memref<128xi32, #tpu.memory_space<hbm>>
          %dma_start3A_234 = tpu.memref_slice %arg4[%add3A_182] : memref<320000xi32, #tpu.memory_space<hbm>> -> memref<128xi32, #tpu.memory_space<hbm>>
          tpu.enqueue_dma source(%dma_start3A_234 : memref<128xi32, #tpu.memory_space<hbm>>) target(%arg7 : memref<128xi32, #tpu.memory_space<vmem>>) target_semaphore(%run_scoped3A : memref<!tpu.dma_semaphore, #tpu.memory_space<semaphore_mem>>)
          %dma_wait3A_235 = tpu.memref_slice %arg4[%add3A_182] : memref<320000xi32, #tpu.memory_space<hbm>> -> memref<128xi32, #tpu.memory_space<hbm>>
          %dma_wait3A_236 = tpu.memref_slice %arg4[%add3A_182] : memref<320000xi32, #tpu.memory_space<hbm>> -> memref<128xi32, #tpu.memory_space<hbm>>
          tpu.wait_dma2 semaphore(%run_scoped3A : memref<!tpu.dma_semaphore, #tpu.memory_space<semaphore_mem>>) src(%dma_wait3A_236 : memref<128xi32, #tpu.memory_space<hbm>>) dst(%arg7 : memref<128xi32, #tpu.memory_space<vmem>>)
          tpu.yield
        }) : () -> ()
        "tpu.region"() ({
          %run_scoped3A = tpu.sem_alloc : memref<!tpu.dma_semaphore, #tpu.memory_space<semaphore_mem>>
          %dma_start3A_233 = tpu.memref_slice %arg5[%add3A_182] : memref<320000xi32, #tpu.memory_space<hbm>> -> memref<128xi32, #tpu.memory_space<hbm>>
          %dma_start3A_234 = tpu.memref_slice %arg5[%add3A_182] : memref<320000xi32, #tpu.memory_space<hbm>> -> memref<128xi32, #tpu.memory_space<hbm>>
          tpu.enqueue_dma source(%dma_start3A_234 : memref<128xi32, #tpu.memory_space<hbm>>) target(%arg9 : memref<128xi32, #tpu.memory_space<vmem>>) target_semaphore(%run_scoped3A : memref<!tpu.dma_semaphore, #tpu.memory_space<semaphore_mem>>)
          %dma_wait3A_235 = tpu.memref_slice %arg5[%add3A_182] : memref<320000xi32, #tpu.memory_space<hbm>> -> memref<128xi32, #tpu.memory_space<hbm>>
          %dma_wait3A_236 = tpu.memref_slice %arg5[%add3A_182] : memref<320000xi32, #tpu.memory_space<hbm>> -> memref<128xi32, #tpu.memory_space<hbm>>
          tpu.wait_dma2 semaphore(%run_scoped3A : memref<!tpu.dma_semaphore, #tpu.memory_space<semaphore_mem>>) src(%dma_wait3A_236 : memref<128xi32, #tpu.memory_space<hbm>>) dst(%arg9 : memref<128xi32, #tpu.memory_space<vmem>>)
          tpu.yield
        }) : () -> ()
        %dma_start3A_183 = arith.constant 0 : i32
        %dma_start3A_184 = arith.constant 0 : i32
        %dma_start3A_185 = tpu.memref_slice %arg2[%dma_start3A_183, %dma_start3A_184] : memref<10000x128xf32, #tpu.memory_space<hbm>> -> memref<10000x128xf32, #tpu.memory_space<hbm>>
        tpu.enqueue_indirect_dma source(%dma_start3A_185 : memref<10000x128xf32, #tpu.memory_space<hbm>>) target(%arg8 : memref<128x128xf32, #tpu.memory_space<vmem>>) offsets(%arg7 : memref<128xi32, #tpu.memory_space<vmem>>) semaphore(%arg11 : memref<!tpu.dma_semaphore, #tpu.memory_space<semaphore_mem>>)
        %dma_start3A_186 = arith.constant 0 : i32
        %dma_start3A_187 = arith.constant 0 : i32
        %dma_start3A_188 = tpu.memref_slice %arg3[%dma_start3A_186, %dma_start3A_187] : memref<10000x128xf32, #tpu.memory_space<hbm>> -> memref<10000x128xf32, #tpu.memory_space<hbm>>
        tpu.enqueue_indirect_dma source(%dma_start3A_188 : memref<10000x128xf32, #tpu.memory_space<hbm>>) target(%arg10 : memref<128x128xf32, #tpu.memory_space<vmem>>) offsets(%arg9 : memref<128xi32, #tpu.memory_space<vmem>>) semaphore(%arg12 : memref<!tpu.dma_semaphore, #tpu.memory_space<semaphore_mem>>)
        %add3A_189 = arith.constant 1 : i32
        %add3A_190 = arith.addi %mul3A_97, %add3A_189 : i32
        %mul3A_191 = arith.constant 128 : i32
        %mul3A_192 = arith.muli %add3A_190, %mul3A_191 : i32
        %add3A_193 = arith.addi %mul3A_2, %mul3A_192 : i32
        %dma_wait3A_194 = arith.constant 0 : i32
        %dma_wait3A_195 = tpu.memref_slice %arg6[%add3A_193, %dma_wait3A_194] : memref<160000x128xf32, #tpu.memory_space<hbm>> -> memref<128x128xf32, #tpu.memory_space<hbm>>
        %dma_wait3A_196 = arith.constant 0 : i32
        %dma_wait3A_197 = tpu.memref_slice %arg6[%add3A_193, %dma_wait3A_196] : memref<160000x128xf32, #tpu.memory_space<hbm>> -> memref<128x128xf32, #tpu.memory_space<hbm>>
        tpu.wait_dma2 semaphore(%arg20 : memref<!tpu.dma_semaphore, #tpu.memory_space<semaphore_mem>>) src(%arg15 : memref<128x128xf32, #tpu.memory_space<vmem>>) dst(%dma_wait3A_197 : memref<128x128xf32, #tpu.memory_space<hbm>>)
        %add3A_198 = arith.constant 3 : i32
        %add3A_199 = arith.addi %mul3A_97, %add3A_198 : i32
        %add3A_200 = arith.constant 1 : i32
        %add3A_201 = arith.addi %add3A_199, %add3A_200 : i32
        %mul3A_202 = arith.constant 128 : i32
        %mul3A_203 = arith.muli %add3A_201, %mul3A_202 : i32
        %add3A_204 = arith.addi %add3A_4, %mul3A_203 : i32
        "tpu.region"() ({
          %run_scoped3A = tpu.sem_alloc : memref<!tpu.dma_semaphore, #tpu.memory_space<semaphore_mem>>
          %dma_start3A_233 = tpu.memref_slice %arg4[%add3A_204] : memref<320000xi32, #tpu.memory_space<hbm>> -> memref<128xi32, #tpu.memory_space<hbm>>
          %dma_start3A_234 = tpu.memref_slice %arg4[%add3A_204] : memref<320000xi32, #tpu.memory_space<hbm>> -> memref<128xi32, #tpu.memory_space<hbm>>
          tpu.enqueue_dma source(%dma_start3A_234 : memref<128xi32, #tpu.memory_space<hbm>>) target(%arg14 : memref<128xi32, #tpu.memory_space<vmem>>) target_semaphore(%run_scoped3A : memref<!tpu.dma_semaphore, #tpu.memory_space<semaphore_mem>>)
          %dma_wait3A_235 = tpu.memref_slice %arg4[%add3A_204] : memref<320000xi32, #tpu.memory_space<hbm>> -> memref<128xi32, #tpu.memory_space<hbm>>
          %dma_wait3A_236 = tpu.memref_slice %arg4[%add3A_204] : memref<320000xi32, #tpu.memory_space<hbm>> -> memref<128xi32, #tpu.memory_space<hbm>>
          tpu.wait_dma2 semaphore(%run_scoped3A : memref<!tpu.dma_semaphore, #tpu.memory_space<semaphore_mem>>) src(%dma_wait3A_236 : memref<128xi32, #tpu.memory_space<hbm>>) dst(%arg14 : memref<128xi32, #tpu.memory_space<vmem>>)
          tpu.yield
        }) : () -> ()
        "tpu.region"() ({
          %run_scoped3A = tpu.sem_alloc : memref<!tpu.dma_semaphore, #tpu.memory_space<semaphore_mem>>
          %dma_start3A_233 = tpu.memref_slice %arg5[%add3A_204] : memref<320000xi32, #tpu.memory_space<hbm>> -> memref<128xi32, #tpu.memory_space<hbm>>
          %dma_start3A_234 = tpu.memref_slice %arg5[%add3A_204] : memref<320000xi32, #tpu.memory_space<hbm>> -> memref<128xi32, #tpu.memory_space<hbm>>
          tpu.enqueue_dma source(%dma_start3A_234 : memref<128xi32, #tpu.memory_space<hbm>>) target(%arg16 : memref<128xi32, #tpu.memory_space<vmem>>) target_semaphore(%run_scoped3A : memref<!tpu.dma_semaphore, #tpu.memory_space<semaphore_mem>>)
          %dma_wait3A_235 = tpu.memref_slice %arg5[%add3A_204] : memref<320000xi32, #tpu.memory_space<hbm>> -> memref<128xi32, #tpu.memory_space<hbm>>
          %dma_wait3A_236 = tpu.memref_slice %arg5[%add3A_204] : memref<320000xi32, #tpu.memory_space<hbm>> -> memref<128xi32, #tpu.memory_space<hbm>>
          tpu.wait_dma2 semaphore(%run_scoped3A : memref<!tpu.dma_semaphore, #tpu.memory_space<semaphore_mem>>) src(%dma_wait3A_236 : memref<128xi32, #tpu.memory_space<hbm>>) dst(%arg16 : memref<128xi32, #tpu.memory_space<vmem>>)
          tpu.yield
        }) : () -> ()
        %dma_start3A_205 = arith.constant 0 : i32
        %dma_start3A_206 = arith.constant 0 : i32
        %dma_start3A_207 = tpu.memref_slice %arg2[%dma_start3A_205, %dma_start3A_206] : memref<10000x128xf32, #tpu.memory_space<hbm>> -> memref<10000x128xf32, #tpu.memory_space<hbm>>
        tpu.enqueue_indirect_dma source(%dma_start3A_207 : memref<10000x128xf32, #tpu.memory_space<hbm>>) target(%arg15 : memref<128x128xf32, #tpu.memory_space<vmem>>) offsets(%arg14 : memref<128xi32, #tpu.memory_space<vmem>>) semaphore(%arg18 : memref<!tpu.dma_semaphore, #tpu.memory_space<semaphore_mem>>)
        %dma_start3A_208 = arith.constant 0 : i32
        %dma_start3A_209 = arith.constant 0 : i32
        %dma_start3A_210 = tpu.memref_slice %arg3[%dma_start3A_208, %dma_start3A_209] : memref<10000x128xf32, #tpu.memory_space<hbm>> -> memref<10000x128xf32, #tpu.memory_space<hbm>>
        tpu.enqueue_indirect_dma source(%dma_start3A_210 : memref<10000x128xf32, #tpu.memory_space<hbm>>) target(%arg17 : memref<128x128xf32, #tpu.memory_space<vmem>>) offsets(%arg16 : memref<128xi32, #tpu.memory_space<vmem>>) semaphore(%arg19 : memref<!tpu.dma_semaphore, #tpu.memory_space<semaphore_mem>>)
        %add3A_211 = arith.constant 2 : i32
        %add3A_212 = arith.addi %mul3A_97, %add3A_211 : i32
        %mul3A_213 = arith.constant 128 : i32
        %mul3A_214 = arith.muli %add3A_212, %mul3A_213 : i32
        %add3A_215 = arith.addi %mul3A_2, %mul3A_214 : i32
        %dma_wait3A_216 = arith.constant 0 : i32
        %dma_wait3A_217 = tpu.memref_slice %arg6[%add3A_215, %dma_wait3A_216] : memref<160000x128xf32, #tpu.memory_space<hbm>> -> memref<128x128xf32, #tpu.memory_space<hbm>>
        %dma_wait3A_218 = arith.constant 0 : i32
        %dma_wait3A_219 = tpu.memref_slice %arg6[%add3A_215, %dma_wait3A_218] : memref<160000x128xf32, #tpu.memory_space<hbm>> -> memref<128x128xf32, #tpu.memory_space<hbm>>
        tpu.wait_dma2 semaphore(%arg27 : memref<!tpu.dma_semaphore, #tpu.memory_space<semaphore_mem>>) src(%arg22 : memref<128x128xf32, #tpu.memory_space<vmem>>) dst(%dma_wait3A_219 : memref<128x128xf32, #tpu.memory_space<hbm>>)
        %add3A_220 = arith.constant 3 : i32
        %add3A_221 = arith.addi %mul3A_97, %add3A_220 : i32
        %add3A_222 = arith.constant 2 : i32
        %add3A_223 = arith.addi %add3A_221, %add3A_222 : i32
        %mul3A_224 = arith.constant 128 : i32
        %mul3A_225 = arith.muli %add3A_223, %mul3A_224 : i32
        %add3A_226 = arith.addi %add3A_4, %mul3A_225 : i32
        "tpu.region"() ({
          %run_scoped3A = tpu.sem_alloc : memref<!tpu.dma_semaphore, #tpu.memory_space<semaphore_mem>>
          %dma_start3A_233 = tpu.memref_slice %arg4[%add3A_226] : memref<320000xi32, #tpu.memory_space<hbm>> -> memref<128xi32, #tpu.memory_space<hbm>>
          %dma_start3A_234 = tpu.memref_slice %arg4[%add3A_226] : memref<320000xi32, #tpu.memory_space<hbm>> -> memref<128xi32, #tpu.memory_space<hbm>>
          tpu.enqueue_dma source(%dma_start3A_234 : memref<128xi32, #tpu.memory_space<hbm>>) target(%arg21 : memref<128xi32, #tpu.memory_space<vmem>>) target_semaphore(%run_scoped3A : memref<!tpu.dma_semaphore, #tpu.memory_space<semaphore_mem>>)
          %dma_wait3A_235 = tpu.memref_slice %arg4[%add3A_226] : memref<320000xi32, #tpu.memory_space<hbm>> -> memref<128xi32, #tpu.memory_space<hbm>>
          %dma_wait3A_236 = tpu.memref_slice %arg4[%add3A_226] : memref<320000xi32, #tpu.memory_space<hbm>> -> memref<128xi32, #tpu.memory_space<hbm>>
          tpu.wait_dma2 semaphore(%run_scoped3A : memref<!tpu.dma_semaphore, #tpu.memory_space<semaphore_mem>>) src(%dma_wait3A_236 : memref<128xi32, #tpu.memory_space<hbm>>) dst(%arg21 : memref<128xi32, #tpu.memory_space<vmem>>)
          tpu.yield
        }) : () -> ()
        "tpu.region"() ({
          %run_scoped3A = tpu.sem_alloc : memref<!tpu.dma_semaphore, #tpu.memory_space<semaphore_mem>>
          %dma_start3A_233 = tpu.memref_slice %arg5[%add3A_226] : memref<320000xi32, #tpu.memory_space<hbm>> -> memref<128xi32, #tpu.memory_space<hbm>>
          %dma_start3A_234 = tpu.memref_slice %arg5[%add3A_226] : memref<320000xi32, #tpu.memory_space<hbm>> -> memref<128xi32, #tpu.memory_space<hbm>>
          tpu.enqueue_dma source(%dma_start3A_234 : memref<128xi32, #tpu.memory_space<hbm>>) target(%arg23 : memref<128xi32, #tpu.memory_space<vmem>>) target_semaphore(%run_scoped3A : memref<!tpu.dma_semaphore, #tpu.memory_space<semaphore_mem>>)
          %dma_wait3A_235 = tpu.memref_slice %arg5[%add3A_226] : memref<320000xi32, #tpu.memory_space<hbm>> -> memref<128xi32, #tpu.memory_space<hbm>>
          %dma_wait3A_236 = tpu.memref_slice %arg5[%add3A_226] : memref<320000xi32, #tpu.memory_space<hbm>> -> memref<128xi32, #tpu.memory_space<hbm>>
          tpu.wait_dma2 semaphore(%run_scoped3A : memref<!tpu.dma_semaphore, #tpu.memory_space<semaphore_mem>>) src(%dma_wait3A_236 : memref<128xi32, #tpu.memory_space<hbm>>) dst(%arg23 : memref<128xi32, #tpu.memory_space<vmem>>)
          tpu.yield
        }) : () -> ()
        %dma_start3A_227 = arith.constant 0 : i32
        %dma_start3A_228 = arith.constant 0 : i32
        %dma_start3A_229 = tpu.memref_slice %arg2[%dma_start3A_227, %dma_start3A_228] : memref<10000x128xf32, #tpu.memory_space<hbm>> -> memref<10000x128xf32, #tpu.memory_space<hbm>>
        tpu.enqueue_indirect_dma source(%dma_start3A_229 : memref<10000x128xf32, #tpu.memory_space<hbm>>) target(%arg22 : memref<128x128xf32, #tpu.memory_space<vmem>>) offsets(%arg21 : memref<128xi32, #tpu.memory_space<vmem>>) semaphore(%arg25 : memref<!tpu.dma_semaphore, #tpu.memory_space<semaphore_mem>>)
        %dma_start3A_230 = arith.constant 0 : i32
        %dma_start3A_231 = arith.constant 0 : i32
        %dma_start3A_232 = tpu.memref_slice %arg3[%dma_start3A_230, %dma_start3A_231] : memref<10000x128xf32, #tpu.memory_space<hbm>> -> memref<10000x128xf32, #tpu.memory_space<hbm>>
        tpu.enqueue_indirect_dma source(%dma_start3A_232 : memref<10000x128xf32, #tpu.memory_space<hbm>>) target(%arg24 : memref<128x128xf32, #tpu.memory_space<vmem>>) offsets(%arg23 : memref<128xi32, #tpu.memory_space<vmem>>) semaphore(%arg26 : memref<!tpu.dma_semaphore, #tpu.memory_space<semaphore_mem>>)
      } else {
      }
      %scan3A_166 = arith.constant 0 : i32
      scf.yield %scan3A_166 : i32
    }
    %scan3A_33 = arith.constant 13 : i32
    %add3A_34 = arith.constant 4608 : i32
    %add3A_35 = arith.addi %mul3A_2, %add3A_34 : i32
    %dma_wait3A = arith.constant 0 : i32
    %dma_wait3A_36 = tpu.memref_slice %arg6[%add3A_35, %dma_wait3A] : memref<160000x128xf32, #tpu.memory_space<hbm>> -> memref<128x128xf32, #tpu.memory_space<hbm>>
    %dma_wait3A_37 = arith.constant 0 : i32
    %dma_wait3A_38 = tpu.memref_slice %arg6[%add3A_35, %dma_wait3A_37] : memref<160000x128xf32, #tpu.memory_space<hbm>> -> memref<128x128xf32, #tpu.memory_space<hbm>>
    tpu.wait_dma2 semaphore(%arg13 : memref<!tpu.dma_semaphore, #tpu.memory_space<semaphore_mem>>) src(%arg8 : memref<128x128xf32, #tpu.memory_space<vmem>>) dst(%dma_wait3A_38 : memref<128x128xf32, #tpu.memory_space<hbm>>)
    %add3A_39 = arith.constant 4736 : i32
    %add3A_40 = arith.addi %mul3A_2, %add3A_39 : i32
    %dma_wait3A_41 = arith.constant 0 : i32
    %dma_wait3A_42 = tpu.memref_slice %arg6[%add3A_40, %dma_wait3A_41] : memref<160000x128xf32, #tpu.memory_space<hbm>> -> memref<128x128xf32, #tpu.memory_space<hbm>>
    %dma_wait3A_43 = arith.constant 0 : i32
    %dma_wait3A_44 = tpu.memref_slice %arg6[%add3A_40, %dma_wait3A_43] : memref<160000x128xf32, #tpu.memory_space<hbm>> -> memref<128x128xf32, #tpu.memory_space<hbm>>
    tpu.wait_dma2 semaphore(%arg20 : memref<!tpu.dma_semaphore, #tpu.memory_space<semaphore_mem>>) src(%arg15 : memref<128x128xf32, #tpu.memory_space<vmem>>) dst(%dma_wait3A_44 : memref<128x128xf32, #tpu.memory_space<hbm>>)
    %add3A_45 = arith.constant 4864 : i32
    %add3A_46 = arith.addi %mul3A_2, %add3A_45 : i32
    %dma_wait3A_47 = arith.constant 0 : i32
    %dma_wait3A_48 = tpu.memref_slice %arg6[%add3A_46, %dma_wait3A_47] : memref<160000x128xf32, #tpu.memory_space<hbm>> -> memref<128x128xf32, #tpu.memory_space<hbm>>
    %dma_wait3A_49 = arith.constant 0 : i32
    %dma_wait3A_50 = tpu.memref_slice %arg6[%add3A_46, %dma_wait3A_49] : memref<160000x128xf32, #tpu.memory_space<hbm>> -> memref<128x128xf32, #tpu.memory_space<hbm>>
    tpu.wait_dma2 semaphore(%arg27 : memref<!tpu.dma_semaphore, #tpu.memory_space<semaphore_mem>>) src(%arg22 : memref<128x128xf32, #tpu.memory_space<vmem>>) dst(%dma_wait3A_50 : memref<128x128xf32, #tpu.memory_space<hbm>>)
    %add3A_51 = arith.constant 4992 : i32
    %add3A_52 = arith.addi %mul3A_2, %add3A_51 : i32
    %add3A_53 = arith.constant 4992 : i32
    %add3A_54 = arith.addi %add3A_4, %add3A_53 : i32
    "tpu.region"() ({
      %run_scoped3A = tpu.sem_alloc : memref<!tpu.dma_semaphore, #tpu.memory_space<semaphore_mem>>
      %dma_start3A_94 = arith.constant 0 : i32
      %dma_start3A_95 = tpu.memref_slice %arg7[%dma_start3A_94] : memref<128xi32, #tpu.memory_space<vmem>> -> memref<8xi32, #tpu.memory_space<vmem>>
      %dma_start3A_96 = tpu.memref_slice %arg4[%add3A_54] : memref<320000xi32, #tpu.memory_space<hbm>> -> memref<8xi32, #tpu.memory_space<hbm>>
      %dma_start3A_97 = arith.constant 0 : i32
      %dma_start3A_98 = tpu.memref_slice %arg7[%dma_start3A_97] : memref<128xi32, #tpu.memory_space<vmem>> -> memref<8xi32, #tpu.memory_space<vmem>>
      %dma_start3A_99 = tpu.memref_slice %arg4[%add3A_54] : memref<320000xi32, #tpu.memory_space<hbm>> -> memref<8xi32, #tpu.memory_space<hbm>>
      tpu.enqueue_dma source(%dma_start3A_99 : memref<8xi32, #tpu.memory_space<hbm>>) target(%dma_start3A_98 : memref<8xi32, #tpu.memory_space<vmem>>) target_semaphore(%run_scoped3A : memref<!tpu.dma_semaphore, #tpu.memory_space<semaphore_mem>>)
      %dma_wait3A_100 = arith.constant 0 : i32
      %dma_wait3A_101 = tpu.memref_slice %arg7[%dma_wait3A_100] : memref<128xi32, #tpu.memory_space<vmem>> -> memref<8xi32, #tpu.memory_space<vmem>>
      %dma_wait3A_102 = tpu.memref_slice %arg4[%add3A_54] : memref<320000xi32, #tpu.memory_space<hbm>> -> memref<8xi32, #tpu.memory_space<hbm>>
      %dma_wait3A_103 = arith.constant 0 : i32
      %dma_wait3A_104 = tpu.memref_slice %arg7[%dma_wait3A_103] : memref<128xi32, #tpu.memory_space<vmem>> -> memref<8xi32, #tpu.memory_space<vmem>>
      %dma_wait3A_105 = tpu.memref_slice %arg4[%add3A_54] : memref<320000xi32, #tpu.memory_space<hbm>> -> memref<8xi32, #tpu.memory_space<hbm>>
      tpu.wait_dma2 semaphore(%run_scoped3A : memref<!tpu.dma_semaphore, #tpu.memory_space<semaphore_mem>>) src(%dma_wait3A_105 : memref<8xi32, #tpu.memory_space<hbm>>) dst(%dma_wait3A_104 : memref<8xi32, #tpu.memory_space<vmem>>)
      tpu.yield
    }) : () -> ()
    "tpu.region"() ({
      %run_scoped3A = tpu.sem_alloc : memref<!tpu.dma_semaphore, #tpu.memory_space<semaphore_mem>>
      %dma_start3A_94 = arith.constant 0 : i32
      %dma_start3A_95 = tpu.memref_slice %arg9[%dma_start3A_94] : memref<128xi32, #tpu.memory_space<vmem>> -> memref<8xi32, #tpu.memory_space<vmem>>
      %dma_start3A_96 = tpu.memref_slice %arg5[%add3A_54] : memref<320000xi32, #tpu.memory_space<hbm>> -> memref<8xi32, #tpu.memory_space<hbm>>
      %dma_start3A_97 = arith.constant 0 : i32
      %dma_start3A_98 = tpu.memref_slice %arg9[%dma_start3A_97] : memref<128xi32, #tpu.memory_space<vmem>> -> memref<8xi32, #tpu.memory_space<vmem>>
      %dma_start3A_99 = tpu.memref_slice %arg5[%add3A_54] : memref<320000xi32, #tpu.memory_space<hbm>> -> memref<8xi32, #tpu.memory_space<hbm>>
      tpu.enqueue_dma source(%dma_start3A_99 : memref<8xi32, #tpu.memory_space<hbm>>) target(%dma_start3A_98 : memref<8xi32, #tpu.memory_space<vmem>>) target_semaphore(%run_scoped3A : memref<!tpu.dma_semaphore, #tpu.memory_space<semaphore_mem>>)
      %dma_wait3A_100 = arith.constant 0 : i32
      %dma_wait3A_101 = tpu.memref_slice %arg9[%dma_wait3A_100] : memref<128xi32, #tpu.memory_space<vmem>> -> memref<8xi32, #tpu.memory_space<vmem>>
      %dma_wait3A_102 = tpu.memref_slice %arg5[%add3A_54] : memref<320000xi32, #tpu.memory_space<hbm>> -> memref<8xi32, #tpu.memory_space<hbm>>
      %dma_wait3A_103 = arith.constant 0 : i32
      %dma_wait3A_104 = tpu.memref_slice %arg9[%dma_wait3A_103] : memref<128xi32, #tpu.memory_space<vmem>> -> memref<8xi32, #tpu.memory_space<vmem>>
      %dma_wait3A_105 = tpu.memref_slice %arg5[%add3A_54] : memref<320000xi32, #tpu.memory_space<hbm>> -> memref<8xi32, #tpu.memory_space<hbm>>
      tpu.wait_dma2 semaphore(%run_scoped3A : memref<!tpu.dma_semaphore, #tpu.memory_space<semaphore_mem>>) src(%dma_wait3A_105 : memref<8xi32, #tpu.memory_space<hbm>>) dst(%dma_wait3A_104 : memref<8xi32, #tpu.memory_space<vmem>>)
      tpu.yield
    }) : () -> ()
    %dma_start3A_55 = arith.constant 0 : i32
    %dma_start3A_56 = arith.constant 0 : i32
    %dma_start3A_57 = tpu.memref_slice %arg8[%dma_start3A_55, %dma_start3A_56] : memref<128x128xf32, #tpu.memory_space<vmem>> -> memref<8x128xf32, #tpu.memory_space<vmem>>
    %dma_start3A_58 = arith.constant 0 : i32
    %dma_start3A_59 = tpu.memref_slice %arg7[%dma_start3A_58] : memref<128xi32, #tpu.memory_space<vmem>> -> memref<8xi32, #tpu.memory_space<vmem>>
    %dma_start3A_60 = arith.constant 0 : i32
    %dma_start3A_61 = arith.constant 0 : i32
    %dma_start3A_62 = tpu.memref_slice %arg2[%dma_start3A_60, %dma_start3A_61] : memref<10000x128xf32, #tpu.memory_space<hbm>> -> memref<10000x128xf32, #tpu.memory_space<hbm>>
    tpu.enqueue_indirect_dma source(%dma_start3A_62 : memref<10000x128xf32, #tpu.memory_space<hbm>>) target(%dma_start3A_57 : memref<8x128xf32, #tpu.memory_space<vmem>>) offsets(%dma_start3A_59 : memref<8xi32, #tpu.memory_space<vmem>>) semaphore(%arg11 : memref<!tpu.dma_semaphore, #tpu.memory_space<semaphore_mem>>)
    %dma_wait3A_63 = arith.constant 0 : i32
    %dma_wait3A_64 = arith.constant 0 : i32
    %dma_wait3A_65 = tpu.memref_slice %arg8[%dma_wait3A_63, %dma_wait3A_64] : memref<128x128xf32, #tpu.memory_space<vmem>> -> memref<8x128xf32, #tpu.memory_space<vmem>>
    %dma_wait3A_66 = arith.constant 0 : i32
    %dma_wait3A_67 = tpu.memref_slice %arg7[%dma_wait3A_66] : memref<128xi32, #tpu.memory_space<vmem>> -> memref<8xi32, #tpu.memory_space<vmem>>
    %dma_wait3A_68 = arith.constant 0 : i32
    %dma_wait3A_69 = arith.constant 0 : i32
    %dma_wait3A_70 = tpu.memref_slice %arg2[%dma_wait3A_68, %dma_wait3A_69] : memref<10000x128xf32, #tpu.memory_space<hbm>> -> memref<10000x128xf32, #tpu.memory_space<hbm>>
    tpu.wait_indirect_dma semaphore(%arg11 : memref<!tpu.dma_semaphore, #tpu.memory_space<semaphore_mem>>) src(%dma_wait3A_70 : memref<10000x128xf32, #tpu.memory_space<hbm>>) dst(%dma_wait3A_65 : memref<8x128xf32, #tpu.memory_space<vmem>>)
    %dma_start3A_71 = arith.constant 0 : i32
    %dma_start3A_72 = arith.constant 0 : i32
    %dma_start3A_73 = tpu.memref_slice %arg10[%dma_start3A_71, %dma_start3A_72] : memref<128x128xf32, #tpu.memory_space<vmem>> -> memref<8x128xf32, #tpu.memory_space<vmem>>
    %dma_start3A_74 = arith.constant 0 : i32
    %dma_start3A_75 = tpu.memref_slice %arg9[%dma_start3A_74] : memref<128xi32, #tpu.memory_space<vmem>> -> memref<8xi32, #tpu.memory_space<vmem>>
    %dma_start3A_76 = arith.constant 0 : i32
    %dma_start3A_77 = arith.constant 0 : i32
    %dma_start3A_78 = tpu.memref_slice %arg3[%dma_start3A_76, %dma_start3A_77] : memref<10000x128xf32, #tpu.memory_space<hbm>> -> memref<10000x128xf32, #tpu.memory_space<hbm>>
    tpu.enqueue_indirect_dma source(%dma_start3A_78 : memref<10000x128xf32, #tpu.memory_space<hbm>>) target(%dma_start3A_73 : memref<8x128xf32, #tpu.memory_space<vmem>>) offsets(%dma_start3A_75 : memref<8xi32, #tpu.memory_space<vmem>>) semaphore(%arg12 : memref<!tpu.dma_semaphore, #tpu.memory_space<semaphore_mem>>)
    %dma_wait3A_79 = arith.constant 0 : i32
    %dma_wait3A_80 = arith.constant 0 : i32
    %dma_wait3A_81 = tpu.memref_slice %arg10[%dma_wait3A_79, %dma_wait3A_80] : memref<128x128xf32, #tpu.memory_space<vmem>> -> memref<8x128xf32, #tpu.memory_space<vmem>>
    %dma_wait3A_82 = arith.constant 0 : i32
    %dma_wait3A_83 = tpu.memref_slice %arg9[%dma_wait3A_82] : memref<128xi32, #tpu.memory_space<vmem>> -> memref<8xi32, #tpu.memory_space<vmem>>
    %dma_wait3A_84 = arith.constant 0 : i32
    %dma_wait3A_85 = arith.constant 0 : i32
    %dma_wait3A_86 = tpu.memref_slice %arg3[%dma_wait3A_84, %dma_wait3A_85] : memref<10000x128xf32, #tpu.memory_space<hbm>> -> memref<10000x128xf32, #tpu.memory_space<hbm>>
    tpu.wait_indirect_dma semaphore(%arg12 : memref<!tpu.dma_semaphore, #tpu.memory_space<semaphore_mem>>) src(%dma_wait3A_86 : memref<10000x128xf32, #tpu.memory_space<hbm>>) dst(%dma_wait3A_81 : memref<8x128xf32, #tpu.memory_space<vmem>>)
    %scan3A_87 = arith.constant 0 : i32
    %scan3A_88 = arith.constant 0 : i32
    %scan3A_89 = arith.constant 8 : i32
    %scan3A_90 = arith.addi %scan3A_88, %scan3A_89 : i32
    %scan3A_91 = arith.constant 1 : i32
    %scan3A_92 = scf.for %scan3A_94 = %scan3A_88 to %scan3A_90 step %scan3A_91 iter_args(%scan3A_95 = %scan3A_87) -> (i32)  : i32 {
      %get3A = arith.index_cast %scan3A_94 : i32 to index
      %get3A_96 = arith.constant 0 : index
      %get3A_97 = tpu.vector_load %arg10[%get3A, %get3A_96] {strides = array<i32>} : memref<128x128xf32, #tpu.memory_space<vmem>>, vector<1x16xf32>,
      %get3A_98 = vector.shape_cast %get3A_97 : vector<1x16xf32> to vector<16xf32>
      %swap3A = arith.index_cast %scan3A_94 : i32 to index
      %swap3A_99 = arith.constant 0 : index
      %swap3A_100 = tpu.vector_load %arg8[%swap3A, %swap3A_99] {strides = array<i32>} : memref<128x128xf32, #tpu.memory_space<vmem>>, vector<1x16xf32>,
      %swap3A_101 = vector.shape_cast %swap3A_100 : vector<1x16xf32> to vector<16xf32>
      %swap3A_102 = vector.shape_cast %get3A_98 : vector<16xf32> to vector<1x16xf32>
      tpu.vector_store %arg8[%swap3A, %swap3A_99], %swap3A_102 {add = true, strides = array<i32>} : memref<128x128xf32, #tpu.memory_space<vmem>>, vector<1x16xf32>,
      %get3A_103 = arith.index_cast %scan3A_94 : i32 to index
      %get3A_104 = arith.constant 16 : index
      %get3A_105 = tpu.vector_load %arg10[%get3A_103, %get3A_104] {strides = array<i32>} : memref<128x128xf32, #tpu.memory_space<vmem>>, vector<1x16xf32>,
      %get3A_106 = vector.shape_cast %get3A_105 : vector<1x16xf32> to vector<16xf32>
      %swap3A_107 = arith.index_cast %scan3A_94 : i32 to index
      %swap3A_108 = arith.constant 16 : index
      %swap3A_109 = tpu.vector_load %arg8[%swap3A_107, %swap3A_108] {strides = array<i32>} : memref<128x128xf32, #tpu.memory_space<vmem>>, vector<1x16xf32>,
      %swap3A_110 = vector.shape_cast %swap3A_109 : vector<1x16xf32> to vector<16xf32>
      %swap3A_111 = vector.shape_cast %get3A_106 : vector<16xf32> to vector<1x16xf32>
      tpu.vector_store %arg8[%swap3A_107, %swap3A_108], %swap3A_111 {add = true, strides = array<i32>} : memref<128x128xf32, #tpu.memory_space<vmem>>, vector<1x16xf32>,
      %get3A_112 = arith.index_cast %scan3A_94 : i32 to index
      %get3A_113 = arith.constant 32 : index
      %get3A_114 = tpu.vector_load %arg10[%get3A_112, %get3A_113] {strides = array<i32>} : memref<128x128xf32, #tpu.memory_space<vmem>>, vector<1x16xf32>,
      %get3A_115 = vector.shape_cast %get3A_114 : vector<1x16xf32> to vector<16xf32>
      %swap3A_116 = arith.index_cast %scan3A_94 : i32 to index
      %swap3A_117 = arith.constant 32 : index
      %swap3A_118 = tpu.vector_load %arg8[%swap3A_116, %swap3A_117] {strides = array<i32>} : memref<128x128xf32, #tpu.memory_space<vmem>>, vector<1x16xf32>,
      %swap3A_119 = vector.shape_cast %swap3A_118 : vector<1x16xf32> to vector<16xf32>
      %swap3A_120 = vector.shape_cast %get3A_115 : vector<16xf32> to vector<1x16xf32>
      tpu.vector_store %arg8[%swap3A_116, %swap3A_117], %swap3A_120 {add = true, strides = array<i32>} : memref<128x128xf32, #tpu.memory_space<vmem>>, vector<1x16xf32>,
      %get3A_121 = arith.index_cast %scan3A_94 : i32 to index
      %get3A_122 = arith.constant 48 : index
      %get3A_123 = tpu.vector_load %arg10[%get3A_121, %get3A_122] {strides = array<i32>} : memref<128x128xf32, #tpu.memory_space<vmem>>, vector<1x16xf32>,
      %get3A_124 = vector.shape_cast %get3A_123 : vector<1x16xf32> to vector<16xf32>
      %swap3A_125 = arith.index_cast %scan3A_94 : i32 to index
      %swap3A_126 = arith.constant 48 : index
      %swap3A_127 = tpu.vector_load %arg8[%swap3A_125, %swap3A_126] {strides = array<i32>} : memref<128x128xf32, #tpu.memory_space<vmem>>, vector<1x16xf32>,
      %swap3A_128 = vector.shape_cast %swap3A_127 : vector<1x16xf32> to vector<16xf32>
      %swap3A_129 = vector.shape_cast %get3A_124 : vector<16xf32> to vector<1x16xf32>
      tpu.vector_store %arg8[%swap3A_125, %swap3A_126], %swap3A_129 {add = true, strides = array<i32>} : memref<128x128xf32, #tpu.memory_space<vmem>>, vector<1x16xf32>,
      %get3A_130 = arith.index_cast %scan3A_94 : i32 to index
      %get3A_131 = arith.constant 64 : index
      %get3A_132 = tpu.vector_load %arg10[%get3A_130, %get3A_131] {strides = array<i32>} : memref<128x128xf32, #tpu.memory_space<vmem>>, vector<1x16xf32>,
      %get3A_133 = vector.shape_cast %get3A_132 : vector<1x16xf32> to vector<16xf32>
      %swap3A_134 = arith.index_cast %scan3A_94 : i32 to index
      %swap3A_135 = arith.constant 64 : index
      %swap3A_136 = tpu.vector_load %arg8[%swap3A_134, %swap3A_135] {strides = array<i32>} : memref<128x128xf32, #tpu.memory_space<vmem>>, vector<1x16xf32>,
      %swap3A_137 = vector.shape_cast %swap3A_136 : vector<1x16xf32> to vector<16xf32>
      %swap3A_138 = vector.shape_cast %get3A_133 : vector<16xf32> to vector<1x16xf32>
      tpu.vector_store %arg8[%swap3A_134, %swap3A_135], %swap3A_138 {add = true, strides = array<i32>} : memref<128x128xf32, #tpu.memory_space<vmem>>, vector<1x16xf32>,
      %get3A_139 = arith.index_cast %scan3A_94 : i32 to index
      %get3A_140 = arith.constant 80 : index
      %get3A_141 = tpu.vector_load %arg10[%get3A_139, %get3A_140] {strides = array<i32>} : memref<128x128xf32, #tpu.memory_space<vmem>>, vector<1x16xf32>,
      %get3A_142 = vector.shape_cast %get3A_141 : vector<1x16xf32> to vector<16xf32>
      %swap3A_143 = arith.index_cast %scan3A_94 : i32 to index
      %swap3A_144 = arith.constant 80 : index
      %swap3A_145 = tpu.vector_load %arg8[%swap3A_143, %swap3A_144] {strides = array<i32>} : memref<128x128xf32, #tpu.memory_space<vmem>>, vector<1x16xf32>,
      %swap3A_146 = vector.shape_cast %swap3A_145 : vector<1x16xf32> to vector<16xf32>
      %swap3A_147 = vector.shape_cast %get3A_142 : vector<16xf32> to vector<1x16xf32>
      tpu.vector_store %arg8[%swap3A_143, %swap3A_144], %swap3A_147 {add = true, strides = array<i32>} : memref<128x128xf32, #tpu.memory_space<vmem>>, vector<1x16xf32>,
      %get3A_148 = arith.index_cast %scan3A_94 : i32 to index
      %get3A_149 = arith.constant 96 : index
      %get3A_150 = tpu.vector_load %arg10[%get3A_148, %get3A_149] {strides = array<i32>} : memref<128x128xf32, #tpu.memory_space<vmem>>, vector<1x16xf32>,
      %get3A_151 = vector.shape_cast %get3A_150 : vector<1x16xf32> to vector<16xf32>
      %swap3A_152 = arith.index_cast %scan3A_94 : i32 to index
      %swap3A_153 = arith.constant 96 : index
      %swap3A_154 = tpu.vector_load %arg8[%swap3A_152, %swap3A_153] {strides = array<i32>} : memref<128x128xf32, #tpu.memory_space<vmem>>, vector<1x16xf32>,
      %swap3A_155 = vector.shape_cast %swap3A_154 : vector<1x16xf32> to vector<16xf32>
      %swap3A_156 = vector.shape_cast %get3A_151 : vector<16xf32> to vector<1x16xf32>
      tpu.vector_store %arg8[%swap3A_152, %swap3A_153], %swap3A_156 {add = true, strides = array<i32>} : memref<128x128xf32, #tpu.memory_space<vmem>>, vector<1x16xf32>,
      %get3A_157 = arith.index_cast %scan3A_94 : i32 to index
      %get3A_158 = arith.constant 112 : index
      %get3A_159 = tpu.vector_load %arg10[%get3A_157, %get3A_158] {strides = array<i32>} : memref<128x128xf32, #tpu.memory_space<vmem>>, vector<1x16xf32>,
      %get3A_160 = vector.shape_cast %get3A_159 : vector<1x16xf32> to vector<16xf32>
      %swap3A_161 = arith.index_cast %scan3A_94 : i32 to index
      %swap3A_162 = arith.constant 112 : index
      %swap3A_163 = tpu.vector_load %arg8[%swap3A_161, %swap3A_162] {strides = array<i32>} : memref<128x128xf32, #tpu.memory_space<vmem>>, vector<1x16xf32>,
      %swap3A_164 = vector.shape_cast %swap3A_163 : vector<1x16xf32> to vector<16xf32>
      %swap3A_165 = vector.shape_cast %get3A_160 : vector<16xf32> to vector<1x16xf32>
      tpu.vector_store %arg8[%swap3A_161, %swap3A_162], %swap3A_165 {add = true, strides = array<i32>} : memref<128x128xf32, #tpu.memory_space<vmem>>, vector<1x16xf32>,
      %scan3A_166 = arith.constant 0 : i32
      scf.yield %scan3A_166 : i32
    }
    %scan3A_93 = arith.constant 8 : i32
    "tpu.region"() ({
      %run_scoped3A = tpu.sem_alloc : memref<!tpu.dma_semaphore, #tpu.memory_space<semaphore_mem>>
      %dma_start3A_94 = arith.constant 0 : i32
      %dma_start3A_95 = arith.constant 0 : i32
      %dma_start3A_96 = tpu.memref_slice %arg8[%dma_start3A_94, %dma_start3A_95] : memref<128x128xf32, #tpu.memory_space<vmem>> -> memref<8x128xf32, #tpu.memory_space<vmem>>
      %dma_start3A_97 = arith.constant 0 : i32
      %dma_start3A_98 = tpu.memref_slice %arg6[%add3A_52, %dma_start3A_97] : memref<160000x128xf32, #tpu.memory_space<hbm>> -> memref<8x128xf32, #tpu.memory_space<hbm>>
      %dma_start3A_99 = arith.constant 0 : i32
      %dma_start3A_100 = tpu.memref_slice %arg6[%add3A_52, %dma_start3A_99] : memref<160000x128xf32, #tpu.memory_space<hbm>> -> memref<8x128xf32, #tpu.memory_space<hbm>>
      %dma_start3A_101 = arith.constant 0 : i32
      %dma_start3A_102 = arith.constant 0 : i32
      %dma_start3A_103 = tpu.memref_slice %arg8[%dma_start3A_101, %dma_start3A_102] : memref<128x128xf32, #tpu.memory_space<vmem>> -> memref<8x128xf32, #tpu.memory_space<vmem>>
      tpu.enqueue_dma source(%dma_start3A_103 : memref<8x128xf32, #tpu.memory_space<vmem>>) target(%dma_start3A_100 : memref<8x128xf32, #tpu.memory_space<hbm>>) target_semaphore(%run_scoped3A : memref<!tpu.dma_semaphore, #tpu.memory_space<semaphore_mem>>)
      %dma_wait3A_104 = arith.constant 0 : i32
      %dma_wait3A_105 = arith.constant 0 : i32
      %dma_wait3A_106 = tpu.memref_slice %arg8[%dma_wait3A_104, %dma_wait3A_105] : memref<128x128xf32, #tpu.memory_space<vmem>> -> memref<8x128xf32, #tpu.memory_space<vmem>>
      %dma_wait3A_107 = arith.constant 0 : i32
      %dma_wait3A_108 = tpu.memref_slice %arg6[%add3A_52, %dma_wait3A_107] : memref<160000x128xf32, #tpu.memory_space<hbm>> -> memref<8x128xf32, #tpu.memory_space<hbm>>
      %dma_wait3A_109 = arith.constant 0 : i32
      %dma_wait3A_110 = tpu.memref_slice %arg6[%add3A_52, %dma_wait3A_109] : memref<160000x128xf32, #tpu.memory_space<hbm>> -> memref<8x128xf32, #tpu.memory_space<hbm>>
      %dma_wait3A_111 = arith.constant 0 : i32
      %dma_wait3A_112 = arith.constant 0 : i32
      %dma_wait3A_113 = tpu.memref_slice %arg8[%dma_wait3A_111, %dma_wait3A_112] : memref<128x128xf32, #tpu.memory_space<vmem>> -> memref<8x128xf32, #tpu.memory_space<vmem>>
      tpu.wait_dma2 semaphore(%run_scoped3A : memref<!tpu.dma_semaphore, #tpu.memory_space<semaphore_mem>>) src(%dma_wait3A_113 : memref<8x128xf32, #tpu.memory_space<vmem>>) dst(%dma_wait3A_110 : memref<8x128xf32, #tpu.memory_space<hbm>>)
      tpu.yield
    }) : () -> ()
    return
  }
}

#map = affine_map<(d0, d1) -> (0, 0)>
#map1 = affine_map<(d0, d1) -> (0)>
module attributes {stable_mosaic.version = 14 : i64} {
  func.func @gather_k(%arg0: i32, %arg1: i32, %arg2: memref<10000x128xf32, #tpu.memory_space<hbm>>, %arg3: memref<10000x128xf32, #tpu.memory_space<hbm>>, %arg4: memref<320000xi32, #tpu.memory_space<hbm>>, %arg5: memref<320000xi32, #tpu.memory_space<hbm>>, %arg6: memref<160000x128xf32, #tpu.memory_space<hbm>>, %arg7: memref<128xi32, #tpu.memory_space<vmem>>, %arg8: memref<128x128xf32, #tpu.memory_space<vmem>>, %arg9: memref<128xi32, #tpu.memory_space<vmem>>, %arg10: memref<128x128xf32, #tpu.memory_space<vmem>>, %arg11: memref<!tpu.dma_semaphore, #tpu.memory_space<semaphore_mem>>, %arg12: memref<!tpu.dma_semaphore, #tpu.memory_space<semaphore_mem>>, %arg13: memref<!tpu.dma_semaphore, #tpu.memory_space<semaphore_mem>>, %arg14: memref<128xi32, #tpu.memory_space<vmem>>, %arg15: memref<128x128xf32, #tpu.memory_space<vmem>>, %arg16: memref<128xi32, #tpu.memory_space<vmem>>, %arg17: memref<128x128xf32, #tpu.memory_space<vmem>>, %arg18: memref<!tpu.dma_semaphore, #tpu.memory_space<semaphore_mem>>, %arg19: memref<!tpu.dma_semaphore, #tpu.memory_space<semaphore_mem>>, %arg20: memref<!tpu.dma_semaphore, #tpu.memory_space<semaphore_mem>>, %arg21: memref<128xi32, #tpu.memory_space<vmem>>, %arg22: memref<128x128xf32, #tpu.memory_space<vmem>>, %arg23: memref<128xi32, #tpu.memory_space<vmem>>, %arg24: memref<128x128xf32, #tpu.memory_space<vmem>>, %arg25: memref<!tpu.dma_semaphore, #tpu.memory_space<semaphore_mem>>, %arg26: memref<!tpu.dma_semaphore, #tpu.memory_space<semaphore_mem>>, %arg27: memref<!tpu.dma_semaphore, #tpu.memory_space<semaphore_mem>>) attributes {dimension_semantics = [#tpu.dimension_semantics<core_parallel>, #tpu.dimension_semantics<subcore_parallel>], iteration_bounds = array<i64: 2, 16>, scalar_prefetch = 0 : i64, scratch_operands = 21 : i64, tpu.core_type = #tpu.core_type<sc_vector_subcore>, window_params = [{transform_indices = #map}, {transform_indices = #map}, {transform_indices = #map1}, {transform_indices = #map1}, {transform_indices = #map}]} {
    %mul3A = arith.constant 2 : i32
    %mul3A_0 = arith.muli %arg1, %mul3A : i32
    %add3A = arith.addi %mul3A_0, %arg0 : i32
    %mul3A_1 = arith.constant 5000 : i32
    %mul3A_2 = arith.muli %add3A, %mul3A_1 : i32
    %add3A_3 = arith.constant 0 : i32
    %add3A_4 = arith.addi %add3A_3, %mul3A_2 : i32
    %add3A_5 = arith.constant 0 : i32
    %add3A_6 = arith.addi %add3A_4, %add3A_5 : i32
    "tpu.region"() ({
      %run_scoped3A = tpu.sem_alloc : memref<!tpu.dma_semaphore, #tpu.memory_space<semaphore_mem>>
      %dma_start3A_94 = tpu.memref_slice %arg4[%add3A_6] : memref<320000xi32, #tpu.memory_space<hbm>> -> memref<128xi32, #tpu.memory_space<hbm>>
      %dma_start3A_95 = tpu.memref_slice %arg4[%add3A_6] : memref<320000xi32, #tpu.memory_space<hbm>> -> memref<128xi32, #tpu.memory_space<hbm>>
      tpu.enqueue_dma source(%dma_start3A_95 : memref<128xi32, #tpu.memory_space<hbm>>) target(%arg7 : memref<128xi32, #tpu.memory_space<vmem>>) target_semaphore(%run_scoped3A : memref<!tpu.dma_semaphore, #tpu.memory_space<semaphore_mem>>)
      %dma_wait3A_96 = tpu.memref_slice %arg4[%add3A_6] : memref<320000xi32, #tpu.memory_space<hbm>> -> memref<128xi32, #tpu.memory_space<hbm>>
      %dma_wait3A_97 = tpu.memref_slice %arg4[%add3A_6] : memref<320000xi32, #tpu.memory_space<hbm>> -> memref<128xi32, #tpu.memory_space<hbm>>
      tpu.wait_dma2 semaphore(%run_scoped3A : memref<!tpu.dma_semaphore, #tpu.memory_space<semaphore_mem>>) src(%dma_wait3A_97 : memref<128xi32, #tpu.memory_space<hbm>>) dst(%arg7 : memref<128xi32, #tpu.memory_space<vmem>>)
      tpu.yield
    }) : () -> ()
    "tpu.region"() ({
      %run_scoped3A = tpu.sem_alloc : memref<!tpu.dma_semaphore, #tpu.memory_space<semaphore_mem>>
      %dma_start3A_94 = tpu.memref_slice %arg5[%add3A_6] : memref<320000xi32, #tpu.memory_space<hbm>> -> memref<128xi32, #tpu.memory_space<hbm>>
      %dma_start3A_95 = tpu.memref_slice %arg5[%add3A_6] : memref<320000xi32, #tpu.memory_space<hbm>> -> memref<128xi32, #tpu.memory_space<hbm>>
      tpu.enqueue_dma source(%dma_start3A_95 : memref<128xi32, #tpu.memory_space<hbm>>) target(%arg9 : memref<128xi32, #tpu.memory_space<vmem>>) target_semaphore(%run_scoped3A : memref<!tpu.dma_semaphore, #tpu.memory_space<semaphore_mem>>)
      %dma_wait3A_96 = tpu.memref_slice %arg5[%add3A_6] : memref<320000xi32, #tpu.memory_space<hbm>> -> memref<128xi32, #tpu.memory_space<hbm>>
      %dma_wait3A_97 = tpu.memref_slice %arg5[%add3A_6] : memref<320000xi32, #tpu.memory_space<hbm>> -> memref<128xi32, #tpu.memory_space<hbm>>
      tpu.wait_dma2 semaphore(%run_scoped3A : memref<!tpu.dma_semaphore, #tpu.memory_space<semaphore_mem>>) src(%dma_wait3A_97 : memref<128xi32, #tpu.memory_space<hbm>>) dst(%arg9 : memref<128xi32, #tpu.memory_space<vmem>>)
      tpu.yield
    }) : () -> ()
    %dma_start3A = arith.constant 0 : i32
    %dma_start3A_7 = arith.constant 0 : i32
    %dma_start3A_8 = tpu.memref_slice %arg2[%dma_start3A, %dma_start3A_7] : memref<10000x128xf32, #tpu.memory_space<hbm>> -> memref<10000x128xf32, #tpu.memory_space<hbm>>
    tpu.enqueue_indirect_dma source(%dma_start3A_8 : memref<10000x128xf32, #tpu.memory_space<hbm>>) target(%arg8 : memref<128x128xf32, #tpu.memory_space<vmem>>) offsets(%arg7 : memref<128xi32, #tpu.memory_space<vmem>>) semaphore(%arg11 : memref<!tpu.dma_semaphore, #tpu.memory_space<semaphore_mem>>)
    %dma_start3A_9 = arith.constant 0 : i32
    %dma_start3A_10 = arith.constant 0 : i32
    %dma_start3A_11 = tpu.memref_slice %arg3[%dma_start3A_9, %dma_start3A_10] : memref<10000x128xf32, #tpu.memory_space<hbm>> -> memref<10000x128xf32, #tpu.memory_space<hbm>>
    tpu.enqueue_indirect_dma source(%dma_start3A_11 : memref<10000x128xf32, #tpu.memory_space<hbm>>) target(%arg10 : memref<128x128xf32, #tpu.memory_space<vmem>>) offsets(%arg9 : memref<128xi32, #tpu.memory_space<vmem>>) semaphore(%arg12 : memref<!tpu.dma_semaphore, #tpu.memory_space<semaphore_mem>>)
    %add3A_12 = arith.constant 128 : i32
    %add3A_13 = arith.addi %add3A_4, %add3A_12 : i32
    "tpu.region"() ({
      %run_scoped3A = tpu.sem_alloc : memref<!tpu.dma_semaphore, #tpu.memory_space<semaphore_mem>>
      %dma_start3A_94 = tpu.memref_slice %arg4[%add3A_13] : memref<320000xi32, #tpu.memory_space<hbm>> -> memref<128xi32, #tpu.memory_space<hbm>>
      %dma_start3A_95 = tpu.memref_slice %arg4[%add3A_13] : memref<320000xi32, #tpu.memory_space<hbm>> -> memref<128xi32, #tpu.memory_space<hbm>>
      tpu.enqueue_dma source(%dma_start3A_95 : memref<128xi32, #tpu.memory_space<hbm>>) target(%arg14 : memref<128xi32, #tpu.memory_space<vmem>>) target_semaphore(%run_scoped3A : memref<!tpu.dma_semaphore, #tpu.memory_space<semaphore_mem>>)
      %dma_wait3A_96 = tpu.memref_slice %arg4[%add3A_13] : memref<320000xi32, #tpu.memory_space<hbm>> -> memref<128xi32, #tpu.memory_space<hbm>>
      %dma_wait3A_97 = tpu.memref_slice %arg4[%add3A_13] : memref<320000xi32, #tpu.memory_space<hbm>> -> memref<128xi32, #tpu.memory_space<hbm>>
      tpu.wait_dma2 semaphore(%run_scoped3A : memref<!tpu.dma_semaphore, #tpu.memory_space<semaphore_mem>>) src(%dma_wait3A_97 : memref<128xi32, #tpu.memory_space<hbm>>) dst(%arg14 : memref<128xi32, #tpu.memory_space<vmem>>)
      tpu.yield
    }) : () -> ()
    "tpu.region"() ({
      %run_scoped3A = tpu.sem_alloc : memref<!tpu.dma_semaphore, #tpu.memory_space<semaphore_mem>>
      %dma_start3A_94 = tpu.memref_slice %arg5[%add3A_13] : memref<320000xi32, #tpu.memory_space<hbm>> -> memref<128xi32, #tpu.memory_space<hbm>>
      %dma_start3A_95 = tpu.memref_slice %arg5[%add3A_13] : memref<320000xi32, #tpu.memory_space<hbm>> -> memref<128xi32, #tpu.memory_space<hbm>>
      tpu.enqueue_dma source(%dma_start3A_95 : memref<128xi32, #tpu.memory_space<hbm>>) target(%arg16 : memref<128xi32, #tpu.memory_space<vmem>>) target_semaphore(%run_scoped3A : memref<!tpu.dma_semaphore, #tpu.memory_space<semaphore_mem>>)
      %dma_wait3A_96 = tpu.memref_slice %arg5[%add3A_13] : memref<320000xi32, #tpu.memory_space<hbm>> -> memref<128xi32, #tpu.memory_space<hbm>>
      %dma_wait3A_97 = tpu.memref_slice %arg5[%add3A_13] : memref<320000xi32, #tpu.memory_space<hbm>> -> memref<128xi32, #tpu.memory_space<hbm>>
      tpu.wait_dma2 semaphore(%run_scoped3A : memref<!tpu.dma_semaphore, #tpu.memory_space<semaphore_mem>>) src(%dma_wait3A_97 : memref<128xi32, #tpu.memory_space<hbm>>) dst(%arg16 : memref<128xi32, #tpu.memory_space<vmem>>)
      tpu.yield
    }) : () -> ()
    %dma_start3A_14 = arith.constant 0 : i32
    %dma_start3A_15 = arith.constant 0 : i32
    %dma_start3A_16 = tpu.memref_slice %arg2[%dma_start3A_14, %dma_start3A_15] : memref<10000x128xf32, #tpu.memory_space<hbm>> -> memref<10000x128xf32, #tpu.memory_space<hbm>>
    tpu.enqueue_indirect_dma source(%dma_start3A_16 : memref<10000x128xf32, #tpu.memory_space<hbm>>) target(%arg15 : memref<128x128xf32, #tpu.memory_space<vmem>>) offsets(%arg14 : memref<128xi32, #tpu.memory_space<vmem>>) semaphore(%arg18 : memref<!tpu.dma_semaphore, #tpu.memory_space<semaphore_mem>>)
    %dma_start3A_17 = arith.constant 0 : i32
    %dma_start3A_18 = arith.constant 0 : i32
    %dma_start3A_19 = tpu.memref_slice %arg3[%dma_start3A_17, %dma_start3A_18] : memref<10000x128xf32, #tpu.memory_space<hbm>> -> memref<10000x128xf32, #tpu.memory_space<hbm>>
    tpu.enqueue_indirect_dma source(%dma_start3A_19 : memref<10000x128xf32, #tpu.memory_space<hbm>>) target(%arg17 : memref<128x128xf32, #tpu.memory_space<vmem>>) offsets(%arg16 : memref<128xi32, #tpu.memory_space<vmem>>) semaphore(%arg19 : memref<!tpu.dma_semaphore, #tpu.memory_space<semaphore_mem>>)
    %add3A_20 = arith.constant 256 : i32
    %add3A_21 = arith.addi %add3A_4, %add3A_20 : i32
    "tpu.region"() ({
      %run_scoped3A = tpu.sem_alloc : memref<!tpu.dma_semaphore, #tpu.memory_space<semaphore_mem>>
      %dma_start3A_94 = tpu.memref_slice %arg4[%add3A_21] : memref<320000xi32, #tpu.memory_space<hbm>> -> memref<128xi32, #tpu.memory_space<hbm>>
      %dma_start3A_95 = tpu.memref_slice %arg4[%add3A_21] : memref<320000xi32, #tpu.memory_space<hbm>> -> memref<128xi32, #tpu.memory_space<hbm>>
      tpu.enqueue_dma source(%dma_start3A_95 : memref<128xi32, #tpu.memory_space<hbm>>) target(%arg21 : memref<128xi32, #tpu.memory_space<vmem>>) target_semaphore(%run_scoped3A : memref<!tpu.dma_semaphore, #tpu.memory_space<semaphore_mem>>)
      %dma_wait3A_96 = tpu.memref_slice %arg4[%add3A_21] : memref<320000xi32, #tpu.memory_space<hbm>> -> memref<128xi32, #tpu.memory_space<hbm>>
      %dma_wait3A_97 = tpu.memref_slice %arg4[%add3A_21] : memref<320000xi32, #tpu.memory_space<hbm>> -> memref<128xi32, #tpu.memory_space<hbm>>
      tpu.wait_dma2 semaphore(%run_scoped3A : memref<!tpu.dma_semaphore, #tpu.memory_space<semaphore_mem>>) src(%dma_wait3A_97 : memref<128xi32, #tpu.memory_space<hbm>>) dst(%arg21 : memref<128xi32, #tpu.memory_space<vmem>>)
      tpu.yield
    }) : () -> ()
    "tpu.region"() ({
      %run_scoped3A = tpu.sem_alloc : memref<!tpu.dma_semaphore, #tpu.memory_space<semaphore_mem>>
      %dma_start3A_94 = tpu.memref_slice %arg5[%add3A_21] : memref<320000xi32, #tpu.memory_space<hbm>> -> memref<128xi32, #tpu.memory_space<hbm>>
      %dma_start3A_95 = tpu.memref_slice %arg5[%add3A_21] : memref<320000xi32, #tpu.memory_space<hbm>> -> memref<128xi32, #tpu.memory_space<hbm>>
      tpu.enqueue_dma source(%dma_start3A_95 : memref<128xi32, #tpu.memory_space<hbm>>) target(%arg23 : memref<128xi32, #tpu.memory_space<vmem>>) target_semaphore(%run_scoped3A : memref<!tpu.dma_semaphore, #tpu.memory_space<semaphore_mem>>)
      %dma_wait3A_96 = tpu.memref_slice %arg5[%add3A_21] : memref<320000xi32, #tpu.memory_space<hbm>> -> memref<128xi32, #tpu.memory_space<hbm>>
      %dma_wait3A_97 = tpu.memref_slice %arg5[%add3A_21] : memref<320000xi32, #tpu.memory_space<hbm>> -> memref<128xi32, #tpu.memory_space<hbm>>
      tpu.wait_dma2 semaphore(%run_scoped3A : memref<!tpu.dma_semaphore, #tpu.memory_space<semaphore_mem>>) src(%dma_wait3A_97 : memref<128xi32, #tpu.memory_space<hbm>>) dst(%arg23 : memref<128xi32, #tpu.memory_space<vmem>>)
      tpu.yield
    }) : () -> ()
    %dma_start3A_22 = arith.constant 0 : i32
    %dma_start3A_23 = arith.constant 0 : i32
    %dma_start3A_24 = tpu.memref_slice %arg2[%dma_start3A_22, %dma_start3A_23] : memref<10000x128xf32, #tpu.memory_space<hbm>> -> memref<10000x128xf32, #tpu.memory_space<hbm>>
    tpu.enqueue_indirect_dma source(%dma_start3A_24 : memref<10000x128xf32, #tpu.memory_space<hbm>>) target(%arg22 : memref<128x128xf32, #tpu.memory_space<vmem>>) offsets(%arg21 : memref<128xi32, #tpu.memory_space<vmem>>) semaphore(%arg25 : memref<!tpu.dma_semaphore, #tpu.memory_space<semaphore_mem>>)
    %dma_start3A_25 = arith.constant 0 : i32
    %dma_start3A_26 = arith.constant 0 : i32
    %dma_start3A_27 = tpu.memref_slice %arg3[%dma_start3A_25, %dma_start3A_26] : memref<10000x128xf32, #tpu.memory_space<hbm>> -> memref<10000x128xf32, #tpu.memory_space<hbm>>
    tpu.enqueue_indirect_dma source(%dma_start3A_27 : memref<10000x128xf32, #tpu.memory_space<hbm>>) target(%arg24 : memref<128x128xf32, #tpu.memory_space<vmem>>) offsets(%arg23 : memref<128xi32, #tpu.memory_space<vmem>>) semaphore(%arg26 : memref<!tpu.dma_semaphore, #tpu.memory_space<semaphore_mem>>)
    %scan3A = arith.constant 0 : i32
    %scan3A_28 = arith.constant 0 : i32
    %scan3A_29 = arith.constant 13 : i32
    %scan3A_30 = arith.addi %scan3A_28, %scan3A_29 : i32
    %scan3A_31 = arith.constant 1 : i32
    %scan3A_32 = scf.for %scan3A_94 = %scan3A_28 to %scan3A_30 step %scan3A_31 iter_args(%scan3A_95 = %scan3A) -> (i32)  : i32 {
      %mul3A_96 = arith.constant 3 : i32
      %mul3A_97 = arith.muli %scan3A_94, %mul3A_96 : i32
      %dma_wait3A_98 = arith.constant 0 : i32
      %dma_wait3A_99 = arith.constant 0 : i32
      %dma_wait3A_100 = tpu.memref_slice %arg2[%dma_wait3A_98, %dma_wait3A_99] : memref<10000x128xf32, #tpu.memory_space<hbm>> -> memref<10000x128xf32, #tpu.memory_space<hbm>>
      tpu.wait_indirect_dma semaphore(%arg11 : memref<!tpu.dma_semaphore, #tpu.memory_space<semaphore_mem>>) src(%dma_wait3A_100 : memref<10000x128xf32, #tpu.memory_space<hbm>>) dst(%arg8 : memref<128x128xf32, #tpu.memory_space<vmem>>)
      %dma_wait3A_101 = arith.constant 0 : i32
      %dma_wait3A_102 = arith.constant 0 : i32
      %dma_wait3A_103 = tpu.memref_slice %arg3[%dma_wait3A_101, %dma_wait3A_102] : memref<10000x128xf32, #tpu.memory_space<hbm>> -> memref<10000x128xf32, #tpu.memory_space<hbm>>
      tpu.wait_indirect_dma semaphore(%arg12 : memref<!tpu.dma_semaphore, #tpu.memory_space<semaphore_mem>>) src(%dma_wait3A_103 : memref<10000x128xf32, #tpu.memory_space<hbm>>) dst(%arg10 : memref<128x128xf32, #tpu.memory_space<vmem>>)
      %scan3A_104 = arith.constant 0 : i32
      %scan3A_105 = arith.constant 0 : i32
      %scan3A_106 = arith.constant 128 : i32
      %scan3A_107 = arith.addi %scan3A_105, %scan3A_106 : i32
      %scan3A_108 = arith.constant 1 : i32
      %scan3A_109 = scf.for %scan3A_167 = %scan3A_105 to %scan3A_107 step %scan3A_108 iter_args(%scan3A_168 = %scan3A_104) -> (i32)  : i32 {
        %get3A = arith.index_cast %scan3A_167 : i32 to index
        %get3A_169 = arith.constant 0 : index
        %get3A_170 = tpu.vector_load %arg10[%get3A, %get3A_169] {strides = array<i32>} : memref<128x128xf32, #tpu.memory_space<vmem>>, vector<1x16xf32>,
        %get3A_171 = vector.shape_cast %get3A_170 : vector<1x16xf32> to vector<16xf32>
        %swap3A = arith.index_cast %scan3A_167 : i32 to index
        %swap3A_172 = arith.constant 0 : index
        %swap3A_173 = tpu.vector_load %arg8[%swap3A, %swap3A_172] {strides = array<i32>} : memref<128x128xf32, #tpu.memory_space<vmem>>, vector<1x16xf32>,
        %swap3A_174 = vector.shape_cast %swap3A_173 : vector<1x16xf32> to vector<16xf32>
        %swap3A_175 = vector.shape_cast %get3A_171 : vector<16xf32> to vector<1x16xf32>
        tpu.vector_store %arg8[%swap3A, %swap3A_172], %swap3A_175 {add = true, strides = array<i32>} : memref<128x128xf32, #tpu.memory_space<vmem>>, vector<1x16xf32>,
        %get3A_176 = arith.index_cast %scan3A_167 : i32 to index
        %get3A_177 = arith.constant 16 : index
        %get3A_178 = tpu.vector_load %arg10[%get3A_176, %get3A_177] {strides = array<i32>} : memref<128x128xf32, #tpu.memory_space<vmem>>, vector<1x16xf32>,
        %get3A_179 = vector.shape_cast %get3A_178 : vector<1x16xf32> to vector<16xf32>
        %swap3A_180 = arith.index_cast %scan3A_167 : i32 to index
        %swap3A_181 = arith.constant 16 : index
        %swap3A_182 = tpu.vector_load %arg8[%swap3A_180, %swap3A_181] {strides = array<i32>} : memref<128x128xf32, #tpu.memory_space<vmem>>, vector<1x16xf32>,
        %swap3A_183 = vector.shape_cast %swap3A_182 : vector<1x16xf32> to vector<16xf32>
        %swap3A_184 = vector.shape_cast %get3A_179 : vector<16xf32> to vector<1x16xf32>
        tpu.vector_store %arg8[%swap3A_180, %swap3A_181], %swap3A_184 {add = true, strides = array<i32>} : memref<128x128xf32, #tpu.memory_space<vmem>>, vector<1x16xf32>,
        %get3A_185 = arith.index_cast %scan3A_167 : i32 to index
        %get3A_186 = arith.constant 32 : index
        %get3A_187 = tpu.vector_load %arg10[%get3A_185, %get3A_186] {strides = array<i32>} : memref<128x128xf32, #tpu.memory_space<vmem>>, vector<1x16xf32>,
        %get3A_188 = vector.shape_cast %get3A_187 : vector<1x16xf32> to vector<16xf32>
        %swap3A_189 = arith.index_cast %scan3A_167 : i32 to index
        %swap3A_190 = arith.constant 32 : index
        %swap3A_191 = tpu.vector_load %arg8[%swap3A_189, %swap3A_190] {strides = array<i32>} : memref<128x128xf32, #tpu.memory_space<vmem>>, vector<1x16xf32>,
        %swap3A_192 = vector.shape_cast %swap3A_191 : vector<1x16xf32> to vector<16xf32>
        %swap3A_193 = vector.shape_cast %get3A_188 : vector<16xf32> to vector<1x16xf32>
        tpu.vector_store %arg8[%swap3A_189, %swap3A_190], %swap3A_193 {add = true, strides = array<i32>} : memref<128x128xf32, #tpu.memory_space<vmem>>, vector<1x16xf32>,
        %get3A_194 = arith.index_cast %scan3A_167 : i32 to index
        %get3A_195 = arith.constant 48 : index
        %get3A_196 = tpu.vector_load %arg10[%get3A_194, %get3A_195] {strides = array<i32>} : memref<128x128xf32, #tpu.memory_space<vmem>>, vector<1x16xf32>,
        %get3A_197 = vector.shape_cast %get3A_196 : vector<1x16xf32> to vector<16xf32>
        %swap3A_198 = arith.index_cast %scan3A_167 : i32 to index
        %swap3A_199 = arith.constant 48 : index
        %swap3A_200 = tpu.vector_load %arg8[%swap3A_198, %swap3A_199] {strides = array<i32>} : memref<128x128xf32, #tpu.memory_space<vmem>>, vector<1x16xf32>,
        %swap3A_201 = vector.shape_cast %swap3A_200 : vector<1x16xf32> to vector<16xf32>
        %swap3A_202 = vector.shape_cast %get3A_197 : vector<16xf32> to vector<1x16xf32>
        tpu.vector_store %arg8[%swap3A_198, %swap3A_199], %swap3A_202 {add = true, strides = array<i32>} : memref<128x128xf32, #tpu.memory_space<vmem>>, vector<1x16xf32>,
        %get3A_203 = arith.index_cast %scan3A_167 : i32 to index
        %get3A_204 = arith.constant 64 : index
        %get3A_205 = tpu.vector_load %arg10[%get3A_203, %get3A_204] {strides = array<i32>} : memref<128x128xf32, #tpu.memory_space<vmem>>, vector<1x16xf32>,
        %get3A_206 = vector.shape_cast %get3A_205 : vector<1x16xf32> to vector<16xf32>
        %swap3A_207 = arith.index_cast %scan3A_167 : i32 to index
        %swap3A_208 = arith.constant 64 : index
        %swap3A_209 = tpu.vector_load %arg8[%swap3A_207, %swap3A_208] {strides = array<i32>} : memref<128x128xf32, #tpu.memory_space<vmem>>, vector<1x16xf32>,
        %swap3A_210 = vector.shape_cast %swap3A_209 : vector<1x16xf32> to vector<16xf32>
        %swap3A_211 = vector.shape_cast %get3A_206 : vector<16xf32> to vector<1x16xf32>
        tpu.vector_store %arg8[%swap3A_207, %swap3A_208], %swap3A_211 {add = true, strides = array<i32>} : memref<128x128xf32, #tpu.memory_space<vmem>>, vector<1x16xf32>,
        %get3A_212 = arith.index_cast %scan3A_167 : i32 to index
        %get3A_213 = arith.constant 80 : index
        %get3A_214 = tpu.vector_load %arg10[%get3A_212, %get3A_213] {strides = array<i32>} : memref<128x128xf32, #tpu.memory_space<vmem>>, vector<1x16xf32>,
        %get3A_215 = vector.shape_cast %get3A_214 : vector<1x16xf32> to vector<16xf32>
        %swap3A_216 = arith.index_cast %scan3A_167 : i32 to index
        %swap3A_217 = arith.constant 80 : index
        %swap3A_218 = tpu.vector_load %arg8[%swap3A_216, %swap3A_217] {strides = array<i32>} : memref<128x128xf32, #tpu.memory_space<vmem>>, vector<1x16xf32>,
        %swap3A_219 = vector.shape_cast %swap3A_218 : vector<1x16xf32> to vector<16xf32>
        %swap3A_220 = vector.shape_cast %get3A_215 : vector<16xf32> to vector<1x16xf32>
        tpu.vector_store %arg8[%swap3A_216, %swap3A_217], %swap3A_220 {add = true, strides = array<i32>} : memref<128x128xf32, #tpu.memory_space<vmem>>, vector<1x16xf32>,
        %get3A_221 = arith.index_cast %scan3A_167 : i32 to index
        %get3A_222 = arith.constant 96 : index
        %get3A_223 = tpu.vector_load %arg10[%get3A_221, %get3A_222] {strides = array<i32>} : memref<128x128xf32, #tpu.memory_space<vmem>>, vector<1x16xf32>,
        %get3A_224 = vector.shape_cast %get3A_223 : vector<1x16xf32> to vector<16xf32>
        %swap3A_225 = arith.index_cast %scan3A_167 : i32 to index
        %swap3A_226 = arith.constant 96 : index
        %swap3A_227 = tpu.vector_load %arg8[%swap3A_225, %swap3A_226] {strides = array<i32>} : memref<128x128xf32, #tpu.memory_space<vmem>>, vector<1x16xf32>,
        %swap3A_228 = vector.shape_cast %swap3A_227 : vector<1x16xf32> to vector<16xf32>
        %swap3A_229 = vector.shape_cast %get3A_224 : vector<16xf32> to vector<1x16xf32>
        tpu.vector_store %arg8[%swap3A_225, %swap3A_226], %swap3A_229 {add = true, strides = array<i32>} : memref<128x128xf32, #tpu.memory_space<vmem>>, vector<1x16xf32>,
        %get3A_230 = arith.index_cast %scan3A_167 : i32 to index
        %get3A_231 = arith.constant 112 : index
        %get3A_232 = tpu.vector_load %arg10[%get3A_230, %get3A_231] {strides = array<i32>} : memref<128x128xf32, #tpu.memory_space<vmem>>, vector<1x16xf32>,
        %get3A_233 = vector.shape_cast %get3A_232 : vector<1x16xf32> to vector<16xf32>
        %swap3A_234 = arith.index_cast %scan3A_167 : i32 to index
        %swap3A_235 = arith.constant 112 : index
        %swap3A_236 = tpu.vector_load %arg8[%swap3A_234, %swap3A_235] {strides = array<i32>} : memref<128x128xf32, #tpu.memory_space<vmem>>, vector<1x16xf32>,
        %swap3A_237 = vector.shape_cast %swap3A_236 : vector<1x16xf32> to vector<16xf32>
        %swap3A_238 = vector.shape_cast %get3A_233 : vector<16xf32> to vector<1x16xf32>
        tpu.vector_store %arg8[%swap3A_234, %swap3A_235], %swap3A_238 {add = true, strides = array<i32>} : memref<128x128xf32, #tpu.memory_space<vmem>>, vector<1x16xf32>,
        %scan3A_239 = arith.constant 0 : i32
        scf.yield %scan3A_239 : i32
      }
      %scan3A_110 = arith.constant 128 : i32
      %add3A_111 = arith.constant 0 : i32
      %add3A_112 = arith.addi %mul3A_97, %add3A_111 : i32
      %mul3A_113 = arith.constant 128 : i32
      %mul3A_114 = arith.muli %add3A_112, %mul3A_113 : i32
      %add3A_115 = arith.addi %mul3A_2, %mul3A_114 : i32
      %dma_start3A_116 = arith.constant 0 : i32
      %dma_start3A_117 = tpu.memref_slice %arg6[%add3A_115, %dma_start3A_116] : memref<160000x128xf32, #tpu.memory_space<hbm>> -> memref<128x128xf32, #tpu.memory_space<hbm>>
      %dma_start3A_118 = arith.constant 0 : i32
      %dma_start3A_119 = tpu.memref_slice %arg6[%add3A_115, %dma_start3A_118] : memref<160000x128xf32, #tpu.memory_space<hbm>> -> memref<128x128xf32, #tpu.memory_space<hbm>>
      tpu.enqueue_dma source(%arg8 : memref<128x128xf32, #tpu.memory_space<vmem>>) target(%dma_start3A_119 : memref<128x128xf32, #tpu.memory_space<hbm>>) target_semaphore(%arg13 : memref<!tpu.dma_semaphore, #tpu.memory_space<semaphore_mem>>)
      %dma_wait3A_120 = arith.constant 0 : i32
      %dma_wait3A_121 = arith.constant 0 : i32
      %dma_wait3A_122 = tpu.memref_slice %arg2[%dma_wait3A_120, %dma_wait3A_121] : memref<10000x128xf32, #tpu.memory_space<hbm>> -> memref<10000x128xf32, #tpu.memory_space<hbm>>
      tpu.wait_indirect_dma semaphore(%arg18 : memref<!tpu.dma_semaphore, #tpu.memory_space<semaphore_mem>>) src(%dma_wait3A_122 : memref<10000x128xf32, #tpu.memory_space<hbm>>) dst(%arg15 : memref<128x128xf32, #tpu.memory_space<vmem>>)
      %dma_wait3A_123 = arith.constant 0 : i32
      %dma_wait3A_124 = arith.constant 0 : i32
      %dma_wait3A_125 = tpu.memref_slice %arg3[%dma_wait3A_123, %dma_wait3A_124] : memref<10000x128xf32, #tpu.memory_space<hbm>> -> memref<10000x128xf32, #tpu.memory_space<hbm>>
      tpu.wait_indirect_dma semaphore(%arg19 : memref<!tpu.dma_semaphore, #tpu.memory_space<semaphore_mem>>) src(%dma_wait3A_125 : memref<10000x128xf32, #tpu.memory_space<hbm>>) dst(%arg17 : memref<128x128xf32, #tpu.memory_space<vmem>>)
      %scan3A_126 = arith.constant 0 : i32
      %scan3A_127 = arith.constant 0 : i32
      %scan3A_128 = arith.constant 128 : i32
      %scan3A_129 = arith.addi %scan3A_127, %scan3A_128 : i32
      %scan3A_130 = arith.constant 1 : i32
      %scan3A_131 = scf.for %scan3A_167 = %scan3A_127 to %scan3A_129 step %scan3A_130 iter_args(%scan3A_168 = %scan3A_126) -> (i32)  : i32 {
        %get3A = arith.index_cast %scan3A_167 : i32 to index
        %get3A_169 = arith.constant 0 : index
        %get3A_170 = tpu.vector_load %arg17[%get3A, %get3A_169] {strides = array<i32>} : memref<128x128xf32, #tpu.memory_space<vmem>>, vector<1x16xf32>,
        %get3A_171 = vector.shape_cast %get3A_170 : vector<1x16xf32> to vector<16xf32>
        %swap3A = arith.index_cast %scan3A_167 : i32 to index
        %swap3A_172 = arith.constant 0 : index
        %swap3A_173 = tpu.vector_load %arg15[%swap3A, %swap3A_172] {strides = array<i32>} : memref<128x128xf32, #tpu.memory_space<vmem>>, vector<1x16xf32>,
        %swap3A_174 = vector.shape_cast %swap3A_173 : vector<1x16xf32> to vector<16xf32>
        %swap3A_175 = vector.shape_cast %get3A_171 : vector<16xf32> to vector<1x16xf32>
        tpu.vector_store %arg15[%swap3A, %swap3A_172], %swap3A_175 {add = true, strides = array<i32>} : memref<128x128xf32, #tpu.memory_space<vmem>>, vector<1x16xf32>,
        %get3A_176 = arith.index_cast %scan3A_167 : i32 to index
        %get3A_177 = arith.constant 16 : index
        %get3A_178 = tpu.vector_load %arg17[%get3A_176, %get3A_177] {strides = array<i32>} : memref<128x128xf32, #tpu.memory_space<vmem>>, vector<1x16xf32>,
        %get3A_179 = vector.shape_cast %get3A_178 : vector<1x16xf32> to vector<16xf32>
        %swap3A_180 = arith.index_cast %scan3A_167 : i32 to index
        %swap3A_181 = arith.constant 16 : index
        %swap3A_182 = tpu.vector_load %arg15[%swap3A_180, %swap3A_181] {strides = array<i32>} : memref<128x128xf32, #tpu.memory_space<vmem>>, vector<1x16xf32>,
        %swap3A_183 = vector.shape_cast %swap3A_182 : vector<1x16xf32> to vector<16xf32>
        %swap3A_184 = vector.shape_cast %get3A_179 : vector<16xf32> to vector<1x16xf32>
        tpu.vector_store %arg15[%swap3A_180, %swap3A_181], %swap3A_184 {add = true, strides = array<i32>} : memref<128x128xf32, #tpu.memory_space<vmem>>, vector<1x16xf32>,
        %get3A_185 = arith.index_cast %scan3A_167 : i32 to index
        %get3A_186 = arith.constant 32 : index
        %get3A_187 = tpu.vector_load %arg17[%get3A_185, %get3A_186] {strides = array<i32>} : memref<128x128xf32, #tpu.memory_space<vmem>>, vector<1x16xf32>,
        %get3A_188 = vector.shape_cast %get3A_187 : vector<1x16xf32> to vector<16xf32>
        %swap3A_189 = arith.index_cast %scan3A_167 : i32 to index
        %swap3A_190 = arith.constant 32 : index
        %swap3A_191 = tpu.vector_load %arg15[%swap3A_189, %swap3A_190] {strides = array<i32>} : memref<128x128xf32, #tpu.memory_space<vmem>>, vector<1x16xf32>,
        %swap3A_192 = vector.shape_cast %swap3A_191 : vector<1x16xf32> to vector<16xf32>
        %swap3A_193 = vector.shape_cast %get3A_188 : vector<16xf32> to vector<1x16xf32>
        tpu.vector_store %arg15[%swap3A_189, %swap3A_190], %swap3A_193 {add = true, strides = array<i32>} : memref<128x128xf32, #tpu.memory_space<vmem>>, vector<1x16xf32>,
        %get3A_194 = arith.index_cast %scan3A_167 : i32 to index
        %get3A_195 = arith.constant 48 : index
        %get3A_196 = tpu.vector_load %arg17[%get3A_194, %get3A_195] {strides = array<i32>} : memref<128x128xf32, #tpu.memory_space<vmem>>, vector<1x16xf32>,
        %get3A_197 = vector.shape_cast %get3A_196 : vector<1x16xf32> to vector<16xf32>
        %swap3A_198 = arith.index_cast %scan3A_167 : i32 to index
        %swap3A_199 = arith.constant 48 : index
        %swap3A_200 = tpu.vector_load %arg15[%swap3A_198, %swap3A_199] {strides = array<i32>} : memref<128x128xf32, #tpu.memory_space<vmem>>, vector<1x16xf32>,
        %swap3A_201 = vector.shape_cast %swap3A_200 : vector<1x16xf32> to vector<16xf32>
        %swap3A_202 = vector.shape_cast %get3A_197 : vector<16xf32> to vector<1x16xf32>
        tpu.vector_store %arg15[%swap3A_198, %swap3A_199], %swap3A_202 {add = true, strides = array<i32>} : memref<128x128xf32, #tpu.memory_space<vmem>>, vector<1x16xf32>,
        %get3A_203 = arith.index_cast %scan3A_167 : i32 to index
        %get3A_204 = arith.constant 64 : index
        %get3A_205 = tpu.vector_load %arg17[%get3A_203, %get3A_204] {strides = array<i32>} : memref<128x128xf32, #tpu.memory_space<vmem>>, vector<1x16xf32>,
        %get3A_206 = vector.shape_cast %get3A_205 : vector<1x16xf32> to vector<16xf32>
        %swap3A_207 = arith.index_cast %scan3A_167 : i32 to index
        %swap3A_208 = arith.constant 64 : index
        %swap3A_209 = tpu.vector_load %arg15[%swap3A_207, %swap3A_208] {strides = array<i32>} : memref<128x128xf32, #tpu.memory_space<vmem>>, vector<1x16xf32>,
        %swap3A_210 = vector.shape_cast %swap3A_209 : vector<1x16xf32> to vector<16xf32>
        %swap3A_211 = vector.shape_cast %get3A_206 : vector<16xf32> to vector<1x16xf32>
        tpu.vector_store %arg15[%swap3A_207, %swap3A_208], %swap3A_211 {add = true, strides = array<i32>} : memref<128x128xf32, #tpu.memory_space<vmem>>, vector<1x16xf32>,
        %get3A_212 = arith.index_cast %scan3A_167 : i32 to index
        %get3A_213 = arith.constant 80 : index
        %get3A_214 = tpu.vector_load %arg17[%get3A_212, %get3A_213] {strides = array<i32>} : memref<128x128xf32, #tpu.memory_space<vmem>>, vector<1x16xf32>,
        %get3A_215 = vector.shape_cast %get3A_214 : vector<1x16xf32> to vector<16xf32>
        %swap3A_216 = arith.index_cast %scan3A_167 : i32 to index
        %swap3A_217 = arith.constant 80 : index
        %swap3A_218 = tpu.vector_load %arg15[%swap3A_216, %swap3A_217] {strides = array<i32>} : memref<128x128xf32, #tpu.memory_space<vmem>>, vector<1x16xf32>,
        %swap3A_219 = vector.shape_cast %swap3A_218 : vector<1x16xf32> to vector<16xf32>
        %swap3A_220 = vector.shape_cast %get3A_215 : vector<16xf32> to vector<1x16xf32>
        tpu.vector_store %arg15[%swap3A_216, %swap3A_217], %swap3A_220 {add = true, strides = array<i32>} : memref<128x128xf32, #tpu.memory_space<vmem>>, vector<1x16xf32>,
        %get3A_221 = arith.index_cast %scan3A_167 : i32 to index
        %get3A_222 = arith.constant 96 : index
        %get3A_223 = tpu.vector_load %arg17[%get3A_221, %get3A_222] {strides = array<i32>} : memref<128x128xf32, #tpu.memory_space<vmem>>, vector<1x16xf32>,
        %get3A_224 = vector.shape_cast %get3A_223 : vector<1x16xf32> to vector<16xf32>
        %swap3A_225 = arith.index_cast %scan3A_167 : i32 to index
        %swap3A_226 = arith.constant 96 : index
        %swap3A_227 = tpu.vector_load %arg15[%swap3A_225, %swap3A_226] {strides = array<i32>} : memref<128x128xf32, #tpu.memory_space<vmem>>, vector<1x16xf32>,
        %swap3A_228 = vector.shape_cast %swap3A_227 : vector<1x16xf32> to vector<16xf32>
        %swap3A_229 = vector.shape_cast %get3A_224 : vector<16xf32> to vector<1x16xf32>
        tpu.vector_store %arg15[%swap3A_225, %swap3A_226], %swap3A_229 {add = true, strides = array<i32>} : memref<128x128xf32, #tpu.memory_space<vmem>>, vector<1x16xf32>,
        %get3A_230 = arith.index_cast %scan3A_167 : i32 to index
        %get3A_231 = arith.constant 112 : index
        %get3A_232 = tpu.vector_load %arg17[%get3A_230, %get3A_231] {strides = array<i32>} : memref<128x128xf32, #tpu.memory_space<vmem>>, vector<1x16xf32>,
        %get3A_233 = vector.shape_cast %get3A_232 : vector<1x16xf32> to vector<16xf32>
        %swap3A_234 = arith.index_cast %scan3A_167 : i32 to index
        %swap3A_235 = arith.constant 112 : index
        %swap3A_236 = tpu.vector_load %arg15[%swap3A_234, %swap3A_235] {strides = array<i32>} : memref<128x128xf32, #tpu.memory_space<vmem>>, vector<1x16xf32>,
        %swap3A_237 = vector.shape_cast %swap3A_236 : vector<1x16xf32> to vector<16xf32>
        %swap3A_238 = vector.shape_cast %get3A_233 : vector<16xf32> to vector<1x16xf32>
        tpu.vector_store %arg15[%swap3A_234, %swap3A_235], %swap3A_238 {add = true, strides = array<i32>} : memref<128x128xf32, #tpu.memory_space<vmem>>, vector<1x16xf32>,
        %scan3A_239 = arith.constant 0 : i32
        scf.yield %scan3A_239 : i32
      }
      %scan3A_132 = arith.constant 128 : i32
      %add3A_133 = arith.constant 1 : i32
      %add3A_134 = arith.addi %mul3A_97, %add3A_133 : i32
      %mul3A_135 = arith.constant 128 : i32
      %mul3A_136 = arith.muli %add3A_134, %mul3A_135 : i32
      %add3A_137 = arith.addi %mul3A_2, %mul3A_136 : i32
      %dma_start3A_138 = arith.constant 0 : i32
      %dma_start3A_139 = tpu.memref_slice %arg6[%add3A_137, %dma_start3A_138] : memref<160000x128xf32, #tpu.memory_space<hbm>> -> memref<128x128xf32, #tpu.memory_space<hbm>>
      %dma_start3A_140 = arith.constant 0 : i32
      %dma_start3A_141 = tpu.memref_slice %arg6[%add3A_137, %dma_start3A_140] : memref<160000x128xf32, #tpu.memory_space<hbm>> -> memref<128x128xf32, #tpu.memory_space<hbm>>
      tpu.enqueue_dma source(%arg15 : memref<128x128xf32, #tpu.memory_space<vmem>>) target(%dma_start3A_141 : memref<128x128xf32, #tpu.memory_space<hbm>>) target_semaphore(%arg20 : memref<!tpu.dma_semaphore, #tpu.memory_space<semaphore_mem>>)
      %dma_wait3A_142 = arith.constant 0 : i32
      %dma_wait3A_143 = arith.constant 0 : i32
      %dma_wait3A_144 = tpu.memref_slice %arg2[%dma_wait3A_142, %dma_wait3A_143] : memref<10000x128xf32, #tpu.memory_space<hbm>> -> memref<10000x128xf32, #tpu.memory_space<hbm>>
      tpu.wait_indirect_dma semaphore(%arg25 : memref<!tpu.dma_semaphore, #tpu.memory_space<semaphore_mem>>) src(%dma_wait3A_144 : memref<10000x128xf32, #tpu.memory_space<hbm>>) dst(%arg22 : memref<128x128xf32, #tpu.memory_space<vmem>>)
      %dma_wait3A_145 = arith.constant 0 : i32
      %dma_wait3A_146 = arith.constant 0 : i32
      %dma_wait3A_147 = tpu.memref_slice %arg3[%dma_wait3A_145, %dma_wait3A_146] : memref<10000x128xf32, #tpu.memory_space<hbm>> -> memref<10000x128xf32, #tpu.memory_space<hbm>>
      tpu.wait_indirect_dma semaphore(%arg26 : memref<!tpu.dma_semaphore, #tpu.memory_space<semaphore_mem>>) src(%dma_wait3A_147 : memref<10000x128xf32, #tpu.memory_space<hbm>>) dst(%arg24 : memref<128x128xf32, #tpu.memory_space<vmem>>)
      %scan3A_148 = arith.constant 0 : i32
      %scan3A_149 = arith.constant 0 : i32
      %scan3A_150 = arith.constant 128 : i32
      %scan3A_151 = arith.addi %scan3A_149, %scan3A_150 : i32
      %scan3A_152 = arith.constant 1 : i32
      %scan3A_153 = scf.for %scan3A_167 = %scan3A_149 to %scan3A_151 step %scan3A_152 iter_args(%scan3A_168 = %scan3A_148) -> (i32)  : i32 {
        %get3A = arith.index_cast %scan3A_167 : i32 to index
        %get3A_169 = arith.constant 0 : index
        %get3A_170 = tpu.vector_load %arg24[%get3A, %get3A_169] {strides = array<i32>} : memref<128x128xf32, #tpu.memory_space<vmem>>, vector<1x16xf32>,
        %get3A_171 = vector.shape_cast %get3A_170 : vector<1x16xf32> to vector<16xf32>
        %swap3A = arith.index_cast %scan3A_167 : i32 to index
        %swap3A_172 = arith.constant 0 : index
        %swap3A_173 = tpu.vector_load %arg22[%swap3A, %swap3A_172] {strides = array<i32>} : memref<128x128xf32, #tpu.memory_space<vmem>>, vector<1x16xf32>,
        %swap3A_174 = vector.shape_cast %swap3A_173 : vector<1x16xf32> to vector<16xf32>
        %swap3A_175 = vector.shape_cast %get3A_171 : vector<16xf32> to vector<1x16xf32>
        tpu.vector_store %arg22[%swap3A, %swap3A_172], %swap3A_175 {add = true, strides = array<i32>} : memref<128x128xf32, #tpu.memory_space<vmem>>, vector<1x16xf32>,
        %get3A_176 = arith.index_cast %scan3A_167 : i32 to index
        %get3A_177 = arith.constant 16 : index
        %get3A_178 = tpu.vector_load %arg24[%get3A_176, %get3A_177] {strides = array<i32>} : memref<128x128xf32, #tpu.memory_space<vmem>>, vector<1x16xf32>,
        %get3A_179 = vector.shape_cast %get3A_178 : vector<1x16xf32> to vector<16xf32>
        %swap3A_180 = arith.index_cast %scan3A_167 : i32 to index
        %swap3A_181 = arith.constant 16 : index
        %swap3A_182 = tpu.vector_load %arg22[%swap3A_180, %swap3A_181] {strides = array<i32>} : memref<128x128xf32, #tpu.memory_space<vmem>>, vector<1x16xf32>,
        %swap3A_183 = vector.shape_cast %swap3A_182 : vector<1x16xf32> to vector<16xf32>
        %swap3A_184 = vector.shape_cast %get3A_179 : vector<16xf32> to vector<1x16xf32>
        tpu.vector_store %arg22[%swap3A_180, %swap3A_181], %swap3A_184 {add = true, strides = array<i32>} : memref<128x128xf32, #tpu.memory_space<vmem>>, vector<1x16xf32>,
        %get3A_185 = arith.index_cast %scan3A_167 : i32 to index
        %get3A_186 = arith.constant 32 : index
        %get3A_187 = tpu.vector_load %arg24[%get3A_185, %get3A_186] {strides = array<i32>} : memref<128x128xf32, #tpu.memory_space<vmem>>, vector<1x16xf32>,
        %get3A_188 = vector.shape_cast %get3A_187 : vector<1x16xf32> to vector<16xf32>
        %swap3A_189 = arith.index_cast %scan3A_167 : i32 to index
        %swap3A_190 = arith.constant 32 : index
        %swap3A_191 = tpu.vector_load %arg22[%swap3A_189, %swap3A_190] {strides = array<i32>} : memref<128x128xf32, #tpu.memory_space<vmem>>, vector<1x16xf32>,
        %swap3A_192 = vector.shape_cast %swap3A_191 : vector<1x16xf32> to vector<16xf32>
        %swap3A_193 = vector.shape_cast %get3A_188 : vector<16xf32> to vector<1x16xf32>
        tpu.vector_store %arg22[%swap3A_189, %swap3A_190], %swap3A_193 {add = true, strides = array<i32>} : memref<128x128xf32, #tpu.memory_space<vmem>>, vector<1x16xf32>,
        %get3A_194 = arith.index_cast %scan3A_167 : i32 to index
        %get3A_195 = arith.constant 48 : index
        %get3A_196 = tpu.vector_load %arg24[%get3A_194, %get3A_195] {strides = array<i32>} : memref<128x128xf32, #tpu.memory_space<vmem>>, vector<1x16xf32>,
        %get3A_197 = vector.shape_cast %get3A_196 : vector<1x16xf32> to vector<16xf32>
        %swap3A_198 = arith.index_cast %scan3A_167 : i32 to index
        %swap3A_199 = arith.constant 48 : index
        %swap3A_200 = tpu.vector_load %arg22[%swap3A_198, %swap3A_199] {strides = array<i32>} : memref<128x128xf32, #tpu.memory_space<vmem>>, vector<1x16xf32>,
        %swap3A_201 = vector.shape_cast %swap3A_200 : vector<1x16xf32> to vector<16xf32>
        %swap3A_202 = vector.shape_cast %get3A_197 : vector<16xf32> to vector<1x16xf32>
        tpu.vector_store %arg22[%swap3A_198, %swap3A_199], %swap3A_202 {add = true, strides = array<i32>} : memref<128x128xf32, #tpu.memory_space<vmem>>, vector<1x16xf32>,
        %get3A_203 = arith.index_cast %scan3A_167 : i32 to index
        %get3A_204 = arith.constant 64 : index
        %get3A_205 = tpu.vector_load %arg24[%get3A_203, %get3A_204] {strides = array<i32>} : memref<128x128xf32, #tpu.memory_space<vmem>>, vector<1x16xf32>,
        %get3A_206 = vector.shape_cast %get3A_205 : vector<1x16xf32> to vector<16xf32>
        %swap3A_207 = arith.index_cast %scan3A_167 : i32 to index
        %swap3A_208 = arith.constant 64 : index
        %swap3A_209 = tpu.vector_load %arg22[%swap3A_207, %swap3A_208] {strides = array<i32>} : memref<128x128xf32, #tpu.memory_space<vmem>>, vector<1x16xf32>,
        %swap3A_210 = vector.shape_cast %swap3A_209 : vector<1x16xf32> to vector<16xf32>
        %swap3A_211 = vector.shape_cast %get3A_206 : vector<16xf32> to vector<1x16xf32>
        tpu.vector_store %arg22[%swap3A_207, %swap3A_208], %swap3A_211 {add = true, strides = array<i32>} : memref<128x128xf32, #tpu.memory_space<vmem>>, vector<1x16xf32>,
        %get3A_212 = arith.index_cast %scan3A_167 : i32 to index
        %get3A_213 = arith.constant 80 : index
        %get3A_214 = tpu.vector_load %arg24[%get3A_212, %get3A_213] {strides = array<i32>} : memref<128x128xf32, #tpu.memory_space<vmem>>, vector<1x16xf32>,
        %get3A_215 = vector.shape_cast %get3A_214 : vector<1x16xf32> to vector<16xf32>
        %swap3A_216 = arith.index_cast %scan3A_167 : i32 to index
        %swap3A_217 = arith.constant 80 : index
        %swap3A_218 = tpu.vector_load %arg22[%swap3A_216, %swap3A_217] {strides = array<i32>} : memref<128x128xf32, #tpu.memory_space<vmem>>, vector<1x16xf32>,
        %swap3A_219 = vector.shape_cast %swap3A_218 : vector<1x16xf32> to vector<16xf32>
        %swap3A_220 = vector.shape_cast %get3A_215 : vector<16xf32> to vector<1x16xf32>
        tpu.vector_store %arg22[%swap3A_216, %swap3A_217], %swap3A_220 {add = true, strides = array<i32>} : memref<128x128xf32, #tpu.memory_space<vmem>>, vector<1x16xf32>,
        %get3A_221 = arith.index_cast %scan3A_167 : i32 to index
        %get3A_222 = arith.constant 96 : index
        %get3A_223 = tpu.vector_load %arg24[%get3A_221, %get3A_222] {strides = array<i32>} : memref<128x128xf32, #tpu.memory_space<vmem>>, vector<1x16xf32>,
        %get3A_224 = vector.shape_cast %get3A_223 : vector<1x16xf32> to vector<16xf32>
        %swap3A_225 = arith.index_cast %scan3A_167 : i32 to index
        %swap3A_226 = arith.constant 96 : index
        %swap3A_227 = tpu.vector_load %arg22[%swap3A_225, %swap3A_226] {strides = array<i32>} : memref<128x128xf32, #tpu.memory_space<vmem>>, vector<1x16xf32>,
        %swap3A_228 = vector.shape_cast %swap3A_227 : vector<1x16xf32> to vector<16xf32>
        %swap3A_229 = vector.shape_cast %get3A_224 : vector<16xf32> to vector<1x16xf32>
        tpu.vector_store %arg22[%swap3A_225, %swap3A_226], %swap3A_229 {add = true, strides = array<i32>} : memref<128x128xf32, #tpu.memory_space<vmem>>, vector<1x16xf32>,
        %get3A_230 = arith.index_cast %scan3A_167 : i32 to index
        %get3A_231 = arith.constant 112 : index
        %get3A_232 = tpu.vector_load %arg24[%get3A_230, %get3A_231] {strides = array<i32>} : memref<128x128xf32, #tpu.memory_space<vmem>>, vector<1x16xf32>,
        %get3A_233 = vector.shape_cast %get3A_232 : vector<1x16xf32> to vector<16xf32>
        %swap3A_234 = arith.index_cast %scan3A_167 : i32 to index
        %swap3A_235 = arith.constant 112 : index
        %swap3A_236 = tpu.vector_load %arg22[%swap3A_234, %swap3A_235] {strides = array<i32>} : memref<128x128xf32, #tpu.memory_space<vmem>>, vector<1x16xf32>,
        %swap3A_237 = vector.shape_cast %swap3A_236 : vector<1x16xf32> to vector<16xf32>
        %swap3A_238 = vector.shape_cast %get3A_233 : vector<16xf32> to vector<1x16xf32>
        tpu.vector_store %arg22[%swap3A_234, %swap3A_235], %swap3A_238 {add = true, strides = array<i32>} : memref<128x128xf32, #tpu.memory_space<vmem>>, vector<1x16xf32>,
        %scan3A_239 = arith.constant 0 : i32
        scf.yield %scan3A_239 : i32
      }
      %scan3A_154 = arith.constant 128 : i32
      %add3A_155 = arith.constant 2 : i32
      %add3A_156 = arith.addi %mul3A_97, %add3A_155 : i32
      %mul3A_157 = arith.constant 128 : i32
      %mul3A_158 = arith.muli %add3A_156, %mul3A_157 : i32
      %add3A_159 = arith.addi %mul3A_2, %mul3A_158 : i32
      %dma_start3A_160 = arith.constant 0 : i32
      %dma_start3A_161 = tpu.memref_slice %arg6[%add3A_159, %dma_start3A_160] : memref<160000x128xf32, #tpu.memory_space<hbm>> -> memref<128x128xf32, #tpu.memory_space<hbm>>
      %dma_start3A_162 = arith.constant 0 : i32
      %dma_start3A_163 = tpu.memref_slice %arg6[%add3A_159, %dma_start3A_162] : memref<160000x128xf32, #tpu.memory_space<hbm>> -> memref<128x128xf32, #tpu.memory_space<hbm>>
      tpu.enqueue_dma source(%arg22 : memref<128x128xf32, #tpu.memory_space<vmem>>) target(%dma_start3A_163 : memref<128x128xf32, #tpu.memory_space<hbm>>) target_semaphore(%arg27 : memref<!tpu.dma_semaphore, #tpu.memory_space<semaphore_mem>>)
      %lt3A = arith.constant 12 : i32
      %lt3A_164 = arith.cmpi slt, %scan3A_94, %lt3A : i32
      %convert_element_type3A = arith.extui %lt3A_164 : i1 to i32
      %cond3A = arith.constant 0 : i32
      %cond3A_165 = arith.cmpi ne, %convert_element_type3A, %cond3A : i32
      scf.if %cond3A_165 {
        %add3A_167 = arith.constant 0 : i32
        %add3A_168 = arith.addi %mul3A_97, %add3A_167 : i32
        %mul3A_169 = arith.constant 128 : i32
        %mul3A_170 = arith.muli %add3A_168, %mul3A_169 : i32
        %add3A_171 = arith.addi %mul3A_2, %mul3A_170 : i32
        %dma_wait3A_172 = arith.constant 0 : i32
        %dma_wait3A_173 = tpu.memref_slice %arg6[%add3A_171, %dma_wait3A_172] : memref<160000x128xf32, #tpu.memory_space<hbm>> -> memref<128x128xf32, #tpu.memory_space<hbm>>
        %dma_wait3A_174 = arith.constant 0 : i32
        %dma_wait3A_175 = tpu.memref_slice %arg6[%add3A_171, %dma_wait3A_174] : memref<160000x128xf32, #tpu.memory_space<hbm>> -> memref<128x128xf32, #tpu.memory_space<hbm>>
        tpu.wait_dma2 semaphore(%arg13 : memref<!tpu.dma_semaphore, #tpu.memory_space<semaphore_mem>>) src(%arg8 : memref<128x128xf32, #tpu.memory_space<vmem>>) dst(%dma_wait3A_175 : memref<128x128xf32, #tpu.memory_space<hbm>>)
        %add3A_176 = arith.constant 3 : i32
        %add3A_177 = arith.addi %mul3A_97, %add3A_176 : i32
        %add3A_178 = arith.constant 0 : i32
        %add3A_179 = arith.addi %add3A_177, %add3A_178 : i32
        %mul3A_180 = arith.constant 128 : i32
        %mul3A_181 = arith.muli %add3A_179, %mul3A_180 : i32
        %add3A_182 = arith.addi %add3A_4, %mul3A_181 : i32
        "tpu.region"() ({
          %run_scoped3A = tpu.sem_alloc : memref<!tpu.dma_semaphore, #tpu.memory_space<semaphore_mem>>
          %dma_start3A_233 = tpu.memref_slice %arg4[%add3A_182] : memref<320000xi32, #tpu.memory_space<hbm>> -> memref<128xi32, #tpu.memory_space<hbm>>
          %dma_start3A_234 = tpu.memref_slice %arg4[%add3A_182] : memref<320000xi32, #tpu.memory_space<hbm>> -> memref<128xi32, #tpu.memory_space<hbm>>
          tpu.enqueue_dma source(%dma_start3A_234 : memref<128xi32, #tpu.memory_space<hbm>>) target(%arg7 : memref<128xi32, #tpu.memory_space<vmem>>) target_semaphore(%run_scoped3A : memref<!tpu.dma_semaphore, #tpu.memory_space<semaphore_mem>>)
          %dma_wait3A_235 = tpu.memref_slice %arg4[%add3A_182] : memref<320000xi32, #tpu.memory_space<hbm>> -> memref<128xi32, #tpu.memory_space<hbm>>
          %dma_wait3A_236 = tpu.memref_slice %arg4[%add3A_182] : memref<320000xi32, #tpu.memory_space<hbm>> -> memref<128xi32, #tpu.memory_space<hbm>>
          tpu.wait_dma2 semaphore(%run_scoped3A : memref<!tpu.dma_semaphore, #tpu.memory_space<semaphore_mem>>) src(%dma_wait3A_236 : memref<128xi32, #tpu.memory_space<hbm>>) dst(%arg7 : memref<128xi32, #tpu.memory_space<vmem>>)
          tpu.yield
        }) : () -> ()
        "tpu.region"() ({
          %run_scoped3A = tpu.sem_alloc : memref<!tpu.dma_semaphore, #tpu.memory_space<semaphore_mem>>
          %dma_start3A_233 = tpu.memref_slice %arg5[%add3A_182] : memref<320000xi32, #tpu.memory_space<hbm>> -> memref<128xi32, #tpu.memory_space<hbm>>
          %dma_start3A_234 = tpu.memref_slice %arg5[%add3A_182] : memref<320000xi32, #tpu.memory_space<hbm>> -> memref<128xi32, #tpu.memory_space<hbm>>
          tpu.enqueue_dma source(%dma_start3A_234 : memref<128xi32, #tpu.memory_space<hbm>>) target(%arg9 : memref<128xi32, #tpu.memory_space<vmem>>) target_semaphore(%run_scoped3A : memref<!tpu.dma_semaphore, #tpu.memory_space<semaphore_mem>>)
          %dma_wait3A_235 = tpu.memref_slice %arg5[%add3A_182] : memref<320000xi32, #tpu.memory_space<hbm>> -> memref<128xi32, #tpu.memory_space<hbm>>
          %dma_wait3A_236 = tpu.memref_slice %arg5[%add3A_182] : memref<320000xi32, #tpu.memory_space<hbm>> -> memref<128xi32, #tpu.memory_space<hbm>>
          tpu.wait_dma2 semaphore(%run_scoped3A : memref<!tpu.dma_semaphore, #tpu.memory_space<semaphore_mem>>) src(%dma_wait3A_236 : memref<128xi32, #tpu.memory_space<hbm>>) dst(%arg9 : memref<128xi32, #tpu.memory_space<vmem>>)
          tpu.yield
        }) : () -> ()
        %dma_start3A_183 = arith.constant 0 : i32
        %dma_start3A_184 = arith.constant 0 : i32
        %dma_start3A_185 = tpu.memref_slice %arg2[%dma_start3A_183, %dma_start3A_184] : memref<10000x128xf32, #tpu.memory_space<hbm>> -> memref<10000x128xf32, #tpu.memory_space<hbm>>
        tpu.enqueue_indirect_dma source(%dma_start3A_185 : memref<10000x128xf32, #tpu.memory_space<hbm>>) target(%arg8 : memref<128x128xf32, #tpu.memory_space<vmem>>) offsets(%arg7 : memref<128xi32, #tpu.memory_space<vmem>>) semaphore(%arg11 : memref<!tpu.dma_semaphore, #tpu.memory_space<semaphore_mem>>)
        %dma_start3A_186 = arith.constant 0 : i32
        %dma_start3A_187 = arith.constant 0 : i32
        %dma_start3A_188 = tpu.memref_slice %arg3[%dma_start3A_186, %dma_start3A_187] : memref<10000x128xf32, #tpu.memory_space<hbm>> -> memref<10000x128xf32, #tpu.memory_space<hbm>>
        tpu.enqueue_indirect_dma source(%dma_start3A_188 : memref<10000x128xf32, #tpu.memory_space<hbm>>) target(%arg10 : memref<128x128xf32, #tpu.memory_space<vmem>>) offsets(%arg9 : memref<128xi32, #tpu.memory_space<vmem>>) semaphore(%arg12 : memref<!tpu.dma_semaphore, #tpu.memory_space<semaphore_mem>>)
        %add3A_189 = arith.constant 1 : i32
        %add3A_190 = arith.addi %mul3A_97, %add3A_189 : i32
        %mul3A_191 = arith.constant 128 : i32
        %mul3A_192 = arith.muli %add3A_190, %mul3A_191 : i32
        %add3A_193 = arith.addi %mul3A_2, %mul3A_192 : i32
        %dma_wait3A_194 = arith.constant 0 : i32
        %dma_wait3A_195 = tpu.memref_slice %arg6[%add3A_193, %dma_wait3A_194] : memref<160000x128xf32, #tpu.memory_space<hbm>> -> memref<128x128xf32, #tpu.memory_space<hbm>>
        %dma_wait3A_196 = arith.constant 0 : i32
        %dma_wait3A_197 = tpu.memref_slice %arg6[%add3A_193, %dma_wait3A_196] : memref<160000x128xf32, #tpu.memory_space<hbm>> -> memref<128x128xf32, #tpu.memory_space<hbm>>
        tpu.wait_dma2 semaphore(%arg20 : memref<!tpu.dma_semaphore, #tpu.memory_space<semaphore_mem>>) src(%arg15 : memref<128x128xf32, #tpu.memory_space<vmem>>) dst(%dma_wait3A_197 : memref<128x128xf32, #tpu.memory_space<hbm>>)
        %add3A_198 = arith.constant 3 : i32
        %add3A_199 = arith.addi %mul3A_97, %add3A_198 : i32
        %add3A_200 = arith.constant 1 : i32
        %add3A_201 = arith.addi %add3A_199, %add3A_200 : i32
        %mul3A_202 = arith.constant 128 : i32
        %mul3A_203 = arith.muli %add3A_201, %mul3A_202 : i32
        %add3A_204 = arith.addi %add3A_4, %mul3A_203 : i32
        "tpu.region"() ({
          %run_scoped3A = tpu.sem_alloc : memref<!tpu.dma_semaphore, #tpu.memory_space<semaphore_mem>>
          %dma_start3A_233 = tpu.memref_slice %arg4[%add3A_204] : memref<320000xi32, #tpu.memory_space<hbm>> -> memref<128xi32, #tpu.memory_space<hbm>>
          %dma_start3A_234 = tpu.memref_slice %arg4[%add3A_204] : memref<320000xi32, #tpu.memory_space<hbm>> -> memref<128xi32, #tpu.memory_space<hbm>>
          tpu.enqueue_dma source(%dma_start3A_234 : memref<128xi32, #tpu.memory_space<hbm>>) target(%arg14 : memref<128xi32, #tpu.memory_space<vmem>>) target_semaphore(%run_scoped3A : memref<!tpu.dma_semaphore, #tpu.memory_space<semaphore_mem>>)
          %dma_wait3A_235 = tpu.memref_slice %arg4[%add3A_204] : memref<320000xi32, #tpu.memory_space<hbm>> -> memref<128xi32, #tpu.memory_space<hbm>>
          %dma_wait3A_236 = tpu.memref_slice %arg4[%add3A_204] : memref<320000xi32, #tpu.memory_space<hbm>> -> memref<128xi32, #tpu.memory_space<hbm>>
          tpu.wait_dma2 semaphore(%run_scoped3A : memref<!tpu.dma_semaphore, #tpu.memory_space<semaphore_mem>>) src(%dma_wait3A_236 : memref<128xi32, #tpu.memory_space<hbm>>) dst(%arg14 : memref<128xi32, #tpu.memory_space<vmem>>)
          tpu.yield
        }) : () -> ()
        "tpu.region"() ({
          %run_scoped3A = tpu.sem_alloc : memref<!tpu.dma_semaphore, #tpu.memory_space<semaphore_mem>>
          %dma_start3A_233 = tpu.memref_slice %arg5[%add3A_204] : memref<320000xi32, #tpu.memory_space<hbm>> -> memref<128xi32, #tpu.memory_space<hbm>>
          %dma_start3A_234 = tpu.memref_slice %arg5[%add3A_204] : memref<320000xi32, #tpu.memory_space<hbm>> -> memref<128xi32, #tpu.memory_space<hbm>>
          tpu.enqueue_dma source(%dma_start3A_234 : memref<128xi32, #tpu.memory_space<hbm>>) target(%arg16 : memref<128xi32, #tpu.memory_space<vmem>>) target_semaphore(%run_scoped3A : memref<!tpu.dma_semaphore, #tpu.memory_space<semaphore_mem>>)
          %dma_wait3A_235 = tpu.memref_slice %arg5[%add3A_204] : memref<320000xi32, #tpu.memory_space<hbm>> -> memref<128xi32, #tpu.memory_space<hbm>>
          %dma_wait3A_236 = tpu.memref_slice %arg5[%add3A_204] : memref<320000xi32, #tpu.memory_space<hbm>> -> memref<128xi32, #tpu.memory_space<hbm>>
          tpu.wait_dma2 semaphore(%run_scoped3A : memref<!tpu.dma_semaphore, #tpu.memory_space<semaphore_mem>>) src(%dma_wait3A_236 : memref<128xi32, #tpu.memory_space<hbm>>) dst(%arg16 : memref<128xi32, #tpu.memory_space<vmem>>)
          tpu.yield
        }) : () -> ()
        %dma_start3A_205 = arith.constant 0 : i32
        %dma_start3A_206 = arith.constant 0 : i32
        %dma_start3A_207 = tpu.memref_slice %arg2[%dma_start3A_205, %dma_start3A_206] : memref<10000x128xf32, #tpu.memory_space<hbm>> -> memref<10000x128xf32, #tpu.memory_space<hbm>>
        tpu.enqueue_indirect_dma source(%dma_start3A_207 : memref<10000x128xf32, #tpu.memory_space<hbm>>) target(%arg15 : memref<128x128xf32, #tpu.memory_space<vmem>>) offsets(%arg14 : memref<128xi32, #tpu.memory_space<vmem>>) semaphore(%arg18 : memref<!tpu.dma_semaphore, #tpu.memory_space<semaphore_mem>>)
        %dma_start3A_208 = arith.constant 0 : i32
        %dma_start3A_209 = arith.constant 0 : i32
        %dma_start3A_210 = tpu.memref_slice %arg3[%dma_start3A_208, %dma_start3A_209] : memref<10000x128xf32, #tpu.memory_space<hbm>> -> memref<10000x128xf32, #tpu.memory_space<hbm>>
        tpu.enqueue_indirect_dma source(%dma_start3A_210 : memref<10000x128xf32, #tpu.memory_space<hbm>>) target(%arg17 : memref<128x128xf32, #tpu.memory_space<vmem>>) offsets(%arg16 : memref<128xi32, #tpu.memory_space<vmem>>) semaphore(%arg19 : memref<!tpu.dma_semaphore, #tpu.memory_space<semaphore_mem>>)
        %add3A_211 = arith.constant 2 : i32
        %add3A_212 = arith.addi %mul3A_97, %add3A_211 : i32
        %mul3A_213 = arith.constant 128 : i32
        %mul3A_214 = arith.muli %add3A_212, %mul3A_213 : i32
        %add3A_215 = arith.addi %mul3A_2, %mul3A_214 : i32
        %dma_wait3A_216 = arith.constant 0 : i32
        %dma_wait3A_217 = tpu.memref_slice %arg6[%add3A_215, %dma_wait3A_216] : memref<160000x128xf32, #tpu.memory_space<hbm>> -> memref<128x128xf32, #tpu.memory_space<hbm>>
        %dma_wait3A_218 = arith.constant 0 : i32
        %dma_wait3A_219 = tpu.memref_slice %arg6[%add3A_215, %dma_wait3A_218] : memref<160000x128xf32, #tpu.memory_space<hbm>> -> memref<128x128xf32, #tpu.memory_space<hbm>>
        tpu.wait_dma2 semaphore(%arg27 : memref<!tpu.dma_semaphore, #tpu.memory_space<semaphore_mem>>) src(%arg22 : memref<128x128xf32, #tpu.memory_space<vmem>>) dst(%dma_wait3A_219 : memref<128x128xf32, #tpu.memory_space<hbm>>)
        %add3A_220 = arith.constant 3 : i32
        %add3A_221 = arith.addi %mul3A_97, %add3A_220 : i32
        %add3A_222 = arith.constant 2 : i32
        %add3A_223 = arith.addi %add3A_221, %add3A_222 : i32
        %mul3A_224 = arith.constant 128 : i32
        %mul3A_225 = arith.muli %add3A_223, %mul3A_224 : i32
        %add3A_226 = arith.addi %add3A_4, %mul3A_225 : i32
        "tpu.region"() ({
          %run_scoped3A = tpu.sem_alloc : memref<!tpu.dma_semaphore, #tpu.memory_space<semaphore_mem>>
          %dma_start3A_233 = tpu.memref_slice %arg4[%add3A_226] : memref<320000xi32, #tpu.memory_space<hbm>> -> memref<128xi32, #tpu.memory_space<hbm>>
          %dma_start3A_234 = tpu.memref_slice %arg4[%add3A_226] : memref<320000xi32, #tpu.memory_space<hbm>> -> memref<128xi32, #tpu.memory_space<hbm>>
          tpu.enqueue_dma source(%dma_start3A_234 : memref<128xi32, #tpu.memory_space<hbm>>) target(%arg21 : memref<128xi32, #tpu.memory_space<vmem>>) target_semaphore(%run_scoped3A : memref<!tpu.dma_semaphore, #tpu.memory_space<semaphore_mem>>)
          %dma_wait3A_235 = tpu.memref_slice %arg4[%add3A_226] : memref<320000xi32, #tpu.memory_space<hbm>> -> memref<128xi32, #tpu.memory_space<hbm>>
          %dma_wait3A_236 = tpu.memref_slice %arg4[%add3A_226] : memref<320000xi32, #tpu.memory_space<hbm>> -> memref<128xi32, #tpu.memory_space<hbm>>
          tpu.wait_dma2 semaphore(%run_scoped3A : memref<!tpu.dma_semaphore, #tpu.memory_space<semaphore_mem>>) src(%dma_wait3A_236 : memref<128xi32, #tpu.memory_space<hbm>>) dst(%arg21 : memref<128xi32, #tpu.memory_space<vmem>>)
          tpu.yield
        }) : () -> ()
        "tpu.region"() ({
          %run_scoped3A = tpu.sem_alloc : memref<!tpu.dma_semaphore, #tpu.memory_space<semaphore_mem>>
          %dma_start3A_233 = tpu.memref_slice %arg5[%add3A_226] : memref<320000xi32, #tpu.memory_space<hbm>> -> memref<128xi32, #tpu.memory_space<hbm>>
          %dma_start3A_234 = tpu.memref_slice %arg5[%add3A_226] : memref<320000xi32, #tpu.memory_space<hbm>> -> memref<128xi32, #tpu.memory_space<hbm>>
          tpu.enqueue_dma source(%dma_start3A_234 : memref<128xi32, #tpu.memory_space<hbm>>) target(%arg23 : memref<128xi32, #tpu.memory_space<vmem>>) target_semaphore(%run_scoped3A : memref<!tpu.dma_semaphore, #tpu.memory_space<semaphore_mem>>)
          %dma_wait3A_235 = tpu.memref_slice %arg5[%add3A_226] : memref<320000xi32, #tpu.memory_space<hbm>> -> memref<128xi32, #tpu.memory_space<hbm>>
          %dma_wait3A_236 = tpu.memref_slice %arg5[%add3A_226] : memref<320000xi32, #tpu.memory_space<hbm>> -> memref<128xi32, #tpu.memory_space<hbm>>
          tpu.wait_dma2 semaphore(%run_scoped3A : memref<!tpu.dma_semaphore, #tpu.memory_space<semaphore_mem>>) src(%dma_wait3A_236 : memref<128xi32, #tpu.memory_space<hbm>>) dst(%arg23 : memref<128xi32, #tpu.memory_space<vmem>>)
          tpu.yield
        }) : () -> ()
        %dma_start3A_227 = arith.constant 0 : i32
        %dma_start3A_228 = arith.constant 0 : i32
        %dma_start3A_229 = tpu.memref_slice %arg2[%dma_start3A_227, %dma_start3A_228] : memref<10000x128xf32, #tpu.memory_space<hbm>> -> memref<10000x128xf32, #tpu.memory_space<hbm>>
        tpu.enqueue_indirect_dma source(%dma_start3A_229 : memref<10000x128xf32, #tpu.memory_space<hbm>>) target(%arg22 : memref<128x128xf32, #tpu.memory_space<vmem>>) offsets(%arg21 : memref<128xi32, #tpu.memory_space<vmem>>) semaphore(%arg25 : memref<!tpu.dma_semaphore, #tpu.memory_space<semaphore_mem>>)
        %dma_start3A_230 = arith.constant 0 : i32
        %dma_start3A_231 = arith.constant 0 : i32
        %dma_start3A_232 = tpu.memref_slice %arg3[%dma_start3A_230, %dma_start3A_231] : memref<10000x128xf32, #tpu.memory_space<hbm>> -> memref<10000x128xf32, #tpu.memory_space<hbm>>
        tpu.enqueue_indirect_dma source(%dma_start3A_232 : memref<10000x128xf32, #tpu.memory_space<hbm>>) target(%arg24 : memref<128x128xf32, #tpu.memory_space<vmem>>) offsets(%arg23 : memref<128xi32, #tpu.memory_space<vmem>>) semaphore(%arg26 : memref<!tpu.dma_semaphore, #tpu.memory_space<semaphore_mem>>)
      } else {
      }
      %scan3A_166 = arith.constant 0 : i32
      scf.yield %scan3A_166 : i32
    }
    %scan3A_33 = arith.constant 13 : i32
    %add3A_34 = arith.constant 4608 : i32
    %add3A_35 = arith.addi %mul3A_2, %add3A_34 : i32
    %dma_wait3A = arith.constant 0 : i32
    %dma_wait3A_36 = tpu.memref_slice %arg6[%add3A_35, %dma_wait3A] : memref<160000x128xf32, #tpu.memory_space<hbm>> -> memref<128x128xf32, #tpu.memory_space<hbm>>
    %dma_wait3A_37 = arith.constant 0 : i32
    %dma_wait3A_38 = tpu.memref_slice %arg6[%add3A_35, %dma_wait3A_37] : memref<160000x128xf32, #tpu.memory_space<hbm>> -> memref<128x128xf32, #tpu.memory_space<hbm>>
    tpu.wait_dma2 semaphore(%arg13 : memref<!tpu.dma_semaphore, #tpu.memory_space<semaphore_mem>>) src(%arg8 : memref<128x128xf32, #tpu.memory_space<vmem>>) dst(%dma_wait3A_38 : memref<128x128xf32, #tpu.memory_space<hbm>>)
    %add3A_39 = arith.constant 4736 : i32
    %add3A_40 = arith.addi %mul3A_2, %add3A_39 : i32
    %dma_wait3A_41 = arith.constant 0 : i32
    %dma_wait3A_42 = tpu.memref_slice %arg6[%add3A_40, %dma_wait3A_41] : memref<160000x128xf32, #tpu.memory_space<hbm>> -> memref<128x128xf32, #tpu.memory_space<hbm>>
    %dma_wait3A_43 = arith.constant 0 : i32
    %dma_wait3A_44 = tpu.memref_slice %arg6[%add3A_40, %dma_wait3A_43] : memref<160000x128xf32, #tpu.memory_space<hbm>> -> memref<128x128xf32, #tpu.memory_space<hbm>>
    tpu.wait_dma2 semaphore(%arg20 : memref<!tpu.dma_semaphore, #tpu.memory_space<semaphore_mem>>) src(%arg15 : memref<128x128xf32, #tpu.memory_space<vmem>>) dst(%dma_wait3A_44 : memref<128x128xf32, #tpu.memory_space<hbm>>)
    %add3A_45 = arith.constant 4864 : i32
    %add3A_46 = arith.addi %mul3A_2, %add3A_45 : i32
    %dma_wait3A_47 = arith.constant 0 : i32
    %dma_wait3A_48 = tpu.memref_slice %arg6[%add3A_46, %dma_wait3A_47] : memref<160000x128xf32, #tpu.memory_space<hbm>> -> memref<128x128xf32, #tpu.memory_space<hbm>>
    %dma_wait3A_49 = arith.constant 0 : i32
    %dma_wait3A_50 = tpu.memref_slice %arg6[%add3A_46, %dma_wait3A_49] : memref<160000x128xf32, #tpu.memory_space<hbm>> -> memref<128x128xf32, #tpu.memory_space<hbm>>
    tpu.wait_dma2 semaphore(%arg27 : memref<!tpu.dma_semaphore, #tpu.memory_space<semaphore_mem>>) src(%arg22 : memref<128x128xf32, #tpu.memory_space<vmem>>) dst(%dma_wait3A_50 : memref<128x128xf32, #tpu.memory_space<hbm>>)
    %add3A_51 = arith.constant 4992 : i32
    %add3A_52 = arith.addi %mul3A_2, %add3A_51 : i32
    %add3A_53 = arith.constant 4992 : i32
    %add3A_54 = arith.addi %add3A_4, %add3A_53 : i32
    "tpu.region"() ({
      %run_scoped3A = tpu.sem_alloc : memref<!tpu.dma_semaphore, #tpu.memory_space<semaphore_mem>>
      %dma_start3A_94 = arith.constant 0 : i32
      %dma_start3A_95 = tpu.memref_slice %arg7[%dma_start3A_94] : memref<128xi32, #tpu.memory_space<vmem>> -> memref<8xi32, #tpu.memory_space<vmem>>
      %dma_start3A_96 = tpu.memref_slice %arg4[%add3A_54] : memref<320000xi32, #tpu.memory_space<hbm>> -> memref<8xi32, #tpu.memory_space<hbm>>
      %dma_start3A_97 = arith.constant 0 : i32
      %dma_start3A_98 = tpu.memref_slice %arg7[%dma_start3A_97] : memref<128xi32, #tpu.memory_space<vmem>> -> memref<8xi32, #tpu.memory_space<vmem>>
      %dma_start3A_99 = tpu.memref_slice %arg4[%add3A_54] : memref<320000xi32, #tpu.memory_space<hbm>> -> memref<8xi32, #tpu.memory_space<hbm>>
      tpu.enqueue_dma source(%dma_start3A_99 : memref<8xi32, #tpu.memory_space<hbm>>) target(%dma_start3A_98 : memref<8xi32, #tpu.memory_space<vmem>>) target_semaphore(%run_scoped3A : memref<!tpu.dma_semaphore, #tpu.memory_space<semaphore_mem>>)
      %dma_wait3A_100 = arith.constant 0 : i32
      %dma_wait3A_101 = tpu.memref_slice %arg7[%dma_wait3A_100] : memref<128xi32, #tpu.memory_space<vmem>> -> memref<8xi32, #tpu.memory_space<vmem>>
      %dma_wait3A_102 = tpu.memref_slice %arg4[%add3A_54] : memref<320000xi32, #tpu.memory_space<hbm>> -> memref<8xi32, #tpu.memory_space<hbm>>
      %dma_wait3A_103 = arith.constant 0 : i32
      %dma_wait3A_104 = tpu.memref_slice %arg7[%dma_wait3A_103] : memref<128xi32, #tpu.memory_space<vmem>> -> memref<8xi32, #tpu.memory_space<vmem>>
      %dma_wait3A_105 = tpu.memref_slice %arg4[%add3A_54] : memref<320000xi32, #tpu.memory_space<hbm>> -> memref<8xi32, #tpu.memory_space<hbm>>
      tpu.wait_dma2 semaphore(%run_scoped3A : memref<!tpu.dma_semaphore, #tpu.memory_space<semaphore_mem>>) src(%dma_wait3A_105 : memref<8xi32, #tpu.memory_space<hbm>>) dst(%dma_wait3A_104 : memref<8xi32, #tpu.memory_space<vmem>>)
      tpu.yield
    }) : () -> ()
    "tpu.region"() ({
      %run_scoped3A = tpu.sem_alloc : memref<!tpu.dma_semaphore, #tpu.memory_space<semaphore_mem>>
      %dma_start3A_94 = arith.constant 0 : i32
      %dma_start3A_95 = tpu.memref_slice %arg9[%dma_start3A_94] : memref<128xi32, #tpu.memory_space<vmem>> -> memref<8xi32, #tpu.memory_space<vmem>>
      %dma_start3A_96 = tpu.memref_slice %arg5[%add3A_54] : memref<320000xi32, #tpu.memory_space<hbm>> -> memref<8xi32, #tpu.memory_space<hbm>>
      %dma_start3A_97 = arith.constant 0 : i32
      %dma_start3A_98 = tpu.memref_slice %arg9[%dma_start3A_97] : memref<128xi32, #tpu.memory_space<vmem>> -> memref<8xi32, #tpu.memory_space<vmem>>
      %dma_start3A_99 = tpu.memref_slice %arg5[%add3A_54] : memref<320000xi32, #tpu.memory_space<hbm>> -> memref<8xi32, #tpu.memory_space<hbm>>
      tpu.enqueue_dma source(%dma_start3A_99 : memref<8xi32, #tpu.memory_space<hbm>>) target(%dma_start3A_98 : memref<8xi32, #tpu.memory_space<vmem>>) target_semaphore(%run_scoped3A : memref<!tpu.dma_semaphore, #tpu.memory_space<semaphore_mem>>)
      %dma_wait3A_100 = arith.constant 0 : i32
      %dma_wait3A_101 = tpu.memref_slice %arg9[%dma_wait3A_100] : memref<128xi32, #tpu.memory_space<vmem>> -> memref<8xi32, #tpu.memory_space<vmem>>
      %dma_wait3A_102 = tpu.memref_slice %arg5[%add3A_54] : memref<320000xi32, #tpu.memory_space<hbm>> -> memref<8xi32, #tpu.memory_space<hbm>>
      %dma_wait3A_103 = arith.constant 0 : i32
      %dma_wait3A_104 = tpu.memref_slice %arg9[%dma_wait3A_103] : memref<128xi32, #tpu.memory_space<vmem>> -> memref<8xi32, #tpu.memory_space<vmem>>
      %dma_wait3A_105 = tpu.memref_slice %arg5[%add3A_54] : memref<320000xi32, #tpu.memory_space<hbm>> -> memref<8xi32, #tpu.memory_space<hbm>>
      tpu.wait_dma2 semaphore(%run_scoped3A : memref<!tpu.dma_semaphore, #tpu.memory_space<semaphore_mem>>) src(%dma_wait3A_105 : memref<8xi32, #tpu.memory_space<hbm>>) dst(%dma_wait3A_104 : memref<8xi32, #tpu.memory_space<vmem>>)
      tpu.yield
    }) : () -> ()
    %dma_start3A_55 = arith.constant 0 : i32
    %dma_start3A_56 = arith.constant 0 : i32
    %dma_start3A_57 = tpu.memref_slice %arg8[%dma_start3A_55, %dma_start3A_56] : memref<128x128xf32, #tpu.memory_space<vmem>> -> memref<8x128xf32, #tpu.memory_space<vmem>>
    %dma_start3A_58 = arith.constant 0 : i32
    %dma_start3A_59 = tpu.memref_slice %arg7[%dma_start3A_58] : memref<128xi32, #tpu.memory_space<vmem>> -> memref<8xi32, #tpu.memory_space<vmem>>
    %dma_start3A_60 = arith.constant 0 : i32
    %dma_start3A_61 = arith.constant 0 : i32
    %dma_start3A_62 = tpu.memref_slice %arg2[%dma_start3A_60, %dma_start3A_61] : memref<10000x128xf32, #tpu.memory_space<hbm>> -> memref<10000x128xf32, #tpu.memory_space<hbm>>
    tpu.enqueue_indirect_dma source(%dma_start3A_62 : memref<10000x128xf32, #tpu.memory_space<hbm>>) target(%dma_start3A_57 : memref<8x128xf32, #tpu.memory_space<vmem>>) offsets(%dma_start3A_59 : memref<8xi32, #tpu.memory_space<vmem>>) semaphore(%arg11 : memref<!tpu.dma_semaphore, #tpu.memory_space<semaphore_mem>>)
    %dma_wait3A_63 = arith.constant 0 : i32
    %dma_wait3A_64 = arith.constant 0 : i32
    %dma_wait3A_65 = tpu.memref_slice %arg8[%dma_wait3A_63, %dma_wait3A_64] : memref<128x128xf32, #tpu.memory_space<vmem>> -> memref<8x128xf32, #tpu.memory_space<vmem>>
    %dma_wait3A_66 = arith.constant 0 : i32
    %dma_wait3A_67 = tpu.memref_slice %arg7[%dma_wait3A_66] : memref<128xi32, #tpu.memory_space<vmem>> -> memref<8xi32, #tpu.memory_space<vmem>>
    %dma_wait3A_68 = arith.constant 0 : i32
    %dma_wait3A_69 = arith.constant 0 : i32
    %dma_wait3A_70 = tpu.memref_slice %arg2[%dma_wait3A_68, %dma_wait3A_69] : memref<10000x128xf32, #tpu.memory_space<hbm>> -> memref<10000x128xf32, #tpu.memory_space<hbm>>
    tpu.wait_indirect_dma semaphore(%arg11 : memref<!tpu.dma_semaphore, #tpu.memory_space<semaphore_mem>>) src(%dma_wait3A_70 : memref<10000x128xf32, #tpu.memory_space<hbm>>) dst(%dma_wait3A_65 : memref<8x128xf32, #tpu.memory_space<vmem>>)
    %dma_start3A_71 = arith.constant 0 : i32
    %dma_start3A_72 = arith.constant 0 : i32
    %dma_start3A_73 = tpu.memref_slice %arg10[%dma_start3A_71, %dma_start3A_72] : memref<128x128xf32, #tpu.memory_space<vmem>> -> memref<8x128xf32, #tpu.memory_space<vmem>>
    %dma_start3A_74 = arith.constant 0 : i32
    %dma_start3A_75 = tpu.memref_slice %arg9[%dma_start3A_74] : memref<128xi32, #tpu.memory_space<vmem>> -> memref<8xi32, #tpu.memory_space<vmem>>
    %dma_start3A_76 = arith.constant 0 : i32
    %dma_start3A_77 = arith.constant 0 : i32
    %dma_start3A_78 = tpu.memref_slice %arg3[%dma_start3A_76, %dma_start3A_77] : memref<10000x128xf32, #tpu.memory_space<hbm>> -> memref<10000x128xf32, #tpu.memory_space<hbm>>
    tpu.enqueue_indirect_dma source(%dma_start3A_78 : memref<10000x128xf32, #tpu.memory_space<hbm>>) target(%dma_start3A_73 : memref<8x128xf32, #tpu.memory_space<vmem>>) offsets(%dma_start3A_75 : memref<8xi32, #tpu.memory_space<vmem>>) semaphore(%arg12 : memref<!tpu.dma_semaphore, #tpu.memory_space<semaphore_mem>>)
    %dma_wait3A_79 = arith.constant 0 : i32
    %dma_wait3A_80 = arith.constant 0 : i32
    %dma_wait3A_81 = tpu.memref_slice %arg10[%dma_wait3A_79, %dma_wait3A_80] : memref<128x128xf32, #tpu.memory_space<vmem>> -> memref<8x128xf32, #tpu.memory_space<vmem>>
    %dma_wait3A_82 = arith.constant 0 : i32
    %dma_wait3A_83 = tpu.memref_slice %arg9[%dma_wait3A_82] : memref<128xi32, #tpu.memory_space<vmem>> -> memref<8xi32, #tpu.memory_space<vmem>>
    %dma_wait3A_84 = arith.constant 0 : i32
    %dma_wait3A_85 = arith.constant 0 : i32
    %dma_wait3A_86 = tpu.memref_slice %arg3[%dma_wait3A_84, %dma_wait3A_85] : memref<10000x128xf32, #tpu.memory_space<hbm>> -> memref<10000x128xf32, #tpu.memory_space<hbm>>
    tpu.wait_indirect_dma semaphore(%arg12 : memref<!tpu.dma_semaphore, #tpu.memory_space<semaphore_mem>>) src(%dma_wait3A_86 : memref<10000x128xf32, #tpu.memory_space<hbm>>) dst(%dma_wait3A_81 : memref<8x128xf32, #tpu.memory_space<vmem>>)
    %scan3A_87 = arith.constant 0 : i32
    %scan3A_88 = arith.constant 0 : i32
    %scan3A_89 = arith.constant 8 : i32
    %scan3A_90 = arith.addi %scan3A_88, %scan3A_89 : i32
    %scan3A_91 = arith.constant 1 : i32
    %scan3A_92 = scf.for %scan3A_94 = %scan3A_88 to %scan3A_90 step %scan3A_91 iter_args(%scan3A_95 = %scan3A_87) -> (i32)  : i32 {
      %get3A = arith.index_cast %scan3A_94 : i32 to index
      %get3A_96 = arith.constant 0 : index
      %get3A_97 = tpu.vector_load %arg10[%get3A, %get3A_96] {strides = array<i32>} : memref<128x128xf32, #tpu.memory_space<vmem>>, vector<1x16xf32>,
      %get3A_98 = vector.shape_cast %get3A_97 : vector<1x16xf32> to vector<16xf32>
      %swap3A = arith.index_cast %scan3A_94 : i32 to index
      %swap3A_99 = arith.constant 0 : index
      %swap3A_100 = tpu.vector_load %arg8[%swap3A, %swap3A_99] {strides = array<i32>} : memref<128x128xf32, #tpu.memory_space<vmem>>, vector<1x16xf32>,
      %swap3A_101 = vector.shape_cast %swap3A_100 : vector<1x16xf32> to vector<16xf32>
      %swap3A_102 = vector.shape_cast %get3A_98 : vector<16xf32> to vector<1x16xf32>
      tpu.vector_store %arg8[%swap3A, %swap3A_99], %swap3A_102 {add = true, strides = array<i32>} : memref<128x128xf32, #tpu.memory_space<vmem>>, vector<1x16xf32>,
      %get3A_103 = arith.index_cast %scan3A_94 : i32 to index
      %get3A_104 = arith.constant 16 : index
      %get3A_105 = tpu.vector_load %arg10[%get3A_103, %get3A_104] {strides = array<i32>} : memref<128x128xf32, #tpu.memory_space<vmem>>, vector<1x16xf32>,
      %get3A_106 = vector.shape_cast %get3A_105 : vector<1x16xf32> to vector<16xf32>
      %swap3A_107 = arith.index_cast %scan3A_94 : i32 to index
      %swap3A_108 = arith.constant 16 : index
      %swap3A_109 = tpu.vector_load %arg8[%swap3A_107, %swap3A_108] {strides = array<i32>} : memref<128x128xf32, #tpu.memory_space<vmem>>, vector<1x16xf32>,
      %swap3A_110 = vector.shape_cast %swap3A_109 : vector<1x16xf32> to vector<16xf32>
      %swap3A_111 = vector.shape_cast %get3A_106 : vector<16xf32> to vector<1x16xf32>
      tpu.vector_store %arg8[%swap3A_107, %swap3A_108], %swap3A_111 {add = true, strides = array<i32>} : memref<128x128xf32, #tpu.memory_space<vmem>>, vector<1x16xf32>,
      %get3A_112 = arith.index_cast %scan3A_94 : i32 to index
      %get3A_113 = arith.constant 32 : index
      %get3A_114 = tpu.vector_load %arg10[%get3A_112, %get3A_113] {strides = array<i32>} : memref<128x128xf32, #tpu.memory_space<vmem>>, vector<1x16xf32>,
      %get3A_115 = vector.shape_cast %get3A_114 : vector<1x16xf32> to vector<16xf32>
      %swap3A_116 = arith.index_cast %scan3A_94 : i32 to index
      %swap3A_117 = arith.constant 32 : index
      %swap3A_118 = tpu.vector_load %arg8[%swap3A_116, %swap3A_117] {strides = array<i32>} : memref<128x128xf32, #tpu.memory_space<vmem>>, vector<1x16xf32>,
      %swap3A_119 = vector.shape_cast %swap3A_118 : vector<1x16xf32> to vector<16xf32>
      %swap3A_120 = vector.shape_cast %get3A_115 : vector<16xf32> to vector<1x16xf32>
      tpu.vector_store %arg8[%swap3A_116, %swap3A_117], %swap3A_120 {add = true, strides = array<i32>} : memref<128x128xf32, #tpu.memory_space<vmem>>, vector<1x16xf32>,
      %get3A_121 = arith.index_cast %scan3A_94 : i32 to index
      %get3A_122 = arith.constant 48 : index
      %get3A_123 = tpu.vector_load %arg10[%get3A_121, %get3A_122] {strides = array<i32>} : memref<128x128xf32, #tpu.memory_space<vmem>>, vector<1x16xf32>,
      %get3A_124 = vector.shape_cast %get3A_123 : vector<1x16xf32> to vector<16xf32>
      %swap3A_125 = arith.index_cast %scan3A_94 : i32 to index
      %swap3A_126 = arith.constant 48 : index
      %swap3A_127 = tpu.vector_load %arg8[%swap3A_125, %swap3A_126] {strides = array<i32>} : memref<128x128xf32, #tpu.memory_space<vmem>>, vector<1x16xf32>,
      %swap3A_128 = vector.shape_cast %swap3A_127 : vector<1x16xf32> to vector<16xf32>
      %swap3A_129 = vector.shape_cast %get3A_124 : vector<16xf32> to vector<1x16xf32>
      tpu.vector_store %arg8[%swap3A_125, %swap3A_126], %swap3A_129 {add = true, strides = array<i32>} : memref<128x128xf32, #tpu.memory_space<vmem>>, vector<1x16xf32>,
      %get3A_130 = arith.index_cast %scan3A_94 : i32 to index
      %get3A_131 = arith.constant 64 : index
      %get3A_132 = tpu.vector_load %arg10[%get3A_130, %get3A_131] {strides = array<i32>} : memref<128x128xf32, #tpu.memory_space<vmem>>, vector<1x16xf32>,
      %get3A_133 = vector.shape_cast %get3A_132 : vector<1x16xf32> to vector<16xf32>
      %swap3A_134 = arith.index_cast %scan3A_94 : i32 to index
      %swap3A_135 = arith.constant 64 : index
      %swap3A_136 = tpu.vector_load %arg8[%swap3A_134, %swap3A_135] {strides = array<i32>} : memref<128x128xf32, #tpu.memory_space<vmem>>, vector<1x16xf32>,
      %swap3A_137 = vector.shape_cast %swap3A_136 : vector<1x16xf32> to vector<16xf32>
      %swap3A_138 = vector.shape_cast %get3A_133 : vector<16xf32> to vector<1x16xf32>
      tpu.vector_store %arg8[%swap3A_134, %swap3A_135], %swap3A_138 {add = true, strides = array<i32>} : memref<128x128xf32, #tpu.memory_space<vmem>>, vector<1x16xf32>,
      %get3A_139 = arith.index_cast %scan3A_94 : i32 to index
      %get3A_140 = arith.constant 80 : index
      %get3A_141 = tpu.vector_load %arg10[%get3A_139, %get3A_140] {strides = array<i32>} : memref<128x128xf32, #tpu.memory_space<vmem>>, vector<1x16xf32>,
      %get3A_142 = vector.shape_cast %get3A_141 : vector<1x16xf32> to vector<16xf32>
      %swap3A_143 = arith.index_cast %scan3A_94 : i32 to index
      %swap3A_144 = arith.constant 80 : index
      %swap3A_145 = tpu.vector_load %arg8[%swap3A_143, %swap3A_144] {strides = array<i32>} : memref<128x128xf32, #tpu.memory_space<vmem>>, vector<1x16xf32>,
      %swap3A_146 = vector.shape_cast %swap3A_145 : vector<1x16xf32> to vector<16xf32>
      %swap3A_147 = vector.shape_cast %get3A_142 : vector<16xf32> to vector<1x16xf32>
      tpu.vector_store %arg8[%swap3A_143, %swap3A_144], %swap3A_147 {add = true, strides = array<i32>} : memref<128x128xf32, #tpu.memory_space<vmem>>, vector<1x16xf32>,
      %get3A_148 = arith.index_cast %scan3A_94 : i32 to index
      %get3A_149 = arith.constant 96 : index
      %get3A_150 = tpu.vector_load %arg10[%get3A_148, %get3A_149] {strides = array<i32>} : memref<128x128xf32, #tpu.memory_space<vmem>>, vector<1x16xf32>,
      %get3A_151 = vector.shape_cast %get3A_150 : vector<1x16xf32> to vector<16xf32>
      %swap3A_152 = arith.index_cast %scan3A_94 : i32 to index
      %swap3A_153 = arith.constant 96 : index
      %swap3A_154 = tpu.vector_load %arg8[%swap3A_152, %swap3A_153] {strides = array<i32>} : memref<128x128xf32, #tpu.memory_space<vmem>>, vector<1x16xf32>,
      %swap3A_155 = vector.shape_cast %swap3A_154 : vector<1x16xf32> to vector<16xf32>
      %swap3A_156 = vector.shape_cast %get3A_151 : vector<16xf32> to vector<1x16xf32>
      tpu.vector_store %arg8[%swap3A_152, %swap3A_153], %swap3A_156 {add = true, strides = array<i32>} : memref<128x128xf32, #tpu.memory_space<vmem>>, vector<1x16xf32>,
      %get3A_157 = arith.index_cast %scan3A_94 : i32 to index
      %get3A_158 = arith.constant 112 : index
      %get3A_159 = tpu.vector_load %arg10[%get3A_157, %get3A_158] {strides = array<i32>} : memref<128x128xf32, #tpu.memory_space<vmem>>, vector<1x16xf32>,
      %get3A_160 = vector.shape_cast %get3A_159 : vector<1x16xf32> to vector<16xf32>
      %swap3A_161 = arith.index_cast %scan3A_94 : i32 to index
      %swap3A_162 = arith.constant 112 : index
      %swap3A_163 = tpu.vector_load %arg8[%swap3A_161, %swap3A_162] {strides = array<i32>} : memref<128x128xf32, #tpu.memory_space<vmem>>, vector<1x16xf32>,
      %swap3A_164 = vector.shape_cast %swap3A_163 : vector<1x16xf32> to vector<16xf32>
      %swap3A_165 = vector.shape_cast %get3A_160 : vector<16xf32> to vector<1x16xf32>
      tpu.vector_store %arg8[%swap3A_161, %swap3A_162], %swap3A_165 {add = true, strides = array<i32>} : memref<128x128xf32, #tpu.memory_space<vmem>>, vector<1x16xf32>,
      %scan3A_166 = arith.constant 0 : i32
      scf.yield %scan3A_166 : i32
    }
    %scan3A_93 = arith.constant 8 : i32
    "tpu.region"() ({
      %run_scoped3A = tpu.sem_alloc : memref<!tpu.dma_semaphore, #tpu.memory_space<semaphore_mem>>
      %dma_start3A_94 = arith.constant 0 : i32
      %dma_start3A_95 = arith.constant 0 : i32
      %dma_start3A_96 = tpu.memref_slice %arg8[%dma_start3A_94, %dma_start3A_95] : memref<128x128xf32, #tpu.memory_space<vmem>> -> memref<8x128xf32, #tpu.memory_space<vmem>>
      %dma_start3A_97 = arith.constant 0 : i32
      %dma_start3A_98 = tpu.memref_slice %arg6[%add3A_52, %dma_start3A_97] : memref<160000x128xf32, #tpu.memory_space<hbm>> -> memref<8x128xf32, #tpu.memory_space<hbm>>
      %dma_start3A_99 = arith.constant 0 : i32
      %dma_start3A_100 = tpu.memref_slice %arg6[%add3A_52, %dma_start3A_99] : memref<160000x128xf32, #tpu.memory_space<hbm>> -> memref<8x128xf32, #tpu.memory_space<hbm>>
      %dma_start3A_101 = arith.constant 0 : i32
      %dma_start3A_102 = arith.constant 0 : i32
      %dma_start3A_103 = tpu.memref_slice %arg8[%dma_start3A_101, %dma_start3A_102] : memref<128x128xf32, #tpu.memory_space<vmem>> -> memref<8x128xf32, #tpu.memory_space<vmem>>
      tpu.enqueue_dma source(%dma_start3A_103 : memref<8x128xf32, #tpu.memory_space<vmem>>) target(%dma_start3A_100 : memref<8x128xf32, #tpu.memory_space<hbm>>) target_semaphore(%run_scoped3A : memref<!tpu.dma_semaphore, #tpu.memory_space<semaphore_mem>>)
      %dma_wait3A_104 = arith.constant 0 : i32
      %dma_wait3A_105 = arith.constant 0 : i32
      %dma_wait3A_106 = tpu.memref_slice %arg8[%dma_wait3A_104, %dma_wait3A_105] : memref<128x128xf32, #tpu.memory_space<vmem>> -> memref<8x128xf32, #tpu.memory_space<vmem>>
      %dma_wait3A_107 = arith.constant 0 : i32
      %dma_wait3A_108 = tpu.memref_slice %arg6[%add3A_52, %dma_wait3A_107] : memref<160000x128xf32, #tpu.memory_space<hbm>> -> memref<8x128xf32, #tpu.memory_space<hbm>>
      %dma_wait3A_109 = arith.constant 0 : i32
      %dma_wait3A_110 = tpu.memref_slice %arg6[%add3A_52, %dma_wait3A_109] : memref<160000x128xf32, #tpu.memory_space<hbm>> -> memref<8x128xf32, #tpu.memory_space<hbm>>
      %dma_wait3A_111 = arith.constant 0 : i32
      %dma_wait3A_112 = arith.constant 0 : i32
      %dma_wait3A_113 = tpu.memref_slice %arg8[%dma_wait3A_111, %dma_wait3A_112] : memref<128x128xf32, #tpu.memory_space<vmem>> -> memref<8x128xf32, #tpu.memory_space<vmem>>
      tpu.wait_dma2 semaphore(%run_scoped3A : memref<!tpu.dma_semaphore, #tpu.memory_space<semaphore_mem>>) src(%dma_wait3A_113 : memref<8x128xf32, #tpu.memory_space<vmem>>) dst(%dma_wait3A_110 : memref<8x128xf32, #tpu.memory_space<hbm>>)
      tpu.yield
    }) : () -> ()
    return
  }
}

module attributes {stable_mosaic.version = 14 : i64} {
  func.func @_edge_body(%arg0: i32, %arg1: memref<3200x128xf32, #tpu.memory_space<vmem>>, %arg2: memref<3200x128xf32, #tpu.memory_space<vmem>>, %arg3: memref<128x128xf32, #tpu.memory_space<vmem>>, %arg4: memref<1x128xf32, #tpu.memory_space<vmem>>, %arg5: memref<128x128xf32, #tpu.memory_space<vmem>>, %arg6: memref<1x128xf32, #tpu.memory_space<vmem>>, %arg7: memref<1x128xf32, #tpu.memory_space<vmem>>, %arg8: memref<1x128xf32, #tpu.memory_space<vmem>>, %arg9: memref<3200x128xf32, #tpu.memory_space<vmem>>, %arg10: memref<3200x128xf32, #tpu.memory_space<vmem>>) attributes {dimension_semantics = [#tpu.dimension_semantics<arbitrary>], iteration_bounds = array<i64: 50>, scalar_prefetch = 0 : i64, scratch_operands = 0 : i64, tpu.core_type = #tpu.core_type<tc>, window_params = [{transform_indices = @transform_0, window_bounds = array<i64: 3200, 128>}, {transform_indices = @transform_1, window_bounds = array<i64: 3200, 128>}, {pipeline_mode = #tpu.pipeline_mode<synchronous>, transform_indices = @transform_2, window_bounds = array<i64: 128, 128>}, {pipeline_mode = #tpu.pipeline_mode<synchronous>, transform_indices = @transform_3, window_bounds = array<i64: 1, 128>}, {pipeline_mode = #tpu.pipeline_mode<synchronous>, transform_indices = @transform_4, window_bounds = array<i64: 128, 128>}, {pipeline_mode = #tpu.pipeline_mode<synchronous>, transform_indices = @transform_5, window_bounds = array<i64: 1, 128>}, {pipeline_mode = #tpu.pipeline_mode<synchronous>, transform_indices = @transform_6, window_bounds = array<i64: 1, 128>}, {pipeline_mode = #tpu.pipeline_mode<synchronous>, transform_indices = @transform_7, window_bounds = array<i64: 1, 128>}, {transform_indices = @transform_8, window_bounds = array<i64: 3200, 128>}, {transform_indices = @transform_9, window_bounds = array<i64: 3200, 128>}]} {
    %get3A = arith.constant 0 : index
    %get3A_0 = arith.constant 0 : index
    %get3A_1 = vector.load %arg2[%get3A, %get3A_0] : memref<3200x128xf32, #tpu.memory_space<vmem>>, vector<3200x128xf32>
    %get3A_2 = arith.constant 0 : index
    %get3A_3 = arith.constant 0 : index
    %get3A_4 = vector.load %arg1[%get3A_2, %get3A_3] : memref<3200x128xf32, #tpu.memory_space<vmem>>, vector<3200x128xf32>
    %get3A_5 = arith.constant 0 : index
    %get3A_6 = arith.constant 0 : index
    %get3A_7 = vector.load %arg4[%get3A_5, %get3A_6] : memref<1x128xf32, #tpu.memory_space<vmem>>, vector<1x128xf32>
    %add3A = vector.broadcast %get3A_7 : vector<1x128xf32> to vector<3200x128xf32>
    %add3A_8 = arith.addf %get3A_4, %add3A : vector<3200x128xf32>
    %get3A_9 = arith.constant 0 : index
    %get3A_10 = arith.constant 0 : index
    %get3A_11 = vector.load %arg3[%get3A_9, %get3A_10] : memref<128x128xf32, #tpu.memory_space<vmem>>, vector<128x128xf32>
    %dot_general3A = arith.constant dense<0.000000e+00> : vector<3200x128xf32>
    %dot_general3A_12 = tpu.matmul %get3A_1, %get3A_11, %dot_general3A {dimension_numbers = #tpu.dot_dimension_numbers<[1], [0], [0], [1], [0, 0, 1, 1], [], []>, transpose_lhs_hint = false} : vector<3200x128xf32>, vector<128x128xf32>, vector<3200x128xf32> -> vector<3200x128xf32>
    %add3A_13 = arith.addf %add3A_8, %dot_general3A_12 : vector<3200x128xf32>
    %max3A = arith.constant 0.000000e+00 : f32
    %max3A_14 = vector.broadcast %max3A : f32 to vector<3200x128xf32>
    %max3A_15 = arith.maximumf %add3A_13, %max3A_14 : vector<3200x128xf32>
    %get3A_16 = arith.constant 0 : index
    %get3A_17 = arith.constant 0 : index
    %get3A_18 = vector.load %arg5[%get3A_16, %get3A_17] : memref<128x128xf32, #tpu.memory_space<vmem>>, vector<128x128xf32>
    %dot_general3A_19 = arith.constant dense<0.000000e+00> : vector<3200x128xf32>
    %dot_general3A_20 = tpu.matmul %max3A_15, %get3A_18, %dot_general3A_19 {dimension_numbers = #tpu.dot_dimension_numbers<[1], [0], [0], [1], [0, 0, 1, 1], [], []>, transpose_lhs_hint = false} : vector<3200x128xf32>, vector<128x128xf32>, vector<3200x128xf32> -> vector<3200x128xf32>
    %get3A_21 = arith.constant 0 : index
    %get3A_22 = arith.constant 0 : index
    %get3A_23 = vector.load %arg6[%get3A_21, %get3A_22] : memref<1x128xf32, #tpu.memory_space<vmem>>, vector<1x128xf32>
    %add3A_24 = vector.broadcast %get3A_23 : vector<1x128xf32> to vector<3200x128xf32>
    %add3A_25 = arith.addf %dot_general3A_20, %add3A_24 : vector<3200x128xf32>
    %get3A_26 = arith.constant 0 : index
    %get3A_27 = arith.constant 0 : index
    %get3A_28 = vector.load %arg7[%get3A_26, %get3A_27] : memref<1x128xf32, #tpu.memory_space<vmem>>, vector<1x128xf32>
    %get3A_29 = arith.constant 0 : index
    %get3A_30 = arith.constant 0 : index
    %get3A_31 = vector.load %arg8[%get3A_29, %get3A_30] : memref<1x128xf32, #tpu.memory_space<vmem>>, vector<1x128xf32>
    %reduce_sum3A = arith.constant dense<0.000000e+00> : vector<3200xf32>
    %reduce_sum3A_32 = vector.multi_reduction <add>, %add3A_25, %reduce_sum3A [1] : vector<3200x128xf32> to vector<3200xf32>
    %broadcast_in_dim3A = vector.shape_cast %reduce_sum3A_32 : vector<3200xf32> to vector<3200x1xf32>
    %div3A = arith.constant 1.280000e+02 : f32
    %div3A_33 = vector.broadcast %div3A : f32 to vector<3200x1xf32>
    %div3A_34 = arith.divf %broadcast_in_dim3A, %div3A_33 : vector<3200x1xf32>
    %sub3A = vector.broadcast %div3A_34 : vector<3200x1xf32> to vector<3200x128xf32>
    %sub3A_35 = arith.subf %add3A_25, %sub3A : vector<3200x128xf32>
    %integer_pow3A = arith.mulf %sub3A_35, %sub3A_35 : vector<3200x128xf32>
    %reduce_sum3A_36 = arith.constant dense<0.000000e+00> : vector<3200xf32>
    %reduce_sum3A_37 = vector.multi_reduction <add>, %integer_pow3A, %reduce_sum3A_36 [1] : vector<3200x128xf32> to vector<3200xf32>
    %broadcast_in_dim3A_38 = vector.shape_cast %reduce_sum3A_37 : vector<3200xf32> to vector<3200x1xf32>
    %div3A_39 = arith.constant 1.280000e+02 : f32
    %div3A_40 = vector.broadcast %div3A_39 : f32 to vector<3200x1xf32>
    %div3A_41 = arith.divf %broadcast_in_dim3A_38, %div3A_40 : vector<3200x1xf32>
    %sub3A_42 = vector.broadcast %div3A_34 : vector<3200x1xf32> to vector<3200x128xf32>
    %sub3A_43 = arith.subf %add3A_25, %sub3A_42 : vector<3200x128xf32>
    %add3A_44 = arith.constant 9.99999974E-6 : f32
    %add3A_45 = vector.broadcast %add3A_44 : f32 to vector<3200x1xf32>
    %add3A_46 = arith.addf %div3A_41, %add3A_45 : vector<3200x1xf32>
    %sqrt3A = math.sqrt %add3A_46 : vector<3200x1xf32>
    %div3A_47 = vector.broadcast %sqrt3A : vector<3200x1xf32> to vector<3200x128xf32>
    %div3A_48 = arith.divf %sub3A_43, %div3A_47 : vector<3200x128xf32>
    %mul3A = vector.broadcast %get3A_28 : vector<1x128xf32> to vector<3200x128xf32>
    %mul3A_49 = arith.mulf %div3A_48, %mul3A : vector<3200x128xf32>
    %add3A_50 = vector.broadcast %get3A_31 : vector<1x128xf32> to vector<3200x128xf32>
    %add3A_51 = arith.addf %mul3A_49, %add3A_50 : vector<3200x128xf32>
    %swap3A = arith.constant 0 : index
    %swap3A_52 = arith.constant 0 : index
    %swap3A_53 = vector.load %arg9[%swap3A, %swap3A_52] : memref<3200x128xf32, #tpu.memory_space<vmem>>, vector<3200x128xf32>
    tpu.vector_store %arg9[%swap3A, %swap3A_52], %add3A_51 {strides = array<i32>} : memref<3200x128xf32, #tpu.memory_space<vmem>>, vector<3200x128xf32>,
    %add3A_54 = arith.addf %add3A_51, %get3A_1 : vector<3200x128xf32>
    %swap3A_55 = arith.constant 0 : index
    %swap3A_56 = arith.constant 0 : index
    %swap3A_57 = vector.load %arg10[%swap3A_55, %swap3A_56] : memref<3200x128xf32, #tpu.memory_space<vmem>>, vector<3200x128xf32>
    tpu.vector_store %arg10[%swap3A_55, %swap3A_56], %add3A_54 {strides = array<i32>} : memref<3200x128xf32, #tpu.memory_space<vmem>>, vector<3200x128xf32>,
    return
  }
  func.func @transform_0(%arg0: i32) -> (i32, i32) {
    %c0_i32 = arith.constant 0 : i32
    %c0_i32_0 = arith.constant 0 : i32
    return %arg0, %c0_i32 : i32, i32
  }
  func.func @transform_1(%arg0: i32) -> (i32, i32) {
    %add3A = arith.constant 0 : i32
    %add3A_0 = arith.addi %arg0, %add3A : i32
    %c0_i32 = arith.constant 0 : i32
    %c0_i32_1 = arith.constant 0 : i32
    return %add3A_0, %c0_i32 : i32, i32
  }
  func.func @transform_2(%arg0: i32) -> (i32, i32) {
    %c0_i32 = arith.constant 0 : i32
    %c0_i32_0 = arith.constant 0 : i32
    %c0_i32_1 = arith.constant 0 : i32
    return %c0_i32, %c0_i32_0 : i32, i32
  }
  func.func @transform_3(%arg0: i32) -> (i32, i32) {
    %c0_i32 = arith.constant 0 : i32
    %c0_i32_0 = arith.constant 0 : i32
    %c0_i32_1 = arith.constant 0 : i32
    return %c0_i32, %c0_i32_0 : i32, i32
  }
  func.func @transform_4(%arg0: i32) -> (i32, i32) {
    %c0_i32 = arith.constant 0 : i32
    %c0_i32_0 = arith.constant 0 : i32
    %c0_i32_1 = arith.constant 0 : i32
    return %c0_i32, %c0_i32_0 : i32, i32
  }
  func.func @transform_5(%arg0: i32) -> (i32, i32) {
    %c0_i32 = arith.constant 0 : i32
    %c0_i32_0 = arith.constant 0 : i32
    %c0_i32_1 = arith.constant 0 : i32
    return %c0_i32, %c0_i32_0 : i32, i32
  }
  func.func @transform_6(%arg0: i32) -> (i32, i32) {
    %c0_i32 = arith.constant 0 : i32
    %c0_i32_0 = arith.constant 0 : i32
    %c0_i32_1 = arith.constant 0 : i32
    return %c0_i32, %c0_i32_0 : i32, i32
  }
  func.func @transform_7(%arg0: i32) -> (i32, i32) {
    %c0_i32 = arith.constant 0 : i32
    %c0_i32_0 = arith.constant 0 : i32
    %c0_i32_1 = arith.constant 0 : i32
    return %c0_i32, %c0_i32_0 : i32, i32
  }
  func.func @transform_8(%arg0: i32) -> (i32, i32) {
    %c0_i32 = arith.constant 0 : i32
    %c0_i32_0 = arith.constant 0 : i32
    return %arg0, %c0_i32 : i32, i32
  }
  func.func @transform_9(%arg0: i32) -> (i32, i32) {
    %add3A = arith.constant 0 : i32
    %add3A_0 = arith.addi %arg0, %add3A : i32
    %c0_i32 = arith.constant 0 : i32
    %c0_i32_1 = arith.constant 0 : i32
    return %add3A_0, %c0_i32 : i32, i32
  }
}

module attributes {stable_mosaic.version = 14 : i64} {
  func.func @_proj_body(%arg0: i32, %arg1: memref<1000x128xf32, #tpu.memory_space<vmem>>, %arg2: memref<128x128xf32, #tpu.memory_space<vmem>>, %arg3: memref<128x128xf32, #tpu.memory_space<vmem>>, %arg4: memref<1000x128xf32, #tpu.memory_space<vmem>>, %arg5: memref<1000x128xf32, #tpu.memory_space<vmem>>) attributes {dimension_semantics = [#tpu.dimension_semantics<arbitrary>], iteration_bounds = array<i64: 10>, scalar_prefetch = 0 : i64, scratch_operands = 0 : i64, tpu.core_type = #tpu.core_type<tc>, window_params = [{transform_indices = @transform_0, window_bounds = array<i64: 1000, 128>}, {pipeline_mode = #tpu.pipeline_mode<synchronous>, transform_indices = @transform_1, window_bounds = array<i64: 128, 128>}, {pipeline_mode = #tpu.pipeline_mode<synchronous>, transform_indices = @transform_2, window_bounds = array<i64: 128, 128>}, {transform_indices = @transform_3, window_bounds = array<i64: 1000, 128>}, {transform_indices = @transform_4, window_bounds = array<i64: 1000, 128>}]} {
    %get3A = arith.constant 0 : index
    %get3A_0 = arith.constant 0 : index
    %get3A_1 = vector.load %arg1[%get3A, %get3A_0] : memref<1000x128xf32, #tpu.memory_space<vmem>>, vector<1000x128xf32>
    %get3A_2 = arith.constant 0 : index
    %get3A_3 = arith.constant 0 : index
    %get3A_4 = vector.load %arg2[%get3A_2, %get3A_3] : memref<128x128xf32, #tpu.memory_space<vmem>>, vector<128x128xf32>
    %dot_general3A = arith.constant dense<0.000000e+00> : vector<1000x128xf32>
    %dot_general3A_5 = tpu.matmul %get3A_1, %get3A_4, %dot_general3A {dimension_numbers = #tpu.dot_dimension_numbers<[1], [0], [0], [1], [0, 0, 1, 1], [], []>, transpose_lhs_hint = false} : vector<1000x128xf32>, vector<128x128xf32>, vector<1000x128xf32> -> vector<1000x128xf32>
    %swap3A = arith.constant 0 : index
    %swap3A_6 = arith.constant 0 : index
    %swap3A_7 = vector.load %arg4[%swap3A, %swap3A_6] : memref<1000x128xf32, #tpu.memory_space<vmem>>, vector<1000x128xf32>
    tpu.vector_store %arg4[%swap3A, %swap3A_6], %dot_general3A_5 {strides = array<i32>} : memref<1000x128xf32, #tpu.memory_space<vmem>>, vector<1000x128xf32>,
    %get3A_8 = arith.constant 0 : index
    %get3A_9 = arith.constant 0 : index
    %get3A_10 = vector.load %arg3[%get3A_8, %get3A_9] : memref<128x128xf32, #tpu.memory_space<vmem>>, vector<128x128xf32>
    %dot_general3A_11 = arith.constant dense<0.000000e+00> : vector<1000x128xf32>
    %dot_general3A_12 = tpu.matmul %get3A_1, %get3A_10, %dot_general3A_11 {dimension_numbers = #tpu.dot_dimension_numbers<[1], [0], [0], [1], [0, 0, 1, 1], [], []>, transpose_lhs_hint = false} : vector<1000x128xf32>, vector<128x128xf32>, vector<1000x128xf32> -> vector<1000x128xf32>
    %swap3A_13 = arith.constant 0 : index
    %swap3A_14 = arith.constant 0 : index
    %swap3A_15 = vector.load %arg5[%swap3A_13, %swap3A_14] : memref<1000x128xf32, #tpu.memory_space<vmem>>, vector<1000x128xf32>
    tpu.vector_store %arg5[%swap3A_13, %swap3A_14], %dot_general3A_12 {strides = array<i32>} : memref<1000x128xf32, #tpu.memory_space<vmem>>, vector<1000x128xf32>,
    return
  }
  func.func @transform_0(%arg0: i32) -> (i32, i32) {
    %c0_i32 = arith.constant 0 : i32
    %c0_i32_0 = arith.constant 0 : i32
    return %arg0, %c0_i32 : i32, i32
  }
  func.func @transform_1(%arg0: i32) -> (i32, i32) {
    %c0_i32 = arith.constant 0 : i32
    %c0_i32_0 = arith.constant 0 : i32
    %c0_i32_1 = arith.constant 0 : i32
    return %c0_i32, %c0_i32_0 : i32, i32
  }
  func.func @transform_2(%arg0: i32) -> (i32, i32) {
    %c0_i32 = arith.constant 0 : i32
    %c0_i32_0 = arith.constant 0 : i32
    %c0_i32_1 = arith.constant 0 : i32
    return %c0_i32, %c0_i32_0 : i32, i32
  }
  func.func @transform_3(%arg0: i32) -> (i32, i32) {
    %c0_i32 = arith.constant 0 : i32
    %c0_i32_0 = arith.constant 0 : i32
    return %arg0, %c0_i32 : i32, i32
  }
  func.func @transform_4(%arg0: i32) -> (i32, i32) {
    %c0_i32 = arith.constant 0 : i32
    %c0_i32_0 = arith.constant 0 : i32
    return %arg0, %c0_i32 : i32, i32
  }
}

module attributes {stable_mosaic.version = 14 : i64} {
  func.func @_edge_body(%arg0: i32, %arg1: memref<3200x128xf32, #tpu.memory_space<vmem>>, %arg2: memref<3200x128xf32, #tpu.memory_space<vmem>>, %arg3: memref<128x128xf32, #tpu.memory_space<vmem>>, %arg4: memref<1x128xf32, #tpu.memory_space<vmem>>, %arg5: memref<128x128xf32, #tpu.memory_space<vmem>>, %arg6: memref<1x128xf32, #tpu.memory_space<vmem>>, %arg7: memref<1x128xf32, #tpu.memory_space<vmem>>, %arg8: memref<1x128xf32, #tpu.memory_space<vmem>>, %arg9: memref<320000x128xf32, #tpu.memory_space<any>>, %arg10: memref<3200x128xf32, #tpu.memory_space<vmem>>, %arg11: memref<3200x128xf32, #tpu.memory_space<vmem>>) attributes {dimension_semantics = [#tpu.dimension_semantics<arbitrary>], iteration_bounds = array<i64: 50>, scalar_prefetch = 0 : i64, scratch_operands = 0 : i64, tpu.core_type = #tpu.core_type<tc>, window_params = [{transform_indices = @transform_0, window_bounds = array<i64: 3200, 128>}, {transform_indices = @transform_1, window_bounds = array<i64: 3200, 128>}, {pipeline_mode = #tpu.pipeline_mode<synchronous>, transform_indices = @transform_2, window_bounds = array<i64: 128, 128>}, {pipeline_mode = #tpu.pipeline_mode<synchronous>, transform_indices = @transform_3, window_bounds = array<i64: 1, 128>}, {pipeline_mode = #tpu.pipeline_mode<synchronous>, transform_indices = @transform_4, window_bounds = array<i64: 128, 128>}, {pipeline_mode = #tpu.pipeline_mode<synchronous>, transform_indices = @transform_5, window_bounds = array<i64: 1, 128>}, {pipeline_mode = #tpu.pipeline_mode<synchronous>, transform_indices = @transform_6, window_bounds = array<i64: 1, 128>}, {pipeline_mode = #tpu.pipeline_mode<synchronous>, transform_indices = @transform_7, window_bounds = array<i64: 1, 128>}, {}, {transform_indices = @transform_9, window_bounds = array<i64: 3200, 128>}, {transform_indices = @transform_10, window_bounds = array<i64: 3200, 128>}]} {
    %get3A = arith.constant 0 : index
    %get3A_0 = arith.constant 0 : index
    %get3A_1 = vector.load %arg2[%get3A, %get3A_0] : memref<3200x128xf32, #tpu.memory_space<vmem>>, vector<3200x128xf32>
    %get3A_2 = arith.constant 0 : index
    %get3A_3 = arith.constant 0 : index
    %get3A_4 = vector.load %arg1[%get3A_2, %get3A_3] : memref<3200x128xf32, #tpu.memory_space<vmem>>, vector<3200x128xf32>
    %get3A_5 = arith.constant 0 : index
    %get3A_6 = arith.constant 0 : index
    %get3A_7 = vector.load %arg4[%get3A_5, %get3A_6] : memref<1x128xf32, #tpu.memory_space<vmem>>, vector<1x128xf32>
    %add3A = vector.broadcast %get3A_7 : vector<1x128xf32> to vector<3200x128xf32>
    %add3A_8 = arith.addf %get3A_4, %add3A : vector<3200x128xf32>
    %get3A_9 = arith.constant 0 : index
    %get3A_10 = arith.constant 0 : index
    %get3A_11 = vector.load %arg3[%get3A_9, %get3A_10] : memref<128x128xf32, #tpu.memory_space<vmem>>, vector<128x128xf32>
    %dot_general3A = arith.constant dense<0.000000e+00> : vector<3200x128xf32>
    %dot_general3A_12 = tpu.matmul %get3A_1, %get3A_11, %dot_general3A {dimension_numbers = #tpu.dot_dimension_numbers<[1], [0], [0], [1], [0, 0, 1, 1], [], []>, transpose_lhs_hint = false} : vector<3200x128xf32>, vector<128x128xf32>, vector<3200x128xf32> -> vector<3200x128xf32>
    %add3A_13 = arith.addf %add3A_8, %dot_general3A_12 : vector<3200x128xf32>
    %max3A = arith.constant 0.000000e+00 : f32
    %max3A_14 = vector.broadcast %max3A : f32 to vector<3200x128xf32>
    %max3A_15 = arith.maximumf %add3A_13, %max3A_14 : vector<3200x128xf32>
    %get3A_16 = arith.constant 0 : index
    %get3A_17 = arith.constant 0 : index
    %get3A_18 = vector.load %arg5[%get3A_16, %get3A_17] : memref<128x128xf32, #tpu.memory_space<vmem>>, vector<128x128xf32>
    %dot_general3A_19 = arith.constant dense<0.000000e+00> : vector<3200x128xf32>
    %dot_general3A_20 = tpu.matmul %max3A_15, %get3A_18, %dot_general3A_19 {dimension_numbers = #tpu.dot_dimension_numbers<[1], [0], [0], [1], [0, 0, 1, 1], [], []>, transpose_lhs_hint = false} : vector<3200x128xf32>, vector<128x128xf32>, vector<3200x128xf32> -> vector<3200x128xf32>
    %get3A_21 = arith.constant 0 : index
    %get3A_22 = arith.constant 0 : index
    %get3A_23 = vector.load %arg6[%get3A_21, %get3A_22] : memref<1x128xf32, #tpu.memory_space<vmem>>, vector<1x128xf32>
    %add3A_24 = vector.broadcast %get3A_23 : vector<1x128xf32> to vector<3200x128xf32>
    %add3A_25 = arith.addf %dot_general3A_20, %add3A_24 : vector<3200x128xf32>
    %get3A_26 = arith.constant 0 : index
    %get3A_27 = arith.constant 0 : index
    %get3A_28 = vector.load %arg7[%get3A_26, %get3A_27] : memref<1x128xf32, #tpu.memory_space<vmem>>, vector<1x128xf32>
    %get3A_29 = arith.constant 0 : index
    %get3A_30 = arith.constant 0 : index
    %get3A_31 = vector.load %arg8[%get3A_29, %get3A_30] : memref<1x128xf32, #tpu.memory_space<vmem>>, vector<1x128xf32>
    %reduce_sum3A = arith.constant dense<0.000000e+00> : vector<3200xf32>
    %reduce_sum3A_32 = vector.multi_reduction <add>, %add3A_25, %reduce_sum3A [1] : vector<3200x128xf32> to vector<3200xf32>
    %broadcast_in_dim3A = vector.shape_cast %reduce_sum3A_32 : vector<3200xf32> to vector<3200x1xf32>
    %div3A = arith.constant 1.280000e+02 : f32
    %div3A_33 = vector.broadcast %div3A : f32 to vector<3200x1xf32>
    %div3A_34 = arith.divf %broadcast_in_dim3A, %div3A_33 : vector<3200x1xf32>
    %sub3A = vector.broadcast %div3A_34 : vector<3200x1xf32> to vector<3200x128xf32>
    %sub3A_35 = arith.subf %add3A_25, %sub3A : vector<3200x128xf32>
    %integer_pow3A = arith.mulf %sub3A_35, %sub3A_35 : vector<3200x128xf32>
    %reduce_sum3A_36 = arith.constant dense<0.000000e+00> : vector<3200xf32>
    %reduce_sum3A_37 = vector.multi_reduction <add>, %integer_pow3A, %reduce_sum3A_36 [1] : vector<3200x128xf32> to vector<3200xf32>
    %broadcast_in_dim3A_38 = vector.shape_cast %reduce_sum3A_37 : vector<3200xf32> to vector<3200x1xf32>
    %div3A_39 = arith.constant 1.280000e+02 : f32
    %div3A_40 = vector.broadcast %div3A_39 : f32 to vector<3200x1xf32>
    %div3A_41 = arith.divf %broadcast_in_dim3A_38, %div3A_40 : vector<3200x1xf32>
    %sub3A_42 = vector.broadcast %div3A_34 : vector<3200x1xf32> to vector<3200x128xf32>
    %sub3A_43 = arith.subf %add3A_25, %sub3A_42 : vector<3200x128xf32>
    %add3A_44 = arith.constant 9.99999974E-6 : f32
    %add3A_45 = vector.broadcast %add3A_44 : f32 to vector<3200x1xf32>
    %add3A_46 = arith.addf %div3A_41, %add3A_45 : vector<3200x1xf32>
    %sqrt3A = math.sqrt %add3A_46 : vector<3200x1xf32>
    %div3A_47 = vector.broadcast %sqrt3A : vector<3200x1xf32> to vector<3200x128xf32>
    %div3A_48 = arith.divf %sub3A_43, %div3A_47 : vector<3200x128xf32>
    %mul3A = vector.broadcast %get3A_28 : vector<1x128xf32> to vector<3200x128xf32>
    %mul3A_49 = arith.mulf %div3A_48, %mul3A : vector<3200x128xf32>
    %add3A_50 = vector.broadcast %get3A_31 : vector<1x128xf32> to vector<3200x128xf32>
    %add3A_51 = arith.addf %mul3A_49, %add3A_50 : vector<3200x128xf32>
    %swap3A = arith.constant 0 : index
    %swap3A_52 = arith.constant 0 : index
    %swap3A_53 = vector.load %arg10[%swap3A, %swap3A_52] : memref<3200x128xf32, #tpu.memory_space<vmem>>, vector<3200x128xf32>
    tpu.vector_store %arg10[%swap3A, %swap3A_52], %add3A_51 {strides = array<i32>} : memref<3200x128xf32, #tpu.memory_space<vmem>>, vector<3200x128xf32>,
    %add3A_54 = arith.addf %add3A_51, %get3A_1 : vector<3200x128xf32>
    %swap3A_55 = arith.constant 0 : index
    %swap3A_56 = arith.constant 0 : index
    %swap3A_57 = vector.load %arg11[%swap3A_55, %swap3A_56] : memref<3200x128xf32, #tpu.memory_space<vmem>>, vector<3200x128xf32>
    tpu.vector_store %arg11[%swap3A_55, %swap3A_56], %add3A_54 {strides = array<i32>} : memref<3200x128xf32, #tpu.memory_space<vmem>>, vector<3200x128xf32>,
    return
  }
  func.func @transform_0(%arg0: i32) -> (i32, i32) {
    %c0_i32 = arith.constant 0 : i32
    %c0_i32_0 = arith.constant 0 : i32
    return %arg0, %c0_i32 : i32, i32
  }
  func.func @transform_1(%arg0: i32) -> (i32, i32) {
    %add3A = arith.constant 50 : i32
    %add3A_0 = arith.addi %arg0, %add3A : i32
    %c0_i32 = arith.constant 0 : i32
    %c0_i32_1 = arith.constant 0 : i32
    return %add3A_0, %c0_i32 : i32, i32
  }
  func.func @transform_2(%arg0: i32) -> (i32, i32) {
    %c0_i32 = arith.constant 0 : i32
    %c0_i32_0 = arith.constant 0 : i32
    %c0_i32_1 = arith.constant 0 : i32
    return %c0_i32, %c0_i32_0 : i32, i32
  }
  func.func @transform_3(%arg0: i32) -> (i32, i32) {
    %c0_i32 = arith.constant 0 : i32
    %c0_i32_0 = arith.constant 0 : i32
    %c0_i32_1 = arith.constant 0 : i32
    return %c0_i32, %c0_i32_0 : i32, i32
  }
  func.func @transform_4(%arg0: i32) -> (i32, i32) {
    %c0_i32 = arith.constant 0 : i32
    %c0_i32_0 = arith.constant 0 : i32
    %c0_i32_1 = arith.constant 0 : i32
    return %c0_i32, %c0_i32_0 : i32, i32
  }
  func.func @transform_5(%arg0: i32) -> (i32, i32) {
    %c0_i32 = arith.constant 0 : i32
    %c0_i32_0 = arith.constant 0 : i32
    %c0_i32_1 = arith.constant 0 : i32
    return %c0_i32, %c0_i32_0 : i32, i32
  }
  func.func @transform_6(%arg0: i32) -> (i32, i32) {
    %c0_i32 = arith.constant 0 : i32
    %c0_i32_0 = arith.constant 0 : i32
    %c0_i32_1 = arith.constant 0 : i32
    return %c0_i32, %c0_i32_0 : i32, i32
  }
  func.func @transform_7(%arg0: i32) -> (i32, i32) {
    %c0_i32 = arith.constant 0 : i32
    %c0_i32_0 = arith.constant 0 : i32
    %c0_i32_1 = arith.constant 0 : i32
    return %c0_i32, %c0_i32_0 : i32, i32
  }
  func.func @transform_9(%arg0: i32) -> (i32, i32) {
    %c0_i32 = arith.constant 0 : i32
    %c0_i32_0 = arith.constant 0 : i32
    return %arg0, %c0_i32 : i32, i32
  }
  func.func @transform_10(%arg0: i32) -> (i32, i32) {
    %add3A = arith.constant 50 : i32
    %add3A_0 = arith.addi %arg0, %add3A : i32
    %c0_i32 = arith.constant 0 : i32
    %c0_i32_1 = arith.constant 0 : i32
    return %add3A_0, %c0_i32 : i32, i32
  }
}

module attributes {stable_mosaic.version = 14 : i64} {
  func.func @_node_body(%arg0: i32, %arg1: memref<1000x128xf32, #tpu.memory_space<vmem>>, %arg2: memref<2x1000x128xf32, #tpu.memory_space<vmem>>, %arg3: memref<2x1000x128xf32, #tpu.memory_space<vmem>>, %arg4: memref<128x128xf32, #tpu.memory_space<vmem>>, %arg5: memref<128x128xf32, #tpu.memory_space<vmem>>, %arg6: memref<1x128xf32, #tpu.memory_space<vmem>>, %arg7: memref<128x128xf32, #tpu.memory_space<vmem>>, %arg8: memref<1x128xf32, #tpu.memory_space<vmem>>, %arg9: memref<1x128xf32, #tpu.memory_space<vmem>>, %arg10: memref<1x128xf32, #tpu.memory_space<vmem>>, %arg11: memref<1000x128xf32, #tpu.memory_space<vmem>>) attributes {dimension_semantics = [#tpu.dimension_semantics<arbitrary>], iteration_bounds = array<i64: 10>, scalar_prefetch = 0 : i64, scratch_operands = 0 : i64, tpu.core_type = #tpu.core_type<tc>, window_params = [{transform_indices = @transform_0, window_bounds = array<i64: 1000, 128>}, {transform_indices = @transform_1, window_bounds = array<i64: 2, 1000, 128>}, {transform_indices = @transform_2, window_bounds = array<i64: 2, 1000, 128>}, {pipeline_mode = #tpu.pipeline_mode<synchronous>, transform_indices = @transform_3, window_bounds = array<i64: 128, 128>}, {pipeline_mode = #tpu.pipeline_mode<synchronous>, transform_indices = @transform_4, window_bounds = array<i64: 128, 128>}, {pipeline_mode = #tpu.pipeline_mode<synchronous>, transform_indices = @transform_5, window_bounds = array<i64: 1, 128>}, {pipeline_mode = #tpu.pipeline_mode<synchronous>, transform_indices = @transform_6, window_bounds = array<i64: 128, 128>}, {pipeline_mode = #tpu.pipeline_mode<synchronous>, transform_indices = @transform_7, window_bounds = array<i64: 1, 128>}, {pipeline_mode = #tpu.pipeline_mode<synchronous>, transform_indices = @transform_8, window_bounds = array<i64: 1, 128>}, {pipeline_mode = #tpu.pipeline_mode<synchronous>, transform_indices = @transform_9, window_bounds = array<i64: 1, 128>}, {transform_indices = @transform_10, window_bounds = array<i64: 1000, 128>}]} {
    %get3A = arith.constant 0 : index
    %get3A_0 = arith.constant 0 : index
    %get3A_1 = vector.load %arg1[%get3A, %get3A_0] : memref<1000x128xf32, #tpu.memory_space<vmem>>, vector<1000x128xf32>
    %get3A_2 = arith.constant 0 : index
    %get3A_3 = arith.constant 0 : index
    %get3A_4 = arith.constant 0 : index
    %get3A_5 = vector.load %arg2[%get3A_2, %get3A_3, %get3A_4] : memref<2x1000x128xf32, #tpu.memory_space<vmem>>, vector<1x1000x128xf32>
    %get3A_6 = vector.shape_cast %get3A_5 : vector<1x1000x128xf32> to vector<1000x128xf32>
    %get3A_7 = arith.constant 1 : index
    %get3A_8 = arith.constant 0 : index
    %get3A_9 = arith.constant 0 : index
    %get3A_10 = vector.load %arg2[%get3A_7, %get3A_8, %get3A_9] : memref<2x1000x128xf32, #tpu.memory_space<vmem>>, vector<1x1000x128xf32>
    %get3A_11 = vector.shape_cast %get3A_10 : vector<1x1000x128xf32> to vector<1000x128xf32>
    %add3A = arith.addf %get3A_6, %get3A_11 : vector<1000x128xf32>
    %get3A_12 = arith.constant 0 : index
    %get3A_13 = arith.constant 0 : index
    %get3A_14 = arith.constant 0 : index
    %get3A_15 = vector.load %arg3[%get3A_12, %get3A_13, %get3A_14] : memref<2x1000x128xf32, #tpu.memory_space<vmem>>, vector<1x1000x128xf32>
    %get3A_16 = vector.shape_cast %get3A_15 : vector<1x1000x128xf32> to vector<1000x128xf32>
    %add3A_17 = arith.addf %add3A, %get3A_16 : vector<1000x128xf32>
    %get3A_18 = arith.constant 1 : index
    %get3A_19 = arith.constant 0 : index
    %get3A_20 = arith.constant 0 : index
    %get3A_21 = vector.load %arg3[%get3A_18, %get3A_19, %get3A_20] : memref<2x1000x128xf32, #tpu.memory_space<vmem>>, vector<1x1000x128xf32>
    %get3A_22 = vector.shape_cast %get3A_21 : vector<1x1000x128xf32> to vector<1000x128xf32>
    %add3A_23 = arith.addf %add3A_17, %get3A_22 : vector<1000x128xf32>
    %get3A_24 = arith.constant 0 : index
    %get3A_25 = arith.constant 0 : index
    %get3A_26 = vector.load %arg4[%get3A_24, %get3A_25] : memref<128x128xf32, #tpu.memory_space<vmem>>, vector<128x128xf32>
    %dot_general3A = arith.constant dense<0.000000e+00> : vector<1000x128xf32>
    %dot_general3A_27 = tpu.matmul %get3A_1, %get3A_26, %dot_general3A {dimension_numbers = #tpu.dot_dimension_numbers<[1], [0], [0], [1], [0, 0, 1, 1], [], []>, transpose_lhs_hint = false} : vector<1000x128xf32>, vector<128x128xf32>, vector<1000x128xf32> -> vector<1000x128xf32>
    %get3A_28 = arith.constant 0 : index
    %get3A_29 = arith.constant 0 : index
    %get3A_30 = vector.load %arg5[%get3A_28, %get3A_29] : memref<128x128xf32, #tpu.memory_space<vmem>>, vector<128x128xf32>
    %dot_general3A_31 = arith.constant dense<0.000000e+00> : vector<1000x128xf32>
    %dot_general3A_32 = tpu.matmul %add3A_23, %get3A_30, %dot_general3A_31 {dimension_numbers = #tpu.dot_dimension_numbers<[1], [0], [0], [1], [0, 0, 1, 1], [], []>, transpose_lhs_hint = false} : vector<1000x128xf32>, vector<128x128xf32>, vector<1000x128xf32> -> vector<1000x128xf32>
    %add3A_33 = arith.addf %dot_general3A_27, %dot_general3A_32 : vector<1000x128xf32>
    %get3A_34 = arith.constant 0 : index
    %get3A_35 = arith.constant 0 : index
    %get3A_36 = vector.load %arg6[%get3A_34, %get3A_35] : memref<1x128xf32, #tpu.memory_space<vmem>>, vector<1x128xf32>
    %add3A_37 = vector.broadcast %get3A_36 : vector<1x128xf32> to vector<1000x128xf32>
    %add3A_38 = arith.addf %add3A_33, %add3A_37 : vector<1000x128xf32>
    %max3A = arith.constant 0.000000e+00 : f32
    %max3A_39 = vector.broadcast %max3A : f32 to vector<1000x128xf32>
    %max3A_40 = arith.maximumf %add3A_38, %max3A_39 : vector<1000x128xf32>
    %get3A_41 = arith.constant 0 : index
    %get3A_42 = arith.constant 0 : index
    %get3A_43 = vector.load %arg7[%get3A_41, %get3A_42] : memref<128x128xf32, #tpu.memory_space<vmem>>, vector<128x128xf32>
    %dot_general3A_44 = arith.constant dense<0.000000e+00> : vector<1000x128xf32>
    %dot_general3A_45 = tpu.matmul %max3A_40, %get3A_43, %dot_general3A_44 {dimension_numbers = #tpu.dot_dimension_numbers<[1], [0], [0], [1], [0, 0, 1, 1], [], []>, transpose_lhs_hint = false} : vector<1000x128xf32>, vector<128x128xf32>, vector<1000x128xf32> -> vector<1000x128xf32>
    %get3A_46 = arith.constant 0 : index
    %get3A_47 = arith.constant 0 : index
    %get3A_48 = vector.load %arg8[%get3A_46, %get3A_47] : memref<1x128xf32, #tpu.memory_space<vmem>>, vector<1x128xf32>
    %add3A_49 = vector.broadcast %get3A_48 : vector<1x128xf32> to vector<1000x128xf32>
    %add3A_50 = arith.addf %dot_general3A_45, %add3A_49 : vector<1000x128xf32>
    %get3A_51 = arith.constant 0 : index
    %get3A_52 = arith.constant 0 : index
    %get3A_53 = vector.load %arg9[%get3A_51, %get3A_52] : memref<1x128xf32, #tpu.memory_space<vmem>>, vector<1x128xf32>
    %get3A_54 = arith.constant 0 : index
    %get3A_55 = arith.constant 0 : index
    %get3A_56 = vector.load %arg10[%get3A_54, %get3A_55] : memref<1x128xf32, #tpu.memory_space<vmem>>, vector<1x128xf32>
    %reduce_sum3A = arith.constant dense<0.000000e+00> : vector<1000xf32>
    %reduce_sum3A_57 = vector.multi_reduction <add>, %add3A_50, %reduce_sum3A [1] : vector<1000x128xf32> to vector<1000xf32>
    %broadcast_in_dim3A = vector.shape_cast %reduce_sum3A_57 : vector<1000xf32> to vector<1000x1xf32>
    %div3A = arith.constant 1.280000e+02 : f32
    %div3A_58 = vector.broadcast %div3A : f32 to vector<1000x1xf32>
    %div3A_59 = arith.divf %broadcast_in_dim3A, %div3A_58 : vector<1000x1xf32>
    %sub3A = vector.broadcast %div3A_59 : vector<1000x1xf32> to vector<1000x128xf32>
    %sub3A_60 = arith.subf %add3A_50, %sub3A : vector<1000x128xf32>
    %integer_pow3A = arith.mulf %sub3A_60, %sub3A_60 : vector<1000x128xf32>
    %reduce_sum3A_61 = arith.constant dense<0.000000e+00> : vector<1000xf32>
    %reduce_sum3A_62 = vector.multi_reduction <add>, %integer_pow3A, %reduce_sum3A_61 [1] : vector<1000x128xf32> to vector<1000xf32>
    %broadcast_in_dim3A_63 = vector.shape_cast %reduce_sum3A_62 : vector<1000xf32> to vector<1000x1xf32>
    %div3A_64 = arith.constant 1.280000e+02 : f32
    %div3A_65 = vector.broadcast %div3A_64 : f32 to vector<1000x1xf32>
    %div3A_66 = arith.divf %broadcast_in_dim3A_63, %div3A_65 : vector<1000x1xf32>
    %sub3A_67 = vector.broadcast %div3A_59 : vector<1000x1xf32> to vector<1000x128xf32>
    %sub3A_68 = arith.subf %add3A_50, %sub3A_67 : vector<1000x128xf32>
    %add3A_69 = arith.constant 9.99999974E-6 : f32
    %add3A_70 = vector.broadcast %add3A_69 : f32 to vector<1000x1xf32>
    %add3A_71 = arith.addf %div3A_66, %add3A_70 : vector<1000x1xf32>
    %sqrt3A = math.sqrt %add3A_71 : vector<1000x1xf32>
    %div3A_72 = vector.broadcast %sqrt3A : vector<1000x1xf32> to vector<1000x128xf32>
    %div3A_73 = arith.divf %sub3A_68, %div3A_72 : vector<1000x128xf32>
    %mul3A = vector.broadcast %get3A_53 : vector<1x128xf32> to vector<1000x128xf32>
    %mul3A_74 = arith.mulf %div3A_73, %mul3A : vector<1000x128xf32>
    %add3A_75 = vector.broadcast %get3A_56 : vector<1x128xf32> to vector<1000x128xf32>
    %add3A_76 = arith.addf %mul3A_74, %add3A_75 : vector<1000x128xf32>
    %add3A_77 = arith.addf %add3A_76, %get3A_1 : vector<1000x128xf32>
    %swap3A = arith.constant 0 : index
    %swap3A_78 = arith.constant 0 : index
    %swap3A_79 = vector.load %arg11[%swap3A, %swap3A_78] : memref<1000x128xf32, #tpu.memory_space<vmem>>, vector<1000x128xf32>
    tpu.vector_store %arg11[%swap3A, %swap3A_78], %add3A_77 {strides = array<i32>} : memref<1000x128xf32, #tpu.memory_space<vmem>>, vector<1000x128xf32>,
    return
  }
  func.func @transform_0(%arg0: i32) -> (i32, i32) {
    %c0_i32 = arith.constant 0 : i32
    %c0_i32_0 = arith.constant 0 : i32
    return %arg0, %c0_i32 : i32, i32
  }
  func.func @transform_1(%arg0: i32) -> (i32, i32, i32) {
    %c0_i32 = arith.constant 0 : i32
    %c0_i32_0 = arith.constant 0 : i32
    %c0_i32_1 = arith.constant 0 : i32
    return %c0_i32, %arg0, %c0_i32_0 : i32, i32, i32
  }
  func.func @transform_2(%arg0: i32) -> (i32, i32, i32) {
    %c0_i32 = arith.constant 0 : i32
    %c0_i32_0 = arith.constant 0 : i32
    %c0_i32_1 = arith.constant 0 : i32
    return %c0_i32, %arg0, %c0_i32_0 : i32, i32, i32
  }
  func.func @transform_3(%arg0: i32) -> (i32, i32) {
    %c0_i32 = arith.constant 0 : i32
    %c0_i32_0 = arith.constant 0 : i32
    %c0_i32_1 = arith.constant 0 : i32
    return %c0_i32, %c0_i32_0 : i32, i32
  }
  func.func @transform_4(%arg0: i32) -> (i32, i32) {
    %c0_i32 = arith.constant 0 : i32
    %c0_i32_0 = arith.constant 0 : i32
    %c0_i32_1 = arith.constant 0 : i32
    return %c0_i32, %c0_i32_0 : i32, i32
  }
  func.func @transform_5(%arg0: i32) -> (i32, i32) {
    %c0_i32 = arith.constant 0 : i32
    %c0_i32_0 = arith.constant 0 : i32
    %c0_i32_1 = arith.constant 0 : i32
    return %c0_i32, %c0_i32_0 : i32, i32
  }
  func.func @transform_6(%arg0: i32) -> (i32, i32) {
    %c0_i32 = arith.constant 0 : i32
    %c0_i32_0 = arith.constant 0 : i32
    %c0_i32_1 = arith.constant 0 : i32
    return %c0_i32, %c0_i32_0 : i32, i32
  }
  func.func @transform_7(%arg0: i32) -> (i32, i32) {
    %c0_i32 = arith.constant 0 : i32
    %c0_i32_0 = arith.constant 0 : i32
    %c0_i32_1 = arith.constant 0 : i32
    return %c0_i32, %c0_i32_0 : i32, i32
  }
  func.func @transform_8(%arg0: i32) -> (i32, i32) {
    %c0_i32 = arith.constant 0 : i32
    %c0_i32_0 = arith.constant 0 : i32
    %c0_i32_1 = arith.constant 0 : i32
    return %c0_i32, %c0_i32_0 : i32, i32
  }
  func.func @transform_9(%arg0: i32) -> (i32, i32) {
    %c0_i32 = arith.constant 0 : i32
    %c0_i32_0 = arith.constant 0 : i32
    %c0_i32_1 = arith.constant 0 : i32
    return %c0_i32, %c0_i32_0 : i32, i32
  }
  func.func @transform_10(%arg0: i32) -> (i32, i32) {
    %c0_i32 = arith.constant 0 : i32
    %c0_i32_0 = arith.constant 0 : i32
    return %arg0, %c0_i32 : i32, i32
  }
}

</mosaic_0001>

<sc_bundles>
// kernel: kernel.10.cloned.1.call-start
scs
__scs_entry_jumppad:
0x0: {  	(pc) =	sbr.rel $0x88, $3  }
0x1: {  	(tag) =	ssettag $0x0;
	lr =	simm.s32 $0x1  }
0x2: {  	[smem:$0x3F92] =	sst lr;
	_ =	strace $0xD0000000  }
0x3: {  	_ = 	snop  }
0x4: {  	_ = 	snop  }
0x5: {  	_ = 	snop  }
0x6: {  	_ = 	snop  }
0x7: {  	_ = 	snop  }
__scs_overlays_trampoline_lowered:
0x8: {  	[smem:$0x3FA1] =	sst s0  }
0x9: {  	[smem:$0x3FA2] =	sst s1  }
0xa: {  	[smem:$0x3FA3] =	sst s2  }
0xb: {  	[smem:$0x3FA4] =	sst s3  }
0xc: {  	[smem:$0x3FA5] =	sst s4  }
0xd: {  	[smem:$0x3FA6] =	sst s5  }
0xe: {  	[smem:$0x3FA7] =	sst s6  }
0xf: {  	[smem:$0x3FA8] =	sst s7  }
0x10: {  	[smem:$0x3FA9] =	sst s8  }
0x11: {  	[smem:$0x3FAA] =	sst s9;
	s0 =	simm.s32 @!p0 $0x0  }
0x12: {  	s1 =	sld [smem:$0x3F90];
	s0 =	simm.s32 @p0 $0x1  }
0x13: {  	[smem:$0x3FAB] =	sst s0;
	s0 =	simm.s32 @!p1 $0x0  }
0x14: {  	s2 =	sld [smem:$0x3F8F];
	s0 =	simm.s32 @p1 $0x1  }
0x15: {  	[smem:$0x3FAC] =	sst s0;
	s0 =	simm.s32 @!p2 $0x0  }
0x16: {  	s3 =	sld [smem:$0x3FDB];
	s0 =	simm.s32 @p2 $0x1  }
0x17: {  	s4 =	simm.s32 $0x1BF5;
	[smem:$0x3FAE] =	sst s0  }
0x18: {  	s0 =	sld [smem:$0x3F91];
	_ =	swait.ge [sflag:s4], $0x0  }
0x19: {  	s7 =	sld [smem:$0x3F92]  }
0x1a: {  	s8 =	sadd.s32 $0xFFFFE003, lr  }
0x1b: {  	s9 =	sadd.s32 $0xFFFFFEF7, lr;
	s5 =	simm.s32 $0xFFFFFFFF;
	p2 =	slt.u32 s8, $0xFFFFF086  }
0x1c: {  	p1 =	slt.u32 s9, $0xF7A;
	s5 =	simm.s32 @!p2 $0x0  }
0x1d: {  	s5 =	simm.s32 @p1 $0x1;
	p0 =	seq.s32 s7, s2  }
0x1e: {  	s7 =	smul.u32 @!p0 $0xF7A, s2;
	p2 =	seq.s32 @!p0 s5, $0x0  }
0x1f: {  	s9 =	smul.u32 $0xF7A, s1;
	s8 =	simm.s32 @!p0 $0x1BF5;
	p2 =	por !p2, p0  }
0x20: {  	[sflag:s8] =	ssyncset.s32 @!p0 $0xFFFFF086;
	s6 =	sadd.s32 @!p0 s3, s7;
	s7 =	simm.s32 @!p0 $0x108  }
0x21: {  	s3 =	sadd.s32 s3, s9;
	s6 =	sadd.s32 @!p0 $0x88, s6;
	s7 =	simm.s32 @p2 $0x1082  }
0x22: {  	[simem:s7], [sflag:s8] =	dma.local @!p0 [hbm:s6], $0xF7A  }
0x23: {  	s9 =	sor.u32 $0xD0000000, s2;
	s6 =	simm.s32 $0x108;
	_ =	swait.ge @!p0 [sflag:s8], $0x0  }
0x24: {  	s3 =	sadd.s32 $0x88, s3;
	s6 =	simm.s32 @!p1 $0x1082;
	[sflag:s4] =	ssyncset.s32 $0xFFFFF086  }
0x25: {  	[simem:s6], [sflag:s4] =	dma.local [hbm:s3], $0xF7A  }
0x26: {  	[smem:$0x3F92] =	sst s1;
	(tag) =	ssettag s2;
	_ =	strace s9  }
0x27: {  	s1 =	sld [smem:$0x3FA2]  }
0x28: {  	s2 =	sld [smem:$0x3FA3]  }
0x29: {  	s4 =	sld [smem:$0x3FA5]  }
0x2a: {  	p0 =	seq.s32 s5, $0x0;
	s5 =	sld [smem:$0x3FA6]  }
0x2b: {  	s6 =	sld [smem:$0x3FA7]  }
0x2c: {  	s7 =	sld [smem:$0x3FA8]  }
0x2d: {  	s3 =	simm.s32 $0x108;
	s8 =	sld [smem:$0x3FA9]  }
0x2e: {  	s3 =	simm.s32 @!p0 $0x1082;
	s9 =	sld [smem:$0x3FAA]  }
0x2f: {  	lr =	sadd.s32 s0, s3;
	s0 =	sld [smem:$0x3FA1]  }
0x30: {  	s3 =	sld [smem:$0x3FA4]  }
0x31: {  	[smem:$0x3FAD] =	sst s10  }
0x32: {  	s10 =	sld [smem:$0x3FAB];
	_ =	sdelay $0x3  }
0x33: {  	p0 =	seq.s32 s10, $0x1;
	s10 =	sld [smem:$0x3FAD];
	_ =	sdelay $0x3  }
0x34: {  	[smem:$0x3FAD] =	sst s10  }
0x35: {  	s10 =	sld [smem:$0x3FAC];
	_ =	sdelay $0x3  }
0x36: {  	p1 =	seq.s32 s10, $0x1;
	s10 =	sld [smem:$0x3FAD];
	_ =	sdelay $0x3  }
0x37: {  	[smem:$0x3FAD] =	sst s10  }
0x38: {  	s10 =	sld [smem:$0x3FAE]  }
0x39: {  	_ = 	snop;
	(pc) =	sbr.ind lr, $3  }
0x3a: {  	_ = 	snop  }
0x3b: {  	_ = 	snop  }
0x3c: {  	p2 =	seq.s32 s10, $0x1;
	s10 =	sld [smem:$0x3FAD]  }
0x3d: {  	_ =	shalt  }
0x3e: {  	_ =	shalt  }
0x3f: {  	_ =	shalt  }
0x40: {  	_ =	shalt  }
0x41: {  	_ =	shalt  }
0x42: {  	_ =	shalt  }
0x43: {  	_ =	shalt  }
0x44: {  	_ =	shalt  }
0x45: {  	_ =	shalt  }
0x46: {  	_ =	shalt  }
0x47: {  	_ =	shalt  }
0x48: {  	_ =	shalt  }
0x49: {  	_ =	shalt  }
0x4a: {  	_ =	shalt  }
0x4b: {  	_ =	shalt  }
0x4c: {  	_ =	shalt  }
0x4d: {  	_ =	shalt  }
0x4e: {  	_ =	shalt  }
0x4f: {  	_ =	shalt  }
0x50: {  	_ =	shalt  }
0x51: {  	_ =	shalt  }
0x52: {  	_ =	shalt  }
0x53: {  	_ =	shalt  }
0x54: {  	_ =	shalt  }
0x55: {  	_ =	shalt  }
0x56: {  	_ =	shalt  }
0x57: {  	_ =	shalt  }
0x58: {  	_ =	shalt  }
0x59: {  	_ =	shalt  }
0x5a: {  	_ =	shalt  }
0x5b: {  	_ =	shalt  }
0x5c: {  	_ =	shalt  }
0x5d: {  	_ =	shalt  }
0x5e: {  	_ =	shalt  }
0x5f: {  	_ =	shalt  }
0x60: {  	_ =	shalt  }
0x61: {  	_ =	shalt  }
0x62: {  	_ =	shalt  }
0x63: {  	_ =	shalt  }
0x64: {  	_ =	shalt  }
0x65: {  	_ =	shalt  }
0x66: {  	_ =	shalt  }
0x67: {  	_ =	shalt  }
0x68: {  	_ =	shalt  }
0x69: {  	_ =	shalt  }
0x6a: {  	_ =	shalt  }
0x6b: {  	_ =	shalt  }
0x6c: {  	_ =	shalt  }
0x6d: {  	_ =	shalt  }
0x6e: {  	_ =	shalt  }
0x6f: {  	_ =	shalt  }
0x70: {  	_ =	shalt  }
0x71: {  	_ =	shalt  }
0x72: {  	_ =	shalt  }
0x73: {  	_ =	shalt  }
0x74: {  	_ =	shalt  }
0x75: {  	_ =	shalt  }
0x76: {  	_ =	shalt  }
0x77: {  	_ =	shalt  }
0x78: {  	_ =	shalt  }
0x79: {  	_ =	shalt  }
0x7a: {  	_ =	shalt  }
0x7b: {  	_ =	shalt  }
0x7c: {  	_ =	shalt  }
0x7d: {  	_ =	shalt  }
0x7e: {  	_ =	shalt  }
0x7f: {  	_ =	shalt  }
0x80: {  	_ =	shalt  }
0x81: {  	_ =	shalt  }
0x82: {  	_ =	shalt  }
0x83: {  	_ =	shalt  }
0x84: {  	_ =	shalt  }
0x85: {  	_ =	shalt  }
0x86: {  	_ =	shalt  }
0x87: {  	_ =	shalt  }
.Lfunc_end0:
.L_simem_size_0:
called_computation_lowered:
.L_overlay_start_0:
0x88: {  	s2 =	sld [smem:$0x3FD9]  }
0x89: {  	s3 =	sld [smem:$0x3FFE];
	_ =	sdelay $0x1  }
0x8a: {  	s1 =	srdreg.scid  }
0x8b: {  	s0 =	sand.u32 $0x1, s1  }
0x8c: {  	s14 =	sshll.u32 s0, $0xA;
	s2 =	sadd.s32 s3, s2  }
0x8d: {  	s2 =	sadd.s32 s2, s14  }
0x8e: {  	[smem:$0x3FB9] =	sst s2  }
0x8f: {  	_ = 	snop  }
0x90: {  	s2 =	sld [smem:$0x3FD0];
	_ =	sdelay $0x2  }
0x91: {  	s15 =	simm.s32 $0xB;
	s4 =	simm.s32 $0x10  }
0x92: {  	[smem:s4], [sflag:s15] =	dma.local [hbm:s2], $0x1  }
0x93: {  	_ =	swait.eq [sflag:s15], $0x1  }
0x94: {  	[sflag:s15] =	ssyncset.done $0x0  }
0x95: {  	[sflag:s15] =	ssyncadd.s32 $0xFFFFFFFF  }
0x96: {  	s16 =	sld [smem:$0x10];
	(tm) =	ssettm $0x1  }
0x97: {  	s17 =	sld [smem:$0x3FFB];
	_ =	sdelay $0x3  }
0x98: {  	_ =	strace s17  }
0x99: {  	s3 =	sld [smem:$0x3FFC];
	_ =	sdelay $0x3  }
0x9a: {  	_ =	strace s3  }
0x9b: {  	s3 =	sld [smem:$0x3FFD];
	_ =	sdelay $0x3  }
0x9c: {  	_ =	strace s3  }
0x9d: {  	_ =	strace $0x8FFFFFFF  }
0x9e: {  	s18 =	sld [smem:$0x3FDB];
	_ =	sdelay $0x1  }
0x9f: {  	s19 =	simm.s32 $_scs_section_size  }
0xa0: {  	s5 =	simm.s32 $_size__tile_overlayer_lowered;
	s6 =	simm.s32 $_tile_overlayer_lowered  }
0xa1: {  	s22 =	simm.s32 $0x1BFF;
	s21 =	sshll.u32 s6, $0x1;
	s3 =	sadd.s32 s19, s18  }
0xa2: {  	s7 =	simm.s32 $0x0;
	s20 =	sshll.u32 s5, $0x1;
	s5 =	sadd.s32 s21, s3  }
0xa3: {  	[timem:s7], [sflag:s22] =	dma.local [hbm:s5], s20  }
0xa4: {  	_ =	swait.ge [sflag:s22], s20  }
0xa5: {  	s4 =	ssub.s32 $0x0, s20;
	[sflag:s22] =	ssyncset.done $0x0  }
0xa6: {  	[sflag:s22] =	ssyncadd.s32 s4;
	_ =	sdelay $0x1  }
0xa7: {  	s23 =	simm.s32 $0x1B8B  }
0xa8: {  	_ =	swait.ge [sflag:s23], $0x1  }
0xa9: {  	[sflag:s23] =	ssyncset.done $0x0  }
0xaa: {  	s25 =	simm.s32 $0x1B8E;
	s24 =	sld [smem:$0x3FFE];
	[sflag:s23] =	ssyncadd.s32 $0xFFFFFFFF  }
0xab: {  	s26 =	simm.s32 $execute0_lowered;
	[smem:$0x3FD2] =	sst s25  }
0xac: {  	s5 =	sshll.u32 s26, $0x1;
	_ =	strace $0x80000046;
	[dreg:$0x1] =	wrdreg $0xFFFFFFFF  }
0xad: {  	s28 =	simm.s32 $_size_execute0_lowered;
	s3 =	sadd.s32 s3, s5;
	[dreg:$0x0] =	wrdreg $0x0  }
0xae: {  	s5 =	sshll.u32 s28, $0x1;
	[dreg:$0x2] =	wrdreg s3  }
0xaf: {  	[dreg:$0x3] =	wrdreg s5  }
0xb0: {  	[dreg:$0x4] =	wrdreg $0xC0  }
0xb1: {  	_ =	task [dreg:s7], $0x5FFFF  }
0xb2: {  	[dreg:$0x1] =	wrdreg $0xFFFFFFFF  }
0xb3: {  	[dreg:$0x0] =	wrdreg $0x60  }
0xb4: {  	[dreg:$0x2] =	wrdreg s16  }
0xb5: {  	[dreg:$0x3] =	wrdreg s24  }
0xb6: {  	[dreg:$0x4] =	wrdreg $0xA  }
0xb7: {  	_ =	task.clear_ibuf [dreg:s7], $0x5FFFF;
	_ =	strace $0x90000046  }
0xb8: {  	s29 =	simm.s32 $0xA;
	_ =	strace $0x80000048  }
0xb9: {  	_ =	swait.ge [sflag:s29], $0x1  }
0xba: {  	[sflag:s29] =	ssyncadd.s32 $0xFFFFFFFF  }
0xbb: {  	_ =	strace $0x90000048  }
0xbc: {  	_ =	sfence  }
0xbd: {  	s30 =	sld [smem:$0x0];
	_ =	sdelay $0x2  }
0xbe: {  	s31 =	sshll.u32 s1, $0xD;
	s1 =	sshrl.u32 s1, $0x2  }
0xbf: {  	s3 =	sand.u32 $0x4000, s31;
	s1 =	sadd.s32 s1, s30  }
0xc0: {  	s0 =	sor.u32 s3, s0;
	s1 =	sshll.u32 s1, $0x11  }
0xc1: {  	s0 =	sor.u32 s1, s0  }
0xc2: {  	s0 =	sadd.s32 $0x8F2B, s0  }
0xc3: {  	[sflag:s0] =	ssyncadd.remote.s32 $0x1  }
0xc4: {  	_ =	sfence.sel $0xFFFF  }
0xc5: {  	[dreg:$0x0] =	wrdreg $0xFFFFFFFF;
	(pc) =	sbr.abs _section_cstart, $3  }
0xc6: {  	[dreg:$0x1] =	wrdreg $0xFFFFFFFF  }
0xc7: {  	_ =	task.clear_ibuf [dreg:s7], $0x2FFFF;
	_ =	strace $0x9FFFFFFF  }
0xc8: {  	(tm) =	ssettm $0x7FFFFFFF  }
0xc9: {  	_ =	shalt  }
tec
execute0_lowered:
.L_overlay_start_1:
0x0: {  	(tag) =	ssettag $0x1  }
0x1: {  	s1 =	rddreg [dreg:$0x0]  }
0x2: {  	s0 =	rddreg [dreg:$0x1];
	s3 =	simm.s32 $0x0;
	s2 =	srdreg.scid  }
0x3: {  	s4 =	stileid.u32;
	s29 =	simm.s32 $0x8100;
	s30 =	simm.s32 $0xC180  }
0x4: {  	s31 =	simm.s32 $0x8180;
	s14 =	simm.s32 $0x1;
	s13 =	simm.s32 $0x9  }
0x5: {  	[smem:$0x7FF] =	sst s3;
	s2 =	sand.u32 $0x1, s2;
	s4 =	sshll.u32 s4, $0x1  }
0x6: {  	s6 =	sadd.s32 $0x3800, s0;
	s7 =	sadd.s32 $0xD600, s0;
	s5 =	sor.u32 s2, s4  }
0x7: {  	s8 =	sadd.s32 $0x3E600, s0;
	s2 =	ssub.s32 $0x2, s2;
	s5 =	smul.u32 $0x1388, s5  }
0x8: {  	_ =	strace $0x80000047;
	s4 =	sadd.s32 $0x17400, s0;
	s9 =	sshrl.u32 s2, $0x1  }
0x9: {  	s15 =	ssub.s32 s2, s9;
	s16 =	sshrl.u32 s5, $0x3;
	s10 =	sadd.s32 $0x80, s5  }
0xa: {  	s11 =	sadd.s32 $0x100, s5;
	s22 =	sadd.s32 $0x180, s5;
	s23 =	sadd.s32 $0x1380, s5  }
0xb: {  	s24 =	sadd.s32 $0x200, s5;
	s25 =	sadd.s32 $0x280, s5;
	[dreg:$0x9] =	wrdreg s22  }
0xc: {  	s0 =	smax.u32 s15, $0x1;
	s15 =	simm.s32 $0x2;
	[dreg:$0xa] =	wrdreg s24  }
0xd: {  	s17 =	sadd.s32 s6, s16;
	s2 =	sadd.s32 s7, s16;
	[dreg:$0xb] =	wrdreg s25  }
0xe: {  	s18 =	sshrl.u32 s10, $0x3;
	s19 =	sshrl.u32 s11, $0x3;
	[dreg:$0xf] =	wrdreg s0  }
0xf: {  	s26 =	sshrl.u32 s23, $0x3;
	s24 =	simm.s32 $0xA;
	[dreg:$0x3] =	wrdreg s17  }
0x10: {  	s25 =	simm.s32 $0x4080;
	[dreg:$0x4] =	wrdreg s2;
	s12 =	sadd.s32 s6, s18  }
0x11: {  	s16 =	simm.s32 $0x4;
	s2 =	sadd.s32 s7, s18;
	[dreg:$0x5] =	wrdreg s12  }
0x12: {  	s22 =	simm.s32 $0x8;
	s20 =	sadd.s32 s6, s19;
	[dreg:$0x6] =	wrdreg s2  }
0x13: {  	s0 =	simm.s32 $0x6;
	s21 =	sadd.s32 s7, s19;
	[dreg:$0x7] =	wrdreg s20  }
0x14: {  	s28 =	sadd.s32 s6, s26;
	s9 =	sadd.s32 s7, s26;
	[dreg:$0x8] =	wrdreg s21  }
.Ltmp0:
0x15: {  	s26 =	simm.s32 $0x80;
	[dreg:$0xc] =	wrdreg s28;
	(pc) =	sbr.rel .LBB2_1-.Ltmp0, $4  }
0x16: {  	s18 =	simm.s32 $0x4100;
	s19 =	simm.s32 $0x0;
	[dreg:$0xd] =	wrdreg s9  }
0x17: {  	s2 =	sshll.u32 s23, $0x4;
	s9 =	simm.s32 $0x14280;
	s12 =	simm.s32 $0x10280  }
0x18: {  	s20 =	simm.s32 $0x5;
	s21 =	simm.s32 $0x7;
	s2 =	sadd.s32 s8, s2  }
0x19: {  	s23 =	simm.s32 $0x3;
	[dreg:$0xe] =	wrdreg s2;
	s2 =	simm.s32 $0x10200  }
.LBB2_10:
0x1a: {  	_ =	swait.ge [sflag:s0], $0x4000  }
0x1b: {  	[sflag:s0] =	ssyncset.done $0x0  }
0x1c: {  	[sflag:s0] =	ssyncadd.s32 $0xFFFFC000  }
0x1d: {  	_ =	swait.ge [sflag:s13], $0x4000  }
0x1e: {  	[sflag:s13] =	ssyncset.done $0x0  }
0x1f: {  	s17 =	rddreg [dreg:$0xc];
	[sflag:s13] =	ssyncadd.s32 $0xFFFFC000  }
0x20: {  	[tilespmem:s3], [sflag:$0xA] =	stream.linear.gather [hbm4b:s17+s3], $0x8, $0x38;
	[tilespmem:$0x18300] =	vst v63  }
0x21: {  	_ =	swait.ge [sflag:s24], $0x8  }
0x22: {  	[sflag:s24] =	ssyncset.done $0x0  }
0x23: {  	s19 =	rddreg [dreg:$0xd];
	[sflag:s24] =	ssyncadd.s32 $0xFFFFFFF8  }
0x24: {  	[tilespmem:s25], [sflag:$0xA] =	stream.linear.gather [hbm4b:s19+s3], $0x8, $0x38;
	[tilespmem:$0x18300] =	vst v63  }
0x25: {  	_ =	swait.ge [sflag:s24], $0x8  }
0x26: {  	[sflag:s24] =	ssyncset.done $0x0  }
0x27: {  	[sflag:s24] =	ssyncadd.s32 $0xFFFFFFF8  }
0x28: {  	[tilespmem:s26], [sflag:$0x1] =	stream.indirect.gather [hbm4b:s1+s22], $0x80, s3, s22, $0xb8;
	[tilespmem:$0x18300] =	vst v63  }
0x29: {  	_ =	swait.ge [sflag:s14], $0x400  }
0x2a: {  	[sflag:s14] =	ssyncset.done $0x0  }
0x2b: {  	s18 =	simm.s32 $0x4100;
	[sflag:s14] =	ssyncadd.s32 $0xFFFFFC00  }
0x2c: {  	[tilespmem:s18], [sflag:$0x2] =	stream.indirect.gather [hbm4b:s4+s22], $0x80, s25, s22, $0xb8;
	[tilespmem:$0x18300] =	vst v63  }
0x2d: {  	_ =	swait.ge [sflag:s15], $0x400  }
0x2e: {  	[sflag:s15] =	ssyncset.done $0x0  }
0x2f: {  	[sflag:s15] =	ssyncadd.s32 $0xFFFFFC00  }
0x30: {  	v0 =	vld [tilespmem:$0x4100];
	_ =	sdelay $0x4  }
0x31: {  	[tilespmem:s26+$0x0] =	vst.add.f32.msk $0xffff, v0  }
0x32: {  	v0 =	vld [tilespmem:$0x4110];
	_ =	sdelay $0x3  }
0x33: {  	s28 =	simm.s32 $0x90  }
0x34: {  	[tilespmem:s28+$0x0] =	vst.add.f32.msk $0xffff, v0  }
0x35: {  	v0 =	vld [tilespmem:$0x4120];
	_ =	sdelay $0x3  }
0x36: {  	s19 =	simm.s32 $0xA0  }
0x37: {  	[tilespmem:s19+$0x0] =	vst.add.f32.msk $0xffff, v0  }
0x38: {  	v0 =	vld [tilespmem:$0x4130];
	_ =	sdelay $0x3  }
0x39: {  	s28 =	simm.s32 $0xB0  }
0x3a: {  	[tilespmem:s28+$0x0] =	vst.add.f32.msk $0xffff, v0  }
0x3b: {  	v0 =	vld [tilespmem:$0x4140];
	_ =	sdelay $0x3  }
0x3c: {  	s19 =	simm.s32 $0xC0  }
0x3d: {  	[tilespmem:s19+$0x0] =	vst.add.f32.msk $0xffff, v0  }
0x3e: {  	v0 =	vld [tilespmem:$0x4150];
	_ =	sdelay $0x3  }
0x3f: {  	s28 =	simm.s32 $0xD0  }
0x40: {  	[tilespmem:s28+$0x0] =	vst.add.f32.msk $0xffff, v0  }
0x41: {  	v0 =	vld [tilespmem:$0x4160];
	_ =	sdelay $0x3  }
0x42: {  	s19 =	simm.s32 $0xE0  }
0x43: {  	[tilespmem:s19+$0x0] =	vst.add.f32.msk $0xffff, v0  }
0x44: {  	v0 =	vld [tilespmem:$0x4170];
	_ =	sdelay $0x3  }
0x45: {  	s28 =	simm.s32 $0xF0  }
0x46: {  	[tilespmem:s28+$0x0] =	vst.add.f32.msk $0xffff, v0  }
0x47: {  	v0 =	vld [tilespmem:$0x4180];
	_ =	sdelay $0x3  }
0x48: {  	s19 =	simm.s32 $0x100  }
0x49: {  	[tilespmem:s19+$0x0] =	vst.add.f32.msk $0xffff, v0  }
0x4a: {  	v0 =	vld [tilespmem:$0x4190];
	_ =	sdelay $0x3  }
0x4b: {  	s28 =	simm.s32 $0x110  }
0x4c: {  	[tilespmem:s28+$0x0] =	vst.add.f32.msk $0xffff, v0  }
0x4d: {  	v0 =	vld [tilespmem:$0x41A0];
	_ =	sdelay $0x3  }
0x4e: {  	s19 =	simm.s32 $0x120  }
0x4f: {  	[tilespmem:s19+$0x0] =	vst.add.f32.msk $0xffff, v0  }
0x50: {  	v0 =	vld [tilespmem:$0x41B0];
	_ =	sdelay $0x3  }
0x51: {  	s28 =	simm.s32 $0x130  }
0x52: {  	[tilespmem:s28+$0x0] =	vst.add.f32.msk $0xffff, v0  }
0x53: {  	v0 =	vld [tilespmem:$0x41C0];
	_ =	sdelay $0x3  }
0x54: {  	s19 =	simm.s32 $0x140  }
0x55: {  	[tilespmem:s19+$0x0] =	vst.add.f32.msk $0xffff, v0  }
0x56: {  	v0 =	vld [tilespmem:$0x41D0];
	_ =	sdelay $0x3  }
0x57: {  	s28 =	simm.s32 $0x150  }
0x58: {  	[tilespmem:s28+$0x0] =	vst.add.f32.msk $0xffff, v0  }
0x59: {  	v0 =	vld [tilespmem:$0x41E0];
	_ =	sdelay $0x3  }
0x5a: {  	s19 =	simm.s32 $0x160  }
0x5b: {  	[tilespmem:s19+$0x0] =	vst.add.f32.msk $0xffff, v0  }
0x5c: {  	v0 =	vld [tilespmem:$0x41F0];
	_ =	sdelay $0x3  }
0x5d: {  	s28 =	simm.s32 $0x170  }
0x5e: {  	[tilespmem:s28+$0x0] =	vst.add.f32.msk $0xffff, v0  }
0x5f: {  	v0 =	vld [tilespmem:$0x4200];
	_ =	sdelay $0x3  }
0x60: {  	s19 =	simm.s32 $0x180  }
0x61: {  	[tilespmem:s19+$0x0] =	vst.add.f32.msk $0xffff, v0  }
0x62: {  	v0 =	vld [tilespmem:$0x4210];
	_ =	sdelay $0x3  }
0x63: {  	s28 =	simm.s32 $0x190  }
0x64: {  	[tilespmem:s28+$0x0] =	vst.add.f32.msk $0xffff, v0  }
0x65: {  	v0 =	vld [tilespmem:$0x4220];
	_ =	sdelay $0x3  }
0x66: {  	s19 =	simm.s32 $0x1A0  }
0x67: {  	[tilespmem:s19+$0x0] =	vst.add.f32.msk $0xffff, v0  }
0x68: {  	v0 =	vld [tilespmem:$0x4230];
	_ =	sdelay $0x3  }
0x69: {  	s28 =	simm.s32 $0x1B0  }
0x6a: {  	[tilespmem:s28+$0x0] =	vst.add.f32.msk $0xffff, v0  }
0x6b: {  	v0 =	vld [tilespmem:$0x4240];
	_ =	sdelay $0x3  }
0x6c: {  	s19 =	simm.s32 $0x1C0  }
0x6d: {  	[tilespmem:s19+$0x0] =	vst.add.f32.msk $0xffff, v0  }
0x6e: {  	v0 =	vld [tilespmem:$0x4250];
	_ =	sdelay $0x3  }
0x6f: {  	s28 =	simm.s32 $0x1D0  }
0x70: {  	[tilespmem:s28+$0x0] =	vst.add.f32.msk $0xffff, v0  }
0x71: {  	v0 =	vld [tilespmem:$0x4260];
	_ =	sdelay $0x3  }
0x72: {  	s19 =	simm.s32 $0x1E0  }
0x73: {  	[tilespmem:s19+$0x0] =	vst.add.f32.msk $0xffff, v0  }
0x74: {  	v0 =	vld [tilespmem:$0x4270];
	_ =	sdelay $0x3  }
0x75: {  	s28 =	simm.s32 $0x1F0  }
0x76: {  	[tilespmem:s28+$0x0] =	vst.add.f32.msk $0xffff, v0  }
0x77: {  	v0 =	vld [tilespmem:$0x4280];
	_ =	sdelay $0x3  }
0x78: {  	s19 =	simm.s32 $0x200  }
0x79: {  	[tilespmem:s19+$0x0] =	vst.add.f32.msk $0xffff, v0  }
0x7a: {  	v0 =	vld [tilespmem:$0x4290];
	_ =	sdelay $0x3  }
0x7b: {  	s28 =	simm.s32 $0x210  }
0x7c: {  	[tilespmem:s28+$0x0] =	vst.add.f32.msk $0xffff, v0  }
0x7d: {  	v0 =	vld [tilespmem:$0x42A0];
	_ =	sdelay $0x3  }
0x7e: {  	s19 =	simm.s32 $0x220  }
0x7f: {  	[tilespmem:s19+$0x0] =	vst.add.f32.msk $0xffff, v0  }
0x80: {  	v0 =	vld [tilespmem:$0x42B0];
	_ =	sdelay $0x3  }
0x81: {  	s28 =	simm.s32 $0x230  }
0x82: {  	[tilespmem:s28+$0x0] =	vst.add.f32.msk $0xffff, v0  }
0x83: {  	v0 =	vld [tilespmem:$0x42C0];
	_ =	sdelay $0x3  }
0x84: {  	s19 =	simm.s32 $0x240  }
0x85: {  	[tilespmem:s19+$0x0] =	vst.add.f32.msk $0xffff, v0  }
0x86: {  	v0 =	vld [tilespmem:$0x42D0];
	_ =	sdelay $0x3  }
0x87: {  	s28 =	simm.s32 $0x250  }
0x88: {  	[tilespmem:s28+$0x0] =	vst.add.f32.msk $0xffff, v0  }
0x89: {  	v0 =	vld [tilespmem:$0x42E0];
	_ =	sdelay $0x3  }
0x8a: {  	s19 =	simm.s32 $0x260  }
0x8b: {  	[tilespmem:s19+$0x0] =	vst.add.f32.msk $0xffff, v0  }
0x8c: {  	v0 =	vld [tilespmem:$0x42F0];
	_ =	sdelay $0x3  }
0x8d: {  	s28 =	simm.s32 $0x270  }
0x8e: {  	[tilespmem:s28+$0x0] =	vst.add.f32.msk $0xffff, v0  }
0x8f: {  	v0 =	vld [tilespmem:$0x4300];
	_ =	sdelay $0x3  }
0x90: {  	s19 =	simm.s32 $0x280  }
0x91: {  	[tilespmem:s19+$0x0] =	vst.add.f32.msk $0xffff, v0  }
0x92: {  	v0 =	vld [tilespmem:$0x4310];
	_ =	sdelay $0x3  }
0x93: {  	s28 =	simm.s32 $0x290  }
0x94: {  	[tilespmem:s28+$0x0] =	vst.add.f32.msk $0xffff, v0  }
0x95: {  	v0 =	vld [tilespmem:$0x4320];
	_ =	sdelay $0x3  }
0x96: {  	s19 =	simm.s32 $0x2A0  }
0x97: {  	[tilespmem:s19+$0x0] =	vst.add.f32.msk $0xffff, v0  }
0x98: {  	v0 =	vld [tilespmem:$0x4330];
	_ =	sdelay $0x3  }
0x99: {  	s28 =	simm.s32 $0x2B0  }
0x9a: {  	[tilespmem:s28+$0x0] =	vst.add.f32.msk $0xffff, v0  }
0x9b: {  	v0 =	vld [tilespmem:$0x4340];
	_ =	sdelay $0x3  }
0x9c: {  	s19 =	simm.s32 $0x2C0  }
0x9d: {  	[tilespmem:s19+$0x0] =	vst.add.f32.msk $0xffff, v0  }
0x9e: {  	v0 =	vld [tilespmem:$0x4350];
	_ =	sdelay $0x3  }
0x9f: {  	s28 =	simm.s32 $0x2D0  }
0xa0: {  	[tilespmem:s28+$0x0] =	vst.add.f32.msk $0xffff, v0  }
0xa1: {  	v0 =	vld [tilespmem:$0x4360];
	_ =	sdelay $0x3  }
0xa2: {  	s19 =	simm.s32 $0x2E0  }
0xa3: {  	[tilespmem:s19+$0x0] =	vst.add.f32.msk $0xffff, v0  }
0xa4: {  	v0 =	vld [tilespmem:$0x4370];
	_ =	sdelay $0x3  }
0xa5: {  	s28 =	simm.s32 $0x2F0  }
0xa6: {  	[tilespmem:s28+$0x0] =	vst.add.f32.msk $0xffff, v0  }
0xa7: {  	v0 =	vld [tilespmem:$0x4380];
	_ =	sdelay $0x3  }
0xa8: {  	s19 =	simm.s32 $0x300  }
0xa9: {  	[tilespmem:s19+$0x0] =	vst.add.f32.msk $0xffff, v0  }
0xaa: {  	v0 =	vld [tilespmem:$0x4390];
	_ =	sdelay $0x3  }
0xab: {  	s28 =	simm.s32 $0x310  }
0xac: {  	[tilespmem:s28+$0x0] =	vst.add.f32.msk $0xffff, v0  }
0xad: {  	v0 =	vld [tilespmem:$0x43A0];
	_ =	sdelay $0x3  }
0xae: {  	s19 =	simm.s32 $0x320  }
0xaf: {  	[tilespmem:s19+$0x0] =	vst.add.f32.msk $0xffff, v0  }
0xb0: {  	v0 =	vld [tilespmem:$0x43B0];
	_ =	sdelay $0x3  }
0xb1: {  	s28 =	simm.s32 $0x330  }
0xb2: {  	[tilespmem:s28+$0x0] =	vst.add.f32.msk $0xffff, v0  }
0xb3: {  	v0 =	vld [tilespmem:$0x43C0];
	_ =	sdelay $0x3  }
0xb4: {  	s19 =	simm.s32 $0x340  }
0xb5: {  	[tilespmem:s19+$0x0] =	vst.add.f32.msk $0xffff, v0  }
0xb6: {  	v0 =	vld [tilespmem:$0x43D0];
	_ =	sdelay $0x3  }
0xb7: {  	s28 =	simm.s32 $0x350  }
0xb8: {  	[tilespmem:s28+$0x0] =	vst.add.f32.msk $0xffff, v0  }
0xb9: {  	v0 =	vld [tilespmem:$0x43E0];
	_ =	sdelay $0x3  }
0xba: {  	s19 =	simm.s32 $0x360  }
0xbb: {  	[tilespmem:s19+$0x0] =	vst.add.f32.msk $0xffff, v0  }
0xbc: {  	v0 =	vld [tilespmem:$0x43F0];
	_ =	sdelay $0x3  }
0xbd: {  	s28 =	simm.s32 $0x370  }
0xbe: {  	[tilespmem:s28+$0x0] =	vst.add.f32.msk $0xffff, v0  }
0xbf: {  	v0 =	vld [tilespmem:$0x4400];
	_ =	sdelay $0x3  }
0xc0: {  	s19 =	simm.s32 $0x380  }
0xc1: {  	[tilespmem:s19+$0x0] =	vst.add.f32.msk $0xffff, v0  }
0xc2: {  	v0 =	vld [tilespmem:$0x4410];
	_ =	sdelay $0x3  }
0xc3: {  	s28 =	simm.s32 $0x390  }
0xc4: {  	[tilespmem:s28+$0x0] =	vst.add.f32.msk $0xffff, v0  }
0xc5: {  	v0 =	vld [tilespmem:$0x4420];
	_ =	sdelay $0x3  }
0xc6: {  	s19 =	simm.s32 $0x3A0  }
0xc7: {  	[tilespmem:s19+$0x0] =	vst.add.f32.msk $0xffff, v0  }
0xc8: {  	v0 =	vld [tilespmem:$0x4430];
	_ =	sdelay $0x3  }
0xc9: {  	s28 =	simm.s32 $0x3B0  }
0xca: {  	[tilespmem:s28+$0x0] =	vst.add.f32.msk $0xffff, v0  }
0xcb: {  	v0 =	vld [tilespmem:$0x4440];
	_ =	sdelay $0x3  }
0xcc: {  	s19 =	simm.s32 $0x3C0  }
0xcd: {  	[tilespmem:s19+$0x0] =	vst.add.f32.msk $0xffff, v0  }
0xce: {  	v0 =	vld [tilespmem:$0x4450];
	_ =	sdelay $0x3  }
0xcf: {  	s28 =	simm.s32 $0x3D0  }
0xd0: {  	[tilespmem:s28+$0x0] =	vst.add.f32.msk $0xffff, v0  }
0xd1: {  	v0 =	vld [tilespmem:$0x4460];
	_ =	sdelay $0x3  }
0xd2: {  	s19 =	simm.s32 $0x3E0  }
0xd3: {  	[tilespmem:s19+$0x0] =	vst.add.f32.msk $0xffff, v0  }
0xd4: {  	v0 =	vld [tilespmem:$0x4470];
	_ =	sdelay $0x3  }
0xd5: {  	s28 =	simm.s32 $0x3F0  }
0xd6: {  	[tilespmem:s28+$0x0] =	vst.add.f32.msk $0xffff, v0  }
0xd7: {  	v0 =	vld [tilespmem:$0x4480];
	_ =	sdelay $0x3  }
0xd8: {  	s19 =	simm.s32 $0x400  }
0xd9: {  	[tilespmem:s19+$0x0] =	vst.add.f32.msk $0xffff, v0  }
0xda: {  	v0 =	vld [tilespmem:$0x4490];
	_ =	sdelay $0x3  }
0xdb: {  	s28 =	simm.s32 $0x410  }
0xdc: {  	[tilespmem:s28+$0x0] =	vst.add.f32.msk $0xffff, v0  }
0xdd: {  	v0 =	vld [tilespmem:$0x44A0];
	_ =	sdelay $0x3  }
0xde: {  	s19 =	simm.s32 $0x420  }
0xdf: {  	[tilespmem:s19+$0x0] =	vst.add.f32.msk $0xffff, v0  }
0xe0: {  	v0 =	vld [tilespmem:$0x44B0];
	_ =	sdelay $0x3  }
0xe1: {  	s28 =	simm.s32 $0x430  }
0xe2: {  	[tilespmem:s28+$0x0] =	vst.add.f32.msk $0xffff, v0  }
0xe3: {  	v0 =	vld [tilespmem:$0x44C0];
	_ =	sdelay $0x3  }
0xe4: {  	s19 =	simm.s32 $0x440  }
0xe5: {  	[tilespmem:s19+$0x0] =	vst.add.f32.msk $0xffff, v0  }
0xe6: {  	v0 =	vld [tilespmem:$0x44D0];
	_ =	sdelay $0x3  }
0xe7: {  	s28 =	simm.s32 $0x450  }
0xe8: {  	[tilespmem:s28+$0x0] =	vst.add.f32.msk $0xffff, v0  }
0xe9: {  	v0 =	vld [tilespmem:$0x44E0];
	_ =	sdelay $0x3  }
0xea: {  	s19 =	simm.s32 $0x460  }
0xeb: {  	[tilespmem:s19+$0x0] =	vst.add.f32.msk $0xffff, v0  }
0xec: {  	v0 =	vld [tilespmem:$0x44F0];
	_ =	sdelay $0x3  }
0xed: {  	s28 =	simm.s32 $0x470  }
0xee: {  	s19 =	rddreg [dreg:$0xe];
	[tilespmem:s28+$0x0] =	vst.add.f32.msk $0xffff, v0  }
0xef: {  	[hbm4b:s19+s3] =	stream.linear.scatter [tilespmem:s26], [sflag:$0xA], $0x400, $0x38;
	[tilespmem:$0x18300] =	vst v63  }
0xf0: {  	_ =	swait.ge [sflag:s24], $0x400  }
0xf1: {  	s19 =	rddreg [dreg:$0x10]  }
0xf2: {  	s28 =	rddreg [dreg:$0xf];
	s19 =	sadd.s32 $0x1, s19  }
0xf3: {  	p0 =	sne.s32 s19, s28  }
.Ltmp1:
0xf4: {  	_ = 	snop;
	(pc) =	sbr.rel @!p0 .LBB2_11-.Ltmp1, $3  }
0xf5: {  	_ =	sdelay $0x1  }
0xf6: {  	[sflag:s24] =	ssyncset.done $0x0  }
0xf7: {  	[sflag:s24] =	ssyncadd.s32 $0xFFFFFC00  }
.LBB2_1:
0xf8: {  	[dreg:$0x10] =	wrdreg s19  }
0xf9: {  	s17 =	rddreg [dreg:$0x3]  }
0xfa: {  	[tilespmem:s3], [sflag:$0xA] =	stream.linear.gather [hbm4b:s17+s3], $0x80, $0x38;
	[tilespmem:$0x18300] =	vst v63  }
0xfb: {  	_ =	swait.ge [sflag:s24], $0x80  }
0xfc: {  	[sflag:s24] =	ssyncset.done $0x0  }
0xfd: {  	s19 =	rddreg [dreg:$0x4];
	[sflag:s24] =	ssyncadd.s32 $0xFFFFFF80  }
0xfe: {  	[tilespmem:s25], [sflag:$0xA] =	stream.linear.gather [hbm4b:s19+s3], $0x80, $0x38;
	[tilespmem:$0x18300] =	vst v63  }
0xff: {  	_ =	swait.ge [sflag:s24], $0x80  }
0x100: {  	[sflag:s24] =	ssyncset.done $0x0  }
0x101: {  	[sflag:s24] =	ssyncadd.s32 $0xFFFFFF80  }
0x102: {  	[tilespmem:s26], [sflag:$0x1] =	stream.indirect.gather [hbm4b:s1+s26], $0x80, s3, s26, $0xb8;
	[tilespmem:$0x18300] =	vst v63  }
0x103: {  	_ = 	snop  }
0x104: {  	[tilespmem:s18], [sflag:$0x2] =	stream.indirect.gather [hbm4b:s4+s26], $0x80, s25, s26, $0xb8;
	[tilespmem:$0x18300] =	vst v63  }
0x105: {  	s18 =	rddreg [dreg:$0x5]  }
0x106: {  	[tilespmem:s29], [sflag:$0xA] =	stream.linear.gather [hbm4b:s18+s3], $0x80, $0x38;
	[tilespmem:$0x18300] =	vst v63  }
0x107: {  	_ =	swait.ge [sflag:s24], $0x80  }
0x108: {  	[sflag:s24] =	ssyncset.done $0x0  }
0x109: {  	s19 =	rddreg [dreg:$0x6];
	[sflag:s24] =	ssyncadd.s32 $0xFFFFFF80  }
0x10a: {  	[tilespmem:s30], [sflag:$0xA] =	stream.linear.gather [hbm4b:s19+s3], $0x80, $0x38;
	[tilespmem:$0x18300] =	vst v63  }
0x10b: {  	_ =	swait.ge [sflag:s24], $0x80  }
0x10c: {  	[sflag:s24] =	ssyncset.done $0x0  }
0x10d: {  	[sflag:s24] =	ssyncadd.s32 $0xFFFFFF80  }
0x10e: {  	[tilespmem:s31], [sflag:$0x4] =	stream.indirect.gather [hbm4b:s1+s26], $0x80, s29, s26, $0xb8;
	[tilespmem:$0x18300] =	vst v63  }
0x10f: {  	s18 =	simm.s32 $0xC200  }
0x110: {  	[tilespmem:s18], [sflag:$0x5] =	stream.indirect.gather [hbm4b:s4+s26], $0x80, s30, s26, $0xb8;
	[tilespmem:$0x18300] =	vst v63  }
0x111: {  	s19 =	rddreg [dreg:$0x7]  }
0x112: {  	[tilespmem:s2], [sflag:$0xA] =	stream.linear.gather [hbm4b:s19+s3], $0x80, $0x38;
	[tilespmem:$0x18300] =	vst v63  }
0x113: {  	_ =	swait.ge [sflag:s24], $0x80  }
0x114: {  	[sflag:s24] =	ssyncset.done $0x0  }
0x115: {  	s18 =	rddreg [dreg:$0x8];
	[sflag:s24] =	ssyncadd.s32 $0xFFFFFF80  }
0x116: {  	[tilespmem:s9], [sflag:$0xA] =	stream.linear.gather [hbm4b:s18+s3], $0x80, $0x38;
	[tilespmem:$0x18300] =	vst v63  }
0x117: {  	_ =	swait.ge [sflag:s24], $0x80  }
0x118: {  	[sflag:s24] =	ssyncset.done $0x0  }
0x119: {  	[sflag:s24] =	ssyncadd.s32 $0xFFFFFF80  }
0x11a: {  	[tilespmem:s12], [sflag:$0x7] =	stream.indirect.gather [hbm4b:s1+s26], $0x80, s2, s26, $0xb8;
	[tilespmem:$0x18300] =	vst v63  }
0x11b: {  	s28 =	simm.s32 $0x0;
	s19 =	simm.s32 $0x14300  }
0x11c: {  	[tilespmem:s19], [sflag:$0x8] =	stream.indirect.gather [hbm4b:s4+s26], $0x80, s9, s26, $0xb8;
	[tilespmem:$0x18300] =	vst v63  }
.LBB2_2:
0x11d: {  	_ =	swait.ge [sflag:s14], $0x4000  }
0x11e: {  	[sflag:s14] =	ssyncset.done $0x0  }
0x11f: {  	[sflag:s14] =	ssyncadd.s32 $0xFFFFC000  }
0x120: {  	_ =	swait.ge [sflag:s15], $0x4000  }
0x121: {  	[sflag:s15] =	ssyncset.done $0x0  }
0x122: {  	s18 =	simm.s32 $0x0;
	s17 =	simm.s32 $0x200;
	[sflag:s15] =	ssyncadd.s32 $0xFFFFC000  }
.LBB2_3:
0x123: {  	p0 =	sne.s32 s17, $0xFE00;
	v0 =	vld [tilespmem:s18+$0x4170]  }
0x124: {  	v1 =	vld [tilespmem:s18+$0x4100]  }
0x125: {  	v2 =	vld [tilespmem:s18+$0x4110]  }
0x126: {  	v3 =	vld [tilespmem:s18+$0x4120]  }
0x127: {  	v4 =	vld [tilespmem:s18+$0x4130]  }
0x128: {  	[tilespmem:s18+$0xF0] =	vst.add.f32.msk $0xffff, v0  }
0x129: {  	v0 =	vld [tilespmem:s18+$0x4140]  }
0x12a: {  	v5 =	vld [tilespmem:s18+$0x4150]  }
0x12b: {  	v6 =	vld [tilespmem:s18+$0x4160]  }
0x12c: {  	[tilespmem:s18+$0x80] =	vst.add.f32.msk $0xffff, v1  }
0x12d: {  	[tilespmem:s18+$0x90] =	vst.add.f32.msk $0xffff, v2  }
.Ltmp2:
0x12e: {  	[tilespmem:s18+$0xA0] =	vst.add.f32.msk $0xffff, v3;
	(pc) =	sbr.rel @p0 .LBB2_3-.Ltmp2, $4  }
0x12f: {  	[tilespmem:s18+$0xB0] =	vst.add.f32.msk $0xffff, v4  }
0x130: {  	[tilespmem:s18+$0xC0] =	vst.add.f32.msk $0xffff, v0  }
0x131: {  	[tilespmem:s18+$0xD0] =	vst.add.f32.msk $0xffff, v5  }
0x132: {  	[tilespmem:s18+$0xE0] =	vst.add.f32.msk $0xffff, v6;
	s18 =	sshra.s32 s17, $0x2;
	s17 =	sadd.s32 $0x200, s17  }
0x133: {  	v0 =	vld [tilespmem:s18+$0x4170]  }
0x134: {  	v1 =	vld [tilespmem:s18+$0x4100]  }
0x135: {  	v2 =	vld [tilespmem:s18+$0x4110]  }
0x136: {  	v3 =	vld [tilespmem:s18+$0x4120]  }
0x137: {  	v4 =	vld [tilespmem:s18+$0x4130]  }
0x138: {  	v63 =	vld [tilespmem:s18+$0x4140]  }
0x139: {  	v5 =	vld [tilespmem:s18+$0x4150]  }
0x13a: {  	v6 =	vld [tilespmem:s18+$0x4160]  }
0x13b: {  	[tilespmem:s18+$0xF0] =	vst.add.f32.msk $0xffff, v0  }
0x13c: {  	[tilespmem:s18+$0x80] =	vst.add.f32.msk $0xffff, v1  }
0x13d: {  	[tilespmem:s18+$0x90] =	vst.add.f32.msk $0xffff, v2  }
0x13e: {  	s17 =	smul.u32 $0x180, s28;
	[tilespmem:s18+$0xA0] =	vst.add.f32.msk $0xffff, v3  }
0x13f: {  	[tilespmem:s18+$0xB0] =	vst.add.f32.msk $0xffff, v4  }
0x140: {  	s19 =	sadd.s32 s5, s17;
	[tilespmem:s18+$0xC0] =	vst.add.f32.msk $0xffff, v63  }
0x141: {  	s19 =	sshll.u32 s19, $0x4;
	[tilespmem:s18+$0xD0] =	vst.add.f32.msk $0xffff, v5  }
0x142: {  	[tilespmem:s18+$0xE0] =	vst.add.f32.msk $0xffff, v6;
	s18 =	sadd.s32 s8, s19;
	s19 =	simm.s32 $0x0  }
0x143: {  	[hbm4b:s18+s19] =	stream.linear.scatter [tilespmem:s26], [sflag:$0x3], $0x4000, $0x38;
	[tilespmem:$0x18300] =	vst v63  }
0x144: {  	_ =	swait.ge [sflag:s16], $0x4000  }
0x145: {  	[sflag:s16] =	ssyncset.done $0x0  }
0x146: {  	[sflag:s16] =	ssyncadd.s32 $0xFFFFC000  }
0x147: {  	_ =	swait.ge [sflag:s20], $0x4000  }
0x148: {  	[sflag:s20] =	ssyncset.done $0x0  }
0x149: {  	s18 =	simm.s32 $0x0;
	s19 =	simm.s32 $0x200;
	[sflag:s20] =	ssyncadd.s32 $0xFFFFC000  }
.LBB2_5:
0x14a: {  	p0 =	sne.s32 s19, $0xFE00;
	v0 =	vld [tilespmem:s18+$0xC270]  }
0x14b: {  	v1 =	vld [tilespmem:s18+$0xC200]  }
0x14c: {  	v2 =	vld [tilespmem:s18+$0xC210]  }
0x14d: {  	v3 =	vld [tilespmem:s18+$0xC220]  }
0x14e: {  	v4 =	vld [tilespmem:s18+$0xC230]  }
0x14f: {  	[tilespmem:s18+$0x81F0] =	vst.add.f32.msk $0xffff, v0  }
0x150: {  	v0 =	vld [tilespmem:s18+$0xC240]  }
0x151: {  	v5 =	vld [tilespmem:s18+$0xC250]  }
0x152: {  	v6 =	vld [tilespmem:s18+$0xC260]  }
0x153: {  	[tilespmem:s18+$0x8180] =	vst.add.f32.msk $0xffff, v1  }
0x154: {  	[tilespmem:s18+$0x8190] =	vst.add.f32.msk $0xffff, v2  }
.Ltmp3:
0x155: {  	[tilespmem:s18+$0x81A0] =	vst.add.f32.msk $0xffff, v3;
	(pc) =	sbr.rel @p0 .LBB2_5-.Ltmp3, $4  }
0x156: {  	[tilespmem:s18+$0x81B0] =	vst.add.f32.msk $0xffff, v4  }
0x157: {  	[tilespmem:s18+$0x81C0] =	vst.add.f32.msk $0xffff, v0  }
0x158: {  	[tilespmem:s18+$0x81D0] =	vst.add.f32.msk $0xffff, v5  }
0x159: {  	[tilespmem:s18+$0x81E0] =	vst.add.f32.msk $0xffff, v6;
	s18 =	sshra.s32 s19, $0x2;
	s19 =	sadd.s32 $0x200, s19  }
0x15a: {  	v0 =	vld [tilespmem:s18+$0xC270]  }
0x15b: {  	v1 =	vld [tilespmem:s18+$0xC200]  }
0x15c: {  	v2 =	vld [tilespmem:s18+$0xC210]  }
0x15d: {  	v3 =	vld [tilespmem:s18+$0xC220]  }
0x15e: {  	v4 =	vld [tilespmem:s18+$0xC230]  }
0x15f: {  	v63 =	vld [tilespmem:s18+$0xC240]  }
0x160: {  	v5 =	vld [tilespmem:s18+$0xC250]  }
0x161: {  	v6 =	vld [tilespmem:s18+$0xC260]  }
0x162: {  	[tilespmem:s18+$0x81F0] =	vst.add.f32.msk $0xffff, v0  }
0x163: {  	[tilespmem:s18+$0x8180] =	vst.add.f32.msk $0xffff, v1  }
0x164: {  	[tilespmem:s18+$0x8190] =	vst.add.f32.msk $0xffff, v2  }
0x165: {  	[tilespmem:s18+$0x81A0] =	vst.add.f32.msk $0xffff, v3  }
0x166: {  	[tilespmem:s18+$0x81B0] =	vst.add.f32.msk $0xffff, v4  }
0x167: {  	s19 =	sadd.s32 s17, s10;
	[tilespmem:s18+$0x81C0] =	vst.add.f32.msk $0xffff, v63  }
0x168: {  	s19 =	sshll.u32 s19, $0x4;
	[tilespmem:s18+$0x81D0] =	vst.add.f32.msk $0xffff, v5  }
0x169: {  	[tilespmem:s18+$0x81E0] =	vst.add.f32.msk $0xffff, v6;
	s18 =	sadd.s32 s8, s19;
	s19 =	simm.s32 $0x0  }
0x16a: {  	[hbm4b:s18+s19] =	stream.linear.scatter [tilespmem:s31], [sflag:$0x6], $0x4000, $0x38;
	[tilespmem:$0x18300] =	vst v63  }
0x16b: {  	_ =	swait.ge [sflag:s21], $0x4000  }
0x16c: {  	[sflag:s21] =	ssyncset.done $0x0  }
0x16d: {  	[sflag:s21] =	ssyncadd.s32 $0xFFFFC000  }
0x16e: {  	_ =	swait.ge [sflag:s22], $0x4000  }
0x16f: {  	[sflag:s22] =	ssyncset.done $0x0  }
0x170: {  	s18 =	simm.s32 $0x0;
	s19 =	simm.s32 $0x200;
	[sflag:s22] =	ssyncadd.s32 $0xFFFFC000  }
.LBB2_7:
0x171: {  	p0 =	sne.s32 s19, $0xFE00;
	v0 =	vld [tilespmem:s18+$0x14370]  }
0x172: {  	v1 =	vld [tilespmem:s18+$0x14300]  }
0x173: {  	v2 =	vld [tilespmem:s18+$0x14310]  }
0x174: {  	v3 =	vld [tilespmem:s18+$0x14320]  }
0x175: {  	v4 =	vld [tilespmem:s18+$0x14330]  }
0x176: {  	[tilespmem:s18+$0x102F0] =	vst.add.f32.msk $0xffff, v0  }
0x177: {  	v0 =	vld [tilespmem:s18+$0x14340]  }
0x178: {  	v5 =	vld [tilespmem:s18+$0x14350]  }
0x179: {  	v6 =	vld [tilespmem:s18+$0x14360]  }
0x17a: {  	[tilespmem:s18+$0x10280] =	vst.add.f32.msk $0xffff, v1  }
0x17b: {  	[tilespmem:s18+$0x10290] =	vst.add.f32.msk $0xffff, v2  }
.Ltmp4:
0x17c: {  	[tilespmem:s18+$0x102A0] =	vst.add.f32.msk $0xffff, v3;
	(pc) =	sbr.rel @p0 .LBB2_7-.Ltmp4, $4  }
0x17d: {  	[tilespmem:s18+$0x102B0] =	vst.add.f32.msk $0xffff, v4  }
0x17e: {  	[tilespmem:s18+$0x102C0] =	vst.add.f32.msk $0xffff, v0  }
0x17f: {  	[tilespmem:s18+$0x102D0] =	vst.add.f32.msk $0xffff, v5  }
0x180: {  	[tilespmem:s18+$0x102E0] =	vst.add.f32.msk $0xffff, v6;
	s18 =	sshra.s32 s19, $0x2;
	s19 =	sadd.s32 $0x200, s19  }
0x181: {  	v0 =	vld [tilespmem:s18+$0x14370]  }
0x182: {  	v1 =	vld [tilespmem:s18+$0x14300]  }
0x183: {  	v2 =	vld [tilespmem:s18+$0x14310]  }
0x184: {  	v3 =	vld [tilespmem:s18+$0x14320]  }
0x185: {  	v4 =	vld [tilespmem:s18+$0x14330]  }
0x186: {  	v63 =	vld [tilespmem:s18+$0x14340]  }
0x187: {  	v5 =	vld [tilespmem:s18+$0x14350]  }
0x188: {  	v6 =	vld [tilespmem:s18+$0x14360]  }
0x189: {  	[tilespmem:s18+$0x102F0] =	vst.add.f32.msk $0xffff, v0  }
0x18a: {  	[tilespmem:s18+$0x10280] =	vst.add.f32.msk $0xffff, v1  }
0x18b: {  	[tilespmem:s18+$0x10290] =	vst.add.f32.msk $0xffff, v2  }
0x18c: {  	[tilespmem:s18+$0x102A0] =	vst.add.f32.msk $0xffff, v3  }
0x18d: {  	[tilespmem:s18+$0x102B0] =	vst.add.f32.msk $0xffff, v4  }
0x18e: {  	s19 =	sadd.s32 s17, s11;
	[tilespmem:s18+$0x102C0] =	vst.add.f32.msk $0xffff, v63  }
0x18f: {  	p0 =	seq.s32 s28, $0xC;
	s19 =	sshll.u32 s19, $0x4;
	[tilespmem:s18+$0x102D0] =	vst.add.f32.msk $0xffff, v5  }
.Ltmp5:
0x190: {  	s19 =	sadd.s32 s8, s19;
	[tilespmem:s18+$0x102E0] =	vst.add.f32.msk $0xffff, v6;
	(pc) =	sbr.rel @p0 .LBB2_10-.Ltmp5, $4  }
0x191: {  	[hbm4b:s19+s3] =	stream.linear.scatter [tilespmem:s12], [sflag:$0x9], $0x4000, $0x38;
	[tilespmem:$0x18300] =	vst v63  }
0x192: {  	_ =	swait.ge [sflag:s23], $0x4000  }
0x193: {  	[sflag:s23] =	ssyncset.done $0x0  }
0x194: {  	[sflag:s23] =	ssyncadd.s32 $0xFFFFC000  }
0x195: {  	s18 =	rddreg [dreg:$0x9]  }
0x196: {  	s18 =	sadd.s32 s17, s18  }
0x197: {  	s18 =	sshrl.u32 s18, $0x3  }
0x198: {  	s19 =	sadd.s32 s6, s18  }
0x199: {  	[tilespmem:s3], [sflag:$0xA] =	stream.linear.gather [hbm4b:s19+s3], $0x80, $0x38;
	[tilespmem:$0x18300] =	vst v63  }
0x19a: {  	_ =	swait.ge [sflag:s24], $0x80  }
0x19b: {  	[sflag:s24] =	ssyncset.done $0x0  }
0x19c: {  	s18 =	sadd.s32 s7, s18;
	[sflag:s24] =	ssyncadd.s32 $0xFFFFFF80  }
0x19d: {  	[tilespmem:s25], [sflag:$0xA] =	stream.linear.gather [hbm4b:s18+s3], $0x80, $0x38;
	[tilespmem:$0x18300] =	vst v63  }
0x19e: {  	_ =	swait.ge [sflag:s24], $0x80  }
0x19f: {  	[sflag:s24] =	ssyncset.done $0x0  }
0x1a0: {  	[sflag:s24] =	ssyncadd.s32 $0xFFFFFF80  }
0x1a1: {  	[tilespmem:s26], [sflag:$0x1] =	stream.indirect.gather [hbm4b:s1+s26], $0x80, s3, s26, $0xb8;
	[tilespmem:$0x18300] =	vst v63  }
0x1a2: {  	s19 =	simm.s32 $0x4100  }
0x1a3: {  	[tilespmem:s19], [sflag:$0x2] =	stream.indirect.gather [hbm4b:s4+s26], $0x80, s25, s26, $0xb8;
	[tilespmem:$0x18300] =	vst v63  }
0x1a4: {  	_ =	swait.ge [sflag:s0], $0x4000  }
0x1a5: {  	s19 =	rddreg [dreg:$0xa]  }
0x1a6: {  	s18 =	sadd.s32 s17, s19  }
0x1a7: {  	[sflag:s0] =	ssyncset.done $0x0;
	s18 =	sshrl.u32 s18, $0x3  }
0x1a8: {  	[sflag:s0] =	ssyncadd.s32 $0xFFFFC000;
	s19 =	sadd.s32 s6, s18  }
0x1a9: {  	[tilespmem:s29], [sflag:$0xA] =	stream.linear.gather [hbm4b:s19+s3], $0x80, $0x38;
	[tilespmem:$0x18300] =	vst v63  }
0x1aa: {  	_ =	swait.ge [sflag:s24], $0x80  }
0x1ab: {  	[sflag:s24] =	ssyncset.done $0x0  }
0x1ac: {  	s18 =	sadd.s32 s7, s18;
	[sflag:s24] =	ssyncadd.s32 $0xFFFFFF80  }
0x1ad: {  	[tilespmem:s30], [sflag:$0xA] =	stream.linear.gather [hbm4b:s18+s3], $0x80, $0x38;
	[tilespmem:$0x18300] =	vst v63  }
0x1ae: {  	_ =	swait.ge [sflag:s24], $0x80  }
0x1af: {  	[sflag:s24] =	ssyncset.done $0x0  }
0x1b0: {  	[sflag:s24] =	ssyncadd.s32 $0xFFFFFF80  }
0x1b1: {  	[tilespmem:s31], [sflag:$0x4] =	stream.indirect.gather [hbm4b:s1+s26], $0x80, s29, s26, $0xb8;
	[tilespmem:$0x18300] =	vst v63  }
0x1b2: {  	s19 =	simm.s32 $0xC200  }
0x1b3: {  	[tilespmem:s19], [sflag:$0x5] =	stream.indirect.gather [hbm4b:s4+s26], $0x80, s30, s26, $0xb8;
	[tilespmem:$0x18300] =	vst v63  }
0x1b4: {  	_ =	swait.ge [sflag:s13], $0x4000  }
0x1b5: {  	s19 =	rddreg [dreg:$0xb]  }
0x1b6: {  	s18 =	sadd.s32 s17, s19  }
0x1b7: {  	[sflag:s13] =	ssyncset.done $0x0;
	s17 =	sshrl.u32 s18, $0x3  }
0x1b8: {  	[sflag:s13] =	ssyncadd.s32 $0xFFFFC000;
	s19 =	sadd.s32 s6, s17  }
0x1b9: {  	[tilespmem:s2], [sflag:$0xA] =	stream.linear.gather [hbm4b:s19+s3], $0x80, $0x38;
	[tilespmem:$0x18300] =	vst v63  }
0x1ba: {  	_ =	swait.ge [sflag:s24], $0x80  }
0x1bb: {  	[sflag:s24] =	ssyncset.done $0x0  }
0x1bc: {  	s17 =	sadd.s32 s7, s17;
	[sflag:s24] =	ssyncadd.s32 $0xFFFFFF80  }
0x1bd: {  	[tilespmem:s9], [sflag:$0xA] =	stream.linear.gather [hbm4b:s17+s3], $0x80, $0x38;
	[tilespmem:$0x18300] =	vst v63  }
0x1be: {  	_ =	swait.ge [sflag:s24], $0x80  }
.Ltmp6:
0x1bf: {  	[sflag:s24] =	ssyncset.done $0x0;
	(pc) =	sbr.rel .LBB2_2-.Ltmp6, $4  }
0x1c0: {  	[sflag:s24] =	ssyncadd.s32 $0xFFFFFF80  }
0x1c1: {  	[tilespmem:s12], [sflag:$0x7] =	stream.indirect.gather [hbm4b:s1+s26], $0x80, s2, s26, $0xb8;
	[tilespmem:$0x18300] =	vst v63  }
0x1c2: {  	s28 =	sadd.s32 $0x1, s28;
	s19 =	simm.s32 $0x14300  }
0x1c3: {  	[tilespmem:s19], [sflag:$0x8] =	stream.indirect.gather [hbm4b:s4+s26], $0x80, s9, s26, $0xb8;
	[tilespmem:$0x18300] =	vst v63  }
.LBB2_11:
0x1c4: {  	_ =	sfence.sel $0x180000  }
0x1c5: {  	[bflag:$0x0] =	sbarrier.arrive $0xFFFF  }
0x1c6: {  	_ =	strace $0x90000047  }
0x1c7: {  	s0 =	stileid.u32;
	[bflag:$0x2] =	sbarrier.arrive $0xFFFF  }
0x1c8: {  	p0 =	sne.s32 s0, $0x0;
	s0 =	rddreg [dreg:$0x2]  }
0x1c9: {  	s0 =	sadd.s32 @!p0 $0x100000, s0  }
0x1ca: {  	[sflag:s0] =	ssyncadd.tile.s32 @!p0 $0x1;
	_ =	shalt  }
.Lfunc_end2:
_tile_overlayer_lowered:
.L_overlay_start_2:
0x1cb: {  	(tag) =	ssettag $0x2  }
0x1cc: {  	s0 =	rddreg [dreg:$0x0];
	s2 =	stileid.u32  }
0x1cd: {  	s1 =	rddreg [dreg:$0x1];
	p0 =	sne.s32 s2, $0x0  }
0x1ce: {  	s3 =	rddreg [dreg:$0x2];
	[bflag:$0x3] =	sbarrier.arrive $0xFFFF;
	s2 =	simm.s32 @!p0 $0x1C0A  }
0x1cf: {  	[timem:s3], [sflag:s2] =	dma.local @!p0 [hbm:s0], s1  }
0x1d0: {  	s0 =	simm.s32 @!p0 $0xA  }
0x1d1: {  	_ =	swait.ge @!p0 [sflag:s0], s1  }
0x1d2: {  	s1 =	ssub.s32 @!p0 $0x0, s1;
	[sflag:s0] =	ssyncset.done @!p0 $0x0  }
0x1d3: {  	[sflag:s0] =	ssyncadd.s32 @!p0 s1  }
0x1d4: {  	[bflag:$0x3] =	sbarrier.arrive $0xFFFF  }
0x1d5: {  	_ =	shalt  }

// kernel: kernel.13.cloned.1.call-start
scs
__scs_entry_jumppad:
0x0: {  	(pc) =	sbr.rel $0x88, $3  }
0x1: {  	(tag) =	ssettag $0x0;
	lr =	simm.s32 $0x1  }
0x2: {  	[smem:$0x3F92] =	sst lr;
	_ =	strace $0xD0000000  }
0x3: {  	_ = 	snop  }
0x4: {  	_ = 	snop  }
0x5: {  	_ = 	snop  }
0x6: {  	_ = 	snop  }
0x7: {  	_ = 	snop  }
__scs_overlays_trampoline_lowered:
0x8: {  	[smem:$0x3FA1] =	sst s0  }
0x9: {  	[smem:$0x3FA2] =	sst s1  }
0xa: {  	[smem:$0x3FA3] =	sst s2  }
0xb: {  	[smem:$0x3FA4] =	sst s3  }
0xc: {  	[smem:$0x3FA5] =	sst s4  }
0xd: {  	[smem:$0x3FA6] =	sst s5  }
0xe: {  	[smem:$0x3FA7] =	sst s6  }
0xf: {  	[smem:$0x3FA8] =	sst s7  }
0x10: {  	[smem:$0x3FA9] =	sst s8  }
0x11: {  	[smem:$0x3FAA] =	sst s9;
	s0 =	simm.s32 @!p0 $0x0  }
0x12: {  	s1 =	sld [smem:$0x3F90];
	s0 =	simm.s32 @p0 $0x1  }
0x13: {  	[smem:$0x3FAB] =	sst s0;
	s0 =	simm.s32 @!p1 $0x0  }
0x14: {  	s2 =	sld [smem:$0x3F8F];
	s0 =	simm.s32 @p1 $0x1  }
0x15: {  	[smem:$0x3FAC] =	sst s0;
	s0 =	simm.s32 @!p2 $0x0  }
0x16: {  	s3 =	sld [smem:$0x3FDB];
	s0 =	simm.s32 @p2 $0x1  }
0x17: {  	s4 =	simm.s32 $0x1BF5;
	[smem:$0x3FAE] =	sst s0  }
0x18: {  	s0 =	sld [smem:$0x3F91];
	_ =	swait.ge [sflag:s4], $0x0  }
0x19: {  	s7 =	sld [smem:$0x3F92]  }
0x1a: {  	s8 =	sadd.s32 $0xFFFFE003, lr  }
0x1b: {  	s9 =	sadd.s32 $0xFFFFFEF7, lr;
	s5 =	simm.s32 $0xFFFFFFFF;
	p2 =	slt.u32 s8, $0xFFFFF086  }
0x1c: {  	p1 =	slt.u32 s9, $0xF7A;
	s5 =	simm.s32 @!p2 $0x0  }
0x1d: {  	s5 =	simm.s32 @p1 $0x1;
	p0 =	seq.s32 s7, s2  }
0x1e: {  	s7 =	smul.u32 @!p0 $0xF7A, s2;
	p2 =	seq.s32 @!p0 s5, $0x0  }
0x1f: {  	s9 =	smul.u32 $0xF7A, s1;
	s8 =	simm.s32 @!p0 $0x1BF5;
	p2 =	por !p2, p0  }
0x20: {  	[sflag:s8] =	ssyncset.s32 @!p0 $0xFFFFF086;
	s6 =	sadd.s32 @!p0 s3, s7;
	s7 =	simm.s32 @!p0 $0x108  }
0x21: {  	s3 =	sadd.s32 s3, s9;
	s6 =	sadd.s32 @!p0 $0x88, s6;
	s7 =	simm.s32 @p2 $0x1082  }
0x22: {  	[simem:s7], [sflag:s8] =	dma.local @!p0 [hbm:s6], $0xF7A  }
0x23: {  	s9 =	sor.u32 $0xD0000000, s2;
	s6 =	simm.s32 $0x108;
	_ =	swait.ge @!p0 [sflag:s8], $0x0  }
0x24: {  	s3 =	sadd.s32 $0x88, s3;
	s6 =	simm.s32 @!p1 $0x1082;
	[sflag:s4] =	ssyncset.s32 $0xFFFFF086  }
0x25: {  	[simem:s6], [sflag:s4] =	dma.local [hbm:s3], $0xF7A  }
0x26: {  	[smem:$0x3F92] =	sst s1;
	(tag) =	ssettag s2;
	_ =	strace s9  }
0x27: {  	s1 =	sld [smem:$0x3FA2]  }
0x28: {  	s2 =	sld [smem:$0x3FA3]  }
0x29: {  	s4 =	sld [smem:$0x3FA5]  }
0x2a: {  	p0 =	seq.s32 s5, $0x0;
	s5 =	sld [smem:$0x3FA6]  }
0x2b: {  	s6 =	sld [smem:$0x3FA7]  }
0x2c: {  	s7 =	sld [smem:$0x3FA8]  }
0x2d: {  	s3 =	simm.s32 $0x108;
	s8 =	sld [smem:$0x3FA9]  }
0x2e: {  	s3 =	simm.s32 @!p0 $0x1082;
	s9 =	sld [smem:$0x3FAA]  }
0x2f: {  	lr =	sadd.s32 s0, s3;
	s0 =	sld [smem:$0x3FA1]  }
0x30: {  	s3 =	sld [smem:$0x3FA4]  }
0x31: {  	[smem:$0x3FAD] =	sst s10  }
0x32: {  	s10 =	sld [smem:$0x3FAB];
	_ =	sdelay $0x3  }
0x33: {  	p0 =	seq.s32 s10, $0x1;
	s10 =	sld [smem:$0x3FAD];
	_ =	sdelay $0x3  }
0x34: {  	[smem:$0x3FAD] =	sst s10  }
0x35: {  	s10 =	sld [smem:$0x3FAC];
	_ =	sdelay $0x3  }
0x36: {  	p1 =	seq.s32 s10, $0x1;
	s10 =	sld [smem:$0x3FAD];
	_ =	sdelay $0x3  }
0x37: {  	[smem:$0x3FAD] =	sst s10  }
0x38: {  	s10 =	sld [smem:$0x3FAE]  }
0x39: {  	_ = 	snop;
	(pc) =	sbr.ind lr, $3  }
0x3a: {  	_ = 	snop  }
0x3b: {  	_ = 	snop  }
0x3c: {  	p2 =	seq.s32 s10, $0x1;
	s10 =	sld [smem:$0x3FAD]  }
0x3d: {  	_ =	shalt  }
0x3e: {  	_ =	shalt  }
0x3f: {  	_ =	shalt  }
0x40: {  	_ =	shalt  }
0x41: {  	_ =	shalt  }
0x42: {  	_ =	shalt  }
0x43: {  	_ =	shalt  }
0x44: {  	_ =	shalt  }
0x45: {  	_ =	shalt  }
0x46: {  	_ =	shalt  }
0x47: {  	_ =	shalt  }
0x48: {  	_ =	shalt  }
0x49: {  	_ =	shalt  }
0x4a: {  	_ =	shalt  }
0x4b: {  	_ =	shalt  }
0x4c: {  	_ =	shalt  }
0x4d: {  	_ =	shalt  }
0x4e: {  	_ =	shalt  }
0x4f: {  	_ =	shalt  }
0x50: {  	_ =	shalt  }
0x51: {  	_ =	shalt  }
0x52: {  	_ =	shalt  }
0x53: {  	_ =	shalt  }
0x54: {  	_ =	shalt  }
0x55: {  	_ =	shalt  }
0x56: {  	_ =	shalt  }
0x57: {  	_ =	shalt  }
0x58: {  	_ =	shalt  }
0x59: {  	_ =	shalt  }
0x5a: {  	_ =	shalt  }
0x5b: {  	_ =	shalt  }
0x5c: {  	_ =	shalt  }
0x5d: {  	_ =	shalt  }
0x5e: {  	_ =	shalt  }
0x5f: {  	_ =	shalt  }
0x60: {  	_ =	shalt  }
0x61: {  	_ =	shalt  }
0x62: {  	_ =	shalt  }
0x63: {  	_ =	shalt  }
0x64: {  	_ =	shalt  }
0x65: {  	_ =	shalt  }
0x66: {  	_ =	shalt  }
0x67: {  	_ =	shalt  }
0x68: {  	_ =	shalt  }
0x69: {  	_ =	shalt  }
0x6a: {  	_ =	shalt  }
0x6b: {  	_ =	shalt  }
0x6c: {  	_ =	shalt  }
0x6d: {  	_ =	shalt  }
0x6e: {  	_ =	shalt  }
0x6f: {  	_ =	shalt  }
0x70: {  	_ =	shalt  }
0x71: {  	_ =	shalt  }
0x72: {  	_ =	shalt  }
0x73: {  	_ =	shalt  }
0x74: {  	_ =	shalt  }
0x75: {  	_ =	shalt  }
0x76: {  	_ =	shalt  }
0x77: {  	_ =	shalt  }
0x78: {  	_ =	shalt  }
0x79: {  	_ =	shalt  }
0x7a: {  	_ =	shalt  }
0x7b: {  	_ =	shalt  }
0x7c: {  	_ =	shalt  }
0x7d: {  	_ =	shalt  }
0x7e: {  	_ =	shalt  }
0x7f: {  	_ =	shalt  }
0x80: {  	_ =	shalt  }
0x81: {  	_ =	shalt  }
0x82: {  	_ =	shalt  }
0x83: {  	_ =	shalt  }
0x84: {  	_ =	shalt  }
0x85: {  	_ =	shalt  }
0x86: {  	_ =	shalt  }
0x87: {  	_ =	shalt  }
.Lfunc_end0:
.L_simem_size_0:
called_computation.1_lowered:
.L_overlay_start_0:
0x88: {  	s2 =	sld [smem:$0x3FD9]  }
0x89: {  	s3 =	sld [smem:$0x3FFE];
	_ =	sdelay $0x1  }
0x8a: {  	s1 =	srdreg.scid  }
0x8b: {  	s0 =	sand.u32 $0x1, s1  }
0x8c: {  	s15 =	sshll.u32 s0, $0xA;
	s2 =	sadd.s32 s3, s2  }
0x8d: {  	s2 =	sadd.s32 s2, s15  }
0x8e: {  	[smem:$0x3FB9] =	sst s2  }
0x8f: {  	_ = 	snop  }
0x90: {  	s2 =	sld [smem:$0x3FD0];
	_ =	sdelay $0x2  }
0x91: {  	s16 =	simm.s32 $0xB;
	s4 =	simm.s32 $0x10  }
0x92: {  	[smem:s4], [sflag:s16] =	dma.local [hbm:s2], $0x1  }
0x93: {  	_ =	swait.eq [sflag:s16], $0x1  }
0x94: {  	[sflag:s16] =	ssyncset.done $0x0  }
0x95: {  	[sflag:s16] =	ssyncadd.s32 $0xFFFFFFFF  }
0x96: {  	s17 =	sld [smem:$0x10];
	(tm) =	ssettm $0x1  }
0x97: {  	s18 =	sld [smem:$0x3FFB];
	_ =	sdelay $0x3  }
0x98: {  	_ =	strace s18  }
0x99: {  	s2 =	sld [smem:$0x3FFC];
	_ =	sdelay $0x3  }
0x9a: {  	_ =	strace s2  }
0x9b: {  	s2 =	sld [smem:$0x3FFD];
	_ =	sdelay $0x3  }
0x9c: {  	_ =	strace s2  }
0x9d: {  	_ =	strace $0x8FFFFFFF  }
0x9e: {  	s19 =	sld [smem:$0x3FDB];
	_ =	sdelay $0x1  }
0x9f: {  	s20 =	simm.s32 $_scs_section_size  }
0xa0: {  	s5 =	simm.s32 $_size__tile_overlayer_lowered;
	s6 =	simm.s32 $_tile_overlayer_lowered  }
0xa1: {  	s7 =	simm.s32 $0x1BFF;
	s21 =	sshll.u32 s6, $0x1;
	s4 =	sadd.s32 s20, s19  }
0xa2: {  	s22 =	simm.s32 $0x0;
	s5 =	sshll.u32 s5, $0x1;
	s6 =	sadd.s32 s21, s4  }
0xa3: {  	[timem:s22], [sflag:s7] =	dma.local [hbm:s6], s5  }
0xa4: {  	_ =	swait.ge [sflag:s7], s5  }
0xa5: {  	s5 =	ssub.s32 $0x0, s5;
	[sflag:s7] =	ssyncset.done $0x0  }
0xa6: {  	[sflag:s7] =	ssyncadd.s32 s5;
	_ =	sdelay $0x1  }
0xa7: {  	s23 =	simm.s32 $0x1B8B  }
0xa8: {  	_ =	swait.ge [sflag:s23], $0x1  }
0xa9: {  	[sflag:s23] =	ssyncset.done $0x0  }
0xaa: {  	[sflag:s23] =	ssyncadd.s32 $0xFFFFFFFF  }
0xab: {  	s5 =	sld [smem:$0x0]  }
0xac: {  	s6 =	sand.u32 $0xFFFFFFFE, s1  }
0xad: {  	p0 =	sne.s32 s1, s6  }
0xae: {  	s6 =	sshll.u32 @p0 s6, $0xE  }
0xaf: {  	s6 =	sadd.s32 @p0 $0x11B8D, s6;
	s7 =	sshll.u32 @p0 s5, $0x11  }
0xb0: {  	s6 =	sor.u32 @p0 s7, s6  }
0xb1: {  	[sflag:s6] =	ssyncadd.remote.s32 @p0 $0x1;
	_ =	sdelay $0x1  }
0xb2: {  	s6 =	simm.s32 @p0 $0x1B8D  }
0xb3: {  	_ =	swait.eq @p0 [sflag:s6], $0x1  }
0xb4: {  	[sflag:s6] =	ssyncadd.s32 @p0 $0xFFFFFFFF  }
0xb5: {  	s7 =	sshll.u32 @!p0 s1, $0xE  }
0xb6: {  	s7 =	sor.u32 @!p0 $0x4000, s7;
	s6 =	simm.s32 @!p0 $0x1B8D  }
0xb7: {  	s5 =	sshll.u32 @!p0 s5, $0x11;
	s7 =	sadd.s32 @!p0 $0x11B8D, s7;
	_ =	swait.eq @!p0 [sflag:s6], $0x1  }
0xb8: {  	s5 =	sor.u32 @!p0 s5, s7;
	[sflag:s6] =	ssyncadd.s32 @!p0 $0xFFFFFFFF  }
0xb9: {  	s25 =	simm.s32 $0x1B8E;
	s24 =	sld [smem:$0x3FFE];
	[sflag:s5] =	ssyncadd.remote.s32 @!p0 $0x1  }
0xba: {  	s26 =	simm.s32 $execute0_lowered;
	[smem:$0x3FD2] =	sst s25  }
0xbb: {  	s6 =	sshll.u32 s26, $0x1;
	_ =	strace $0x80000049;
	[dreg:$0x1] =	wrdreg $0xFFFFFFFF  }
0xbc: {  	s28 =	simm.s32 $_size_execute0_lowered;
	s4 =	sadd.s32 s4, s6;
	[dreg:$0x0] =	wrdreg $0x0  }
0xbd: {  	s6 =	sshll.u32 s28, $0x1;
	[dreg:$0x2] =	wrdreg s4  }
0xbe: {  	[dreg:$0x3] =	wrdreg s6  }
0xbf: {  	[dreg:$0x4] =	wrdreg $0xC0  }
0xc0: {  	_ =	task [dreg:s22], $0x5FFFF  }
0xc1: {  	[dreg:$0x1] =	wrdreg $0xFFFFFFFF  }
0xc2: {  	[dreg:$0x0] =	wrdreg $0x60  }
0xc3: {  	[dreg:$0x2] =	wrdreg s17  }
0xc4: {  	[dreg:$0x3] =	wrdreg s24  }
0xc5: {  	[dreg:$0x4] =	wrdreg $0x9  }
0xc6: {  	_ =	task.clear_ibuf [dreg:s22], $0x5FFFF;
	_ =	strace $0x90000049  }
0xc7: {  	s29 =	simm.s32 $0x9;
	_ =	strace $0x8000004B  }
0xc8: {  	_ =	swait.ge [sflag:s29], $0x1  }
0xc9: {  	[sflag:s29] =	ssyncadd.s32 $0xFFFFFFFF  }
0xca: {  	_ =	strace $0x9000004B  }
0xcb: {  	_ =	sfence  }
0xcc: {  	s30 =	sld [smem:$0x0];
	_ =	sdelay $0x2  }
0xcd: {  	s31 =	sshll.u32 s1, $0xD;
	s1 =	sshrl.u32 s1, $0x2  }
0xce: {  	s4 =	sand.u32 $0x4000, s31;
	s1 =	sadd.s32 s1, s30  }
0xcf: {  	s0 =	sor.u32 s4, s0;
	s1 =	sshll.u32 s1, $0x11  }
0xd0: {  	s0 =	sor.u32 s1, s0  }
0xd1: {  	s0 =	sadd.s32 $0x8F2B, s0  }
0xd2: {  	[sflag:s0] =	ssyncadd.remote.s32 $0x1  }
0xd3: {  	_ =	sfence.sel $0xFFFF  }
0xd4: {  	[dreg:$0x0] =	wrdreg $0xFFFFFFFF;
	(pc) =	sbr.abs _section_cstart, $3  }
0xd5: {  	[dreg:$0x1] =	wrdreg $0xFFFFFFFF  }
0xd6: {  	_ =	task.clear_ibuf [dreg:s22], $0x2FFFF;
	_ =	strace $0x9FFFFFFF  }
0xd7: {  	(tm) =	ssettm $0x7FFFFFFF  }
tec
execute0_lowered:
.L_overlay_start_1:
0x0: {  	(tag) =	ssettag $0x1  }
0x1: {  	s2 =	rddreg [dreg:$0x0];
	s0 =	srdreg.scid  }
0x2: {  	s3 =	stileid.u32;
	s1 =	rddreg [dreg:$0x1]  }
0x3: {  	s29 =	simm.s32 $0x8100;
	s30 =	simm.s32 $0xC180;
	s31 =	simm.s32 $0x8180  }
0x4: {  	s13 =	simm.s32 $0x2;
	s14 =	simm.s32 $0x4;
	s0 =	sand.u32 $0x1, s0  }
0x5: {  	s4 =	sshll.u32 s3, $0x1;
	s3 =	simm.s32 $0x0;
	s5 =	sadd.s32 $0x17400, s1  }
0x6: {  	s6 =	sadd.s32 $0x3800, s1;
	s7 =	sadd.s32 $0xD600, s1;
	s8 =	sadd.s32 $0x2AF600, s1  }
0x7: {  	s4 =	sor.u32 s0, s4;
	[smem:$0x7FF] =	sst s3;
	s0 =	ssub.s32 $0x2, s0  }
0x8: {  	s12 =	smul.u32 $0x1388, s4;
	_ =	strace $0x8000004A;
	s10 =	sshrl.u32 s0, $0x1  }
0x9: {  	s23 =	smul.u32 $0x9C400, s4;
	s0 =	ssub.s32 s0, s10;
	s10 =	simm.s32 $0x10280  }
0xa: {  	s9 =	sshrl.u32 s12, $0x3;
	s15 =	sadd.s32 $0x80, s12;
	s24 =	sadd.s32 $0x27280, s12  }
0xb: {  	s25 =	sadd.s32 $0x27300, s12;
	s26 =	sadd.s32 $0x27380, s12;
	[dreg:$0x9] =	wrdreg s24  }
0xc: {  	s0 =	smax.u32 s0, $0x1;
	s11 =	sadd.s32 $0x4E20, s9;
	[dreg:$0xa] =	wrdreg s25  }
0xd: {  	s18 =	sadd.s32 $0x4E30, s9;
	s19 =	sadd.s32 $0x4E40, s9;
	[dreg:$0xb] =	wrdreg s26  }
0xe: {  	s28 =	sadd.s32 $0x5090, s9;
	[dreg:$0xf] =	wrdreg s0;
	s24 =	simm.s32 $0xA  }
0xf: {  	s25 =	simm.s32 $0x4080;
	s26 =	simm.s32 $0x80;
	s16 =	sadd.s32 s6, s11  }
0x10: {  	s0 =	simm.s32 $0x10200;
	s17 =	sadd.s32 s7, s11;
	[dreg:$0x3] =	wrdreg s16  }
0x11: {  	s20 =	sadd.s32 s6, s18;
	s1 =	sadd.s32 s7, s18;
	[dreg:$0x4] =	wrdreg s17  }
0x12: {  	s21 =	sadd.s32 s6, s19;
	s22 =	sadd.s32 s7, s19;
	[dreg:$0x5] =	wrdreg s20  }
0x13: {  	s19 =	smov.u32 s12;
	s9 =	sadd.s32 s6, s28;
	[dreg:$0x6] =	wrdreg s1  }
0x14: {  	s4 =	sadd.s32 s7, s28;
	s11 =	simm.s32 $0x9;
	[dreg:$0x7] =	wrdreg s21  }
0x15: {  	s18 =	simm.s32 $0x0;
	[dreg:$0x8] =	wrdreg s22;
	s16 =	sadd.s32 $0x100, s12  }
.Ltmp0:
0x16: {  	s1 =	sshrl.u32 s23, $0x3;
	[dreg:$0xc] =	wrdreg s9;
	(pc) =	sbr.rel .LBB2_1-.Ltmp0, $4  }
0x17: {  	[dreg:$0xd] =	wrdreg s4;
	s17 =	simm.s32 $0x4100;
	s9 =	simm.s32 $0x14280  }
0x18: {  	s12 =	simm.s32 $0x1;
	s20 =	simm.s32 $0x5;
	s1 =	sadd.s32 s8, s1  }
0x19: {  	s21 =	simm.s32 $0x7;
	s22 =	simm.s32 $0x8;
	s1 =	sadd.s32 $0x13800, s1  }
0x1a: {  	s23 =	simm.s32 $0x3;
	[dreg:$0xe] =	wrdreg s1;
	s1 =	simm.s32 $0x6  }
.LBB2_10:
0x1b: {  	_ =	swait.ge [sflag:s1], $0x4000  }
0x1c: {  	[sflag:s1] =	ssyncset.done $0x0  }
0x1d: {  	[sflag:s1] =	ssyncadd.s32 $0xFFFFC000  }
0x1e: {  	_ =	swait.ge [sflag:s11], $0x4000  }
0x1f: {  	[sflag:s11] =	ssyncset.done $0x0  }
0x20: {  	s4 =	rddreg [dreg:$0xc];
	[sflag:s11] =	ssyncadd.s32 $0xFFFFC000  }
0x21: {  	[tilespmem:s3], [sflag:$0xA] =	stream.linear.gather [hbm4b:s4+s3], $0x8, $0x38;
	[tilespmem:$0x18300] =	vst v63  }
0x22: {  	_ =	swait.ge [sflag:s24], $0x8  }
0x23: {  	[sflag:s24] =	ssyncset.done $0x0  }
0x24: {  	s18 =	rddreg [dreg:$0xd];
	[sflag:s24] =	ssyncadd.s32 $0xFFFFFFF8  }
0x25: {  	[tilespmem:s25], [sflag:$0xA] =	stream.linear.gather [hbm4b:s18+s3], $0x8, $0x38;
	[tilespmem:$0x18300] =	vst v63  }
0x26: {  	_ =	swait.ge [sflag:s24], $0x8  }
0x27: {  	[sflag:s24] =	ssyncset.done $0x0  }
0x28: {  	[sflag:s24] =	ssyncadd.s32 $0xFFFFFFF8  }
0x29: {  	[tilespmem:s26], [sflag:$0x1] =	stream.indirect.gather [hbm4b:s2+s22], $0x80, s3, s22, $0xb8;
	[tilespmem:$0x18300] =	vst v63  }
0x2a: {  	_ =	swait.ge [sflag:s12], $0x400  }
0x2b: {  	[sflag:s12] =	ssyncset.done $0x0  }
0x2c: {  	s17 =	simm.s32 $0x4100;
	[sflag:s12] =	ssyncadd.s32 $0xFFFFFC00  }
0x2d: {  	[tilespmem:s17], [sflag:$0x2] =	stream.indirect.gather [hbm4b:s5+s22], $0x80, s25, s22, $0xb8;
	[tilespmem:$0x18300] =	vst v63  }
0x2e: {  	_ =	swait.ge [sflag:s13], $0x400  }
0x2f: {  	[sflag:s13] =	ssyncset.done $0x0  }
0x30: {  	[sflag:s13] =	ssyncadd.s32 $0xFFFFFC00  }
0x31: {  	v0 =	vld [tilespmem:$0x4100];
	_ =	sdelay $0x4  }
0x32: {  	[tilespmem:s26+$0x0] =	vst.add.f32.msk $0xffff, v0  }
0x33: {  	v0 =	vld [tilespmem:$0x4110];
	_ =	sdelay $0x3  }
0x34: {  	s28 =	simm.s32 $0x90  }
0x35: {  	[tilespmem:s28+$0x0] =	vst.add.f32.msk $0xffff, v0  }
0x36: {  	v0 =	vld [tilespmem:$0x4120];
	_ =	sdelay $0x3  }
0x37: {  	s18 =	simm.s32 $0xA0  }
0x38: {  	[tilespmem:s18+$0x0] =	vst.add.f32.msk $0xffff, v0  }
0x39: {  	v0 =	vld [tilespmem:$0x4130];
	_ =	sdelay $0x3  }
0x3a: {  	s28 =	simm.s32 $0xB0  }
0x3b: {  	[tilespmem:s28+$0x0] =	vst.add.f32.msk $0xffff, v0  }
0x3c: {  	v0 =	vld [tilespmem:$0x4140];
	_ =	sdelay $0x3  }
0x3d: {  	s18 =	simm.s32 $0xC0  }
0x3e: {  	[tilespmem:s18+$0x0] =	vst.add.f32.msk $0xffff, v0  }
0x3f: {  	v0 =	vld [tilespmem:$0x4150];
	_ =	sdelay $0x3  }
0x40: {  	s28 =	simm.s32 $0xD0  }
0x41: {  	[tilespmem:s28+$0x0] =	vst.add.f32.msk $0xffff, v0  }
0x42: {  	v0 =	vld [tilespmem:$0x4160];
	_ =	sdelay $0x3  }
0x43: {  	s18 =	simm.s32 $0xE0  }
0x44: {  	[tilespmem:s18+$0x0] =	vst.add.f32.msk $0xffff, v0  }
0x45: {  	v0 =	vld [tilespmem:$0x4170];
	_ =	sdelay $0x3  }
0x46: {  	s28 =	simm.s32 $0xF0  }
0x47: {  	[tilespmem:s28+$0x0] =	vst.add.f32.msk $0xffff, v0  }
0x48: {  	v0 =	vld [tilespmem:$0x4180];
	_ =	sdelay $0x3  }
0x49: {  	s18 =	simm.s32 $0x100  }
0x4a: {  	[tilespmem:s18+$0x0] =	vst.add.f32.msk $0xffff, v0  }
0x4b: {  	v0 =	vld [tilespmem:$0x4190];
	_ =	sdelay $0x3  }
0x4c: {  	s28 =	simm.s32 $0x110  }
0x4d: {  	[tilespmem:s28+$0x0] =	vst.add.f32.msk $0xffff, v0  }
0x4e: {  	v0 =	vld [tilespmem:$0x41A0];
	_ =	sdelay $0x3  }
0x4f: {  	s18 =	simm.s32 $0x120  }
0x50: {  	[tilespmem:s18+$0x0] =	vst.add.f32.msk $0xffff, v0  }
0x51: {  	v0 =	vld [tilespmem:$0x41B0];
	_ =	sdelay $0x3  }
0x52: {  	s28 =	simm.s32 $0x130  }
0x53: {  	[tilespmem:s28+$0x0] =	vst.add.f32.msk $0xffff, v0  }
0x54: {  	v0 =	vld [tilespmem:$0x41C0];
	_ =	sdelay $0x3  }
0x55: {  	s18 =	simm.s32 $0x140  }
0x56: {  	[tilespmem:s18+$0x0] =	vst.add.f32.msk $0xffff, v0  }
0x57: {  	v0 =	vld [tilespmem:$0x41D0];
	_ =	sdelay $0x3  }
0x58: {  	s28 =	simm.s32 $0x150  }
0x59: {  	[tilespmem:s28+$0x0] =	vst.add.f32.msk $0xffff, v0  }
0x5a: {  	v0 =	vld [tilespmem:$0x41E0];
	_ =	sdelay $0x3  }
0x5b: {  	s18 =	simm.s32 $0x160  }
0x5c: {  	[tilespmem:s18+$0x0] =	vst.add.f32.msk $0xffff, v0  }
0x5d: {  	v0 =	vld [tilespmem:$0x41F0];
	_ =	sdelay $0x3  }
0x5e: {  	s28 =	simm.s32 $0x170  }
0x5f: {  	[tilespmem:s28+$0x0] =	vst.add.f32.msk $0xffff, v0  }
0x60: {  	v0 =	vld [tilespmem:$0x4200];
	_ =	sdelay $0x3  }
0x61: {  	s18 =	simm.s32 $0x180  }
0x62: {  	[tilespmem:s18+$0x0] =	vst.add.f32.msk $0xffff, v0  }
0x63: {  	v0 =	vld [tilespmem:$0x4210];
	_ =	sdelay $0x3  }
0x64: {  	s28 =	simm.s32 $0x190  }
0x65: {  	[tilespmem:s28+$0x0] =	vst.add.f32.msk $0xffff, v0  }
0x66: {  	v0 =	vld [tilespmem:$0x4220];
	_ =	sdelay $0x3  }
0x67: {  	s18 =	simm.s32 $0x1A0  }
0x68: {  	[tilespmem:s18+$0x0] =	vst.add.f32.msk $0xffff, v0  }
0x69: {  	v0 =	vld [tilespmem:$0x4230];
	_ =	sdelay $0x3  }
0x6a: {  	s28 =	simm.s32 $0x1B0  }
0x6b: {  	[tilespmem:s28+$0x0] =	vst.add.f32.msk $0xffff, v0  }
0x6c: {  	v0 =	vld [tilespmem:$0x4240];
	_ =	sdelay $0x3  }
0x6d: {  	s18 =	simm.s32 $0x1C0  }
0x6e: {  	[tilespmem:s18+$0x0] =	vst.add.f32.msk $0xffff, v0  }
0x6f: {  	v0 =	vld [tilespmem:$0x4250];
	_ =	sdelay $0x3  }
0x70: {  	s28 =	simm.s32 $0x1D0  }
0x71: {  	[tilespmem:s28+$0x0] =	vst.add.f32.msk $0xffff, v0  }
0x72: {  	v0 =	vld [tilespmem:$0x4260];
	_ =	sdelay $0x3  }
0x73: {  	s18 =	simm.s32 $0x1E0  }
0x74: {  	[tilespmem:s18+$0x0] =	vst.add.f32.msk $0xffff, v0  }
0x75: {  	v0 =	vld [tilespmem:$0x4270];
	_ =	sdelay $0x3  }
0x76: {  	s28 =	simm.s32 $0x1F0  }
0x77: {  	[tilespmem:s28+$0x0] =	vst.add.f32.msk $0xffff, v0  }
0x78: {  	v0 =	vld [tilespmem:$0x4280];
	_ =	sdelay $0x3  }
0x79: {  	s18 =	simm.s32 $0x200  }
0x7a: {  	[tilespmem:s18+$0x0] =	vst.add.f32.msk $0xffff, v0  }
0x7b: {  	v0 =	vld [tilespmem:$0x4290];
	_ =	sdelay $0x3  }
0x7c: {  	s28 =	simm.s32 $0x210  }
0x7d: {  	[tilespmem:s28+$0x0] =	vst.add.f32.msk $0xffff, v0  }
0x7e: {  	v0 =	vld [tilespmem:$0x42A0];
	_ =	sdelay $0x3  }
0x7f: {  	s18 =	simm.s32 $0x220  }
0x80: {  	[tilespmem:s18+$0x0] =	vst.add.f32.msk $0xffff, v0  }
0x81: {  	v0 =	vld [tilespmem:$0x42B0];
	_ =	sdelay $0x3  }
0x82: {  	s28 =	simm.s32 $0x230  }
0x83: {  	[tilespmem:s28+$0x0] =	vst.add.f32.msk $0xffff, v0  }
0x84: {  	v0 =	vld [tilespmem:$0x42C0];
	_ =	sdelay $0x3  }
0x85: {  	s18 =	simm.s32 $0x240  }
0x86: {  	[tilespmem:s18+$0x0] =	vst.add.f32.msk $0xffff, v0  }
0x87: {  	v0 =	vld [tilespmem:$0x42D0];
	_ =	sdelay $0x3  }
0x88: {  	s28 =	simm.s32 $0x250  }
0x89: {  	[tilespmem:s28+$0x0] =	vst.add.f32.msk $0xffff, v0  }
0x8a: {  	v0 =	vld [tilespmem:$0x42E0];
	_ =	sdelay $0x3  }
0x8b: {  	s18 =	simm.s32 $0x260  }
0x8c: {  	[tilespmem:s18+$0x0] =	vst.add.f32.msk $0xffff, v0  }
0x8d: {  	v0 =	vld [tilespmem:$0x42F0];
	_ =	sdelay $0x3  }
0x8e: {  	s28 =	simm.s32 $0x270  }
0x8f: {  	[tilespmem:s28+$0x0] =	vst.add.f32.msk $0xffff, v0  }
0x90: {  	v0 =	vld [tilespmem:$0x4300];
	_ =	sdelay $0x3  }
0x91: {  	s18 =	simm.s32 $0x280  }
0x92: {  	[tilespmem:s18+$0x0] =	vst.add.f32.msk $0xffff, v0  }
0x93: {  	v0 =	vld [tilespmem:$0x4310];
	_ =	sdelay $0x3  }
0x94: {  	s28 =	simm.s32 $0x290  }
0x95: {  	[tilespmem:s28+$0x0] =	vst.add.f32.msk $0xffff, v0  }
0x96: {  	v0 =	vld [tilespmem:$0x4320];
	_ =	sdelay $0x3  }
0x97: {  	s18 =	simm.s32 $0x2A0  }
0x98: {  	[tilespmem:s18+$0x0] =	vst.add.f32.msk $0xffff, v0  }
0x99: {  	v0 =	vld [tilespmem:$0x4330];
	_ =	sdelay $0x3  }
0x9a: {  	s28 =	simm.s32 $0x2B0  }
0x9b: {  	[tilespmem:s28+$0x0] =	vst.add.f32.msk $0xffff, v0  }
0x9c: {  	v0 =	vld [tilespmem:$0x4340];
	_ =	sdelay $0x3  }
0x9d: {  	s18 =	simm.s32 $0x2C0  }
0x9e: {  	[tilespmem:s18+$0x0] =	vst.add.f32.msk $0xffff, v0  }
0x9f: {  	v0 =	vld [tilespmem:$0x4350];
	_ =	sdelay $0x3  }
0xa0: {  	s28 =	simm.s32 $0x2D0  }
0xa1: {  	[tilespmem:s28+$0x0] =	vst.add.f32.msk $0xffff, v0  }
0xa2: {  	v0 =	vld [tilespmem:$0x4360];
	_ =	sdelay $0x3  }
0xa3: {  	s18 =	simm.s32 $0x2E0  }
0xa4: {  	[tilespmem:s18+$0x0] =	vst.add.f32.msk $0xffff, v0  }
0xa5: {  	v0 =	vld [tilespmem:$0x4370];
	_ =	sdelay $0x3  }
0xa6: {  	s28 =	simm.s32 $0x2F0  }
0xa7: {  	[tilespmem:s28+$0x0] =	vst.add.f32.msk $0xffff, v0  }
0xa8: {  	v0 =	vld [tilespmem:$0x4380];
	_ =	sdelay $0x3  }
0xa9: {  	s18 =	simm.s32 $0x300  }
0xaa: {  	[tilespmem:s18+$0x0] =	vst.add.f32.msk $0xffff, v0  }
0xab: {  	v0 =	vld [tilespmem:$0x4390];
	_ =	sdelay $0x3  }
0xac: {  	s28 =	simm.s32 $0x310  }
0xad: {  	[tilespmem:s28+$0x0] =	vst.add.f32.msk $0xffff, v0  }
0xae: {  	v0 =	vld [tilespmem:$0x43A0];
	_ =	sdelay $0x3  }
0xaf: {  	s18 =	simm.s32 $0x320  }
0xb0: {  	[tilespmem:s18+$0x0] =	vst.add.f32.msk $0xffff, v0  }
0xb1: {  	v0 =	vld [tilespmem:$0x43B0];
	_ =	sdelay $0x3  }
0xb2: {  	s28 =	simm.s32 $0x330  }
0xb3: {  	[tilespmem:s28+$0x0] =	vst.add.f32.msk $0xffff, v0  }
0xb4: {  	v0 =	vld [tilespmem:$0x43C0];
	_ =	sdelay $0x3  }
0xb5: {  	s18 =	simm.s32 $0x340  }
0xb6: {  	[tilespmem:s18+$0x0] =	vst.add.f32.msk $0xffff, v0  }
0xb7: {  	v0 =	vld [tilespmem:$0x43D0];
	_ =	sdelay $0x3  }
0xb8: {  	s28 =	simm.s32 $0x350  }
0xb9: {  	[tilespmem:s28+$0x0] =	vst.add.f32.msk $0xffff, v0  }
0xba: {  	v0 =	vld [tilespmem:$0x43E0];
	_ =	sdelay $0x3  }
0xbb: {  	s18 =	simm.s32 $0x360  }
0xbc: {  	[tilespmem:s18+$0x0] =	vst.add.f32.msk $0xffff, v0  }
0xbd: {  	v0 =	vld [tilespmem:$0x43F0];
	_ =	sdelay $0x3  }
0xbe: {  	s28 =	simm.s32 $0x370  }
0xbf: {  	[tilespmem:s28+$0x0] =	vst.add.f32.msk $0xffff, v0  }
0xc0: {  	v0 =	vld [tilespmem:$0x4400];
	_ =	sdelay $0x3  }
0xc1: {  	s18 =	simm.s32 $0x380  }
0xc2: {  	[tilespmem:s18+$0x0] =	vst.add.f32.msk $0xffff, v0  }
0xc3: {  	v0 =	vld [tilespmem:$0x4410];
	_ =	sdelay $0x3  }
0xc4: {  	s28 =	simm.s32 $0x390  }
0xc5: {  	[tilespmem:s28+$0x0] =	vst.add.f32.msk $0xffff, v0  }
0xc6: {  	v0 =	vld [tilespmem:$0x4420];
	_ =	sdelay $0x3  }
0xc7: {  	s18 =	simm.s32 $0x3A0  }
0xc8: {  	[tilespmem:s18+$0x0] =	vst.add.f32.msk $0xffff, v0  }
0xc9: {  	v0 =	vld [tilespmem:$0x4430];
	_ =	sdelay $0x3  }
0xca: {  	s28 =	simm.s32 $0x3B0  }
0xcb: {  	[tilespmem:s28+$0x0] =	vst.add.f32.msk $0xffff, v0  }
0xcc: {  	v0 =	vld [tilespmem:$0x4440];
	_ =	sdelay $0x3  }
0xcd: {  	s18 =	simm.s32 $0x3C0  }
0xce: {  	[tilespmem:s18+$0x0] =	vst.add.f32.msk $0xffff, v0  }
0xcf: {  	v0 =	vld [tilespmem:$0x4450];
	_ =	sdelay $0x3  }
0xd0: {  	s28 =	simm.s32 $0x3D0  }
0xd1: {  	[tilespmem:s28+$0x0] =	vst.add.f32.msk $0xffff, v0  }
0xd2: {  	v0 =	vld [tilespmem:$0x4460];
	_ =	sdelay $0x3  }
0xd3: {  	s18 =	simm.s32 $0x3E0  }
0xd4: {  	[tilespmem:s18+$0x0] =	vst.add.f32.msk $0xffff, v0  }
0xd5: {  	v0 =	vld [tilespmem:$0x4470];
	_ =	sdelay $0x3  }
0xd6: {  	s28 =	simm.s32 $0x3F0  }
0xd7: {  	[tilespmem:s28+$0x0] =	vst.add.f32.msk $0xffff, v0  }
0xd8: {  	v0 =	vld [tilespmem:$0x4480];
	_ =	sdelay $0x3  }
0xd9: {  	s18 =	simm.s32 $0x400  }
0xda: {  	[tilespmem:s18+$0x0] =	vst.add.f32.msk $0xffff, v0  }
0xdb: {  	v0 =	vld [tilespmem:$0x4490];
	_ =	sdelay $0x3  }
0xdc: {  	s28 =	simm.s32 $0x410  }
0xdd: {  	[tilespmem:s28+$0x0] =	vst.add.f32.msk $0xffff, v0  }
0xde: {  	v0 =	vld [tilespmem:$0x44A0];
	_ =	sdelay $0x3  }
0xdf: {  	s18 =	simm.s32 $0x420  }
0xe0: {  	[tilespmem:s18+$0x0] =	vst.add.f32.msk $0xffff, v0  }
0xe1: {  	v0 =	vld [tilespmem:$0x44B0];
	_ =	sdelay $0x3  }
0xe2: {  	s28 =	simm.s32 $0x430  }
0xe3: {  	[tilespmem:s28+$0x0] =	vst.add.f32.msk $0xffff, v0  }
0xe4: {  	v0 =	vld [tilespmem:$0x44C0];
	_ =	sdelay $0x3  }
0xe5: {  	s18 =	simm.s32 $0x440  }
0xe6: {  	[tilespmem:s18+$0x0] =	vst.add.f32.msk $0xffff, v0  }
0xe7: {  	v0 =	vld [tilespmem:$0x44D0];
	_ =	sdelay $0x3  }
0xe8: {  	s28 =	simm.s32 $0x450  }
0xe9: {  	[tilespmem:s28+$0x0] =	vst.add.f32.msk $0xffff, v0  }
0xea: {  	v0 =	vld [tilespmem:$0x44E0];
	_ =	sdelay $0x3  }
0xeb: {  	s18 =	simm.s32 $0x460  }
0xec: {  	[tilespmem:s18+$0x0] =	vst.add.f32.msk $0xffff, v0  }
0xed: {  	v0 =	vld [tilespmem:$0x44F0];
	_ =	sdelay $0x3  }
0xee: {  	s28 =	simm.s32 $0x470  }
0xef: {  	s18 =	rddreg [dreg:$0xe];
	[tilespmem:s28+$0x0] =	vst.add.f32.msk $0xffff, v0  }
0xf0: {  	[hbm4b:s18+s3] =	stream.linear.scatter [tilespmem:s26], [sflag:$0xA], $0x400, $0x38;
	[tilespmem:$0x18300] =	vst v63  }
0xf1: {  	_ =	swait.ge [sflag:s24], $0x400  }
0xf2: {  	s18 =	rddreg [dreg:$0x10]  }
0xf3: {  	s28 =	rddreg [dreg:$0xf];
	s18 =	sadd.s32 $0x1, s18  }
0xf4: {  	p0 =	sne.s32 s18, s28  }
.Ltmp1:
0xf5: {  	_ = 	snop;
	(pc) =	sbr.rel @!p0 .LBB2_11-.Ltmp1, $3  }
0xf6: {  	_ =	sdelay $0x1  }
0xf7: {  	[sflag:s24] =	ssyncset.done $0x0  }
0xf8: {  	[sflag:s24] =	ssyncadd.s32 $0xFFFFFC00  }
.LBB2_1:
0xf9: {  	[dreg:$0x10] =	wrdreg s18  }
0xfa: {  	s4 =	rddreg [dreg:$0x3]  }
0xfb: {  	[tilespmem:s3], [sflag:$0xA] =	stream.linear.gather [hbm4b:s4+s3], $0x80, $0x38;
	[tilespmem:$0x18300] =	vst v63  }
0xfc: {  	_ =	swait.ge [sflag:s24], $0x80  }
0xfd: {  	[sflag:s24] =	ssyncset.done $0x0  }
0xfe: {  	s18 =	rddreg [dreg:$0x4];
	[sflag:s24] =	ssyncadd.s32 $0xFFFFFF80  }
0xff: {  	[tilespmem:s25], [sflag:$0xA] =	stream.linear.gather [hbm4b:s18+s3], $0x80, $0x38;
	[tilespmem:$0x18300] =	vst v63  }
0x100: {  	_ =	swait.ge [sflag:s24], $0x80  }
0x101: {  	[sflag:s24] =	ssyncset.done $0x0  }
0x102: {  	[sflag:s24] =	ssyncadd.s32 $0xFFFFFF80  }
0x103: {  	[tilespmem:s26], [sflag:$0x1] =	stream.indirect.gather [hbm4b:s2+s26], $0x80, s3, s26, $0xb8;
	[tilespmem:$0x18300] =	vst v63  }
0x104: {  	_ = 	snop  }
0x105: {  	[tilespmem:s17], [sflag:$0x2] =	stream.indirect.gather [hbm4b:s5+s26], $0x80, s25, s26, $0xb8;
	[tilespmem:$0x18300] =	vst v63  }
0x106: {  	s17 =	rddreg [dreg:$0x5]  }
0x107: {  	[tilespmem:s29], [sflag:$0xA] =	stream.linear.gather [hbm4b:s17+s3], $0x80, $0x38;
	[tilespmem:$0x18300] =	vst v63  }
0x108: {  	_ =	swait.ge [sflag:s24], $0x80  }
0x109: {  	[sflag:s24] =	ssyncset.done $0x0  }
0x10a: {  	s18 =	rddreg [dreg:$0x6];
	[sflag:s24] =	ssyncadd.s32 $0xFFFFFF80  }
0x10b: {  	[tilespmem:s30], [sflag:$0xA] =	stream.linear.gather [hbm4b:s18+s3], $0x80, $0x38;
	[tilespmem:$0x18300] =	vst v63  }
0x10c: {  	_ =	swait.ge [sflag:s24], $0x80  }
0x10d: {  	[sflag:s24] =	ssyncset.done $0x0  }
0x10e: {  	[sflag:s24] =	ssyncadd.s32 $0xFFFFFF80  }
0x10f: {  	[tilespmem:s31], [sflag:$0x4] =	stream.indirect.gather [hbm4b:s2+s26], $0x80, s29, s26, $0xb8;
	[tilespmem:$0x18300] =	vst v63  }
0x110: {  	s17 =	simm.s32 $0xC200  }
0x111: {  	[tilespmem:s17], [sflag:$0x5] =	stream.indirect.gather [hbm4b:s5+s26], $0x80, s30, s26, $0xb8;
	[tilespmem:$0x18300] =	vst v63  }
0x112: {  	s18 =	rddreg [dreg:$0x7]  }
0x113: {  	[tilespmem:s0], [sflag:$0xA] =	stream.linear.gather [hbm4b:s18+s3], $0x80, $0x38;
	[tilespmem:$0x18300] =	vst v63  }
0x114: {  	_ =	swait.ge [sflag:s24], $0x80  }
0x115: {  	[sflag:s24] =	ssyncset.done $0x0  }
0x116: {  	s17 =	rddreg [dreg:$0x8];
	[sflag:s24] =	ssyncadd.s32 $0xFFFFFF80  }
0x117: {  	[tilespmem:s9], [sflag:$0xA] =	stream.linear.gather [hbm4b:s17+s3], $0x80, $0x38;
	[tilespmem:$0x18300] =	vst v63  }
0x118: {  	_ =	swait.ge [sflag:s24], $0x80  }
0x119: {  	[sflag:s24] =	ssyncset.done $0x0  }
0x11a: {  	[sflag:s24] =	ssyncadd.s32 $0xFFFFFF80  }
0x11b: {  	[tilespmem:s10], [sflag:$0x7] =	stream.indirect.gather [hbm4b:s2+s26], $0x80, s0, s26, $0xb8;
	[tilespmem:$0x18300] =	vst v63  }
0x11c: {  	s28 =	simm.s32 $0x0;
	s18 =	simm.s32 $0x14300  }
0x11d: {  	[tilespmem:s18], [sflag:$0x8] =	stream.indirect.gather [hbm4b:s5+s26], $0x80, s9, s26, $0xb8;
	[tilespmem:$0x18300] =	vst v63  }
.LBB2_2:
0x11e: {  	_ =	swait.ge [sflag:s12], $0x4000  }
0x11f: {  	[sflag:s12] =	ssyncset.done $0x0  }
0x120: {  	[sflag:s12] =	ssyncadd.s32 $0xFFFFC000  }
0x121: {  	_ =	swait.ge [sflag:s13], $0x4000  }
0x122: {  	[sflag:s13] =	ssyncset.done $0x0  }
0x123: {  	s17 =	simm.s32 $0x0;
	s4 =	simm.s32 $0x200;
	[sflag:s13] =	ssyncadd.s32 $0xFFFFC000  }
.LBB2_3:
0x124: {  	p0 =	sne.s32 s4, $0xFE00;
	v0 =	vld [tilespmem:s17+$0x4170]  }
0x125: {  	v1 =	vld [tilespmem:s17+$0x4100]  }
0x126: {  	v2 =	vld [tilespmem:s17+$0x4110]  }
0x127: {  	v3 =	vld [tilespmem:s17+$0x4120]  }
0x128: {  	v4 =	vld [tilespmem:s17+$0x4130]  }
0x129: {  	[tilespmem:s17+$0xF0] =	vst.add.f32.msk $0xffff, v0  }
0x12a: {  	v0 =	vld [tilespmem:s17+$0x4140]  }
0x12b: {  	v5 =	vld [tilespmem:s17+$0x4150]  }
0x12c: {  	v6 =	vld [tilespmem:s17+$0x4160]  }
0x12d: {  	[tilespmem:s17+$0x80] =	vst.add.f32.msk $0xffff, v1  }
0x12e: {  	[tilespmem:s17+$0x90] =	vst.add.f32.msk $0xffff, v2  }
.Ltmp2:
0x12f: {  	[tilespmem:s17+$0xA0] =	vst.add.f32.msk $0xffff, v3;
	(pc) =	sbr.rel @p0 .LBB2_3-.Ltmp2, $4  }
0x130: {  	[tilespmem:s17+$0xB0] =	vst.add.f32.msk $0xffff, v4  }
0x131: {  	[tilespmem:s17+$0xC0] =	vst.add.f32.msk $0xffff, v0  }
0x132: {  	[tilespmem:s17+$0xD0] =	vst.add.f32.msk $0xffff, v5  }
0x133: {  	[tilespmem:s17+$0xE0] =	vst.add.f32.msk $0xffff, v6;
	s17 =	sshra.s32 s4, $0x2;
	s4 =	sadd.s32 $0x200, s4  }
0x134: {  	v0 =	vld [tilespmem:s17+$0x4170]  }
0x135: {  	v1 =	vld [tilespmem:s17+$0x4100]  }
0x136: {  	v2 =	vld [tilespmem:s17+$0x4110]  }
0x137: {  	v3 =	vld [tilespmem:s17+$0x4120]  }
0x138: {  	v4 =	vld [tilespmem:s17+$0x4130]  }
0x139: {  	v63 =	vld [tilespmem:s17+$0x4140]  }
0x13a: {  	v5 =	vld [tilespmem:s17+$0x4150]  }
0x13b: {  	v6 =	vld [tilespmem:s17+$0x4160]  }
0x13c: {  	[tilespmem:s17+$0xF0] =	vst.add.f32.msk $0xffff, v0  }
0x13d: {  	[tilespmem:s17+$0x80] =	vst.add.f32.msk $0xffff, v1  }
0x13e: {  	[tilespmem:s17+$0x90] =	vst.add.f32.msk $0xffff, v2  }
0x13f: {  	s4 =	smul.u32 $0x180, s28;
	[tilespmem:s17+$0xA0] =	vst.add.f32.msk $0xffff, v3  }
0x140: {  	[tilespmem:s17+$0xB0] =	vst.add.f32.msk $0xffff, v4  }
0x141: {  	s18 =	sadd.s32 s19, s4;
	[tilespmem:s17+$0xC0] =	vst.add.f32.msk $0xffff, v63  }
0x142: {  	s18 =	sshll.u32 s18, $0x4;
	[tilespmem:s17+$0xD0] =	vst.add.f32.msk $0xffff, v5  }
0x143: {  	[tilespmem:s17+$0xE0] =	vst.add.f32.msk $0xffff, v6;
	s17 =	sadd.s32 s8, s18;
	s18 =	simm.s32 $0x0  }
0x144: {  	[hbm4b:s17+s18] =	stream.linear.scatter [tilespmem:s26], [sflag:$0x3], $0x4000, $0x38;
	[tilespmem:$0x18300] =	vst v63  }
0x145: {  	_ =	swait.ge [sflag:s14], $0x4000  }
0x146: {  	[sflag:s14] =	ssyncset.done $0x0  }
0x147: {  	[sflag:s14] =	ssyncadd.s32 $0xFFFFC000  }
0x148: {  	_ =	swait.ge [sflag:s20], $0x4000  }
0x149: {  	[sflag:s20] =	ssyncset.done $0x0  }
0x14a: {  	s17 =	simm.s32 $0x0;
	s18 =	simm.s32 $0x200;
	[sflag:s20] =	ssyncadd.s32 $0xFFFFC000  }
.LBB2_5:
0x14b: {  	p0 =	sne.s32 s18, $0xFE00;
	v0 =	vld [tilespmem:s17+$0xC270]  }
0x14c: {  	v1 =	vld [tilespmem:s17+$0xC200]  }
0x14d: {  	v2 =	vld [tilespmem:s17+$0xC210]  }
0x14e: {  	v3 =	vld [tilespmem:s17+$0xC220]  }
0x14f: {  	v4 =	vld [tilespmem:s17+$0xC230]  }
0x150: {  	[tilespmem:s17+$0x81F0] =	vst.add.f32.msk $0xffff, v0  }
0x151: {  	v0 =	vld [tilespmem:s17+$0xC240]  }
0x152: {  	v5 =	vld [tilespmem:s17+$0xC250]  }
0x153: {  	v6 =	vld [tilespmem:s17+$0xC260]  }
0x154: {  	[tilespmem:s17+$0x8180] =	vst.add.f32.msk $0xffff, v1  }
0x155: {  	[tilespmem:s17+$0x8190] =	vst.add.f32.msk $0xffff, v2  }
.Ltmp3:
0x156: {  	[tilespmem:s17+$0x81A0] =	vst.add.f32.msk $0xffff, v3;
	(pc) =	sbr.rel @p0 .LBB2_5-.Ltmp3, $4  }
0x157: {  	[tilespmem:s17+$0x81B0] =	vst.add.f32.msk $0xffff, v4  }
0x158: {  	[tilespmem:s17+$0x81C0] =	vst.add.f32.msk $0xffff, v0  }
0x159: {  	[tilespmem:s17+$0x81D0] =	vst.add.f32.msk $0xffff, v5  }
0x15a: {  	[tilespmem:s17+$0x81E0] =	vst.add.f32.msk $0xffff, v6;
	s17 =	sshra.s32 s18, $0x2;
	s18 =	sadd.s32 $0x200, s18  }
0x15b: {  	v0 =	vld [tilespmem:s17+$0xC270]  }
0x15c: {  	v1 =	vld [tilespmem:s17+$0xC200]  }
0x15d: {  	v2 =	vld [tilespmem:s17+$0xC210]  }
0x15e: {  	v3 =	vld [tilespmem:s17+$0xC220]  }
0x15f: {  	v4 =	vld [tilespmem:s17+$0xC230]  }
0x160: {  	v63 =	vld [tilespmem:s17+$0xC240]  }
0x161: {  	v5 =	vld [tilespmem:s17+$0xC250]  }
0x162: {  	v6 =	vld [tilespmem:s17+$0xC260]  }
0x163: {  	[tilespmem:s17+$0x81F0] =	vst.add.f32.msk $0xffff, v0  }
0x164: {  	[tilespmem:s17+$0x8180] =	vst.add.f32.msk $0xffff, v1  }
0x165: {  	[tilespmem:s17+$0x8190] =	vst.add.f32.msk $0xffff, v2  }
0x166: {  	[tilespmem:s17+$0x81A0] =	vst.add.f32.msk $0xffff, v3  }
0x167: {  	[tilespmem:s17+$0x81B0] =	vst.add.f32.msk $0xffff, v4  }
0x168: {  	s18 =	sadd.s32 s4, s15;
	[tilespmem:s17+$0x81C0] =	vst.add.f32.msk $0xffff, v63  }
0x169: {  	s18 =	sshll.u32 s18, $0x4;
	[tilespmem:s17+$0x81D0] =	vst.add.f32.msk $0xffff, v5  }
0x16a: {  	[tilespmem:s17+$0x81E0] =	vst.add.f32.msk $0xffff, v6;
	s17 =	sadd.s32 s8, s18;
	s18 =	simm.s32 $0x0  }
0x16b: {  	[hbm4b:s17+s18] =	stream.linear.scatter [tilespmem:s31], [sflag:$0x6], $0x4000, $0x38;
	[tilespmem:$0x18300] =	vst v63  }
0x16c: {  	_ =	swait.ge [sflag:s21], $0x4000  }
0x16d: {  	[sflag:s21] =	ssyncset.done $0x0  }
0x16e: {  	[sflag:s21] =	ssyncadd.s32 $0xFFFFC000  }
0x16f: {  	_ =	swait.ge [sflag:s22], $0x4000  }
0x170: {  	[sflag:s22] =	ssyncset.done $0x0  }
0x171: {  	s17 =	simm.s32 $0x0;
	s18 =	simm.s32 $0x200;
	[sflag:s22] =	ssyncadd.s32 $0xFFFFC000  }
.LBB2_7:
0x172: {  	p0 =	sne.s32 s18, $0xFE00;
	v0 =	vld [tilespmem:s17+$0x14370]  }
0x173: {  	v1 =	vld [tilespmem:s17+$0x14300]  }
0x174: {  	v2 =	vld [tilespmem:s17+$0x14310]  }
0x175: {  	v3 =	vld [tilespmem:s17+$0x14320]  }
0x176: {  	v4 =	vld [tilespmem:s17+$0x14330]  }
0x177: {  	[tilespmem:s17+$0x102F0] =	vst.add.f32.msk $0xffff, v0  }
0x178: {  	v0 =	vld [tilespmem:s17+$0x14340]  }
0x179: {  	v5 =	vld [tilespmem:s17+$0x14350]  }
0x17a: {  	v6 =	vld [tilespmem:s17+$0x14360]  }
0x17b: {  	[tilespmem:s17+$0x10280] =	vst.add.f32.msk $0xffff, v1  }
0x17c: {  	[tilespmem:s17+$0x10290] =	vst.add.f32.msk $0xffff, v2  }
.Ltmp4:
0x17d: {  	[tilespmem:s17+$0x102A0] =	vst.add.f32.msk $0xffff, v3;
	(pc) =	sbr.rel @p0 .LBB2_7-.Ltmp4, $4  }
0x17e: {  	[tilespmem:s17+$0x102B0] =	vst.add.f32.msk $0xffff, v4  }
0x17f: {  	[tilespmem:s17+$0x102C0] =	vst.add.f32.msk $0xffff, v0  }
0x180: {  	[tilespmem:s17+$0x102D0] =	vst.add.f32.msk $0xffff, v5  }
0x181: {  	[tilespmem:s17+$0x102E0] =	vst.add.f32.msk $0xffff, v6;
	s17 =	sshra.s32 s18, $0x2;
	s18 =	sadd.s32 $0x200, s18  }
0x182: {  	v0 =	vld [tilespmem:s17+$0x14370]  }
0x183: {  	v1 =	vld [tilespmem:s17+$0x14300]  }
0x184: {  	v2 =	vld [tilespmem:s17+$0x14310]  }
0x185: {  	v3 =	vld [tilespmem:s17+$0x14320]  }
0x186: {  	v4 =	vld [tilespmem:s17+$0x14330]  }
0x187: {  	v63 =	vld [tilespmem:s17+$0x14340]  }
0x188: {  	v5 =	vld [tilespmem:s17+$0x14350]  }
0x189: {  	v6 =	vld [tilespmem:s17+$0x14360]  }
0x18a: {  	[tilespmem:s17+$0x102F0] =	vst.add.f32.msk $0xffff, v0  }
0x18b: {  	[tilespmem:s17+$0x10280] =	vst.add.f32.msk $0xffff, v1  }
0x18c: {  	[tilespmem:s17+$0x10290] =	vst.add.f32.msk $0xffff, v2  }
0x18d: {  	[tilespmem:s17+$0x102A0] =	vst.add.f32.msk $0xffff, v3  }
0x18e: {  	[tilespmem:s17+$0x102B0] =	vst.add.f32.msk $0xffff, v4  }
0x18f: {  	s18 =	sadd.s32 s4, s16;
	[tilespmem:s17+$0x102C0] =	vst.add.f32.msk $0xffff, v63  }
0x190: {  	p0 =	seq.s32 s28, $0xC;
	s18 =	sshll.u32 s18, $0x4;
	[tilespmem:s17+$0x102D0] =	vst.add.f32.msk $0xffff, v5  }
.Ltmp5:
0x191: {  	s18 =	sadd.s32 s8, s18;
	[tilespmem:s17+$0x102E0] =	vst.add.f32.msk $0xffff, v6;
	(pc) =	sbr.rel @p0 .LBB2_10-.Ltmp5, $4  }
0x192: {  	[hbm4b:s18+s3] =	stream.linear.scatter [tilespmem:s10], [sflag:$0x9], $0x4000, $0x38;
	[tilespmem:$0x18300] =	vst v63  }
0x193: {  	_ =	swait.ge [sflag:s23], $0x4000  }
0x194: {  	[sflag:s23] =	ssyncset.done $0x0  }
0x195: {  	[sflag:s23] =	ssyncadd.s32 $0xFFFFC000  }
0x196: {  	s17 =	rddreg [dreg:$0x9]  }
0x197: {  	s17 =	sadd.s32 s4, s17  }
0x198: {  	s17 =	sshrl.u32 s17, $0x3  }
0x199: {  	s18 =	sadd.s32 s6, s17  }
0x19a: {  	[tilespmem:s3], [sflag:$0xA] =	stream.linear.gather [hbm4b:s18+s3], $0x80, $0x38;
	[tilespmem:$0x18300] =	vst v63  }
0x19b: {  	_ =	swait.ge [sflag:s24], $0x80  }
0x19c: {  	[sflag:s24] =	ssyncset.done $0x0  }
0x19d: {  	s17 =	sadd.s32 s7, s17;
	[sflag:s24] =	ssyncadd.s32 $0xFFFFFF80  }
0x19e: {  	[tilespmem:s25], [sflag:$0xA] =	stream.linear.gather [hbm4b:s17+s3], $0x80, $0x38;
	[tilespmem:$0x18300] =	vst v63  }
0x19f: {  	_ =	swait.ge [sflag:s24], $0x80  }
0x1a0: {  	[sflag:s24] =	ssyncset.done $0x0  }
0x1a1: {  	[sflag:s24] =	ssyncadd.s32 $0xFFFFFF80  }
0x1a2: {  	[tilespmem:s26], [sflag:$0x1] =	stream.indirect.gather [hbm4b:s2+s26], $0x80, s3, s26, $0xb8;
	[tilespmem:$0x18300] =	vst v63  }
0x1a3: {  	s18 =	simm.s32 $0x4100  }
0x1a4: {  	[tilespmem:s18], [sflag:$0x2] =	stream.indirect.gather [hbm4b:s5+s26], $0x80, s25, s26, $0xb8;
	[tilespmem:$0x18300] =	vst v63  }
0x1a5: {  	_ =	swait.ge [sflag:s1], $0x4000  }
0x1a6: {  	s18 =	rddreg [dreg:$0xa]  }
0x1a7: {  	s17 =	sadd.s32 s4, s18  }
0x1a8: {  	[sflag:s1] =	ssyncset.done $0x0;
	s17 =	sshrl.u32 s17, $0x3  }
0x1a9: {  	[sflag:s1] =	ssyncadd.s32 $0xFFFFC000;
	s18 =	sadd.s32 s6, s17  }
0x1aa: {  	[tilespmem:s29], [sflag:$0xA] =	stream.linear.gather [hbm4b:s18+s3], $0x80, $0x38;
	[tilespmem:$0x18300] =	vst v63  }
0x1ab: {  	_ =	swait.ge [sflag:s24], $0x80  }
0x1ac: {  	[sflag:s24] =	ssyncset.done $0x0  }
0x1ad: {  	s17 =	sadd.s32 s7, s17;
	[sflag:s24] =	ssyncadd.s32 $0xFFFFFF80  }
0x1ae: {  	[tilespmem:s30], [sflag:$0xA] =	stream.linear.gather [hbm4b:s17+s3], $0x80, $0x38;
	[tilespmem:$0x18300] =	vst v63  }
0x1af: {  	_ =	swait.ge [sflag:s24], $0x80  }
0x1b0: {  	[sflag:s24] =	ssyncset.done $0x0  }
0x1b1: {  	[sflag:s24] =	ssyncadd.s32 $0xFFFFFF80  }
0x1b2: {  	[tilespmem:s31], [sflag:$0x4] =	stream.indirect.gather [hbm4b:s2+s26], $0x80, s29, s26, $0xb8;
	[tilespmem:$0x18300] =	vst v63  }
0x1b3: {  	s18 =	simm.s32 $0xC200  }
0x1b4: {  	[tilespmem:s18], [sflag:$0x5] =	stream.indirect.gather [hbm4b:s5+s26], $0x80, s30, s26, $0xb8;
	[tilespmem:$0x18300] =	vst v63  }
0x1b5: {  	_ =	swait.ge [sflag:s11], $0x4000  }
0x1b6: {  	s18 =	rddreg [dreg:$0xb]  }
0x1b7: {  	s17 =	sadd.s32 s4, s18  }
0x1b8: {  	[sflag:s11] =	ssyncset.done $0x0;
	s4 =	sshrl.u32 s17, $0x3  }
0x1b9: {  	[sflag:s11] =	ssyncadd.s32 $0xFFFFC000;
	s18 =	sadd.s32 s6, s4  }
0x1ba: {  	[tilespmem:s0], [sflag:$0xA] =	stream.linear.gather [hbm4b:s18+s3], $0x80, $0x38;
	[tilespmem:$0x18300] =	vst v63  }
0x1bb: {  	_ =	swait.ge [sflag:s24], $0x80  }
0x1bc: {  	[sflag:s24] =	ssyncset.done $0x0  }
0x1bd: {  	s4 =	sadd.s32 s7, s4;
	[sflag:s24] =	ssyncadd.s32 $0xFFFFFF80  }
0x1be: {  	[tilespmem:s9], [sflag:$0xA] =	stream.linear.gather [hbm4b:s4+s3], $0x80, $0x38;
	[tilespmem:$0x18300] =	vst v63  }
0x1bf: {  	_ =	swait.ge [sflag:s24], $0x80  }
.Ltmp6:
0x1c0: {  	[sflag:s24] =	ssyncset.done $0x0;
	(pc) =	sbr.rel .LBB2_2-.Ltmp6, $4  }
0x1c1: {  	[sflag:s24] =	ssyncadd.s32 $0xFFFFFF80  }
0x1c2: {  	[tilespmem:s10], [sflag:$0x7] =	stream.indirect.gather [hbm4b:s2+s26], $0x80, s0, s26, $0xb8;
	[tilespmem:$0x18300] =	vst v63  }
0x1c3: {  	s28 =	sadd.s32 $0x1, s28;
	s18 =	simm.s32 $0x14300  }
0x1c4: {  	[tilespmem:s18], [sflag:$0x8] =	stream.indirect.gather [hbm4b:s5+s26], $0x80, s9, s26, $0xb8;
	[tilespmem:$0x18300] =	vst v63  }
.LBB2_11:
0x1c5: {  	_ =	sfence.sel $0x180000  }
0x1c6: {  	[bflag:$0x0] =	sbarrier.arrive $0xFFFF  }
0x1c7: {  	_ =	strace $0x9000004A  }
0x1c8: {  	s0 =	stileid.u32;
	[bflag:$0x2] =	sbarrier.arrive $0xFFFF  }
0x1c9: {  	p0 =	sne.s32 s0, $0x0;
	s0 =	rddreg [dreg:$0x2]  }
0x1ca: {  	s0 =	sadd.s32 @!p0 $0x100000, s0  }
0x1cb: {  	[sflag:s0] =	ssyncadd.tile.s32 @!p0 $0x1;
	_ =	shalt  }
.Lfunc_end2:
_tile_overlayer_lowered:
.L_overlay_start_2:
0x1cc: {  	(tag) =	ssettag $0x2  }
0x1cd: {  	s0 =	rddreg [dreg:$0x0];
	s2 =	stileid.u32  }
0x1ce: {  	s1 =	rddreg [dreg:$0x1];
	p0 =	sne.s32 s2, $0x0  }
0x1cf: {  	s3 =	rddreg [dreg:$0x2];
	[bflag:$0x3] =	sbarrier.arrive $0xFFFF;
	s2 =	simm.s32 @!p0 $0x1C0A  }
0x1d0: {  	[timem:s3], [sflag:s2] =	dma.local @!p0 [hbm:s0], s1  }
0x1d1: {  	s0 =	simm.s32 @!p0 $0xA  }
0x1d2: {  	_ =	swait.ge @!p0 [sflag:s0], s1  }
0x1d3: {  	s1 =	ssub.s32 @!p0 $0x0, s1;
	[sflag:s0] =	ssyncset.done @!p0 $0x0  }
0x1d4: {  	[sflag:s0] =	ssyncadd.s32 @!p0 s1  }
0x1d5: {  	[bflag:$0x3] =	sbarrier.arrive $0xFFFF  }
0x1d6: {  	_ =	shalt  }

// kernel: kernel.16.cloned.1.call-start
scs
__scs_entry_jumppad:
0x0: {  	(pc) =	sbr.rel $0x88, $3  }
0x1: {  	(tag) =	ssettag $0x0;
	lr =	simm.s32 $0x1  }
0x2: {  	[smem:$0x3F92] =	sst lr;
	_ =	strace $0xD0000000  }
0x3: {  	_ = 	snop  }
0x4: {  	_ = 	snop  }
0x5: {  	_ = 	snop  }
0x6: {  	_ = 	snop  }
0x7: {  	_ = 	snop  }
__scs_overlays_trampoline_lowered:
0x8: {  	[smem:$0x3FA1] =	sst s0  }
0x9: {  	[smem:$0x3FA2] =	sst s1  }
0xa: {  	[smem:$0x3FA3] =	sst s2  }
0xb: {  	[smem:$0x3FA4] =	sst s3  }
0xc: {  	[smem:$0x3FA5] =	sst s4  }
0xd: {  	[smem:$0x3FA6] =	sst s5  }
0xe: {  	[smem:$0x3FA7] =	sst s6  }
0xf: {  	[smem:$0x3FA8] =	sst s7  }
0x10: {  	[smem:$0x3FA9] =	sst s8  }
0x11: {  	[smem:$0x3FAA] =	sst s9;
	s0 =	simm.s32 @!p0 $0x0  }
0x12: {  	s1 =	sld [smem:$0x3F90];
	s0 =	simm.s32 @p0 $0x1  }
0x13: {  	[smem:$0x3FAB] =	sst s0;
	s0 =	simm.s32 @!p1 $0x0  }
0x14: {  	s2 =	sld [smem:$0x3F8F];
	s0 =	simm.s32 @p1 $0x1  }
0x15: {  	[smem:$0x3FAC] =	sst s0;
	s0 =	simm.s32 @!p2 $0x0  }
0x16: {  	s3 =	sld [smem:$0x3FDB];
	s0 =	simm.s32 @p2 $0x1  }
0x17: {  	s4 =	simm.s32 $0x1BF5;
	[smem:$0x3FAE] =	sst s0  }
0x18: {  	s0 =	sld [smem:$0x3F91];
	_ =	swait.ge [sflag:s4], $0x0  }
0x19: {  	s7 =	sld [smem:$0x3F92]  }
0x1a: {  	s8 =	sadd.s32 $0xFFFFE003, lr  }
0x1b: {  	s9 =	sadd.s32 $0xFFFFFEF7, lr;
	s5 =	simm.s32 $0xFFFFFFFF;
	p2 =	slt.u32 s8, $0xFFFFF086  }
0x1c: {  	p1 =	slt.u32 s9, $0xF7A;
	s5 =	simm.s32 @!p2 $0x0  }
0x1d: {  	s5 =	simm.s32 @p1 $0x1;
	p0 =	seq.s32 s7, s2  }
0x1e: {  	s7 =	smul.u32 @!p0 $0xF7A, s2;
	p2 =	seq.s32 @!p0 s5, $0x0  }
0x1f: {  	s9 =	smul.u32 $0xF7A, s1;
	s8 =	simm.s32 @!p0 $0x1BF5;
	p2 =	por !p2, p0  }
0x20: {  	[sflag:s8] =	ssyncset.s32 @!p0 $0xFFFFF086;
	s6 =	sadd.s32 @!p0 s3, s7;
	s7 =	simm.s32 @!p0 $0x108  }
0x21: {  	s3 =	sadd.s32 s3, s9;
	s6 =	sadd.s32 @!p0 $0x88, s6;
	s7 =	simm.s32 @p2 $0x1082  }
0x22: {  	[simem:s7], [sflag:s8] =	dma.local @!p0 [hbm:s6], $0xF7A  }
0x23: {  	s9 =	sor.u32 $0xD0000000, s2;
	s6 =	simm.s32 $0x108;
	_ =	swait.ge @!p0 [sflag:s8], $0x0  }
0x24: {  	s3 =	sadd.s32 $0x88, s3;
	s6 =	simm.s32 @!p1 $0x1082;
	[sflag:s4] =	ssyncset.s32 $0xFFFFF086  }
0x25: {  	[simem:s6], [sflag:s4] =	dma.local [hbm:s3], $0xF7A  }
0x26: {  	[smem:$0x3F92] =	sst s1;
	(tag) =	ssettag s2;
	_ =	strace s9  }
0x27: {  	s1 =	sld [smem:$0x3FA2]  }
0x28: {  	s2 =	sld [smem:$0x3FA3]  }
0x29: {  	s4 =	sld [smem:$0x3FA5]  }
0x2a: {  	p0 =	seq.s32 s5, $0x0;
	s5 =	sld [smem:$0x3FA6]  }
0x2b: {  	s6 =	sld [smem:$0x3FA7]  }
0x2c: {  	s7 =	sld [smem:$0x3FA8]  }
0x2d: {  	s3 =	simm.s32 $0x108;
	s8 =	sld [smem:$0x3FA9]  }
0x2e: {  	s3 =	simm.s32 @!p0 $0x1082;
	s9 =	sld [smem:$0x3FAA]  }
0x2f: {  	lr =	sadd.s32 s0, s3;
	s0 =	sld [smem:$0x3FA1]  }
0x30: {  	s3 =	sld [smem:$0x3FA4]  }
0x31: {  	[smem:$0x3FAD] =	sst s10  }
0x32: {  	s10 =	sld [smem:$0x3FAB];
	_ =	sdelay $0x3  }
0x33: {  	p0 =	seq.s32 s10, $0x1;
	s10 =	sld [smem:$0x3FAD];
	_ =	sdelay $0x3  }
0x34: {  	[smem:$0x3FAD] =	sst s10  }
0x35: {  	s10 =	sld [smem:$0x3FAC];
	_ =	sdelay $0x3  }
0x36: {  	p1 =	seq.s32 s10, $0x1;
	s10 =	sld [smem:$0x3FAD];
	_ =	sdelay $0x3  }
0x37: {  	[smem:$0x3FAD] =	sst s10  }
0x38: {  	s10 =	sld [smem:$0x3FAE]  }
0x39: {  	_ = 	snop;
	(pc) =	sbr.ind lr, $3  }
0x3a: {  	_ = 	snop  }
0x3b: {  	_ = 	snop  }
0x3c: {  	p2 =	seq.s32 s10, $0x1;
	s10 =	sld [smem:$0x3FAD]  }
0x3d: {  	_ =	shalt  }
0x3e: {  	_ =	shalt  }
0x3f: {  	_ =	shalt  }
0x40: {  	_ =	shalt  }
0x41: {  	_ =	shalt  }
0x42: {  	_ =	shalt  }
0x43: {  	_ =	shalt  }
0x44: {  	_ =	shalt  }
0x45: {  	_ =	shalt  }
0x46: {  	_ =	shalt  }
0x47: {  	_ =	shalt  }
0x48: {  	_ =	shalt  }
0x49: {  	_ =	shalt  }
0x4a: {  	_ =	shalt  }
0x4b: {  	_ =	shalt  }
0x4c: {  	_ =	shalt  }
0x4d: {  	_ =	shalt  }
0x4e: {  	_ =	shalt  }
0x4f: {  	_ =	shalt  }
0x50: {  	_ =	shalt  }
0x51: {  	_ =	shalt  }
0x52: {  	_ =	shalt  }
0x53: {  	_ =	shalt  }
0x54: {  	_ =	shalt  }
0x55: {  	_ =	shalt  }
0x56: {  	_ =	shalt  }
0x57: {  	_ =	shalt  }
0x58: {  	_ =	shalt  }
0x59: {  	_ =	shalt  }
0x5a: {  	_ =	shalt  }
0x5b: {  	_ =	shalt  }
0x5c: {  	_ =	shalt  }
0x5d: {  	_ =	shalt  }
0x5e: {  	_ =	shalt  }
0x5f: {  	_ =	shalt  }
0x60: {  	_ =	shalt  }
0x61: {  	_ =	shalt  }
0x62: {  	_ =	shalt  }
0x63: {  	_ =	shalt  }
0x64: {  	_ =	shalt  }
0x65: {  	_ =	shalt  }
0x66: {  	_ =	shalt  }
0x67: {  	_ =	shalt  }
0x68: {  	_ =	shalt  }
0x69: {  	_ =	shalt  }
0x6a: {  	_ =	shalt  }
0x6b: {  	_ =	shalt  }
0x6c: {  	_ =	shalt  }
0x6d: {  	_ =	shalt  }
0x6e: {  	_ =	shalt  }
0x6f: {  	_ =	shalt  }
0x70: {  	_ =	shalt  }
0x71: {  	_ =	shalt  }
0x72: {  	_ =	shalt  }
0x73: {  	_ =	shalt  }
0x74: {  	_ =	shalt  }
0x75: {  	_ =	shalt  }
0x76: {  	_ =	shalt  }
0x77: {  	_ =	shalt  }
0x78: {  	_ =	shalt  }
0x79: {  	_ =	shalt  }
0x7a: {  	_ =	shalt  }
0x7b: {  	_ =	shalt  }
0x7c: {  	_ =	shalt  }
0x7d: {  	_ =	shalt  }
0x7e: {  	_ =	shalt  }
0x7f: {  	_ =	shalt  }
0x80: {  	_ =	shalt  }
0x81: {  	_ =	shalt  }
0x82: {  	_ =	shalt  }
0x83: {  	_ =	shalt  }
0x84: {  	_ =	shalt  }
0x85: {  	_ =	shalt  }
0x86: {  	_ =	shalt  }
0x87: {  	_ =	shalt  }
.Lfunc_end0:
.L_simem_size_0:
called_computation.2_lowered:
.L_overlay_start_0:
0x88: {  	s2 =	sld [smem:$0x3FD9]  }
0x89: {  	s3 =	sld [smem:$0x3FFE];
	_ =	sdelay $0x1  }
0x8a: {  	s1 =	srdreg.scid  }
0x8b: {  	s0 =	sand.u32 $0x1, s1  }
0x8c: {  	s17 =	sshll.u32 s0, $0xA;
	s2 =	sadd.s32 s3, s2  }
0x8d: {  	s2 =	sadd.s32 s2, s17  }
0x8e: {  	[smem:$0x3FB9] =	sst s2  }
0x8f: {  	_ = 	snop  }
0x90: {  	(tm) =	ssettm $0x1  }
0x91: {  	s18 =	sld [smem:$0x3FFB];
	_ =	sdelay $0x3  }
0x92: {  	_ =	strace s18  }
0x93: {  	s2 =	sld [smem:$0x3FFC];
	_ =	sdelay $0x3  }
0x94: {  	_ =	strace s2  }
0x95: {  	s2 =	sld [smem:$0x3FFD];
	_ =	sdelay $0x3  }
0x96: {  	_ =	strace s2  }
0x97: {  	_ =	strace $0x8FFFFFFF  }
0x98: {  	s19 =	sld [smem:$0x3FDB];
	_ =	sdelay $0x1  }
0x99: {  	s20 =	simm.s32 $_scs_section_size  }
0x9a: {  	s4 =	simm.s32 $_size__tile_overlayer_lowered;
	s5 =	simm.s32 $_tile_overlayer_lowered  }
0x9b: {  	s6 =	simm.s32 $0x1BFF;
	s21 =	sshll.u32 s5, $0x1;
	s3 =	sadd.s32 s20, s19  }
0x9c: {  	s22 =	simm.s32 $0x0;
	s4 =	sshll.u32 s4, $0x1;
	s5 =	sadd.s32 s21, s3  }
0x9d: {  	[timem:s22], [sflag:s6] =	dma.local [hbm:s5], s4  }
0x9e: {  	_ =	swait.ge [sflag:s6], s4  }
0x9f: {  	s4 =	ssub.s32 $0x0, s4;
	[sflag:s6] =	ssyncset.done $0x0  }
0xa0: {  	[sflag:s6] =	ssyncadd.s32 s4;
	_ =	sdelay $0x1  }
0xa1: {  	s23 =	simm.s32 $0x1B8B  }
0xa2: {  	_ =	swait.ge [sflag:s23], $0x1  }
0xa3: {  	[sflag:s23] =	ssyncset.done $0x0  }
0xa4: {  	[sflag:s23] =	ssyncadd.s32 $0xFFFFFFFF  }
0xa5: {  	s4 =	sld [smem:$0x0]  }
0xa6: {  	s5 =	sand.u32 $0xFFFFFFFE, s1  }
0xa7: {  	p0 =	sne.s32 s1, s5  }
0xa8: {  	s5 =	sshll.u32 @p0 s5, $0xE  }
0xa9: {  	s5 =	sadd.s32 @p0 $0x11B8D, s5;
	s6 =	sshll.u32 @p0 s4, $0x11  }
0xaa: {  	s5 =	sor.u32 @p0 s6, s5  }
0xab: {  	[sflag:s5] =	ssyncadd.remote.s32 @p0 $0x1;
	_ =	sdelay $0x1  }
0xac: {  	s5 =	simm.s32 @p0 $0x1B8D  }
0xad: {  	_ =	swait.eq @p0 [sflag:s5], $0x1  }
0xae: {  	[sflag:s5] =	ssyncadd.s32 @p0 $0xFFFFFFFF  }
0xaf: {  	s6 =	sshll.u32 @!p0 s1, $0xE  }
0xb0: {  	s6 =	sor.u32 @!p0 $0x4000, s6;
	s5 =	simm.s32 @!p0 $0x1B8D  }
0xb1: {  	s4 =	sshll.u32 @!p0 s4, $0x11;
	s6 =	sadd.s32 @!p0 $0x11B8D, s6;
	_ =	swait.eq @!p0 [sflag:s5], $0x1  }
0xb2: {  	s4 =	sor.u32 @!p0 s4, s6;
	[sflag:s5] =	ssyncadd.s32 @!p0 $0xFFFFFFFF  }
0xb3: {  	s25 =	simm.s32 $0x1B8E;
	s24 =	sld [smem:$0x3FFE];
	[sflag:s4] =	ssyncadd.remote.s32 @!p0 $0x1  }
0xb4: {  	s26 =	simm.s32 $execute0_lowered;
	[smem:$0x3FD2] =	sst s25  }
0xb5: {  	s5 =	sshll.u32 s26, $0x1;
	_ =	strace $0x8000004C;
	[dreg:$0x1] =	wrdreg $0xFFFFFFFF  }
0xb6: {  	s28 =	simm.s32 $_size_execute0_lowered;
	s3 =	sadd.s32 s3, s5;
	[dreg:$0x0] =	wrdreg $0x0  }
0xb7: {  	s5 =	sshll.u32 s28, $0x1;
	[dreg:$0x2] =	wrdreg s3  }
0xb8: {  	[dreg:$0x3] =	wrdreg s5  }
0xb9: {  	[dreg:$0x4] =	wrdreg $0xC0  }
0xba: {  	_ =	task [dreg:s22], $0x5FFFF  }
0xbb: {  	[dreg:$0x1] =	wrdreg $0xFFFFFFFF  }
0xbc: {  	[dreg:$0x0] =	wrdreg $0x60  }
0xbd: {  	[dreg:$0x2] =	wrdreg s24  }
0xbe: {  	[dreg:$0x3] =	wrdreg $0xC1000  }
0xbf: {  	[dreg:$0x4] =	wrdreg $0xA  }
0xc0: {  	_ =	task.clear_ibuf [dreg:s22], $0x5FFFF;
	_ =	strace $0x9000004C  }
0xc1: {  	s29 =	simm.s32 $0xA;
	_ =	strace $0x8000004E  }
0xc2: {  	_ =	swait.ge [sflag:s29], $0x1  }
0xc3: {  	[sflag:s29] =	ssyncadd.s32 $0xFFFFFFFF  }
0xc4: {  	_ =	strace $0x9000004E  }
0xc5: {  	_ =	sfence  }
0xc6: {  	s30 =	sld [smem:$0x0];
	_ =	sdelay $0x2  }
0xc7: {  	s31 =	sshll.u32 s1, $0xD;
	s1 =	sshrl.u32 s1, $0x2  }
0xc8: {  	s4 =	sand.u32 $0x4000, s31;
	s1 =	sadd.s32 s1, s30  }
0xc9: {  	s0 =	sor.u32 s4, s0;
	s1 =	sshll.u32 s1, $0x11  }
0xca: {  	s0 =	sor.u32 s1, s0  }
0xcb: {  	s0 =	sadd.s32 $0x8F2B, s0  }
0xcc: {  	[sflag:s0] =	ssyncadd.remote.s32 $0x1  }
0xcd: {  	_ =	sfence.sel $0xFFFF  }
0xce: {  	[dreg:$0x0] =	wrdreg $0xFFFFFFFF;
	(pc) =	sbr.abs _section_cstart, $3  }
0xcf: {  	[dreg:$0x1] =	wrdreg $0xFFFFFFFF  }
0xd0: {  	_ =	task.clear_ibuf [dreg:s22], $0x2FFFF;
	_ =	strace $0x9FFFFFFF  }
0xd1: {  	(tm) =	ssettm $0x7FFFFFFF  }
tec
execute0_lowered:
.L_overlay_start_1:
0x0: {  	(tag) =	ssettag $0x1  }
0x1: {  	s0 =	rddreg [dreg:$0x0]  }
0x2: {  	s1 =	rddreg [dreg:$0x1]  }
0x3: {  	s2 =	srdreg.scid;
	s3 =	simm.s32 $0x0;
	s14 =	stileid.u32  }
0x4: {  	s28 =	simm.s32 $0x80;
	s29 =	simm.s32 $0x4080;
	s6 =	smul.u32 $0x14000, s14  }
0x5: {  	s30 =	simm.s32 $0x4100;
	s31 =	simm.s32 $0x8100;
	s9 =	smul.u32 $0x4E200, s14  }
0x6: {  	s2 =	sand.u32 $0x1, s2;
	[smem:$0x7FF] =	sst s3;
	s24 =	smul.u32 $0x27100, s14  }
0x7: {  	s7 =	sadd.s32 $0x520600, s0;
	s8 =	sshll.u32 s14, $0x1;
	s5 =	smul.u32 $0x140000, s2  }
0x8: {  	s4 =	sadd.s32 $0xD600, s0;
	_ =	strace $0x8000004D;
	s15 =	smul.u32 $0x1388, s2  }
0x9: {  	s16 =	sor.u32 s2, s8;
	s17 =	ssub.s32 $0x2, s2;
	s2 =	smul.u32 $0x13880, s2  }
0xa: {  	s13 =	smul.u32 $0x1388, s16;
	s18 =	sshrl.u32 s17, $0x1;
	s9 =	sshrl.u32 s9, $0x2  }
0xb: {  	s5 =	sadd.s32 s6, s5;
	s6 =	smul.u32 $0x13880, s16;
	s9 =	sadd.s32 s9, s1  }
0xc: {  	s16 =	smul.u32 $0x2710, s14;
	s5 =	sshrl.u32 s5, $0x3;
	s19 =	sshrl.u32 s13, $0x3  }
0xd: {  	s20 =	sadd.s32 $0x80, s13;
	s10 =	sadd.s32 $0x3E80, s9;
	s11 =	sadd.s32 $0x7D00, s9  }
0xe: {  	s22 =	sadd.s32 $0x1380, s13;
	s12 =	sadd.s32 $0xBB80, s9;
	s26 =	sadd.s32 $0x1300, s13  }
0xf: {  	s13 =	simm.s32 $0x6;
	s0 =	sadd.s32 s5, s0;
	s8 =	sadd.s32 s4, s19  }
0x10: {  	s6 =	sadd.s32 s7, s6;
	s21 =	sshrl.u32 s20, $0x3;
	[dreg:$0x3] =	wrdreg s8  }
0x11: {  	s5 =	ssub.s32 s17, s18;
	[dreg:$0x4] =	wrdreg s6;
	s8 =	sadd.s32 s4, s21  }
0x12: {  	s23 =	sshrl.u32 s22, $0x3;
	s25 =	sadd.s32 $0x3E600, s0;
	[dreg:$0x5] =	wrdreg s8  }
0x13: {  	s18 =	sshll.u32 s26, $0x4;
	s17 =	sadd.s32 $0x3EE00, s0;
	[dreg:$0x9] =	wrdreg s25  }
0x14: {  	s26 =	sshrl.u32 s26, $0x3;
	s14 =	sadd.s32 s7, s18;
	[dreg:$0xa] =	wrdreg s17  }
0x15: {  	s6 =	sshll.u32 s20, $0x4;
	s19 =	sadd.s32 $0x3F600, s0;
	[dreg:$0xb] =	wrdreg s14  }
0x16: {  	s20 =	sadd.s32 s15, s16;
	s6 =	sadd.s32 s7, s6;
	[dreg:$0xc] =	wrdreg s19  }
0x17: {  	s21 =	smax.u32 s5, $0x1;
	s8 =	sadd.s32 s4, s23;
	[dreg:$0x6] =	wrdreg s6  }
0x18: {  	s5 =	simm.s32 $0x2;
	s23 =	sadd.s32 $0x3FE00, s0;
	[dreg:$0x7] =	wrdreg s8  }
0x19: {  	s0 =	sadd.s32 $0x40600, s0;
	s25 =	sadd.s32 $0x180, s20;
	[dreg:$0xd] =	wrdreg s23  }
0x1a: {  	s14 =	simm.s32 $0x0;
	s6 =	sshll.u32 s22, $0x4;
	[dreg:$0xe] =	wrdreg s0  }
0x1b: {  	s22 =	sadd.s32 s4, s26;
	s26 =	sadd.s32 $0xFA00, s9;
	s6 =	sadd.s32 s7, s6  }
0x1c: {  	s0 =	simm.s32 $0x5;
	[dreg:$0x8] =	wrdreg s6;
	s6 =	sadd.s32 s24, s7  }
0x1d: {  	s8 =	simm.s32 $0x1F980;
	s7 =	simm.s32 $0x4;
	s24 =	sadd.s32 s2, s6  }
0x1e: {  	s2 =	sshrl.u32 s25, $0x3;
	s25 =	sadd.s32 $0x100, s20;
	s6 =	simm.s32 $0x3  }
0x1f: {  	v0 =	vimm.f32 $0.0e+00;
	s18 =	sadd.s32 $0x1800, s24;
	s24 =	sadd.s32 s2, s4;
	s2 =	simm.s32 $0x1  }
.LBB2_1:
0x20: {  	s15 =	rddreg [dreg:$0x3]  }
0x21: {  	s17 =	rddreg [dreg:$0x4]  }
0x22: {  	[tilespmem:s3], [sflag:$0x1] =	stream.linear.gather [hbm4b:s15+s3], $0x80, $0x38;
	[tilespmem:$0x1FA00] =	vst v63  }
0x23: {  	s19 =	rddreg [dreg:$0x5];
	s23 =	sand.u32 $0xFE00, s3  }
0x24: {  	[tilespmem:s28], [sflag:$0x1] =	stream.linear.gather [hbm4b:s17+s3], $0x4000, $0x38;
	[tilespmem:$0x1FA00] =	vst v63  }
0x25: {  	s20 =	rddreg [dreg:$0x6];
	s16 =	sand.u32 $0x70, s3;
	s17 =	sshrl.u32 s23, $0x2  }
0x26: {  	[tilespmem:s29], [sflag:$0x2] =	stream.linear.gather [hbm4b:s19+s3], $0x80, $0x38;
	[tilespmem:$0x1FA00] =	vst v63  }
0x27: {  	s15 =	simm.s32 $0x40;
	s17 =	sor.u32 s16, s17;
	s16 =	simm.s32 $0x0  }
0x28: {  	[tilespmem:s30], [sflag:$0x2] =	stream.linear.gather [hbm4b:s20+s3], $0x4000, $0x38;
	[tilespmem:$0x1FA00] =	vst v63  }
.LBB2_2:
0x29: {  	p0 =	sne.s32 s15, $0xF9C0  }
0x2a: {  	[tilespmem:s17+$0x8100] =	vst v0;
	s16 =	sadd.s32 $0x10, s16;
	s17 =	smov.u32 s15;
	s15 =	sadd.s32 $0x40, s15  }
.Ltmp0:
0x2b: {  	(pc) =	sbr.rel @p0 .LBB2_2-.Ltmp0, $4  }
0x2c: {  	_ = 	snop  }
0x2d: {  	s17 =	sand.u32 $0xFE00, s17  }
0x2e: {  	s23 =	sand.u32 $0x70, s16;
	s17 =	sshrl.u32 s17, $0x2  }
0x2f: {  	s17 =	sor.u32 s23, s17  }
0x30: {  	[tilespmem:s17+$0x8100] =	vst v0  }
0x31: {  	[spmem:s9] =	stream.linear.scatter [tilespmem:s31], [sflag:$0x5], $0x3E80, $0x38;
	[tilespmem:$0x1FA00] =	vst v63  }
0x32: {  	_ = 	snop  }
0x33: {  	[spmem:s10] =	stream.linear.scatter [tilespmem:s31], [sflag:$0x5], $0x3E80, $0x38;
	[tilespmem:$0x1FA00] =	vst v63  }
0x34: {  	_ = 	snop  }
0x35: {  	[spmem:s11] =	stream.linear.scatter [tilespmem:s31], [sflag:$0x5], $0x3E80, $0x38;
	[tilespmem:$0x1FA00] =	vst v63  }
0x36: {  	_ = 	snop  }
0x37: {  	[spmem:s12] =	stream.linear.scatter [tilespmem:s31], [sflag:$0x5], $0x3E80, $0x38;
	[tilespmem:$0x1FA00] =	vst v63  }
0x38: {  	_ = 	snop  }
0x39: {  	[spmem:s26] =	stream.linear.scatter [tilespmem:s31], [sflag:$0x5], $0x3E80, $0x38;
	[tilespmem:$0x1FA00] =	vst v63  }
0x3a: {  	_ =	swait.ge [sflag:s0], $0x3E80  }
0x3b: {  	[sflag:s0] =	ssyncset.done $0x0  }
0x3c: {  	[sflag:s0] =	ssyncadd.s32 $0xFFFFC180  }
0x3d: {  	_ =	swait.ge [sflag:s0], $0x3E80  }
0x3e: {  	[sflag:s0] =	ssyncset.done $0x0  }
0x3f: {  	[sflag:s0] =	ssyncadd.s32 $0xFFFFC180  }
0x40: {  	_ =	swait.ge [sflag:s0], $0x3E80  }
0x41: {  	[sflag:s0] =	ssyncset.done $0x0  }
0x42: {  	[sflag:s0] =	ssyncadd.s32 $0xFFFFC180  }
0x43: {  	_ =	swait.ge [sflag:s0], $0x3E80  }
0x44: {  	[sflag:s0] =	ssyncset.done $0x0  }
0x45: {  	[sflag:s0] =	ssyncadd.s32 $0xFFFFC180  }
0x46: {  	_ =	swait.ge [sflag:s0], $0x3E80  }
0x47: {  	[sflag:s0] =	ssyncset.done $0x0  }
0x48: {  	[sflag:s0] =	ssyncadd.s32 $0xFFFFC180  }
0x49: {  	[bflag:$0x0] =	sbarrier.arrive $0xFFFF  }
0x4a: {  	_ =	swait.ge [sflag:s2], $0x80  }
0x4b: {  	[sflag:s2] =	ssyncset.done $0x0  }
0x4c: {  	[sflag:s2] =	ssyncadd.s32 $0xFFFFFF80  }
0x4d: {  	_ =	swait.ge [sflag:s2], $0x4000  }
0x4e: {  	[sflag:s2] =	ssyncset.done $0x0  }
0x4f: {  	[sflag:s2] =	ssyncadd.s32 $0xFFFFC000  }
0x50: {  	[spmem:s1] =	stream.indirect.scatter.add.f32 [tilespmem:s28], [sflag:$0x3], $0x80, s3, s28, $0xb8;
	[tilespmem:$0x1FA00] =	vst v63  }
0x51: {  	_ =	swait.ge [sflag:s5], $0x80  }
0x52: {  	[sflag:s5] =	ssyncset.done $0x0  }
0x53: {  	[sflag:s5] =	ssyncadd.s32 $0xFFFFFF80  }
0x54: {  	_ =	swait.ge [sflag:s5], $0x4000  }
0x55: {  	[sflag:s5] =	ssyncset.done $0x0  }
0x56: {  	[sflag:s5] =	ssyncadd.s32 $0xFFFFC000  }
0x57: {  	[spmem:s1] =	stream.indirect.scatter.add.f32 [tilespmem:s30], [sflag:$0x4], $0x80, s29, s28, $0xb8;
	[tilespmem:$0x1FA00] =	vst v63  }
0x58: {  	_ =	swait.ge [sflag:s6], $0x4000  }
0x59: {  	s15 =	sshrl.u32 s25, $0x3;
	[sflag:s6] =	ssyncset.done $0x0  }
0x5a: {  	s15 =	sadd.s32 s4, s15;
	[sflag:s6] =	ssyncadd.s32 $0xFFFFC000  }
0x5b: {  	[tilespmem:s3], [sflag:$0x1] =	stream.linear.gather [hbm4b:s15+s3], $0x80, $0x38;
	[tilespmem:$0x1FA00] =	vst v63  }
0x5c: {  	s20 =	sadd.s32 $0xFFFFF800, s18  }
0x5d: {  	[tilespmem:s28], [sflag:$0x1] =	stream.linear.gather [hbm4b:s20+s3], $0x4000, $0x38;
	[tilespmem:$0x1FA00] =	vst v63  }
0x5e: {  	_ =	swait.ge [sflag:s7], $0x4000  }
0x5f: {  	[sflag:s7] =	ssyncset.done $0x0  }
0x60: {  	s23 =	sadd.s32 $0x0, s24;
	s16 =	sadd.s32 $0x1000, s18;
	[sflag:s7] =	ssyncadd.s32 $0xFFFFC000  }
0x61: {  	[tilespmem:s29], [sflag:$0x2] =	stream.linear.gather [hbm4b:s23+s3], $0x80, $0x38;
	[tilespmem:$0x1FA00] =	vst v63  }
0x62: {  	s17 =	sadd.s32 $0x100, s25;
	s15 =	simm.s32 $0x20;
	s23 =	smov.u32 s18  }
.LBB2_4:
0x63: {  	[tilespmem:s30], [sflag:$0x2] =	stream.linear.gather [hbm4b:s23+s3], $0x4000, $0x38;
	[tilespmem:$0x1FA00] =	vst v63  }
0x64: {  	s19 =	smov.u32 s15;
	s23 =	smov.u32 s16  }
0x65: {  	p0 =	sne.s32 s15, $0x220;
	s15 =	sadd.s32 $0x20, s15;
	_ =	swait.ge [sflag:s2], $0x80  }
0x66: {  	[sflag:s2] =	ssyncset.done $0x0  }
0x67: {  	[sflag:s2] =	ssyncadd.s32 $0xFFFFFF80  }
0x68: {  	_ =	swait.ge [sflag:s2], $0x4000  }
0x69: {  	[sflag:s2] =	ssyncset.done $0x0  }
0x6a: {  	[sflag:s2] =	ssyncadd.s32 $0xFFFFC000  }
0x6b: {  	[spmem:s1] =	stream.indirect.scatter.add.f32 [tilespmem:s28], [sflag:$0x3], $0x80, s3, s28, $0xb8;
	[tilespmem:$0x1FA00] =	vst v63  }
0x6c: {  	_ =	swait.ge [sflag:s5], $0x80  }
0x6d: {  	[sflag:s5] =	ssyncset.done $0x0  }
0x6e: {  	[sflag:s5] =	ssyncadd.s32 $0xFFFFFF80  }
0x6f: {  	_ =	swait.ge [sflag:s5], $0x4000  }
0x70: {  	[sflag:s5] =	ssyncset.done $0x0  }
0x71: {  	[sflag:s5] =	ssyncadd.s32 $0xFFFFC000  }
0x72: {  	[spmem:s1] =	stream.indirect.scatter.add.f32 [tilespmem:s30], [sflag:$0x4], $0x80, s29, s28, $0xb8;
	[tilespmem:$0x1FA00] =	vst v63  }
0x73: {  	_ =	swait.ge [sflag:s6], $0x4000  }
0x74: {  	s20 =	sshrl.u32 s17, $0x3;
	[sflag:s6] =	ssyncset.done $0x0  }
0x75: {  	s20 =	sadd.s32 s4, s20;
	[sflag:s6] =	ssyncadd.s32 $0xFFFFC000  }
0x76: {  	[tilespmem:s3], [sflag:$0x1] =	stream.linear.gather [hbm4b:s20+s3], $0x80, $0x38;
	[tilespmem:$0x1FA00] =	vst v63  }
0x77: {  	s20 =	sadd.s32 $0xFFFFF800, s16  }
0x78: {  	[tilespmem:s28], [sflag:$0x1] =	stream.linear.gather [hbm4b:s20+s3], $0x4000, $0x38;
	[tilespmem:$0x1FA00] =	vst v63  }
.Ltmp1:
0x79: {  	_ =	swait.ge [sflag:s7], $0x4000;
	(pc) =	sbr.rel @p0 .LBB2_4-.Ltmp1, $4  }
0x7a: {  	[sflag:s7] =	ssyncset.done $0x0  }
0x7b: {  	s19 =	sadd.s32 s19, s24;
	[sflag:s7] =	ssyncadd.s32 $0xFFFFC000  }
0x7c: {  	[tilespmem:s29], [sflag:$0x2] =	stream.linear.gather [hbm4b:s19+s3], $0x80, $0x38;
	[tilespmem:$0x1FA00] =	vst v63  }
0x7d: {  	s17 =	sadd.s32 $0x100, s17;
	s16 =	sadd.s32 $0x1000, s16  }
0x7e: {  	[tilespmem:s30], [sflag:$0x2] =	stream.linear.gather [hbm4b:s23+s3], $0x4000, $0x38;
	[tilespmem:$0x1FA00] =	vst v63  }
0x7f: {  	_ =	swait.ge [sflag:s2], $0x80  }
0x80: {  	[sflag:s2] =	ssyncset.done $0x0  }
0x81: {  	[sflag:s2] =	ssyncadd.s32 $0xFFFFFF80  }
0x82: {  	_ =	swait.ge [sflag:s2], $0x4000  }
0x83: {  	[sflag:s2] =	ssyncset.done $0x0  }
0x84: {  	[sflag:s2] =	ssyncadd.s32 $0xFFFFC000  }
0x85: {  	[spmem:s1] =	stream.indirect.scatter.add.f32 [tilespmem:s28], [sflag:$0x3], $0x80, s3, s28, $0xb8;
	[tilespmem:$0x1FA00] =	vst v63  }
0x86: {  	_ =	swait.ge [sflag:s5], $0x80  }
0x87: {  	[sflag:s5] =	ssyncset.done $0x0  }
0x88: {  	[sflag:s5] =	ssyncadd.s32 $0xFFFFFF80  }
0x89: {  	_ =	swait.ge [sflag:s5], $0x4000  }
0x8a: {  	[sflag:s5] =	ssyncset.done $0x0  }
0x8b: {  	[sflag:s5] =	ssyncadd.s32 $0xFFFFC000  }
0x8c: {  	[spmem:s1] =	stream.indirect.scatter.add.f32 [tilespmem:s30], [sflag:$0x4], $0x80, s29, s28, $0xb8;
	[tilespmem:$0x1FA00] =	vst v63  }
0x8d: {  	_ =	swait.ge [sflag:s6], $0x4000  }
0x8e: {  	[sflag:s6] =	ssyncset.done $0x0  }
0x8f: {  	[sflag:s6] =	ssyncadd.s32 $0xFFFFC000  }
0x90: {  	[tilespmem:s3], [sflag:$0x1] =	stream.linear.gather [hbm4b:s22+s3], $0x80, $0x38;
	[tilespmem:$0x1FA00] =	vst v63  }
0x91: {  	s15 =	rddreg [dreg:$0xb]  }
0x92: {  	[tilespmem:s28], [sflag:$0x1] =	stream.linear.gather [hbm4b:s15+s3], $0x4000, $0x38;
	[tilespmem:$0x1FA00] =	vst v63  }
0x93: {  	_ =	swait.ge [sflag:s7], $0x4000  }
0x94: {  	[sflag:s7] =	ssyncset.done $0x0  }
0x95: {  	[sflag:s7] =	ssyncadd.s32 $0xFFFFC000  }
0x96: {  	_ =	swait.ge [sflag:s2], $0x80  }
0x97: {  	[sflag:s2] =	ssyncset.done $0x0  }
0x98: {  	[sflag:s2] =	ssyncadd.s32 $0xFFFFFF80  }
0x99: {  	_ =	swait.ge [sflag:s2], $0x4000  }
0x9a: {  	[sflag:s2] =	ssyncset.done $0x0  }
0x9b: {  	[sflag:s2] =	ssyncadd.s32 $0xFFFFC000  }
0x9c: {  	[spmem:s1] =	stream.indirect.scatter.add.f32 [tilespmem:s28], [sflag:$0x3], $0x80, s3, s28, $0xb8;
	[tilespmem:$0x1FA00] =	vst v63  }
0x9d: {  	_ =	swait.ge [sflag:s6], $0x4000  }
0x9e: {  	[sflag:s6] =	ssyncset.done $0x0  }
0x9f: {  	s19 =	rddreg [dreg:$0x7];
	[sflag:s6] =	ssyncadd.s32 $0xFFFFC000  }
0xa0: {  	[tilespmem:s8], [sflag:$0x6] =	stream.linear.gather [hbm4b:s19+s3], $0x8, $0x38;
	[tilespmem:$0x1FA00] =	vst v63  }
0xa1: {  	_ =	swait.ge [sflag:s13], $0x8  }
0xa2: {  	[sflag:s13] =	ssyncset.done $0x0  }
0xa3: {  	s20 =	rddreg [dreg:$0x8];
	[sflag:s13] =	ssyncadd.s32 $0xFFFFFFF8  }
0xa4: {  	[tilespmem:s28], [sflag:$0x6] =	stream.linear.gather [hbm4b:s20+s3], $0x400, $0x38;
	[tilespmem:$0x1FA00] =	vst v63  }
0xa5: {  	_ =	swait.ge [sflag:s13], $0x400  }
0xa6: {  	[sflag:s13] =	ssyncset.done $0x0  }
0xa7: {  	s23 =	simm.s32 $0x8;
	[sflag:s13] =	ssyncadd.s32 $0xFFFFFC00  }
0xa8: {  	[spmem:s1] =	stream.indirect.scatter.add.f32 [tilespmem:s28], [sflag:$0x6], $0x80, s8, s23, $0xb8;
	[tilespmem:$0x1FA00] =	vst v63  }
0xa9: {  	_ =	swait.ge [sflag:s13], $0x400  }
0xaa: {  	[sflag:s13] =	ssyncset.done $0x0  }
0xab: {  	[sflag:s13] =	ssyncadd.s32 $0xFFFFFC00  }
0xac: {  	[bflag:$0x0] =	sbarrier.arrive $0xFFFF  }
0xad: {  	[tilespmem:s31], [sflag:$0x6] =	stream.linear.gather [spmem:s9], $0x3E80, $0x38;
	[tilespmem:$0x1FA00] =	vst v63  }
0xae: {  	_ =	swait.ge [sflag:s13], $0x3E80  }
0xaf: {  	[sflag:s13] =	ssyncset.done $0x0  }
0xb0: {  	s16 =	rddreg [dreg:$0x9];
	[sflag:s13] =	ssyncadd.s32 $0xFFFFC180  }
0xb1: {  	[hbm4b:s16+s3] =	stream.linear.scatter [tilespmem:s31], [sflag:$0x6], $0x3E80, $0x38;
	[tilespmem:$0x1FA00] =	vst v63  }
0xb2: {  	_ =	swait.ge [sflag:s13], $0x3E80  }
0xb3: {  	[sflag:s13] =	ssyncset.done $0x0  }
0xb4: {  	[sflag:s13] =	ssyncadd.s32 $0xFFFFC180  }
0xb5: {  	[tilespmem:s31], [sflag:$0x6] =	stream.linear.gather [spmem:s10], $0x3E80, $0x38;
	[tilespmem:$0x1FA00] =	vst v63  }
0xb6: {  	_ =	swait.ge [sflag:s13], $0x3E80  }
0xb7: {  	[sflag:s13] =	ssyncset.done $0x0  }
0xb8: {  	s17 =	rddreg [dreg:$0xa];
	[sflag:s13] =	ssyncadd.s32 $0xFFFFC180  }
0xb9: {  	[hbm4b:s17+s3] =	stream.linear.scatter [tilespmem:s31], [sflag:$0x6], $0x3E80, $0x38;
	[tilespmem:$0x1FA00] =	vst v63  }
0xba: {  	_ =	swait.ge [sflag:s13], $0x3E80  }
0xbb: {  	[sflag:s13] =	ssyncset.done $0x0  }
0xbc: {  	[sflag:s13] =	ssyncadd.s32 $0xFFFFC180  }
0xbd: {  	[tilespmem:s31], [sflag:$0x6] =	stream.linear.gather [spmem:s11], $0x3E80, $0x38;
	[tilespmem:$0x1FA00] =	vst v63  }
0xbe: {  	_ =	swait.ge [sflag:s13], $0x3E80  }
0xbf: {  	[sflag:s13] =	ssyncset.done $0x0  }
0xc0: {  	s19 =	rddreg [dreg:$0xc];
	[sflag:s13] =	ssyncadd.s32 $0xFFFFC180  }
0xc1: {  	[hbm4b:s19+s3] =	stream.linear.scatter [tilespmem:s31], [sflag:$0x6], $0x3E80, $0x38;
	[tilespmem:$0x1FA00] =	vst v63  }
0xc2: {  	_ =	swait.ge [sflag:s13], $0x3E80  }
0xc3: {  	[sflag:s13] =	ssyncset.done $0x0  }
0xc4: {  	[sflag:s13] =	ssyncadd.s32 $0xFFFFC180  }
0xc5: {  	[tilespmem:s31], [sflag:$0x6] =	stream.linear.gather [spmem:s12], $0x3E80, $0x38;
	[tilespmem:$0x1FA00] =	vst v63  }
0xc6: {  	_ =	swait.ge [sflag:s13], $0x3E80  }
0xc7: {  	[sflag:s13] =	ssyncset.done $0x0  }
0xc8: {  	s20 =	rddreg [dreg:$0xd];
	[sflag:s13] =	ssyncadd.s32 $0xFFFFC180  }
0xc9: {  	[hbm4b:s20+s3] =	stream.linear.scatter [tilespmem:s31], [sflag:$0x6], $0x3E80, $0x38;
	[tilespmem:$0x1FA00] =	vst v63  }
0xca: {  	_ =	swait.ge [sflag:s13], $0x3E80  }
0xcb: {  	[sflag:s13] =	ssyncset.done $0x0  }
0xcc: {  	[sflag:s13] =	ssyncadd.s32 $0xFFFFC180  }
0xcd: {  	[tilespmem:s31], [sflag:$0x6] =	stream.linear.gather [spmem:s26], $0x3E80, $0x38;
	[tilespmem:$0x1FA00] =	vst v63  }
0xce: {  	s14 =	sadd.s32 $0x1, s14;
	_ =	swait.ge [sflag:s13], $0x3E80  }
0xcf: {  	p0 =	sne.s32 s14, s21;
	[sflag:s13] =	ssyncset.done $0x0  }
.Ltmp2:
0xd0: {  	s23 =	rddreg [dreg:$0xe];
	[sflag:s13] =	ssyncadd.s32 $0xFFFFC180;
	(pc) =	sbr.rel @p0 .LBB2_1-.Ltmp2, $4  }
0xd1: {  	[hbm4b:s23+s3] =	stream.linear.scatter [tilespmem:s31], [sflag:$0x6], $0x3E80, $0x38;
	[tilespmem:$0x1FA00] =	vst v63  }
0xd2: {  	_ =	swait.ge [sflag:s13], $0x3E80  }
0xd3: {  	[sflag:s13] =	ssyncset.done $0x0  }
0xd4: {  	[sflag:s13] =	ssyncadd.s32 $0xFFFFC180  }
0xd5: {  	_ =	sfence.sel $0x180000  }
0xd6: {  	[bflag:$0x0] =	sbarrier.arrive $0xFFFF  }
0xd7: {  	_ =	strace $0x9000004D  }
0xd8: {  	s0 =	stileid.u32;
	[bflag:$0x2] =	sbarrier.arrive $0xFFFF  }
0xd9: {  	p0 =	sne.s32 s0, $0x0;
	s0 =	rddreg [dreg:$0x2]  }
0xda: {  	s0 =	sadd.s32 @!p0 $0x100000, s0  }
0xdb: {  	[sflag:s0] =	ssyncadd.tile.s32 @!p0 $0x1;
	_ =	shalt  }
.Lfunc_end2:
_tile_overlayer_lowered:
.L_overlay_start_2:
0xdc: {  	(tag) =	ssettag $0x2  }
0xdd: {  	s0 =	rddreg [dreg:$0x0];
	s2 =	stileid.u32  }
0xde: {  	s1 =	rddreg [dreg:$0x1];
	p0 =	sne.s32 s2, $0x0  }
0xdf: {  	s3 =	rddreg [dreg:$0x2];
	[bflag:$0x3] =	sbarrier.arrive $0xFFFF;
	s2 =	simm.s32 @!p0 $0x1C06  }
0xe0: {  	[timem:s3], [sflag:s2] =	dma.local @!p0 [hbm:s0], s1  }
0xe1: {  	s0 =	simm.s32 @!p0 $0x6  }
0xe2: {  	_ =	swait.ge @!p0 [sflag:s0], s1  }
0xe3: {  	s1 =	ssub.s32 @!p0 $0x0, s1;
	[sflag:s0] =	ssyncset.done @!p0 $0x0  }
0xe4: {  	[sflag:s0] =	ssyncadd.s32 @!p0 s1  }
0xe5: {  	[bflag:$0x3] =	sbarrier.arrive $0xFFFF  }
0xe6: {  	_ =	shalt  }

// kernel: kernel.19.cloned.1.call-start
scs
__scs_entry_jumppad:
0x0: {  	(pc) =	sbr.rel $0x88, $3  }
0x1: {  	(tag) =	ssettag $0x0;
	lr =	simm.s32 $0x1  }
0x2: {  	[smem:$0x3F92] =	sst lr;
	_ =	strace $0xD0000000  }
0x3: {  	_ = 	snop  }
0x4: {  	_ = 	snop  }
0x5: {  	_ = 	snop  }
0x6: {  	_ = 	snop  }
0x7: {  	_ = 	snop  }
__scs_overlays_trampoline_lowered:
0x8: {  	[smem:$0x3FA1] =	sst s0  }
0x9: {  	[smem:$0x3FA2] =	sst s1  }
0xa: {  	[smem:$0x3FA3] =	sst s2  }
0xb: {  	[smem:$0x3FA4] =	sst s3  }
0xc: {  	[smem:$0x3FA5] =	sst s4  }
0xd: {  	[smem:$0x3FA6] =	sst s5  }
0xe: {  	[smem:$0x3FA7] =	sst s6  }
0xf: {  	[smem:$0x3FA8] =	sst s7  }
0x10: {  	[smem:$0x3FA9] =	sst s8  }
0x11: {  	[smem:$0x3FAA] =	sst s9;
	s0 =	simm.s32 @!p0 $0x0  }
0x12: {  	s1 =	sld [smem:$0x3F90];
	s0 =	simm.s32 @p0 $0x1  }
0x13: {  	[smem:$0x3FAB] =	sst s0;
	s0 =	simm.s32 @!p1 $0x0  }
0x14: {  	s2 =	sld [smem:$0x3F8F];
	s0 =	simm.s32 @p1 $0x1  }
0x15: {  	[smem:$0x3FAC] =	sst s0;
	s0 =	simm.s32 @!p2 $0x0  }
0x16: {  	s3 =	sld [smem:$0x3FDB];
	s0 =	simm.s32 @p2 $0x1  }
0x17: {  	s4 =	simm.s32 $0x1BF5;
	[smem:$0x3FAE] =	sst s0  }
0x18: {  	s0 =	sld [smem:$0x3F91];
	_ =	swait.ge [sflag:s4], $0x0  }
0x19: {  	s7 =	sld [smem:$0x3F92]  }
0x1a: {  	s8 =	sadd.s32 $0xFFFFE003, lr  }
0x1b: {  	s9 =	sadd.s32 $0xFFFFFEF7, lr;
	s5 =	simm.s32 $0xFFFFFFFF;
	p2 =	slt.u32 s8, $0xFFFFF086  }
0x1c: {  	p1 =	slt.u32 s9, $0xF7A;
	s5 =	simm.s32 @!p2 $0x0  }
0x1d: {  	s5 =	simm.s32 @p1 $0x1;
	p0 =	seq.s32 s7, s2  }
0x1e: {  	s7 =	smul.u32 @!p0 $0xF7A, s2;
	p2 =	seq.s32 @!p0 s5, $0x0  }
0x1f: {  	s9 =	smul.u32 $0xF7A, s1;
	s8 =	simm.s32 @!p0 $0x1BF5;
	p2 =	por !p2, p0  }
0x20: {  	[sflag:s8] =	ssyncset.s32 @!p0 $0xFFFFF086;
	s6 =	sadd.s32 @!p0 s3, s7;
	s7 =	simm.s32 @!p0 $0x108  }
0x21: {  	s3 =	sadd.s32 s3, s9;
	s6 =	sadd.s32 @!p0 $0x88, s6;
	s7 =	simm.s32 @p2 $0x1082  }
0x22: {  	[simem:s7], [sflag:s8] =	dma.local @!p0 [hbm:s6], $0xF7A  }
0x23: {  	s9 =	sor.u32 $0xD0000000, s2;
	s6 =	simm.s32 $0x108;
	_ =	swait.ge @!p0 [sflag:s8], $0x0  }
0x24: {  	s3 =	sadd.s32 $0x88, s3;
	s6 =	simm.s32 @!p1 $0x1082;
	[sflag:s4] =	ssyncset.s32 $0xFFFFF086  }
0x25: {  	[simem:s6], [sflag:s4] =	dma.local [hbm:s3], $0xF7A  }
0x26: {  	[smem:$0x3F92] =	sst s1;
	(tag) =	ssettag s2;
	_ =	strace s9  }
0x27: {  	s1 =	sld [smem:$0x3FA2]  }
0x28: {  	s2 =	sld [smem:$0x3FA3]  }
0x29: {  	s4 =	sld [smem:$0x3FA5]  }
0x2a: {  	p0 =	seq.s32 s5, $0x0;
	s5 =	sld [smem:$0x3FA6]  }
0x2b: {  	s6 =	sld [smem:$0x3FA7]  }
0x2c: {  	s7 =	sld [smem:$0x3FA8]  }
0x2d: {  	s3 =	simm.s32 $0x108;
	s8 =	sld [smem:$0x3FA9]  }
0x2e: {  	s3 =	simm.s32 @!p0 $0x1082;
	s9 =	sld [smem:$0x3FAA]  }
0x2f: {  	lr =	sadd.s32 s0, s3;
	s0 =	sld [smem:$0x3FA1]  }
0x30: {  	s3 =	sld [smem:$0x3FA4]  }
0x31: {  	[smem:$0x3FAD] =	sst s10  }
0x32: {  	s10 =	sld [smem:$0x3FAB];
	_ =	sdelay $0x3  }
0x33: {  	p0 =	seq.s32 s10, $0x1;
	s10 =	sld [smem:$0x3FAD];
	_ =	sdelay $0x3  }
0x34: {  	[smem:$0x3FAD] =	sst s10  }
0x35: {  	s10 =	sld [smem:$0x3FAC];
	_ =	sdelay $0x3  }
0x36: {  	p1 =	seq.s32 s10, $0x1;
	s10 =	sld [smem:$0x3FAD];
	_ =	sdelay $0x3  }
0x37: {  	[smem:$0x3FAD] =	sst s10  }
0x38: {  	s10 =	sld [smem:$0x3FAE]  }
0x39: {  	_ = 	snop;
	(pc) =	sbr.ind lr, $3  }
0x3a: {  	_ = 	snop  }
0x3b: {  	_ = 	snop  }
0x3c: {  	p2 =	seq.s32 s10, $0x1;
	s10 =	sld [smem:$0x3FAD]  }
0x3d: {  	_ =	shalt  }
0x3e: {  	_ =	shalt  }
0x3f: {  	_ =	shalt  }
0x40: {  	_ =	shalt  }
0x41: {  	_ =	shalt  }
0x42: {  	_ =	shalt  }
0x43: {  	_ =	shalt  }
0x44: {  	_ =	shalt  }
0x45: {  	_ =	shalt  }
0x46: {  	_ =	shalt  }
0x47: {  	_ =	shalt  }
0x48: {  	_ =	shalt  }
0x49: {  	_ =	shalt  }
0x4a: {  	_ =	shalt  }
0x4b: {  	_ =	shalt  }
0x4c: {  	_ =	shalt  }
0x4d: {  	_ =	shalt  }
0x4e: {  	_ =	shalt  }
0x4f: {  	_ =	shalt  }
0x50: {  	_ =	shalt  }
0x51: {  	_ =	shalt  }
0x52: {  	_ =	shalt  }
0x53: {  	_ =	shalt  }
0x54: {  	_ =	shalt  }
0x55: {  	_ =	shalt  }
0x56: {  	_ =	shalt  }
0x57: {  	_ =	shalt  }
0x58: {  	_ =	shalt  }
0x59: {  	_ =	shalt  }
0x5a: {  	_ =	shalt  }
0x5b: {  	_ =	shalt  }
0x5c: {  	_ =	shalt  }
0x5d: {  	_ =	shalt  }
0x5e: {  	_ =	shalt  }
0x5f: {  	_ =	shalt  }
0x60: {  	_ =	shalt  }
0x61: {  	_ =	shalt  }
0x62: {  	_ =	shalt  }
0x63: {  	_ =	shalt  }
0x64: {  	_ =	shalt  }
0x65: {  	_ =	shalt  }
0x66: {  	_ =	shalt  }
0x67: {  	_ =	shalt  }
0x68: {  	_ =	shalt  }
0x69: {  	_ =	shalt  }
0x6a: {  	_ =	shalt  }
0x6b: {  	_ =	shalt  }
0x6c: {  	_ =	shalt  }
0x6d: {  	_ =	shalt  }
0x6e: {  	_ =	shalt  }
0x6f: {  	_ =	shalt  }
0x70: {  	_ =	shalt  }
0x71: {  	_ =	shalt  }
0x72: {  	_ =	shalt  }
0x73: {  	_ =	shalt  }
0x74: {  	_ =	shalt  }
0x75: {  	_ =	shalt  }
0x76: {  	_ =	shalt  }
0x77: {  	_ =	shalt  }
0x78: {  	_ =	shalt  }
0x79: {  	_ =	shalt  }
0x7a: {  	_ =	shalt  }
0x7b: {  	_ =	shalt  }
0x7c: {  	_ =	shalt  }
0x7d: {  	_ =	shalt  }
0x7e: {  	_ =	shalt  }
0x7f: {  	_ =	shalt  }
0x80: {  	_ =	shalt  }
0x81: {  	_ =	shalt  }
0x82: {  	_ =	shalt  }
0x83: {  	_ =	shalt  }
0x84: {  	_ =	shalt  }
0x85: {  	_ =	shalt  }
0x86: {  	_ =	shalt  }
0x87: {  	_ =	shalt  }
.Lfunc_end0:
.L_simem_size_0:
called_computation.3_lowered:
.L_overlay_start_0:
0x88: {  	s2 =	sld [smem:$0x3FD9]  }
0x89: {  	s3 =	sld [smem:$0x3FFE];
	_ =	sdelay $0x1  }
0x8a: {  	s1 =	srdreg.scid  }
0x8b: {  	s0 =	sand.u32 $0x1, s1  }
0x8c: {  	s17 =	sshll.u32 s0, $0xA;
	s2 =	sadd.s32 s3, s2  }
0x8d: {  	s2 =	sadd.s32 s2, s17  }
0x8e: {  	[smem:$0x3FB9] =	sst s2  }
0x8f: {  	_ = 	snop  }
0x90: {  	(tm) =	ssettm $0x1  }
0x91: {  	s18 =	sld [smem:$0x3FFB];
	_ =	sdelay $0x3  }
0x92: {  	_ =	strace s18  }
0x93: {  	s2 =	sld [smem:$0x3FFC];
	_ =	sdelay $0x3  }
0x94: {  	_ =	strace s2  }
0x95: {  	s2 =	sld [smem:$0x3FFD];
	_ =	sdelay $0x3  }
0x96: {  	_ =	strace s2  }
0x97: {  	_ =	strace $0x8FFFFFFF  }
0x98: {  	s19 =	sld [smem:$0x3FDB];
	_ =	sdelay $0x1  }
0x99: {  	s20 =	simm.s32 $_scs_section_size  }
0x9a: {  	s4 =	simm.s32 $_size__tile_overlayer_lowered;
	s5 =	simm.s32 $_tile_overlayer_lowered  }
0x9b: {  	s6 =	simm.s32 $0x1BFF;
	s21 =	sshll.u32 s5, $0x1;
	s3 =	sadd.s32 s20, s19  }
0x9c: {  	s22 =	simm.s32 $0x0;
	s4 =	sshll.u32 s4, $0x1;
	s5 =	sadd.s32 s21, s3  }
0x9d: {  	[timem:s22], [sflag:s6] =	dma.local [hbm:s5], s4  }
0x9e: {  	_ =	swait.ge [sflag:s6], s4  }
0x9f: {  	s4 =	ssub.s32 $0x0, s4;
	[sflag:s6] =	ssyncset.done $0x0  }
0xa0: {  	[sflag:s6] =	ssyncadd.s32 s4;
	_ =	sdelay $0x1  }
0xa1: {  	s23 =	simm.s32 $0x1B8B  }
0xa2: {  	_ =	swait.ge [sflag:s23], $0x1  }
0xa3: {  	[sflag:s23] =	ssyncset.done $0x0  }
0xa4: {  	[sflag:s23] =	ssyncadd.s32 $0xFFFFFFFF  }
0xa5: {  	s4 =	sld [smem:$0x0]  }
0xa6: {  	s5 =	sand.u32 $0xFFFFFFFE, s1  }
0xa7: {  	p0 =	sne.s32 s1, s5  }
0xa8: {  	s5 =	sshll.u32 @p0 s5, $0xE  }
0xa9: {  	s5 =	sadd.s32 @p0 $0x11B8D, s5;
	s6 =	sshll.u32 @p0 s4, $0x11  }
0xaa: {  	s5 =	sor.u32 @p0 s6, s5  }
0xab: {  	[sflag:s5] =	ssyncadd.remote.s32 @p0 $0x1;
	_ =	sdelay $0x1  }
0xac: {  	s5 =	simm.s32 @p0 $0x1B8D  }
0xad: {  	_ =	swait.eq @p0 [sflag:s5], $0x1  }
0xae: {  	[sflag:s5] =	ssyncadd.s32 @p0 $0xFFFFFFFF  }
0xaf: {  	s6 =	sshll.u32 @!p0 s1, $0xE  }
0xb0: {  	s6 =	sor.u32 @!p0 $0x4000, s6;
	s5 =	simm.s32 @!p0 $0x1B8D  }
0xb1: {  	s4 =	sshll.u32 @!p0 s4, $0x11;
	s6 =	sadd.s32 @!p0 $0x11B8D, s6;
	_ =	swait.eq @!p0 [sflag:s5], $0x1  }
0xb2: {  	s4 =	sor.u32 @!p0 s4, s6;
	[sflag:s5] =	ssyncadd.s32 @!p0 $0xFFFFFFFF  }
0xb3: {  	s25 =	simm.s32 $0x1B8E;
	s24 =	sld [smem:$0x3FFE];
	[sflag:s4] =	ssyncadd.remote.s32 @!p0 $0x1  }
0xb4: {  	s26 =	simm.s32 $execute0_lowered;
	[smem:$0x3FD2] =	sst s25  }
0xb5: {  	s5 =	sshll.u32 s26, $0x1;
	_ =	strace $0x8000004F;
	[dreg:$0x1] =	wrdreg $0xFFFFFFFF  }
0xb6: {  	s28 =	simm.s32 $_size_execute0_lowered;
	s3 =	sadd.s32 s3, s5;
	[dreg:$0x0] =	wrdreg $0x0  }
0xb7: {  	s5 =	sshll.u32 s28, $0x1;
	[dreg:$0x2] =	wrdreg s3  }
0xb8: {  	[dreg:$0x3] =	wrdreg s5  }
0xb9: {  	[dreg:$0x4] =	wrdreg $0xC0  }
0xba: {  	_ =	task [dreg:s22], $0x5FFFF  }
0xbb: {  	[dreg:$0x1] =	wrdreg $0xFFFFFFFF  }
0xbc: {  	[dreg:$0x0] =	wrdreg $0x60  }
0xbd: {  	[dreg:$0x2] =	wrdreg s24  }
0xbe: {  	[dreg:$0x3] =	wrdreg $0xC1000  }
0xbf: {  	[dreg:$0x4] =	wrdreg $0x9  }
0xc0: {  	_ =	task.clear_ibuf [dreg:s22], $0x5FFFF;
	_ =	strace $0x9000004F  }
0xc1: {  	s29 =	simm.s32 $0x9;
	_ =	strace $0x80000051  }
0xc2: {  	_ =	swait.ge [sflag:s29], $0x1  }
0xc3: {  	[sflag:s29] =	ssyncadd.s32 $0xFFFFFFFF  }
0xc4: {  	_ =	strace $0x90000051  }
0xc5: {  	_ =	sfence  }
0xc6: {  	s30 =	sld [smem:$0x0];
	_ =	sdelay $0x2  }
0xc7: {  	s31 =	sshll.u32 s1, $0xD;
	s1 =	sshrl.u32 s1, $0x2  }
0xc8: {  	s4 =	sand.u32 $0x4000, s31;
	s1 =	sadd.s32 s1, s30  }
0xc9: {  	s0 =	sor.u32 s4, s0;
	s1 =	sshll.u32 s1, $0x11  }
0xca: {  	s0 =	sor.u32 s1, s0  }
0xcb: {  	s0 =	sadd.s32 $0x8F2B, s0  }
0xcc: {  	[sflag:s0] =	ssyncadd.remote.s32 $0x1  }
0xcd: {  	_ =	sfence.sel $0xFFFF  }
0xce: {  	[dreg:$0x0] =	wrdreg $0xFFFFFFFF;
	(pc) =	sbr.abs _section_cstart, $3  }
0xcf: {  	[dreg:$0x1] =	wrdreg $0xFFFFFFFF  }
0xd0: {  	_ =	task.clear_ibuf [dreg:s22], $0x2FFFF;
	_ =	strace $0x9FFFFFFF  }
0xd1: {  	(tm) =	ssettm $0x7FFFFFFF  }
tec
execute0_lowered:
.L_overlay_start_1:
0x0: {  	(tag) =	ssettag $0x1  }
0x1: {  	s15 =	stileid.u32  }
0x2: {  	s0 =	rddreg [dreg:$0x0];
	s5 =	smul.u32 $0x14000, s15  }
0x3: {  	s1 =	rddreg [dreg:$0x1];
	s11 =	smul.u32 $0x4E200, s15  }
0x4: {  	s2 =	srdreg.scid;
	s14 =	smul.u32 $0x27100, s15  }
0x5: {  	s3 =	simm.s32 $0x0;
	s2 =	sand.u32 $0x1, s2;
	s22 =	smul.u32 $0x2710, s15  }
0x6: {  	s28 =	simm.s32 $0x4080;
	s29 =	simm.s32 $0x4100;
	s4 =	smul.u32 $0x140000, s2  }
0x7: {  	s30 =	simm.s32 $0x8100;
	s6 =	sshll.u32 s15, $0x1;
	s25 =	smul.u32 $0x1388, s2  }
0x8: {  	s6 =	sor.u32 s2, s6;
	s9 =	ssub.s32 $0x2, s2;
	s2 =	smul.u32 $0x13880, s2  }
0x9: {  	s31 =	simm.s32 $0x5;
	[smem:$0x7FF] =	sst s3;
	s17 =	smul.u32 $0x1388, s6  }
0xa: {  	s8 =	sadd.s32 $0x791600, s0;
	s13 =	sadd.s32 $0xD600, s0;
	s7 =	smul.u32 $0x13880, s6  }
0xb: {  	_ =	strace $0x80000050;
	s6 =	smul.u32 $0x9C400, s6;
	s10 =	sshrl.u32 s9, $0x1  }
0xc: {  	s19 =	sshrl.u32 s11, $0x2;
	s4 =	sadd.s32 s5, s4;
	s5 =	sshrl.u32 s17, $0x3  }
0xd: {  	s4 =	sshrl.u32 s4, $0x3;
	s16 =	sadd.s32 s8, s7;
	s5 =	sadd.s32 s13, s5  }
0xe: {  	s6 =	sshrl.u32 s6, $0x3;
	s7 =	sadd.s32 s19, s1;
	s18 =	sadd.s32 $0x4E20, s5  }
0xf: {  	s6 =	sadd.s32 s8, s6;
	s20 =	sadd.s32 $0x4E30, s5;
	[dreg:$0x3] =	wrdreg s18  }
0x10: {  	s0 =	sadd.s32 s4, s0;
	s21 =	sadd.s32 $0x800, s6;
	[dreg:$0x4] =	wrdreg s20  }
0x11: {  	s4 =	ssub.s32 s9, s10;
	s17 =	sadd.s32 $0x5090, s5;
	[dreg:$0x5] =	wrdreg s21  }
0x12: {  	s9 =	sadd.s32 $0x3E80, s7;
	s6 =	sadd.s32 $0x13800, s6;
	[dreg:$0x6] =	wrdreg s17  }
0x13: {  	s10 =	sadd.s32 $0x7D00, s7;
	s23 =	sadd.s32 $0x8E600, s0;
	[dreg:$0x7] =	wrdreg s6  }
0x14: {  	s11 =	sadd.s32 $0xBB80, s7;
	s24 =	sadd.s32 $0x8EE00, s0;
	[dreg:$0x8] =	wrdreg s23  }
0x15: {  	s12 =	sadd.s32 $0xFA00, s7;
	s26 =	sadd.s32 $0x8F600, s0;
	[dreg:$0x9] =	wrdreg s24  }
0x16: {  	s8 =	sadd.s32 s14, s8;
	s19 =	smov.u32 s16;
	[dreg:$0xa] =	wrdreg s26  }
0x17: {  	s6 =	sadd.s32 s25, s22;
	s17 =	sadd.s32 $0x8FE00, s0;
	s0 =	sadd.s32 $0x90600, s0  }
0x18: {  	s18 =	sadd.s32 s2, s8;
	s20 =	smax.u32 s4, $0x1;
	s21 =	sadd.s32 $0x5080, s5  }
0x19: {  	s24 =	sadd.s32 $0x13000, s16;
	s4 =	simm.s32 $0x3;
	[dreg:$0xb] =	wrdreg s17  }
0x1a: {  	s8 =	simm.s32 $0x1F980;
	s5 =	simm.s32 $0x6;
	[dreg:$0xc] =	wrdreg s0  }
0x1b: {  	s25 =	sadd.s32 $0x27280, s6;
	s6 =	sadd.s32 $0x27200, s6;
	s16 =	sadd.s32 $0x1800, s18  }
0x1c: {  	s0 =	simm.s32 $0x1;
	s2 =	sshrl.u32 s25, $0x3;
	s26 =	sshrl.u32 s6, $0x3  }
0x1d: {  	s6 =	simm.s32 $0x4;
	s22 =	sadd.s32 s2, s13;
	s23 =	sadd.s32 s26, s13  }
0x1e: {  	v0 =	vimm.f32 $0.0e+00;
	s26 =	simm.s32 $0x80;
	s2 =	simm.s32 $0x2;
	s13 =	simm.s32 $0x0  }
.LBB2_1:
0x1f: {  	s14 =	rddreg [dreg:$0x3]  }
0x20: {  	[tilespmem:s3], [sflag:$0x1] =	stream.linear.gather [hbm4b:s14+s3], $0x80, $0x38;
	[tilespmem:$0x1FA00] =	vst v63  }
0x21: {  	s17 =	rddreg [dreg:$0x4];
	s25 =	sand.u32 $0xFE00, s3  }
0x22: {  	[tilespmem:s26], [sflag:$0x1] =	stream.linear.gather [hbm4b:s19+s3], $0x4000, $0x38;
	[tilespmem:$0x1FA00] =	vst v63  }
0x23: {  	s18 =	rddreg [dreg:$0x5];
	s15 =	sand.u32 $0x70, s3;
	s25 =	sshrl.u32 s25, $0x2  }
0x24: {  	[tilespmem:s28], [sflag:$0x2] =	stream.linear.gather [hbm4b:s17+s3], $0x80, $0x38;
	[tilespmem:$0x1FA00] =	vst v63  }
0x25: {  	s14 =	simm.s32 $0x40;
	s25 =	sor.u32 s15, s25;
	s15 =	simm.s32 $0x0  }
0x26: {  	[tilespmem:s29], [sflag:$0x2] =	stream.linear.gather [hbm4b:s18+s3], $0x4000, $0x38;
	[tilespmem:$0x1FA00] =	vst v63  }
.LBB2_2:
0x27: {  	p0 =	sne.s32 s14, $0xF9C0  }
0x28: {  	[tilespmem:s25+$0x8100] =	vst v0;
	s15 =	sadd.s32 $0x10, s15;
	s25 =	smov.u32 s14;
	s14 =	sadd.s32 $0x40, s14  }
.Ltmp0:
0x29: {  	(pc) =	sbr.rel @p0 .LBB2_2-.Ltmp0, $4  }
0x2a: {  	_ = 	snop  }
0x2b: {  	s25 =	sand.u32 $0xFE00, s25  }
0x2c: {  	s17 =	sand.u32 $0x70, s15;
	s25 =	sshrl.u32 s25, $0x2  }
0x2d: {  	s25 =	sor.u32 s17, s25  }
0x2e: {  	[tilespmem:s25+$0x8100] =	vst v0  }
0x2f: {  	[spmem:s7] =	stream.linear.scatter [tilespmem:s30], [sflag:$0x5], $0x3E80, $0x38;
	[tilespmem:$0x1FA00] =	vst v63  }
0x30: {  	_ = 	snop  }
0x31: {  	[spmem:s9] =	stream.linear.scatter [tilespmem:s30], [sflag:$0x5], $0x3E80, $0x38;
	[tilespmem:$0x1FA00] =	vst v63  }
0x32: {  	_ = 	snop  }
0x33: {  	[spmem:s10] =	stream.linear.scatter [tilespmem:s30], [sflag:$0x5], $0x3E80, $0x38;
	[tilespmem:$0x1FA00] =	vst v63  }
0x34: {  	_ = 	snop  }
0x35: {  	[spmem:s11] =	stream.linear.scatter [tilespmem:s30], [sflag:$0x5], $0x3E80, $0x38;
	[tilespmem:$0x1FA00] =	vst v63  }
0x36: {  	_ = 	snop  }
0x37: {  	[spmem:s12] =	stream.linear.scatter [tilespmem:s30], [sflag:$0x5], $0x3E80, $0x38;
	[tilespmem:$0x1FA00] =	vst v63  }
0x38: {  	_ =	swait.ge [sflag:s31], $0x3E80  }
0x39: {  	[sflag:s31] =	ssyncset.done $0x0  }
0x3a: {  	[sflag:s31] =	ssyncadd.s32 $0xFFFFC180  }
0x3b: {  	_ =	swait.ge [sflag:s31], $0x3E80  }
0x3c: {  	[sflag:s31] =	ssyncset.done $0x0  }
0x3d: {  	[sflag:s31] =	ssyncadd.s32 $0xFFFFC180  }
0x3e: {  	_ =	swait.ge [sflag:s31], $0x3E80  }
0x3f: {  	[sflag:s31] =	ssyncset.done $0x0  }
0x40: {  	[sflag:s31] =	ssyncadd.s32 $0xFFFFC180  }
0x41: {  	_ =	swait.ge [sflag:s31], $0x3E80  }
0x42: {  	[sflag:s31] =	ssyncset.done $0x0  }
0x43: {  	[sflag:s31] =	ssyncadd.s32 $0xFFFFC180  }
0x44: {  	_ =	swait.ge [sflag:s31], $0x3E80  }
0x45: {  	[sflag:s31] =	ssyncset.done $0x0  }
0x46: {  	[sflag:s31] =	ssyncadd.s32 $0xFFFFC180  }
0x47: {  	[bflag:$0x0] =	sbarrier.arrive $0xFFFF  }
0x48: {  	_ =	swait.ge [sflag:s0], $0x80  }
0x49: {  	[sflag:s0] =	ssyncset.done $0x0  }
0x4a: {  	[sflag:s0] =	ssyncadd.s32 $0xFFFFFF80  }
0x4b: {  	_ =	swait.ge [sflag:s0], $0x4000  }
0x4c: {  	[sflag:s0] =	ssyncset.done $0x0  }
0x4d: {  	[sflag:s0] =	ssyncadd.s32 $0xFFFFC000  }
0x4e: {  	[spmem:s1] =	stream.indirect.scatter.add.f32 [tilespmem:s26], [sflag:$0x3], $0x80, s3, s26, $0xb8;
	[tilespmem:$0x1FA00] =	vst v63  }
0x4f: {  	_ =	swait.ge [sflag:s2], $0x80  }
0x50: {  	[sflag:s2] =	ssyncset.done $0x0  }
0x51: {  	[sflag:s2] =	ssyncadd.s32 $0xFFFFFF80  }
0x52: {  	_ =	swait.ge [sflag:s2], $0x4000  }
0x53: {  	[sflag:s2] =	ssyncset.done $0x0  }
0x54: {  	[sflag:s2] =	ssyncadd.s32 $0xFFFFC000  }
0x55: {  	[spmem:s1] =	stream.indirect.scatter.add.f32 [tilespmem:s29], [sflag:$0x4], $0x80, s28, s26, $0xb8;
	[tilespmem:$0x1FA00] =	vst v63  }
0x56: {  	_ =	swait.ge [sflag:s4], $0x4000  }
0x57: {  	[sflag:s4] =	ssyncset.done $0x0  }
0x58: {  	s14 =	sadd.s32 $0x0, s23;
	[sflag:s4] =	ssyncadd.s32 $0xFFFFC000  }
0x59: {  	[tilespmem:s3], [sflag:$0x1] =	stream.linear.gather [hbm4b:s14+s3], $0x80, $0x38;
	[tilespmem:$0x1FA00] =	vst v63  }
0x5a: {  	s18 =	sadd.s32 $0xFFFFF800, s16  }
0x5b: {  	[tilespmem:s26], [sflag:$0x1] =	stream.linear.gather [hbm4b:s18+s3], $0x4000, $0x38;
	[tilespmem:$0x1FA00] =	vst v63  }
0x5c: {  	_ =	swait.ge [sflag:s6], $0x4000  }
0x5d: {  	[sflag:s6] =	ssyncset.done $0x0  }
0x5e: {  	s25 =	sadd.s32 $0x0, s22;
	[sflag:s6] =	ssyncadd.s32 $0xFFFFC000  }
0x5f: {  	[tilespmem:s28], [sflag:$0x2] =	stream.linear.gather [hbm4b:s25+s3], $0x80, $0x38;
	[tilespmem:$0x1FA00] =	vst v63  }
0x60: {  	s15 =	sadd.s32 $0x1000, s16;
	s14 =	simm.s32 $0x20;
	s25 =	smov.u32 s16  }
.LBB2_4:
0x61: {  	[tilespmem:s29], [sflag:$0x2] =	stream.linear.gather [hbm4b:s25+s3], $0x4000, $0x38;
	[tilespmem:$0x1FA00] =	vst v63  }
0x62: {  	s17 =	smov.u32 s14;
	s25 =	smov.u32 s15  }
0x63: {  	p0 =	sne.s32 s14, $0x220;
	s14 =	sadd.s32 $0x20, s14;
	_ =	swait.ge [sflag:s0], $0x80  }
0x64: {  	[sflag:s0] =	ssyncset.done $0x0  }
0x65: {  	[sflag:s0] =	ssyncadd.s32 $0xFFFFFF80  }
0x66: {  	_ =	swait.ge [sflag:s0], $0x4000  }
0x67: {  	[sflag:s0] =	ssyncset.done $0x0  }
0x68: {  	[sflag:s0] =	ssyncadd.s32 $0xFFFFC000  }
0x69: {  	[spmem:s1] =	stream.indirect.scatter.add.f32 [tilespmem:s26], [sflag:$0x3], $0x80, s3, s26, $0xb8;
	[tilespmem:$0x1FA00] =	vst v63  }
0x6a: {  	_ =	swait.ge [sflag:s2], $0x80  }
0x6b: {  	[sflag:s2] =	ssyncset.done $0x0  }
0x6c: {  	[sflag:s2] =	ssyncadd.s32 $0xFFFFFF80  }
0x6d: {  	_ =	swait.ge [sflag:s2], $0x4000  }
0x6e: {  	[sflag:s2] =	ssyncset.done $0x0  }
0x6f: {  	[sflag:s2] =	ssyncadd.s32 $0xFFFFC000  }
0x70: {  	[spmem:s1] =	stream.indirect.scatter.add.f32 [tilespmem:s29], [sflag:$0x4], $0x80, s28, s26, $0xb8;
	[tilespmem:$0x1FA00] =	vst v63  }
0x71: {  	_ =	swait.ge [sflag:s4], $0x4000  }
0x72: {  	[sflag:s4] =	ssyncset.done $0x0  }
0x73: {  	s18 =	sadd.s32 s17, s23;
	[sflag:s4] =	ssyncadd.s32 $0xFFFFC000  }
0x74: {  	[tilespmem:s3], [sflag:$0x1] =	stream.linear.gather [hbm4b:s18+s3], $0x80, $0x38;
	[tilespmem:$0x1FA00] =	vst v63  }
0x75: {  	s18 =	sadd.s32 $0xFFFFF800, s15  }
0x76: {  	[tilespmem:s26], [sflag:$0x1] =	stream.linear.gather [hbm4b:s18+s3], $0x4000, $0x38;
	[tilespmem:$0x1FA00] =	vst v63  }
.Ltmp1:
0x77: {  	_ =	swait.ge [sflag:s6], $0x4000;
	(pc) =	sbr.rel @p0 .LBB2_4-.Ltmp1, $4  }
0x78: {  	[sflag:s6] =	ssyncset.done $0x0  }
0x79: {  	s17 =	sadd.s32 s17, s22;
	[sflag:s6] =	ssyncadd.s32 $0xFFFFC000  }
0x7a: {  	[tilespmem:s28], [sflag:$0x2] =	stream.linear.gather [hbm4b:s17+s3], $0x80, $0x38;
	[tilespmem:$0x1FA00] =	vst v63  }
0x7b: {  	s15 =	sadd.s32 $0x1000, s15  }
0x7c: {  	[tilespmem:s29], [sflag:$0x2] =	stream.linear.gather [hbm4b:s25+s3], $0x4000, $0x38;
	[tilespmem:$0x1FA00] =	vst v63  }
0x7d: {  	_ =	swait.ge [sflag:s0], $0x80  }
0x7e: {  	[sflag:s0] =	ssyncset.done $0x0  }
0x7f: {  	[sflag:s0] =	ssyncadd.s32 $0xFFFFFF80  }
0x80: {  	_ =	swait.ge [sflag:s0], $0x4000  }
0x81: {  	[sflag:s0] =	ssyncset.done $0x0  }
0x82: {  	[sflag:s0] =	ssyncadd.s32 $0xFFFFC000  }
0x83: {  	[spmem:s1] =	stream.indirect.scatter.add.f32 [tilespmem:s26], [sflag:$0x3], $0x80, s3, s26, $0xb8;
	[tilespmem:$0x1FA00] =	vst v63  }
0x84: {  	_ =	swait.ge [sflag:s2], $0x80  }
0x85: {  	[sflag:s2] =	ssyncset.done $0x0  }
0x86: {  	[sflag:s2] =	ssyncadd.s32 $0xFFFFFF80  }
0x87: {  	_ =	swait.ge [sflag:s2], $0x4000  }
0x88: {  	[sflag:s2] =	ssyncset.done $0x0  }
0x89: {  	[sflag:s2] =	ssyncadd.s32 $0xFFFFC000  }
0x8a: {  	[spmem:s1] =	stream.indirect.scatter.add.f32 [tilespmem:s29], [sflag:$0x4], $0x80, s28, s26, $0xb8;
	[tilespmem:$0x1FA00] =	vst v63  }
0x8b: {  	_ =	swait.ge [sflag:s4], $0x4000  }
0x8c: {  	[sflag:s4] =	ssyncset.done $0x0  }
0x8d: {  	[sflag:s4] =	ssyncadd.s32 $0xFFFFC000  }
0x8e: {  	[tilespmem:s3], [sflag:$0x1] =	stream.linear.gather [hbm4b:s21+s3], $0x80, $0x38;
	[tilespmem:$0x1FA00] =	vst v63  }
0x8f: {  	_ = 	snop  }
0x90: {  	[tilespmem:s26], [sflag:$0x1] =	stream.linear.gather [hbm4b:s24+s3], $0x4000, $0x38;
	[tilespmem:$0x1FA00] =	vst v63  }
0x91: {  	_ =	swait.ge [sflag:s6], $0x4000  }
0x92: {  	[sflag:s6] =	ssyncset.done $0x0  }
0x93: {  	[sflag:s6] =	ssyncadd.s32 $0xFFFFC000  }
0x94: {  	_ =	swait.ge [sflag:s0], $0x80  }
0x95: {  	[sflag:s0] =	ssyncset.done $0x0  }
0x96: {  	[sflag:s0] =	ssyncadd.s32 $0xFFFFFF80  }
0x97: {  	_ =	swait.ge [sflag:s0], $0x4000  }
0x98: {  	[sflag:s0] =	ssyncset.done $0x0  }
0x99: {  	[sflag:s0] =	ssyncadd.s32 $0xFFFFC000  }
0x9a: {  	[spmem:s1] =	stream.indirect.scatter.add.f32 [tilespmem:s26], [sflag:$0x3], $0x80, s3, s26, $0xb8;
	[tilespmem:$0x1FA00] =	vst v63  }
0x9b: {  	_ =	swait.ge [sflag:s4], $0x4000  }
0x9c: {  	[sflag:s4] =	ssyncset.done $0x0  }
0x9d: {  	s14 =	rddreg [dreg:$0x6];
	[sflag:s4] =	ssyncadd.s32 $0xFFFFC000  }
0x9e: {  	[tilespmem:s8], [sflag:$0x6] =	stream.linear.gather [hbm4b:s14+s3], $0x8, $0x38;
	[tilespmem:$0x1FA00] =	vst v63  }
0x9f: {  	_ =	swait.ge [sflag:s5], $0x8  }
0xa0: {  	[sflag:s5] =	ssyncset.done $0x0  }
0xa1: {  	s17 =	rddreg [dreg:$0x7];
	[sflag:s5] =	ssyncadd.s32 $0xFFFFFFF8  }
0xa2: {  	[tilespmem:s26], [sflag:$0x6] =	stream.linear.gather [hbm4b:s17+s3], $0x400, $0x38;
	[tilespmem:$0x1FA00] =	vst v63  }
0xa3: {  	_ =	swait.ge [sflag:s5], $0x400  }
0xa4: {  	[sflag:s5] =	ssyncset.done $0x0  }
0xa5: {  	s18 =	simm.s32 $0x8;
	[sflag:s5] =	ssyncadd.s32 $0xFFFFFC00  }
0xa6: {  	[spmem:s1] =	stream.indirect.scatter.add.f32 [tilespmem:s26], [sflag:$0x6], $0x80, s8, s18, $0xb8;
	[tilespmem:$0x1FA00] =	vst v63  }
0xa7: {  	_ =	swait.ge [sflag:s5], $0x400  }
0xa8: {  	[sflag:s5] =	ssyncset.done $0x0  }
0xa9: {  	[sflag:s5] =	ssyncadd.s32 $0xFFFFFC00  }
0xaa: {  	[bflag:$0x0] =	sbarrier.arrive $0xFFFF  }
0xab: {  	[tilespmem:s30], [sflag:$0x6] =	stream.linear.gather [spmem:s7], $0x3E80, $0x38;
	[tilespmem:$0x1FA00] =	vst v63  }
0xac: {  	_ =	swait.ge [sflag:s5], $0x3E80  }
0xad: {  	[sflag:s5] =	ssyncset.done $0x0  }
0xae: {  	s25 =	rddreg [dreg:$0x8];
	[sflag:s5] =	ssyncadd.s32 $0xFFFFC180  }
0xaf: {  	[hbm4b:s25+s3] =	stream.linear.scatter [tilespmem:s30], [sflag:$0x6], $0x3E80, $0x38;
	[tilespmem:$0x1FA00] =	vst v63  }
0xb0: {  	_ =	swait.ge [sflag:s5], $0x3E80  }
0xb1: {  	[sflag:s5] =	ssyncset.done $0x0  }
0xb2: {  	[sflag:s5] =	ssyncadd.s32 $0xFFFFC180  }
0xb3: {  	[tilespmem:s30], [sflag:$0x6] =	stream.linear.gather [spmem:s9], $0x3E80, $0x38;
	[tilespmem:$0x1FA00] =	vst v63  }
0xb4: {  	_ =	swait.ge [sflag:s5], $0x3E80  }
0xb5: {  	[sflag:s5] =	ssyncset.done $0x0  }
0xb6: {  	s15 =	rddreg [dreg:$0x9];
	[sflag:s5] =	ssyncadd.s32 $0xFFFFC180  }
0xb7: {  	[hbm4b:s15+s3] =	stream.linear.scatter [tilespmem:s30], [sflag:$0x6], $0x3E80, $0x38;
	[tilespmem:$0x1FA00] =	vst v63  }
0xb8: {  	_ =	swait.ge [sflag:s5], $0x3E80  }
0xb9: {  	[sflag:s5] =	ssyncset.done $0x0  }
0xba: {  	[sflag:s5] =	ssyncadd.s32 $0xFFFFC180  }
0xbb: {  	[tilespmem:s30], [sflag:$0x6] =	stream.linear.gather [spmem:s10], $0x3E80, $0x38;
	[tilespmem:$0x1FA00] =	vst v63  }
0xbc: {  	_ =	swait.ge [sflag:s5], $0x3E80  }
0xbd: {  	[sflag:s5] =	ssyncset.done $0x0  }
0xbe: {  	s17 =	rddreg [dreg:$0xa];
	[sflag:s5] =	ssyncadd.s32 $0xFFFFC180  }
0xbf: {  	[hbm4b:s17+s3] =	stream.linear.scatter [tilespmem:s30], [sflag:$0x6], $0x3E80, $0x38;
	[tilespmem:$0x1FA00] =	vst v63  }
0xc0: {  	_ =	swait.ge [sflag:s5], $0x3E80  }
0xc1: {  	[sflag:s5] =	ssyncset.done $0x0  }
0xc2: {  	[sflag:s5] =	ssyncadd.s32 $0xFFFFC180  }
0xc3: {  	[tilespmem:s30], [sflag:$0x6] =	stream.linear.gather [spmem:s11], $0x3E80, $0x38;
	[tilespmem:$0x1FA00] =	vst v63  }
0xc4: {  	_ =	swait.ge [sflag:s5], $0x3E80  }
0xc5: {  	[sflag:s5] =	ssyncset.done $0x0  }
0xc6: {  	s18 =	rddreg [dreg:$0xb];
	[sflag:s5] =	ssyncadd.s32 $0xFFFFC180  }
0xc7: {  	[hbm4b:s18+s3] =	stream.linear.scatter [tilespmem:s30], [sflag:$0x6], $0x3E80, $0x38;
	[tilespmem:$0x1FA00] =	vst v63  }
0xc8: {  	_ =	swait.ge [sflag:s5], $0x3E80  }
0xc9: {  	[sflag:s5] =	ssyncset.done $0x0  }
0xca: {  	[sflag:s5] =	ssyncadd.s32 $0xFFFFC180  }
0xcb: {  	[tilespmem:s30], [sflag:$0x6] =	stream.linear.gather [spmem:s12], $0x3E80, $0x38;
	[tilespmem:$0x1FA00] =	vst v63  }
0xcc: {  	s13 =	sadd.s32 $0x1, s13;
	_ =	swait.ge [sflag:s5], $0x3E80  }
0xcd: {  	p0 =	sne.s32 s13, s20;
	[sflag:s5] =	ssyncset.done $0x0  }
.Ltmp2:
0xce: {  	s25 =	rddreg [dreg:$0xc];
	[sflag:s5] =	ssyncadd.s32 $0xFFFFC180;
	(pc) =	sbr.rel @p0 .LBB2_1-.Ltmp2, $4  }
0xcf: {  	[hbm4b:s25+s3] =	stream.linear.scatter [tilespmem:s30], [sflag:$0x6], $0x3E80, $0x38;
	[tilespmem:$0x1FA00] =	vst v63  }
0xd0: {  	_ =	swait.ge [sflag:s5], $0x3E80  }
0xd1: {  	[sflag:s5] =	ssyncset.done $0x0  }
0xd2: {  	[sflag:s5] =	ssyncadd.s32 $0xFFFFC180  }
0xd3: {  	_ =	sfence.sel $0x180000  }
0xd4: {  	[bflag:$0x0] =	sbarrier.arrive $0xFFFF  }
0xd5: {  	_ =	strace $0x90000050  }
0xd6: {  	s0 =	stileid.u32;
	[bflag:$0x2] =	sbarrier.arrive $0xFFFF  }
0xd7: {  	p0 =	sne.s32 s0, $0x0;
	s0 =	rddreg [dreg:$0x2]  }
0xd8: {  	s0 =	sadd.s32 @!p0 $0x100000, s0  }
0xd9: {  	[sflag:s0] =	ssyncadd.tile.s32 @!p0 $0x1;
	_ =	shalt  }
.Lfunc_end2:
_tile_overlayer_lowered:
.L_overlay_start_2:
0xda: {  	(tag) =	ssettag $0x2  }
0xdb: {  	s0 =	rddreg [dreg:$0x0];
	s2 =	stileid.u32  }
0xdc: {  	s1 =	rddreg [dreg:$0x1];
	p0 =	sne.s32 s2, $0x0  }
0xdd: {  	s3 =	rddreg [dreg:$0x2];
	[bflag:$0x3] =	sbarrier.arrive $0xFFFF;
	s2 =	simm.s32 @!p0 $0x1C06  }
0xde: {  	[timem:s3], [sflag:s2] =	dma.local @!p0 [hbm:s0], s1  }
0xdf: {  	s0 =	simm.s32 @!p0 $0x6  }
0xe0: {  	_ =	swait.ge @!p0 [sflag:s0], s1  }
0xe1: {  	s1 =	ssub.s32 @!p0 $0x0, s1;
	[sflag:s0] =	ssyncset.done @!p0 $0x0  }
0xe2: {  	[sflag:s0] =	ssyncadd.s32 @!p0 s1  }
0xe3: {  	[bflag:$0x3] =	sbarrier.arrive $0xFFFF  }
0xe4: {  	_ =	shalt  }

</sc_bundles>
